<compile_context>
chip_gen: v7x
topology: tpu7x:2x2x1
jax: 0.10.2.dev20260603
libtpu: 0.0.44.dev20260713+nightly
codegen_flags: <defaults>
</compile_context>

<pallas_src>
import functools

import jax
import jax.numpy as jnp
from jax import lax
from jax.experimental import pallas as pl
from jax.experimental.pallas import tpu as pltpu
from jax.experimental.pallas import tpu_sc as plsc

_LOW = (-32.0, -32.0, -32.0, -0.5, -0.5)
_NSTATES = 100
_L = 16
_NCHUNK = 7
_NPAD = _NCHUNK * _L
_NCORES = 2
_NSEG = 4
_JPC = 4
_KPAD = 128


def _round_half_even(x):
    t = (x + 0.5).astype(jnp.int32)
    tf = t.astype(jnp.float32)
    is_half = (tf - x) == 0.5
    is_odd = (t & 1) == 1
    return jnp.where(is_half & is_odd, t - 1, t)


def _sq(x):
    return x * x


def _sc_body(stT_hbm, out_hbm, parts_hbm, stT_v, part_v, gath_v, e_v):
    c = lax.axis_index("c")
    s = lax.axis_index("s")
    j_chunk = c * _JPC + s // _NSEG
    kseg = s % _NSEG
    active = j_chunk < _NCHUNK
    leader = active & (kseg == 0)

    @pl.when(active)
    def _():
        pltpu.sync_copy(stT_hbm, stT_v)
        base = pl.multiple_of(j_chunk * _L, _L)

        sj = [stT_v[d, pl.ds(base, _L)] for d in range(5)]
        idx_j = [_round_half_even(sj[d] - _LOW[d]) for d in range(5)]
        p_j = [_LOW[d] + idx_j[d].astype(jnp.float32) for d in range(5)]

        mf = jnp.zeros((_L,), jnp.float32)
        pop = jnp.zeros((_L,), jnp.float32)
        for ci in range(2):
            koff = pl.multiple_of((kseg * 2 + ci) * _L, _L)
            vk = [stT_v[d, pl.ds(koff, _L)] for d in range(5)]
            vidx = [_round_half_even(vk[d] - _LOW[d]) for d in range(5)]
            for i in range(_L):
                eq = ((idx_j[0] == vidx[0][i]) & (idx_j[1] == vidx[1][i])
                      & (idx_j[2] == vidx[2][i]) & (idx_j[3] == vidx[3][i])
                      & (idx_j[4] == vidx[4][i]))
                pop = pop + jnp.where(eq, 1.0, 0.0).astype(jnp.float32)
                r2 = (_sq(p_j[0] - vk[0][i]) + _sq(p_j[1] - vk[1][i])
                      + _sq(p_j[2] - vk[2][i]))
                spin = (1.0 + 0.25 * p_j[3] * vk[3][i]
                        + 0.25 * p_j[4] * vk[4][i])
                mf = mf + (-50.0) * spin * jnp.exp(-r2 / 4.0)
        part_v[0, :] = mf
        part_v[1, :] = pop

        pltpu.sync_copy(part_v, parts_hbm.at[c, s])

    plsc.subcore_barrier()

    @pl.when(leader)
    def _():
        base = pl.multiple_of(j_chunk * _L, _L)
        pltpu.sync_copy(parts_hbm.at[c, pl.ds(s, _NSEG)], gath_v)
        mf = ((gath_v[0, 0, :] + gath_v[1, 0, :])
              + gath_v[2, 0, :]) + gath_v[3, 0, :]
        pop = ((gath_v[0, 1, :] + gath_v[1, 1, :])
               + gath_v[2, 1, :]) + gath_v[3, 1, :]
        sj = [stT_v[d, pl.ds(base, _L)] for d in range(5)]
        idx_j = [_round_half_even(sj[d] - _LOW[d]) for d in range(5)]
        p_j = [_LOW[d] + idx_j[d].astype(jnp.float32) for d in range(5)]
        r2s = (_sq(p_j[0] - sj[0]) + _sq(p_j[1] - sj[1])
               + _sq(p_j[2] - sj[2]))
        spin_s = 1.0 + 0.25 * p_j[3] * sj[3] + 0.25 * p_j[4] * sj[4]
        v_self = -50.0 * spin_s * jnp.exp(-r2s / 4.0)
        e_v[...] = mf - v_self + 1.0e12 * (pop - 1.0)
        pltpu.sync_copy(e_v, out_hbm.at[pl.ds(base, _L)])


@functools.lru_cache(maxsize=1)
def _sc_kernel():
    return pl.kernel(
        _sc_body,
        out_type=(jax.ShapeDtypeStruct((_NPAD,), jnp.float32),
                  jax.ShapeDtypeStruct((_NCORES, 16, 2, _L), jnp.float32)),
        mesh=plsc.VectorSubcoreMesh(
            core_axis_name="c", subcore_axis_name="s",
            num_cores=_NCORES, num_subcores=16),
        scratch_types=[
            pltpu.VMEM((5, _KPAD), jnp.float32),
            pltpu.VMEM((2, _L), jnp.float32),
            pltpu.VMEM((_NSEG, 2, _L), jnp.float32),
            pltpu.VMEM((_L,), jnp.float32),
        ],
    )


def kernel(states):
    states = states.astype(jnp.float32)
    stT = jnp.full((5, _KPAD), 1.0e4, jnp.float32).at[:, :_NSTATES].set(states.T)
    out, _ = _sc_kernel()(stT)
    return out[:_NSTATES]

# --- scband reference (transcript-rebuilt; emitter-appended) ---
"""Pipeline reference for scband-nuclear-lattice-55061480735096 (READ-ONLY COPY).

The authoritative reference and input builder live on the scoring server;
editing this copy changes nothing except your own understanding.
"""

import jax, jax.numpy as jnp
import numpy as np

Z = 50
N = 50
LOW = jnp.array([-32.0, -32.0, -32.0, -0.5, -0.5], dtype=jnp.float32)
SHAPE = (65, 65, 65, 2, 2)


def make_lattice():
    axes = [jnp.arange(-32.0, 33.0, dtype=jnp.float32),
            jnp.arange(-32.0, 33.0, dtype=jnp.float32),
            jnp.arange(-32.0, 33.0, dtype=jnp.float32),
            jnp.arange(-0.5, 1.5, dtype=jnp.float32),
            jnp.arange(-0.5, 1.5, dtype=jnp.float32)]
    return jnp.meshgrid(*axes, indexing='ij')


def V_interaction(state, lattice):
    # Gaussian central well with weak spin/isospin dependence; broadcasts over lattice
    r2 = (lattice[0] - state[0]) ** 2 + (lattice[1] - state[1]) ** 2 + (lattice[2] - state[2]) ** 2
    spin_fac = 1.0 + 0.25 * lattice[3] * state[3] + 0.25 * lattice[4] * state[4]
    return -50.0 * spin_fac * jnp.exp(-r2 / 4.0)


def setup_inputs() -> dict:
    # _dense_init: all nucleons at origin; neutrons spin=isospin=-0.5, protons +0.5
    neutrons = jnp.concatenate([jnp.zeros((N, 3), jnp.float32),
                                jnp.full((N, 1), -0.5, jnp.float32),
                                jnp.full((N, 1), -0.5, jnp.float32)], axis=1)
    protons = jnp.concatenate([jnp.zeros((Z, 3), jnp.float32),
                               jnp.full((Z, 1), 0.5, jnp.float32),
                               jnp.full((Z, 1), 0.5, jnp.float32)], axis=1)
    states = jnp.concatenate([neutrons, protons], axis=0)
    return {"states": states}


def reference(states):
    lattice = make_lattice()

    # _init_mean_field: accumulate interaction of every state with the full lattice
    def body(mf, s):
        return mf + V_interaction(s, lattice), None
    mean_field, _ = jax.lax.scan(body, jnp.zeros(SHAPE, jnp.float32), states)

    # population: scatter-add +1 at each state's lattice index
    idx = jnp.round(jax.lax.stop_gradient(states) - LOW).astype(jnp.int32)
    i0, i1, i2, i3, i4 = idx[:, 0], idx[:, 1], idx[:, 2], idx[:, 3], idx[:, 4]
    population = jnp.zeros(SHAPE, jnp.float32).at[i0, i1, i2, i3, i4].add(1.0)

    # E_tot (kept per-state): gather mean_field/population at state indices,
    # subtract self-interaction, add Pauli blocking penalty
    mf_at = mean_field[i0, i1, i2, i3, i4]
    pop_at = population[i0, i1, i2, i3, i4]
    lat_pt = [LOW[d] + idx[:, d].astype(jnp.float32) for d in range(5)]
    r2_self = (lat_pt[0] - states[:, 0]) ** 2 + (lat_pt[1] - states[:, 1]) ** 2 + (lat_pt[2] - states[:, 2]) ** 2
    spin_self = 1.0 + 0.25 * lat_pt[3] * states[:, 3] + 0.25 * lat_pt[4] * states[:, 4]
    V_self = -50.0 * spin_self * jnp.exp(-r2_self / 4.0)
    pauli = 1.0e12 * (pop_at - 1.0)
    E_per_state = mf_at - V_self + pauli
    return E_per_state

if __name__ == "__main__":
    import jax
    _d = setup_inputs()
    print(jax.jit(kernel)(*tuple(_d.values())))

</pallas_src>

<mosaic_0001>
#map = affine_map<(d0, d1) -> (0, 0)>
#map1 = affine_map<(d0, d1) -> (0)>
#map2 = affine_map<(d0, d1) -> (0, 0, 0, 0)>
module attributes {stable_mosaic.version = 14 : i64} {
  func.func @_sc_body(%arg0: i32, %arg1: i32, %arg2: memref<5x128xf32, #tpu.memory_space<hbm>>, %arg3: memref<112xf32, #tpu.memory_space<hbm>>, %arg4: memref<2x16x2x16xf32, #tpu.memory_space<hbm>>, %arg5: memref<5x128xf32, #tpu.memory_space<vmem>>, %arg6: memref<2x16xf32, #tpu.memory_space<vmem>>, %arg7: memref<4x2x16xf32, #tpu.memory_space<vmem>>, %arg8: memref<16xf32, #tpu.memory_space<vmem>>) attributes {dimension_semantics = [#tpu.dimension_semantics<core_parallel>, #tpu.dimension_semantics<subcore_parallel>], iteration_bounds = array<i64: 2, 16>, scalar_prefetch = 0 : i64, scratch_operands = 4 : i64, tpu.core_type = #tpu.core_type<sc_vector_subcore>, window_params = [{transform_indices = #map}, {transform_indices = #map1}, {transform_indices = #map2}]} {
    %mul3A = arith.constant 4 : i32
    %mul3A_0 = arith.muli %arg0, %mul3A : i32
    %jit3A = arith.constant 4 : i32
    %div3A = arith.divsi %arg1, %jit3A : i32
    %sign3A = arith.constant 0 : i32
    %sign3A_1 = arith.cmpi sgt, %arg1, %sign3A : i32
    %sign3A_2 = arith.extui %sign3A_1 : i1 to i32
    %sign3A_3 = arith.constant 0 : i32
    %sign3A_4 = arith.cmpi slt, %arg1, %sign3A_3 : i32
    %sign3A_5 = arith.extui %sign3A_4 : i1 to i32
    %sign3A_6 = arith.subi %sign3A_2, %sign3A_5 : i32
    %sign3A_7 = arith.constant 0 : i32
    %sign3A_8 = arith.cmpi sgt, %jit3A, %sign3A_7 : i32
    %sign3A_9 = arith.extui %sign3A_8 : i1 to i32
    %sign3A_10 = arith.constant 0 : i32
    %sign3A_11 = arith.cmpi slt, %jit3A, %sign3A_10 : i32
    %sign3A_12 = arith.extui %sign3A_11 : i1 to i32
    %sign3A_13 = arith.subi %sign3A_9, %sign3A_12 : i32
    %ne3A = arith.cmpi ne, %sign3A_6, %sign3A_13 : i32
    %rem3A = arith.remsi %arg1, %jit3A : i32
    %ne3A_14 = arith.constant 0 : i32
    %ne3A_15 = arith.cmpi ne, %rem3A, %ne3A_14 : i32
    %and3A = arith.andi %ne3A, %ne3A_15 : i1
    %sub3A = arith.constant 1 : i32
    %sub3A_16 = arith.subi %div3A, %sub3A : i32
    %select_n3A = arith.select %and3A, %sub3A_16, %div3A : i32
    %add3A = arith.addi %mul3A_0, %select_n3A : i32
    %jit3A_17 = arith.constant 4 : i32
    %eq3A = arith.constant 0 : i32
    %eq3A_18 = arith.cmpi eq, %jit3A_17, %eq3A : i32
    %jit3A_19 = arith.constant 1 : i32
    %select_n3A_20 = arith.select %eq3A_18, %jit3A_19, %jit3A_17 : i32
    %rem3A_21 = arith.remsi %arg1, %select_n3A_20 : i32
    %ne3A_22 = arith.constant 0 : i32
    %ne3A_23 = arith.cmpi ne, %rem3A_21, %ne3A_22 : i32
    %lt3A = arith.constant 0 : i32
    %lt3A_24 = arith.cmpi slt, %rem3A_21, %lt3A : i32
    %lt3A_25 = arith.constant 0 : i32
    %lt3A_26 = arith.cmpi slt, %select_n3A_20, %lt3A_25 : i32
    %ne3A_27 = arith.xori %lt3A_24, %lt3A_26 : i1
    %and3A_28 = arith.andi %ne3A_27, %ne3A_23 : i1
    %add3A_29 = arith.addi %rem3A_21, %select_n3A_20 : i32
    %select_n3A_30 = arith.select %and3A_28, %add3A_29, %rem3A_21 : i32
    %lt3A_31 = arith.constant 7 : i32
    %lt3A_32 = arith.cmpi slt, %add3A, %lt3A_31 : i32
    %eq3A_33 = arith.constant 0 : i32
    %eq3A_34 = arith.cmpi eq, %select_n3A_30, %eq3A_33 : i32
    %and3A_35 = arith.andi %lt3A_32, %eq3A_34 : i1
    %convert_element_type3A = arith.extui %lt3A_32 : i1 to i32
    %cond3A = arith.constant 0 : i32
    %cond3A_36 = arith.cmpi ne, %convert_element_type3A, %cond3A : i32
    scf.if %cond3A_36 {
      "tpu.region"() ({
        %run_scoped3A = tpu.sem_alloc : memref<!tpu.dma_semaphore, #tpu.memory_space<semaphore_mem>>
        tpu.enqueue_dma source(%arg2 : memref<5x128xf32, #tpu.memory_space<hbm>>) target(%arg5 : memref<5x128xf32, #tpu.memory_space<vmem>>) target_semaphore(%run_scoped3A : memref<!tpu.dma_semaphore, #tpu.memory_space<semaphore_mem>>)
        tpu.wait_dma2 semaphore(%run_scoped3A : memref<!tpu.dma_semaphore, #tpu.memory_space<semaphore_mem>>) src(%arg2 : memref<5x128xf32, #tpu.memory_space<hbm>>) dst(%arg5 : memref<5x128xf32, #tpu.memory_space<vmem>>)
        tpu.yield
      }) : () -> ()
      %mul3A_40 = arith.constant 16 : i32
      %mul3A_41 = arith.muli %add3A, %mul3A_40 : i32
      %multiple_of3A = tpu.assume_multiple %mul3A_41, 16 : i32
      %get3A = arith.constant 0 : i32
      %get3A_42 = arith.index_cast %get3A : i32 to index
      %get3A_43 = arith.index_cast %multiple_of3A : i32 to index
      %get3A_44 = tpu.vector_load %arg5[%get3A_42, %get3A_43] {strides = array<i32>} : memref<5x128xf32, #tpu.memory_space<vmem>>, vector<1x16xf32>,
      %get3A_45 = vector.shape_cast %get3A_44 : vector<1x16xf32> to vector<16xf32>
      %get3A_46 = arith.constant 1 : i32
      %get3A_47 = arith.index_cast %get3A_46 : i32 to index
      %get3A_48 = arith.index_cast %multiple_of3A : i32 to index
      %get3A_49 = tpu.vector_load %arg5[%get3A_47, %get3A_48] {strides = array<i32>} : memref<5x128xf32, #tpu.memory_space<vmem>>, vector<1x16xf32>,
      %get3A_50 = vector.shape_cast %get3A_49 : vector<1x16xf32> to vector<16xf32>
      %get3A_51 = arith.constant 2 : i32
      %get3A_52 = arith.index_cast %get3A_51 : i32 to index
      %get3A_53 = arith.index_cast %multiple_of3A : i32 to index
      %get3A_54 = tpu.vector_load %arg5[%get3A_52, %get3A_53] {strides = array<i32>} : memref<5x128xf32, #tpu.memory_space<vmem>>, vector<1x16xf32>,
      %get3A_55 = vector.shape_cast %get3A_54 : vector<1x16xf32> to vector<16xf32>
      %get3A_56 = arith.constant 3 : i32
      %get3A_57 = arith.index_cast %get3A_56 : i32 to index
      %get3A_58 = arith.index_cast %multiple_of3A : i32 to index
      %get3A_59 = tpu.vector_load %arg5[%get3A_57, %get3A_58] {strides = array<i32>} : memref<5x128xf32, #tpu.memory_space<vmem>>, vector<1x16xf32>,
      %get3A_60 = vector.shape_cast %get3A_59 : vector<1x16xf32> to vector<16xf32>
      %get3A_61 = arith.constant 4 : i32
      %get3A_62 = arith.index_cast %get3A_61 : i32 to index
      %get3A_63 = arith.index_cast %multiple_of3A : i32 to index
      %get3A_64 = tpu.vector_load %arg5[%get3A_62, %get3A_63] {strides = array<i32>} : memref<5x128xf32, #tpu.memory_space<vmem>>, vector<1x16xf32>,
      %get3A_65 = vector.shape_cast %get3A_64 : vector<1x16xf32> to vector<16xf32>
      %sub3A_66 = arith.constant -3.200000e+01 : f32
      %sub3A_67 = vector.broadcast %sub3A_66 : f32 to vector<16xf32>
      %sub3A_68 = arith.subf %get3A_45, %sub3A_67 : vector<16xf32>
      %add3A_69 = arith.constant 5.000000e-01 : f32
      %add3A_70 = vector.broadcast %add3A_69 : f32 to vector<16xf32>
      %add3A_71 = arith.addf %sub3A_68, %add3A_70 : vector<16xf32>
      %convert_element_type3A_72 = arith.fptosi %add3A_71 : vector<16xf32> to vector<16xi32>
      %convert_element_type3A_73 = arith.sitofp %convert_element_type3A_72 : vector<16xi32> to vector<16xf32>
      %sub3A_74 = arith.subf %convert_element_type3A_73, %sub3A_68 : vector<16xf32>
      %eq3A_75 = arith.constant 5.000000e-01 : f32
      %eq3A_76 = vector.broadcast %eq3A_75 : f32 to vector<16xf32>
      %eq3A_77 = arith.cmpf oeq, %sub3A_74, %eq3A_76 : vector<16xf32>
      %and3A_78 = arith.constant 1 : i32
      %and3A_79 = vector.broadcast %and3A_78 : i32 to vector<16xi32>
      %and3A_80 = arith.andi %convert_element_type3A_72, %and3A_79 : vector<16xi32>
      %eq3A_81 = arith.constant 1 : i32
      %eq3A_82 = vector.broadcast %eq3A_81 : i32 to vector<16xi32>
      %eq3A_83 = arith.cmpi eq, %and3A_80, %eq3A_82 : vector<16xi32>
      %and3A_84 = arith.andi %eq3A_77, %eq3A_83 : vector<16xi1>
      %sub3A_85 = arith.constant 1 : i32
      %sub3A_86 = vector.broadcast %sub3A_85 : i32 to vector<16xi32>
      %sub3A_87 = arith.subi %convert_element_type3A_72, %sub3A_86 : vector<16xi32>
      %select_n3A_88 = arith.select %and3A_84, %sub3A_87, %convert_element_type3A_72 : vector<16xi1>, vector<16xi32>
      %sub3A_89 = arith.constant -3.200000e+01 : f32
      %sub3A_90 = vector.broadcast %sub3A_89 : f32 to vector<16xf32>
      %sub3A_91 = arith.subf %get3A_50, %sub3A_90 : vector<16xf32>
      %add3A_92 = arith.constant 5.000000e-01 : f32
      %add3A_93 = vector.broadcast %add3A_92 : f32 to vector<16xf32>
      %add3A_94 = arith.addf %sub3A_91, %add3A_93 : vector<16xf32>
      %convert_element_type3A_95 = arith.fptosi %add3A_94 : vector<16xf32> to vector<16xi32>
      %convert_element_type3A_96 = arith.sitofp %convert_element_type3A_95 : vector<16xi32> to vector<16xf32>
      %sub3A_97 = arith.subf %convert_element_type3A_96, %sub3A_91 : vector<16xf32>
      %eq3A_98 = arith.constant 5.000000e-01 : f32
      %eq3A_99 = vector.broadcast %eq3A_98 : f32 to vector<16xf32>
      %eq3A_100 = arith.cmpf oeq, %sub3A_97, %eq3A_99 : vector<16xf32>
      %and3A_101 = arith.constant 1 : i32
      %and3A_102 = vector.broadcast %and3A_101 : i32 to vector<16xi32>
      %and3A_103 = arith.andi %convert_element_type3A_95, %and3A_102 : vector<16xi32>
      %eq3A_104 = arith.constant 1 : i32
      %eq3A_105 = vector.broadcast %eq3A_104 : i32 to vector<16xi32>
      %eq3A_106 = arith.cmpi eq, %and3A_103, %eq3A_105 : vector<16xi32>
      %and3A_107 = arith.andi %eq3A_100, %eq3A_106 : vector<16xi1>
      %sub3A_108 = arith.constant 1 : i32
      %sub3A_109 = vector.broadcast %sub3A_108 : i32 to vector<16xi32>
      %sub3A_110 = arith.subi %convert_element_type3A_95, %sub3A_109 : vector<16xi32>
      %select_n3A_111 = arith.select %and3A_107, %sub3A_110, %convert_element_type3A_95 : vector<16xi1>, vector<16xi32>
      %sub3A_112 = arith.constant -3.200000e+01 : f32
      %sub3A_113 = vector.broadcast %sub3A_112 : f32 to vector<16xf32>
      %sub3A_114 = arith.subf %get3A_55, %sub3A_113 : vector<16xf32>
      %add3A_115 = arith.constant 5.000000e-01 : f32
      %add3A_116 = vector.broadcast %add3A_115 : f32 to vector<16xf32>
      %add3A_117 = arith.addf %sub3A_114, %add3A_116 : vector<16xf32>
      %convert_element_type3A_118 = arith.fptosi %add3A_117 : vector<16xf32> to vector<16xi32>
      %convert_element_type3A_119 = arith.sitofp %convert_element_type3A_118 : vector<16xi32> to vector<16xf32>
      %sub3A_120 = arith.subf %convert_element_type3A_119, %sub3A_114 : vector<16xf32>
      %eq3A_121 = arith.constant 5.000000e-01 : f32
      %eq3A_122 = vector.broadcast %eq3A_121 : f32 to vector<16xf32>
      %eq3A_123 = arith.cmpf oeq, %sub3A_120, %eq3A_122 : vector<16xf32>
      %and3A_124 = arith.constant 1 : i32
      %and3A_125 = vector.broadcast %and3A_124 : i32 to vector<16xi32>
      %and3A_126 = arith.andi %convert_element_type3A_118, %and3A_125 : vector<16xi32>
      %eq3A_127 = arith.constant 1 : i32
      %eq3A_128 = vector.broadcast %eq3A_127 : i32 to vector<16xi32>
      %eq3A_129 = arith.cmpi eq, %and3A_126, %eq3A_128 : vector<16xi32>
      %and3A_130 = arith.andi %eq3A_123, %eq3A_129 : vector<16xi1>
      %sub3A_131 = arith.constant 1 : i32
      %sub3A_132 = vector.broadcast %sub3A_131 : i32 to vector<16xi32>
      %sub3A_133 = arith.subi %convert_element_type3A_118, %sub3A_132 : vector<16xi32>
      %select_n3A_134 = arith.select %and3A_130, %sub3A_133, %convert_element_type3A_118 : vector<16xi1>, vector<16xi32>
      %sub3A_135 = arith.constant -5.000000e-01 : f32
      %sub3A_136 = vector.broadcast %sub3A_135 : f32 to vector<16xf32>
      %sub3A_137 = arith.subf %get3A_60, %sub3A_136 : vector<16xf32>
      %add3A_138 = arith.constant 5.000000e-01 : f32
      %add3A_139 = vector.broadcast %add3A_138 : f32 to vector<16xf32>
      %add3A_140 = arith.addf %sub3A_137, %add3A_139 : vector<16xf32>
      %convert_element_type3A_141 = arith.fptosi %add3A_140 : vector<16xf32> to vector<16xi32>
      %convert_element_type3A_142 = arith.sitofp %convert_element_type3A_141 : vector<16xi32> to vector<16xf32>
      %sub3A_143 = arith.subf %convert_element_type3A_142, %sub3A_137 : vector<16xf32>
      %eq3A_144 = arith.constant 5.000000e-01 : f32
      %eq3A_145 = vector.broadcast %eq3A_144 : f32 to vector<16xf32>
      %eq3A_146 = arith.cmpf oeq, %sub3A_143, %eq3A_145 : vector<16xf32>
      %and3A_147 = arith.constant 1 : i32
      %and3A_148 = vector.broadcast %and3A_147 : i32 to vector<16xi32>
      %and3A_149 = arith.andi %convert_element_type3A_141, %and3A_148 : vector<16xi32>
      %eq3A_150 = arith.constant 1 : i32
      %eq3A_151 = vector.broadcast %eq3A_150 : i32 to vector<16xi32>
      %eq3A_152 = arith.cmpi eq, %and3A_149, %eq3A_151 : vector<16xi32>
      %and3A_153 = arith.andi %eq3A_146, %eq3A_152 : vector<16xi1>
      %sub3A_154 = arith.constant 1 : i32
      %sub3A_155 = vector.broadcast %sub3A_154 : i32 to vector<16xi32>
      %sub3A_156 = arith.subi %convert_element_type3A_141, %sub3A_155 : vector<16xi32>
      %select_n3A_157 = arith.select %and3A_153, %sub3A_156, %convert_element_type3A_141 : vector<16xi1>, vector<16xi32>
      %sub3A_158 = arith.constant -5.000000e-01 : f32
      %sub3A_159 = vector.broadcast %sub3A_158 : f32 to vector<16xf32>
      %sub3A_160 = arith.subf %get3A_65, %sub3A_159 : vector<16xf32>
      %add3A_161 = arith.constant 5.000000e-01 : f32
      %add3A_162 = vector.broadcast %add3A_161 : f32 to vector<16xf32>
      %add3A_163 = arith.addf %sub3A_160, %add3A_162 : vector<16xf32>
      %convert_element_type3A_164 = arith.fptosi %add3A_163 : vector<16xf32> to vector<16xi32>
      %convert_element_type3A_165 = arith.sitofp %convert_element_type3A_164 : vector<16xi32> to vector<16xf32>
      %sub3A_166 = arith.subf %convert_element_type3A_165, %sub3A_160 : vector<16xf32>
      %eq3A_167 = arith.constant 5.000000e-01 : f32
      %eq3A_168 = vector.broadcast %eq3A_167 : f32 to vector<16xf32>
      %eq3A_169 = arith.cmpf oeq, %sub3A_166, %eq3A_168 : vector<16xf32>
      %and3A_170 = arith.constant 1 : i32
      %and3A_171 = vector.broadcast %and3A_170 : i32 to vector<16xi32>
      %and3A_172 = arith.andi %convert_element_type3A_164, %and3A_171 : vector<16xi32>
      %eq3A_173 = arith.constant 1 : i32
      %eq3A_174 = vector.broadcast %eq3A_173 : i32 to vector<16xi32>
      %eq3A_175 = arith.cmpi eq, %and3A_172, %eq3A_174 : vector<16xi32>
      %and3A_176 = arith.andi %eq3A_169, %eq3A_175 : vector<16xi1>
      %sub3A_177 = arith.constant 1 : i32
      %sub3A_178 = vector.broadcast %sub3A_177 : i32 to vector<16xi32>
      %sub3A_179 = arith.subi %convert_element_type3A_164, %sub3A_178 : vector<16xi32>
      %select_n3A_180 = arith.select %and3A_176, %sub3A_179, %convert_element_type3A_164 : vector<16xi1>, vector<16xi32>
      %convert_element_type3A_181 = arith.sitofp %select_n3A_88 : vector<16xi32> to vector<16xf32>
      %add3A_182 = arith.constant -3.200000e+01 : f32
      %add3A_183 = vector.broadcast %add3A_182 : f32 to vector<16xf32>
      %add3A_184 = arith.addf %add3A_183, %convert_element_type3A_181 : vector<16xf32>
      %convert_element_type3A_185 = arith.sitofp %select_n3A_111 : vector<16xi32> to vector<16xf32>
      %add3A_186 = arith.constant -3.200000e+01 : f32
      %add3A_187 = vector.broadcast %add3A_186 : f32 to vector<16xf32>
      %add3A_188 = arith.addf %add3A_187, %convert_element_type3A_185 : vector<16xf32>
      %convert_element_type3A_189 = arith.sitofp %select_n3A_134 : vector<16xi32> to vector<16xf32>
      %add3A_190 = arith.constant -3.200000e+01 : f32
      %add3A_191 = vector.broadcast %add3A_190 : f32 to vector<16xf32>
      %add3A_192 = arith.addf %add3A_191, %convert_element_type3A_189 : vector<16xf32>
      %convert_element_type3A_193 = arith.sitofp %select_n3A_157 : vector<16xi32> to vector<16xf32>
      %add3A_194 = arith.constant -5.000000e-01 : f32
      %add3A_195 = vector.broadcast %add3A_194 : f32 to vector<16xf32>
      %add3A_196 = arith.addf %add3A_195, %convert_element_type3A_193 : vector<16xf32>
      %convert_element_type3A_197 = arith.sitofp %select_n3A_180 : vector<16xi32> to vector<16xf32>
      %add3A_198 = arith.constant -5.000000e-01 : f32
      %add3A_199 = vector.broadcast %add3A_198 : f32 to vector<16xf32>
      %add3A_200 = arith.addf %add3A_199, %convert_element_type3A_197 : vector<16xf32>
      %broadcast_in_dim3A = arith.constant 0.000000e+00 : f32
      %broadcast_in_dim3A_201 = vector.broadcast %broadcast_in_dim3A : f32 to vector<16xf32>
      %broadcast_in_dim3A_202 = arith.constant 0.000000e+00 : f32
      %broadcast_in_dim3A_203 = vector.broadcast %broadcast_in_dim3A_202 : f32 to vector<16xf32>
      %mul3A_204 = arith.constant 2 : i32
      %mul3A_205 = arith.muli %select_n3A_30, %mul3A_204 : i32
      %add3A_206 = arith.constant 0 : i32
      %add3A_207 = arith.addi %mul3A_205, %add3A_206 : i32
      %mul3A_208 = arith.constant 16 : i32
      %mul3A_209 = arith.muli %add3A_207, %mul3A_208 : i32
      %multiple_of3A_210 = tpu.assume_multiple %mul3A_209, 16 : i32
      %get3A_211 = arith.constant 0 : i32
      %get3A_212 = arith.index_cast %get3A_211 : i32 to index
      %get3A_213 = arith.index_cast %multiple_of3A_210 : i32 to index
      %get3A_214 = tpu.vector_load %arg5[%get3A_212, %get3A_213] {strides = array<i32>} : memref<5x128xf32, #tpu.memory_space<vmem>>, vector<1x16xf32>,
      %get3A_215 = vector.shape_cast %get3A_214 : vector<1x16xf32> to vector<16xf32>
      %get3A_216 = arith.constant 1 : i32
      %get3A_217 = arith.index_cast %get3A_216 : i32 to index
      %get3A_218 = arith.index_cast %multiple_of3A_210 : i32 to index
      %get3A_219 = tpu.vector_load %arg5[%get3A_217, %get3A_218] {strides = array<i32>} : memref<5x128xf32, #tpu.memory_space<vmem>>, vector<1x16xf32>,
      %get3A_220 = vector.shape_cast %get3A_219 : vector<1x16xf32> to vector<16xf32>
      %get3A_221 = arith.constant 2 : i32
      %get3A_222 = arith.index_cast %get3A_221 : i32 to index
      %get3A_223 = arith.index_cast %multiple_of3A_210 : i32 to index
      %get3A_224 = tpu.vector_load %arg5[%get3A_222, %get3A_223] {strides = array<i32>} : memref<5x128xf32, #tpu.memory_space<vmem>>, vector<1x16xf32>,
      %get3A_225 = vector.shape_cast %get3A_224 : vector<1x16xf32> to vector<16xf32>
      %get3A_226 = arith.constant 3 : i32
      %get3A_227 = arith.index_cast %get3A_226 : i32 to index
      %get3A_228 = arith.index_cast %multiple_of3A_210 : i32 to index
      %get3A_229 = tpu.vector_load %arg5[%get3A_227, %get3A_228] {strides = array<i32>} : memref<5x128xf32, #tpu.memory_space<vmem>>, vector<1x16xf32>,
      %get3A_230 = vector.shape_cast %get3A_229 : vector<1x16xf32> to vector<16xf32>
      %get3A_231 = arith.constant 4 : i32
      %get3A_232 = arith.index_cast %get3A_231 : i32 to index
      %get3A_233 = arith.index_cast %multiple_of3A_210 : i32 to index
      %get3A_234 = tpu.vector_load %arg5[%get3A_232, %get3A_233] {strides = array<i32>} : memref<5x128xf32, #tpu.memory_space<vmem>>, vector<1x16xf32>,
      %get3A_235 = vector.shape_cast %get3A_234 : vector<1x16xf32> to vector<16xf32>
      %sub3A_236 = arith.constant -3.200000e+01 : f32
      %sub3A_237 = vector.broadcast %sub3A_236 : f32 to vector<16xf32>
      %sub3A_238 = arith.subf %get3A_215, %sub3A_237 : vector<16xf32>
      %add3A_239 = arith.constant 5.000000e-01 : f32
      %add3A_240 = vector.broadcast %add3A_239 : f32 to vector<16xf32>
      %add3A_241 = arith.addf %sub3A_238, %add3A_240 : vector<16xf32>
      %convert_element_type3A_242 = arith.fptosi %add3A_241 : vector<16xf32> to vector<16xi32>
      %convert_element_type3A_243 = arith.sitofp %convert_element_type3A_242 : vector<16xi32> to vector<16xf32>
      %sub3A_244 = arith.subf %convert_element_type3A_243, %sub3A_238 : vector<16xf32>
      %eq3A_245 = arith.constant 5.000000e-01 : f32
      %eq3A_246 = vector.broadcast %eq3A_245 : f32 to vector<16xf32>
      %eq3A_247 = arith.cmpf oeq, %sub3A_244, %eq3A_246 : vector<16xf32>
      %and3A_248 = arith.constant 1 : i32
      %and3A_249 = vector.broadcast %and3A_248 : i32 to vector<16xi32>
      %and3A_250 = arith.andi %convert_element_type3A_242, %and3A_249 : vector<16xi32>
      %eq3A_251 = arith.constant 1 : i32
      %eq3A_252 = vector.broadcast %eq3A_251 : i32 to vector<16xi32>
      %eq3A_253 = arith.cmpi eq, %and3A_250, %eq3A_252 : vector<16xi32>
      %and3A_254 = arith.andi %eq3A_247, %eq3A_253 : vector<16xi1>
      %sub3A_255 = arith.constant 1 : i32
      %sub3A_256 = vector.broadcast %sub3A_255 : i32 to vector<16xi32>
      %sub3A_257 = arith.subi %convert_element_type3A_242, %sub3A_256 : vector<16xi32>
      %select_n3A_258 = arith.select %and3A_254, %sub3A_257, %convert_element_type3A_242 : vector<16xi1>, vector<16xi32>
      %sub3A_259 = arith.constant -3.200000e+01 : f32
      %sub3A_260 = vector.broadcast %sub3A_259 : f32 to vector<16xf32>
      %sub3A_261 = arith.subf %get3A_220, %sub3A_260 : vector<16xf32>
      %add3A_262 = arith.constant 5.000000e-01 : f32
      %add3A_263 = vector.broadcast %add3A_262 : f32 to vector<16xf32>
      %add3A_264 = arith.addf %sub3A_261, %add3A_263 : vector<16xf32>
      %convert_element_type3A_265 = arith.fptosi %add3A_264 : vector<16xf32> to vector<16xi32>
      %convert_element_type3A_266 = arith.sitofp %convert_element_type3A_265 : vector<16xi32> to vector<16xf32>
      %sub3A_267 = arith.subf %convert_element_type3A_266, %sub3A_261 : vector<16xf32>
      %eq3A_268 = arith.constant 5.000000e-01 : f32
      %eq3A_269 = vector.broadcast %eq3A_268 : f32 to vector<16xf32>
      %eq3A_270 = arith.cmpf oeq, %sub3A_267, %eq3A_269 : vector<16xf32>
      %and3A_271 = arith.constant 1 : i32
      %and3A_272 = vector.broadcast %and3A_271 : i32 to vector<16xi32>
      %and3A_273 = arith.andi %convert_element_type3A_265, %and3A_272 : vector<16xi32>
      %eq3A_274 = arith.constant 1 : i32
      %eq3A_275 = vector.broadcast %eq3A_274 : i32 to vector<16xi32>
      %eq3A_276 = arith.cmpi eq, %and3A_273, %eq3A_275 : vector<16xi32>
      %and3A_277 = arith.andi %eq3A_270, %eq3A_276 : vector<16xi1>
      %sub3A_278 = arith.constant 1 : i32
      %sub3A_279 = vector.broadcast %sub3A_278 : i32 to vector<16xi32>
      %sub3A_280 = arith.subi %convert_element_type3A_265, %sub3A_279 : vector<16xi32>
      %select_n3A_281 = arith.select %and3A_277, %sub3A_280, %convert_element_type3A_265 : vector<16xi1>, vector<16xi32>
      %sub3A_282 = arith.constant -3.200000e+01 : f32
      %sub3A_283 = vector.broadcast %sub3A_282 : f32 to vector<16xf32>
      %sub3A_284 = arith.subf %get3A_225, %sub3A_283 : vector<16xf32>
      %add3A_285 = arith.constant 5.000000e-01 : f32
      %add3A_286 = vector.broadcast %add3A_285 : f32 to vector<16xf32>
      %add3A_287 = arith.addf %sub3A_284, %add3A_286 : vector<16xf32>
      %convert_element_type3A_288 = arith.fptosi %add3A_287 : vector<16xf32> to vector<16xi32>
      %convert_element_type3A_289 = arith.sitofp %convert_element_type3A_288 : vector<16xi32> to vector<16xf32>
      %sub3A_290 = arith.subf %convert_element_type3A_289, %sub3A_284 : vector<16xf32>
      %eq3A_291 = arith.constant 5.000000e-01 : f32
      %eq3A_292 = vector.broadcast %eq3A_291 : f32 to vector<16xf32>
      %eq3A_293 = arith.cmpf oeq, %sub3A_290, %eq3A_292 : vector<16xf32>
      %and3A_294 = arith.constant 1 : i32
      %and3A_295 = vector.broadcast %and3A_294 : i32 to vector<16xi32>
      %and3A_296 = arith.andi %convert_element_type3A_288, %and3A_295 : vector<16xi32>
      %eq3A_297 = arith.constant 1 : i32
      %eq3A_298 = vector.broadcast %eq3A_297 : i32 to vector<16xi32>
      %eq3A_299 = arith.cmpi eq, %and3A_296, %eq3A_298 : vector<16xi32>
      %and3A_300 = arith.andi %eq3A_293, %eq3A_299 : vector<16xi1>
      %sub3A_301 = arith.constant 1 : i32
      %sub3A_302 = vector.broadcast %sub3A_301 : i32 to vector<16xi32>
      %sub3A_303 = arith.subi %convert_element_type3A_288, %sub3A_302 : vector<16xi32>
      %select_n3A_304 = arith.select %and3A_300, %sub3A_303, %convert_element_type3A_288 : vector<16xi1>, vector<16xi32>
      %sub3A_305 = arith.constant -5.000000e-01 : f32
      %sub3A_306 = vector.broadcast %sub3A_305 : f32 to vector<16xf32>
      %sub3A_307 = arith.subf %get3A_230, %sub3A_306 : vector<16xf32>
      %add3A_308 = arith.constant 5.000000e-01 : f32
      %add3A_309 = vector.broadcast %add3A_308 : f32 to vector<16xf32>
      %add3A_310 = arith.addf %sub3A_307, %add3A_309 : vector<16xf32>
      %convert_element_type3A_311 = arith.fptosi %add3A_310 : vector<16xf32> to vector<16xi32>
      %convert_element_type3A_312 = arith.sitofp %convert_element_type3A_311 : vector<16xi32> to vector<16xf32>
      %sub3A_313 = arith.subf %convert_element_type3A_312, %sub3A_307 : vector<16xf32>
      %eq3A_314 = arith.constant 5.000000e-01 : f32
      %eq3A_315 = vector.broadcast %eq3A_314 : f32 to vector<16xf32>
      %eq3A_316 = arith.cmpf oeq, %sub3A_313, %eq3A_315 : vector<16xf32>
      %and3A_317 = arith.constant 1 : i32
      %and3A_318 = vector.broadcast %and3A_317 : i32 to vector<16xi32>
      %and3A_319 = arith.andi %convert_element_type3A_311, %and3A_318 : vector<16xi32>
      %eq3A_320 = arith.constant 1 : i32
      %eq3A_321 = vector.broadcast %eq3A_320 : i32 to vector<16xi32>
      %eq3A_322 = arith.cmpi eq, %and3A_319, %eq3A_321 : vector<16xi32>
      %and3A_323 = arith.andi %eq3A_316, %eq3A_322 : vector<16xi1>
      %sub3A_324 = arith.constant 1 : i32
      %sub3A_325 = vector.broadcast %sub3A_324 : i32 to vector<16xi32>
      %sub3A_326 = arith.subi %convert_element_type3A_311, %sub3A_325 : vector<16xi32>
      %select_n3A_327 = arith.select %and3A_323, %sub3A_326, %convert_element_type3A_311 : vector<16xi1>, vector<16xi32>
      %sub3A_328 = arith.constant -5.000000e-01 : f32
      %sub3A_329 = vector.broadcast %sub3A_328 : f32 to vector<16xf32>
      %sub3A_330 = arith.subf %get3A_235, %sub3A_329 : vector<16xf32>
      %add3A_331 = arith.constant 5.000000e-01 : f32
      %add3A_332 = vector.broadcast %add3A_331 : f32 to vector<16xf32>
      %add3A_333 = arith.addf %sub3A_330, %add3A_332 : vector<16xf32>
      %convert_element_type3A_334 = arith.fptosi %add3A_333 : vector<16xf32> to vector<16xi32>
      %convert_element_type3A_335 = arith.sitofp %convert_element_type3A_334 : vector<16xi32> to vector<16xf32>
      %sub3A_336 = arith.subf %convert_element_type3A_335, %sub3A_330 : vector<16xf32>
      %eq3A_337 = arith.constant 5.000000e-01 : f32
      %eq3A_338 = vector.broadcast %eq3A_337 : f32 to vector<16xf32>
      %eq3A_339 = arith.cmpf oeq, %sub3A_336, %eq3A_338 : vector<16xf32>
      %and3A_340 = arith.constant 1 : i32
      %and3A_341 = vector.broadcast %and3A_340 : i32 to vector<16xi32>
      %and3A_342 = arith.andi %convert_element_type3A_334, %and3A_341 : vector<16xi32>
      %eq3A_343 = arith.constant 1 : i32
      %eq3A_344 = vector.broadcast %eq3A_343 : i32 to vector<16xi32>
      %eq3A_345 = arith.cmpi eq, %and3A_342, %eq3A_344 : vector<16xi32>
      %and3A_346 = arith.andi %eq3A_339, %eq3A_345 : vector<16xi1>
      %sub3A_347 = arith.constant 1 : i32
      %sub3A_348 = vector.broadcast %sub3A_347 : i32 to vector<16xi32>
      %sub3A_349 = arith.subi %convert_element_type3A_334, %sub3A_348 : vector<16xi32>
      %select_n3A_350 = arith.select %and3A_346, %sub3A_349, %convert_element_type3A_334 : vector<16xi1>, vector<16xi32>
      %slice3A = vector.extract_strided_slice %select_n3A_258 {offsets = [0], sizes = [1], strides = [1]} : vector<16xi32> to vector<1xi32>
      %squeeze3A = vector.extract %slice3A[0] : i32 from vector<1xi32>
      %eq3A_351 = vector.broadcast %squeeze3A : i32 to vector<16xi32>
      %eq3A_352 = arith.cmpi eq, %select_n3A_88, %eq3A_351 : vector<16xi32>
      %slice3A_353 = vector.extract_strided_slice %select_n3A_281 {offsets = [0], sizes = [1], strides = [1]} : vector<16xi32> to vector<1xi32>
      %squeeze3A_354 = vector.extract %slice3A_353[0] : i32 from vector<1xi32>
      %eq3A_355 = vector.broadcast %squeeze3A_354 : i32 to vector<16xi32>
      %eq3A_356 = arith.cmpi eq, %select_n3A_111, %eq3A_355 : vector<16xi32>
      %and3A_357 = arith.andi %eq3A_352, %eq3A_356 : vector<16xi1>
      %slice3A_358 = vector.extract_strided_slice %select_n3A_304 {offsets = [0], sizes = [1], strides = [1]} : vector<16xi32> to vector<1xi32>
      %squeeze3A_359 = vector.extract %slice3A_358[0] : i32 from vector<1xi32>
      %eq3A_360 = vector.broadcast %squeeze3A_359 : i32 to vector<16xi32>
      %eq3A_361 = arith.cmpi eq, %select_n3A_134, %eq3A_360 : vector<16xi32>
      %and3A_362 = arith.andi %and3A_357, %eq3A_361 : vector<16xi1>
      %slice3A_363 = vector.extract_strided_slice %select_n3A_327 {offsets = [0], sizes = [1], strides = [1]} : vector<16xi32> to vector<1xi32>
      %squeeze3A_364 = vector.extract %slice3A_363[0] : i32 from vector<1xi32>
      %eq3A_365 = vector.broadcast %squeeze3A_364 : i32 to vector<16xi32>
      %eq3A_366 = arith.cmpi eq, %select_n3A_157, %eq3A_365 : vector<16xi32>
      %and3A_367 = arith.andi %and3A_362, %eq3A_366 : vector<16xi1>
      %slice3A_368 = vector.extract_strided_slice %select_n3A_350 {offsets = [0], sizes = [1], strides = [1]} : vector<16xi32> to vector<1xi32>
      %squeeze3A_369 = vector.extract %slice3A_368[0] : i32 from vector<1xi32>
      %eq3A_370 = vector.broadcast %squeeze3A_369 : i32 to vector<16xi32>
      %eq3A_371 = arith.cmpi eq, %select_n3A_180, %eq3A_370 : vector<16xi32>
      %and3A_372 = arith.andi %and3A_367, %eq3A_371 : vector<16xi1>
      %jit3A_373 = arith.constant 1.000000e+00 : f32
      %jit3A_374 = arith.constant 0.000000e+00 : f32
      %broadcast_in_dim3A_375 = vector.broadcast %jit3A_373 : f32 to vector<16xf32>
      %broadcast_in_dim3A_376 = vector.broadcast %jit3A_374 : f32 to vector<16xf32>
      %select_n3A_377 = arith.select %and3A_372, %broadcast_in_dim3A_375, %broadcast_in_dim3A_376 : vector<16xi1>, vector<16xf32>
      %add3A_378 = arith.addf %broadcast_in_dim3A_203, %select_n3A_377 : vector<16xf32>
      %slice3A_379 = vector.extract_strided_slice %get3A_215 {offsets = [0], sizes = [1], strides = [1]} : vector<16xf32> to vector<1xf32>
      %squeeze3A_380 = vector.extract %slice3A_379[0] : f32 from vector<1xf32>
      %sub3A_381 = vector.broadcast %squeeze3A_380 : f32 to vector<16xf32>
      %sub3A_382 = arith.subf %add3A_184, %sub3A_381 : vector<16xf32>
      %mul3A_383 = arith.mulf %sub3A_382, %sub3A_382 : vector<16xf32>
      %slice3A_384 = vector.extract_strided_slice %get3A_220 {offsets = [0], sizes = [1], strides = [1]} : vector<16xf32> to vector<1xf32>
      %squeeze3A_385 = vector.extract %slice3A_384[0] : f32 from vector<1xf32>
      %sub3A_386 = vector.broadcast %squeeze3A_385 : f32 to vector<16xf32>
      %sub3A_387 = arith.subf %add3A_188, %sub3A_386 : vector<16xf32>
      %mul3A_388 = arith.mulf %sub3A_387, %sub3A_387 : vector<16xf32>
      %add3A_389 = arith.addf %mul3A_383, %mul3A_388 : vector<16xf32>
      %slice3A_390 = vector.extract_strided_slice %get3A_225 {offsets = [0], sizes = [1], strides = [1]} : vector<16xf32> to vector<1xf32>
      %squeeze3A_391 = vector.extract %slice3A_390[0] : f32 from vector<1xf32>
      %sub3A_392 = vector.broadcast %squeeze3A_391 : f32 to vector<16xf32>
      %sub3A_393 = arith.subf %add3A_192, %sub3A_392 : vector<16xf32>
      %mul3A_394 = arith.mulf %sub3A_393, %sub3A_393 : vector<16xf32>
      %add3A_395 = arith.addf %add3A_389, %mul3A_394 : vector<16xf32>
      %mul3A_396 = arith.constant 2.500000e-01 : f32
      %mul3A_397 = vector.broadcast %mul3A_396 : f32 to vector<16xf32>
      %mul3A_398 = arith.mulf %mul3A_397, %add3A_196 : vector<16xf32>
      %slice3A_399 = vector.extract_strided_slice %get3A_230 {offsets = [0], sizes = [1], strides = [1]} : vector<16xf32> to vector<1xf32>
      %squeeze3A_400 = vector.extract %slice3A_399[0] : f32 from vector<1xf32>
      %mul3A_401 = vector.broadcast %squeeze3A_400 : f32 to vector<16xf32>
      %mul3A_402 = arith.mulf %mul3A_398, %mul3A_401 : vector<16xf32>
      %add3A_403 = arith.constant 1.000000e+00 : f32
      %add3A_404 = vector.broadcast %add3A_403 : f32 to vector<16xf32>
      %add3A_405 = arith.addf %add3A_404, %mul3A_402 : vector<16xf32>
      %mul3A_406 = arith.constant 2.500000e-01 : f32
      %mul3A_407 = vector.broadcast %mul3A_406 : f32 to vector<16xf32>
      %mul3A_408 = arith.mulf %mul3A_407, %add3A_200 : vector<16xf32>
      %slice3A_409 = vector.extract_strided_slice %get3A_235 {offsets = [0], sizes = [1], strides = [1]} : vector<16xf32> to vector<1xf32>
      %squeeze3A_410 = vector.extract %slice3A_409[0] : f32 from vector<1xf32>
      %mul3A_411 = vector.broadcast %squeeze3A_410 : f32 to vector<16xf32>
      %mul3A_412 = arith.mulf %mul3A_408, %mul3A_411 : vector<16xf32>
      %add3A_413 = arith.addf %add3A_405, %mul3A_412 : vector<16xf32>
      %mul3A_414 = arith.constant -5.000000e+01 : f32
      %mul3A_415 = vector.broadcast %mul3A_414 : f32 to vector<16xf32>
      %mul3A_416 = arith.mulf %mul3A_415, %add3A_413 : vector<16xf32>
      %neg3A = arith.constant 0.000000e+00 : f32
      %neg3A_417 = vector.broadcast %neg3A : f32 to vector<16xf32>
      %neg3A_418 = arith.subf %neg3A_417, %add3A_395 : vector<16xf32>
      %div3A_419 = arith.constant 4.000000e+00 : f32
      %div3A_420 = vector.broadcast %div3A_419 : f32 to vector<16xf32>
      %div3A_421 = arith.divf %neg3A_418, %div3A_420 : vector<16xf32>
      %exp3A = math.exp %div3A_421 : vector<16xf32>
      %mul3A_422 = arith.mulf %mul3A_416, %exp3A : vector<16xf32>
      %add3A_423 = arith.addf %broadcast_in_dim3A_201, %mul3A_422 : vector<16xf32>
      %slice3A_424 = vector.extract_strided_slice %select_n3A_258 {offsets = [1], sizes = [1], strides = [1]} : vector<16xi32> to vector<1xi32>
      %squeeze3A_425 = vector.extract %slice3A_424[0] : i32 from vector<1xi32>
      %eq3A_426 = vector.broadcast %squeeze3A_425 : i32 to vector<16xi32>
      %eq3A_427 = arith.cmpi eq, %select_n3A_88, %eq3A_426 : vector<16xi32>
      %slice3A_428 = vector.extract_strided_slice %select_n3A_281 {offsets = [1], sizes = [1], strides = [1]} : vector<16xi32> to vector<1xi32>
      %squeeze3A_429 = vector.extract %slice3A_428[0] : i32 from vector<1xi32>
      %eq3A_430 = vector.broadcast %squeeze3A_429 : i32 to vector<16xi32>
      %eq3A_431 = arith.cmpi eq, %select_n3A_111, %eq3A_430 : vector<16xi32>
      %and3A_432 = arith.andi %eq3A_427, %eq3A_431 : vector<16xi1>
      %slice3A_433 = vector.extract_strided_slice %select_n3A_304 {offsets = [1], sizes = [1], strides = [1]} : vector<16xi32> to vector<1xi32>
      %squeeze3A_434 = vector.extract %slice3A_433[0] : i32 from vector<1xi32>
      %eq3A_435 = vector.broadcast %squeeze3A_434 : i32 to vector<16xi32>
      %eq3A_436 = arith.cmpi eq, %select_n3A_134, %eq3A_435 : vector<16xi32>
      %and3A_437 = arith.andi %and3A_432, %eq3A_436 : vector<16xi1>
      %slice3A_438 = vector.extract_strided_slice %select_n3A_327 {offsets = [1], sizes = [1], strides = [1]} : vector<16xi32> to vector<1xi32>
      %squeeze3A_439 = vector.extract %slice3A_438[0] : i32 from vector<1xi32>
      %eq3A_440 = vector.broadcast %squeeze3A_439 : i32 to vector<16xi32>
      %eq3A_441 = arith.cmpi eq, %select_n3A_157, %eq3A_440 : vector<16xi32>
      %and3A_442 = arith.andi %and3A_437, %eq3A_441 : vector<16xi1>
      %slice3A_443 = vector.extract_strided_slice %select_n3A_350 {offsets = [1], sizes = [1], strides = [1]} : vector<16xi32> to vector<1xi32>
      %squeeze3A_444 = vector.extract %slice3A_443[0] : i32 from vector<1xi32>
      %eq3A_445 = vector.broadcast %squeeze3A_444 : i32 to vector<16xi32>
      %eq3A_446 = arith.cmpi eq, %select_n3A_180, %eq3A_445 : vector<16xi32>
      %and3A_447 = arith.andi %and3A_442, %eq3A_446 : vector<16xi1>
      %jit3A_448 = arith.constant 1.000000e+00 : f32
      %jit3A_449 = arith.constant 0.000000e+00 : f32
      %broadcast_in_dim3A_450 = vector.broadcast %jit3A_448 : f32 to vector<16xf32>
      %broadcast_in_dim3A_451 = vector.broadcast %jit3A_449 : f32 to vector<16xf32>
      %select_n3A_452 = arith.select %and3A_447, %broadcast_in_dim3A_450, %broadcast_in_dim3A_451 : vector<16xi1>, vector<16xf32>
      %add3A_453 = arith.addf %add3A_378, %select_n3A_452 : vector<16xf32>
      %slice3A_454 = vector.extract_strided_slice %get3A_215 {offsets = [1], sizes = [1], strides = [1]} : vector<16xf32> to vector<1xf32>
      %squeeze3A_455 = vector.extract %slice3A_454[0] : f32 from vector<1xf32>
      %sub3A_456 = vector.broadcast %squeeze3A_455 : f32 to vector<16xf32>
      %sub3A_457 = arith.subf %add3A_184, %sub3A_456 : vector<16xf32>
      %mul3A_458 = arith.mulf %sub3A_457, %sub3A_457 : vector<16xf32>
      %slice3A_459 = vector.extract_strided_slice %get3A_220 {offsets = [1], sizes = [1], strides = [1]} : vector<16xf32> to vector<1xf32>
      %squeeze3A_460 = vector.extract %slice3A_459[0] : f32 from vector<1xf32>
      %sub3A_461 = vector.broadcast %squeeze3A_460 : f32 to vector<16xf32>
      %sub3A_462 = arith.subf %add3A_188, %sub3A_461 : vector<16xf32>
      %mul3A_463 = arith.mulf %sub3A_462, %sub3A_462 : vector<16xf32>
      %add3A_464 = arith.addf %mul3A_458, %mul3A_463 : vector<16xf32>
      %slice3A_465 = vector.extract_strided_slice %get3A_225 {offsets = [1], sizes = [1], strides = [1]} : vector<16xf32> to vector<1xf32>
      %squeeze3A_466 = vector.extract %slice3A_465[0] : f32 from vector<1xf32>
      %sub3A_467 = vector.broadcast %squeeze3A_466 : f32 to vector<16xf32>
      %sub3A_468 = arith.subf %add3A_192, %sub3A_467 : vector<16xf32>
      %mul3A_469 = arith.mulf %sub3A_468, %sub3A_468 : vector<16xf32>
      %add3A_470 = arith.addf %add3A_464, %mul3A_469 : vector<16xf32>
      %mul3A_471 = arith.constant 2.500000e-01 : f32
      %mul3A_472 = vector.broadcast %mul3A_471 : f32 to vector<16xf32>
      %mul3A_473 = arith.mulf %mul3A_472, %add3A_196 : vector<16xf32>
      %slice3A_474 = vector.extract_strided_slice %get3A_230 {offsets = [1], sizes = [1], strides = [1]} : vector<16xf32> to vector<1xf32>
      %squeeze3A_475 = vector.extract %slice3A_474[0] : f32 from vector<1xf32>
      %mul3A_476 = vector.broadcast %squeeze3A_475 : f32 to vector<16xf32>
      %mul3A_477 = arith.mulf %mul3A_473, %mul3A_476 : vector<16xf32>
      %add3A_478 = arith.constant 1.000000e+00 : f32
      %add3A_479 = vector.broadcast %add3A_478 : f32 to vector<16xf32>
      %add3A_480 = arith.addf %add3A_479, %mul3A_477 : vector<16xf32>
      %mul3A_481 = arith.constant 2.500000e-01 : f32
      %mul3A_482 = vector.broadcast %mul3A_481 : f32 to vector<16xf32>
      %mul3A_483 = arith.mulf %mul3A_482, %add3A_200 : vector<16xf32>
      %slice3A_484 = vector.extract_strided_slice %get3A_235 {offsets = [1], sizes = [1], strides = [1]} : vector<16xf32> to vector<1xf32>
      %squeeze3A_485 = vector.extract %slice3A_484[0] : f32 from vector<1xf32>
      %mul3A_486 = vector.broadcast %squeeze3A_485 : f32 to vector<16xf32>
      %mul3A_487 = arith.mulf %mul3A_483, %mul3A_486 : vector<16xf32>
      %add3A_488 = arith.addf %add3A_480, %mul3A_487 : vector<16xf32>
      %mul3A_489 = arith.constant -5.000000e+01 : f32
      %mul3A_490 = vector.broadcast %mul3A_489 : f32 to vector<16xf32>
      %mul3A_491 = arith.mulf %mul3A_490, %add3A_488 : vector<16xf32>
      %neg3A_492 = arith.constant 0.000000e+00 : f32
      %neg3A_493 = vector.broadcast %neg3A_492 : f32 to vector<16xf32>
      %neg3A_494 = arith.subf %neg3A_493, %add3A_470 : vector<16xf32>
      %div3A_495 = arith.constant 4.000000e+00 : f32
      %div3A_496 = vector.broadcast %div3A_495 : f32 to vector<16xf32>
      %div3A_497 = arith.divf %neg3A_494, %div3A_496 : vector<16xf32>
      %exp3A_498 = math.exp %div3A_497 : vector<16xf32>
      %mul3A_499 = arith.mulf %mul3A_491, %exp3A_498 : vector<16xf32>
      %add3A_500 = arith.addf %add3A_423, %mul3A_499 : vector<16xf32>
      %slice3A_501 = vector.extract_strided_slice %select_n3A_258 {offsets = [2], sizes = [1], strides = [1]} : vector<16xi32> to vector<1xi32>
      %squeeze3A_502 = vector.extract %slice3A_501[0] : i32 from vector<1xi32>
      %eq3A_503 = vector.broadcast %squeeze3A_502 : i32 to vector<16xi32>
      %eq3A_504 = arith.cmpi eq, %select_n3A_88, %eq3A_503 : vector<16xi32>
      %slice3A_505 = vector.extract_strided_slice %select_n3A_281 {offsets = [2], sizes = [1], strides = [1]} : vector<16xi32> to vector<1xi32>
      %squeeze3A_506 = vector.extract %slice3A_505[0] : i32 from vector<1xi32>
      %eq3A_507 = vector.broadcast %squeeze3A_506 : i32 to vector<16xi32>
      %eq3A_508 = arith.cmpi eq, %select_n3A_111, %eq3A_507 : vector<16xi32>
      %and3A_509 = arith.andi %eq3A_504, %eq3A_508 : vector<16xi1>
      %slice3A_510 = vector.extract_strided_slice %select_n3A_304 {offsets = [2], sizes = [1], strides = [1]} : vector<16xi32> to vector<1xi32>
      %squeeze3A_511 = vector.extract %slice3A_510[0] : i32 from vector<1xi32>
      %eq3A_512 = vector.broadcast %squeeze3A_511 : i32 to vector<16xi32>
      %eq3A_513 = arith.cmpi eq, %select_n3A_134, %eq3A_512 : vector<16xi32>
      %and3A_514 = arith.andi %and3A_509, %eq3A_513 : vector<16xi1>
      %slice3A_515 = vector.extract_strided_slice %select_n3A_327 {offsets = [2], sizes = [1], strides = [1]} : vector<16xi32> to vector<1xi32>
      %squeeze3A_516 = vector.extract %slice3A_515[0] : i32 from vector<1xi32>
      %eq3A_517 = vector.broadcast %squeeze3A_516 : i32 to vector<16xi32>
      %eq3A_518 = arith.cmpi eq, %select_n3A_157, %eq3A_517 : vector<16xi32>
      %and3A_519 = arith.andi %and3A_514, %eq3A_518 : vector<16xi1>
      %slice3A_520 = vector.extract_strided_slice %select_n3A_350 {offsets = [2], sizes = [1], strides = [1]} : vector<16xi32> to vector<1xi32>
      %squeeze3A_521 = vector.extract %slice3A_520[0] : i32 from vector<1xi32>
      %eq3A_522 = vector.broadcast %squeeze3A_521 : i32 to vector<16xi32>
      %eq3A_523 = arith.cmpi eq, %select_n3A_180, %eq3A_522 : vector<16xi32>
      %and3A_524 = arith.andi %and3A_519, %eq3A_523 : vector<16xi1>
      %jit3A_525 = arith.constant 1.000000e+00 : f32
      %jit3A_526 = arith.constant 0.000000e+00 : f32
      %broadcast_in_dim3A_527 = vector.broadcast %jit3A_525 : f32 to vector<16xf32>
      %broadcast_in_dim3A_528 = vector.broadcast %jit3A_526 : f32 to vector<16xf32>
      %select_n3A_529 = arith.select %and3A_524, %broadcast_in_dim3A_527, %broadcast_in_dim3A_528 : vector<16xi1>, vector<16xf32>
      %add3A_530 = arith.addf %add3A_453, %select_n3A_529 : vector<16xf32>
      %slice3A_531 = vector.extract_strided_slice %get3A_215 {offsets = [2], sizes = [1], strides = [1]} : vector<16xf32> to vector<1xf32>
      %squeeze3A_532 = vector.extract %slice3A_531[0] : f32 from vector<1xf32>
      %sub3A_533 = vector.broadcast %squeeze3A_532 : f32 to vector<16xf32>
      %sub3A_534 = arith.subf %add3A_184, %sub3A_533 : vector<16xf32>
      %mul3A_535 = arith.mulf %sub3A_534, %sub3A_534 : vector<16xf32>
      %slice3A_536 = vector.extract_strided_slice %get3A_220 {offsets = [2], sizes = [1], strides = [1]} : vector<16xf32> to vector<1xf32>
      %squeeze3A_537 = vector.extract %slice3A_536[0] : f32 from vector<1xf32>
      %sub3A_538 = vector.broadcast %squeeze3A_537 : f32 to vector<16xf32>
      %sub3A_539 = arith.subf %add3A_188, %sub3A_538 : vector<16xf32>
      %mul3A_540 = arith.mulf %sub3A_539, %sub3A_539 : vector<16xf32>
      %add3A_541 = arith.addf %mul3A_535, %mul3A_540 : vector<16xf32>
      %slice3A_542 = vector.extract_strided_slice %get3A_225 {offsets = [2], sizes = [1], strides = [1]} : vector<16xf32> to vector<1xf32>
      %squeeze3A_543 = vector.extract %slice3A_542[0] : f32 from vector<1xf32>
      %sub3A_544 = vector.broadcast %squeeze3A_543 : f32 to vector<16xf32>
      %sub3A_545 = arith.subf %add3A_192, %sub3A_544 : vector<16xf32>
      %mul3A_546 = arith.mulf %sub3A_545, %sub3A_545 : vector<16xf32>
      %add3A_547 = arith.addf %add3A_541, %mul3A_546 : vector<16xf32>
      %mul3A_548 = arith.constant 2.500000e-01 : f32
      %mul3A_549 = vector.broadcast %mul3A_548 : f32 to vector<16xf32>
      %mul3A_550 = arith.mulf %mul3A_549, %add3A_196 : vector<16xf32>
      %slice3A_551 = vector.extract_strided_slice %get3A_230 {offsets = [2], sizes = [1], strides = [1]} : vector<16xf32> to vector<1xf32>
      %squeeze3A_552 = vector.extract %slice3A_551[0] : f32 from vector<1xf32>
      %mul3A_553 = vector.broadcast %squeeze3A_552 : f32 to vector<16xf32>
      %mul3A_554 = arith.mulf %mul3A_550, %mul3A_553 : vector<16xf32>
      %add3A_555 = arith.constant 1.000000e+00 : f32
      %add3A_556 = vector.broadcast %add3A_555 : f32 to vector<16xf32>
      %add3A_557 = arith.addf %add3A_556, %mul3A_554 : vector<16xf32>
      %mul3A_558 = arith.constant 2.500000e-01 : f32
      %mul3A_559 = vector.broadcast %mul3A_558 : f32 to vector<16xf32>
      %mul3A_560 = arith.mulf %mul3A_559, %add3A_200 : vector<16xf32>
      %slice3A_561 = vector.extract_strided_slice %get3A_235 {offsets = [2], sizes = [1], strides = [1]} : vector<16xf32> to vector<1xf32>
      %squeeze3A_562 = vector.extract %slice3A_561[0] : f32 from vector<1xf32>
      %mul3A_563 = vector.broadcast %squeeze3A_562 : f32 to vector<16xf32>
      %mul3A_564 = arith.mulf %mul3A_560, %mul3A_563 : vector<16xf32>
      %add3A_565 = arith.addf %add3A_557, %mul3A_564 : vector<16xf32>
      %mul3A_566 = arith.constant -5.000000e+01 : f32
      %mul3A_567 = vector.broadcast %mul3A_566 : f32 to vector<16xf32>
      %mul3A_568 = arith.mulf %mul3A_567, %add3A_565 : vector<16xf32>
      %neg3A_569 = arith.constant 0.000000e+00 : f32
      %neg3A_570 = vector.broadcast %neg3A_569 : f32 to vector<16xf32>
      %neg3A_571 = arith.subf %neg3A_570, %add3A_547 : vector<16xf32>
      %div3A_572 = arith.constant 4.000000e+00 : f32
      %div3A_573 = vector.broadcast %div3A_572 : f32 to vector<16xf32>
      %div3A_574 = arith.divf %neg3A_571, %div3A_573 : vector<16xf32>
      %exp3A_575 = math.exp %div3A_574 : vector<16xf32>
      %mul3A_576 = arith.mulf %mul3A_568, %exp3A_575 : vector<16xf32>
      %add3A_577 = arith.addf %add3A_500, %mul3A_576 : vector<16xf32>
      %slice3A_578 = vector.extract_strided_slice %select_n3A_258 {offsets = [3], sizes = [1], strides = [1]} : vector<16xi32> to vector<1xi32>
      %squeeze3A_579 = vector.extract %slice3A_578[0] : i32 from vector<1xi32>
      %eq3A_580 = vector.broadcast %squeeze3A_579 : i32 to vector<16xi32>
      %eq3A_581 = arith.cmpi eq, %select_n3A_88, %eq3A_580 : vector<16xi32>
      %slice3A_582 = vector.extract_strided_slice %select_n3A_281 {offsets = [3], sizes = [1], strides = [1]} : vector<16xi32> to vector<1xi32>
      %squeeze3A_583 = vector.extract %slice3A_582[0] : i32 from vector<1xi32>
      %eq3A_584 = vector.broadcast %squeeze3A_583 : i32 to vector<16xi32>
      %eq3A_585 = arith.cmpi eq, %select_n3A_111, %eq3A_584 : vector<16xi32>
      %and3A_586 = arith.andi %eq3A_581, %eq3A_585 : vector<16xi1>
      %slice3A_587 = vector.extract_strided_slice %select_n3A_304 {offsets = [3], sizes = [1], strides = [1]} : vector<16xi32> to vector<1xi32>
      %squeeze3A_588 = vector.extract %slice3A_587[0] : i32 from vector<1xi32>
      %eq3A_589 = vector.broadcast %squeeze3A_588 : i32 to vector<16xi32>
      %eq3A_590 = arith.cmpi eq, %select_n3A_134, %eq3A_589 : vector<16xi32>
      %and3A_591 = arith.andi %and3A_586, %eq3A_590 : vector<16xi1>
      %slice3A_592 = vector.extract_strided_slice %select_n3A_327 {offsets = [3], sizes = [1], strides = [1]} : vector<16xi32> to vector<1xi32>
      %squeeze3A_593 = vector.extract %slice3A_592[0] : i32 from vector<1xi32>
      %eq3A_594 = vector.broadcast %squeeze3A_593 : i32 to vector<16xi32>
      %eq3A_595 = arith.cmpi eq, %select_n3A_157, %eq3A_594 : vector<16xi32>
      %and3A_596 = arith.andi %and3A_591, %eq3A_595 : vector<16xi1>
      %slice3A_597 = vector.extract_strided_slice %select_n3A_350 {offsets = [3], sizes = [1], strides = [1]} : vector<16xi32> to vector<1xi32>
      %squeeze3A_598 = vector.extract %slice3A_597[0] : i32 from vector<1xi32>
      %eq3A_599 = vector.broadcast %squeeze3A_598 : i32 to vector<16xi32>
      %eq3A_600 = arith.cmpi eq, %select_n3A_180, %eq3A_599 : vector<16xi32>
      %and3A_601 = arith.andi %and3A_596, %eq3A_600 : vector<16xi1>
      %jit3A_602 = arith.constant 1.000000e+00 : f32
      %jit3A_603 = arith.constant 0.000000e+00 : f32
      %broadcast_in_dim3A_604 = vector.broadcast %jit3A_602 : f32 to vector<16xf32>
      %broadcast_in_dim3A_605 = vector.broadcast %jit3A_603 : f32 to vector<16xf32>
      %select_n3A_606 = arith.select %and3A_601, %broadcast_in_dim3A_604, %broadcast_in_dim3A_605 : vector<16xi1>, vector<16xf32>
      %add3A_607 = arith.addf %add3A_530, %select_n3A_606 : vector<16xf32>
      %slice3A_608 = vector.extract_strided_slice %get3A_215 {offsets = [3], sizes = [1], strides = [1]} : vector<16xf32> to vector<1xf32>
      %squeeze3A_609 = vector.extract %slice3A_608[0] : f32 from vector<1xf32>
      %sub3A_610 = vector.broadcast %squeeze3A_609 : f32 to vector<16xf32>
      %sub3A_611 = arith.subf %add3A_184, %sub3A_610 : vector<16xf32>
      %mul3A_612 = arith.mulf %sub3A_611, %sub3A_611 : vector<16xf32>
      %slice3A_613 = vector.extract_strided_slice %get3A_220 {offsets = [3], sizes = [1], strides = [1]} : vector<16xf32> to vector<1xf32>
      %squeeze3A_614 = vector.extract %slice3A_613[0] : f32 from vector<1xf32>
      %sub3A_615 = vector.broadcast %squeeze3A_614 : f32 to vector<16xf32>
      %sub3A_616 = arith.subf %add3A_188, %sub3A_615 : vector<16xf32>
      %mul3A_617 = arith.mulf %sub3A_616, %sub3A_616 : vector<16xf32>
      %add3A_618 = arith.addf %mul3A_612, %mul3A_617 : vector<16xf32>
      %slice3A_619 = vector.extract_strided_slice %get3A_225 {offsets = [3], sizes = [1], strides = [1]} : vector<16xf32> to vector<1xf32>
      %squeeze3A_620 = vector.extract %slice3A_619[0] : f32 from vector<1xf32>
      %sub3A_621 = vector.broadcast %squeeze3A_620 : f32 to vector<16xf32>
      %sub3A_622 = arith.subf %add3A_192, %sub3A_621 : vector<16xf32>
      %mul3A_623 = arith.mulf %sub3A_622, %sub3A_622 : vector<16xf32>
      %add3A_624 = arith.addf %add3A_618, %mul3A_623 : vector<16xf32>
      %mul3A_625 = arith.constant 2.500000e-01 : f32
      %mul3A_626 = vector.broadcast %mul3A_625 : f32 to vector<16xf32>
      %mul3A_627 = arith.mulf %mul3A_626, %add3A_196 : vector<16xf32>
      %slice3A_628 = vector.extract_strided_slice %get3A_230 {offsets = [3], sizes = [1], strides = [1]} : vector<16xf32> to vector<1xf32>
      %squeeze3A_629 = vector.extract %slice3A_628[0] : f32 from vector<1xf32>
      %mul3A_630 = vector.broadcast %squeeze3A_629 : f32 to vector<16xf32>
      %mul3A_631 = arith.mulf %mul3A_627, %mul3A_630 : vector<16xf32>
      %add3A_632 = arith.constant 1.000000e+00 : f32
      %add3A_633 = vector.broadcast %add3A_632 : f32 to vector<16xf32>
      %add3A_634 = arith.addf %add3A_633, %mul3A_631 : vector<16xf32>
      %mul3A_635 = arith.constant 2.500000e-01 : f32
      %mul3A_636 = vector.broadcast %mul3A_635 : f32 to vector<16xf32>
      %mul3A_637 = arith.mulf %mul3A_636, %add3A_200 : vector<16xf32>
      %slice3A_638 = vector.extract_strided_slice %get3A_235 {offsets = [3], sizes = [1], strides = [1]} : vector<16xf32> to vector<1xf32>
      %squeeze3A_639 = vector.extract %slice3A_638[0] : f32 from vector<1xf32>
      %mul3A_640 = vector.broadcast %squeeze3A_639 : f32 to vector<16xf32>
      %mul3A_641 = arith.mulf %mul3A_637, %mul3A_640 : vector<16xf32>
      %add3A_642 = arith.addf %add3A_634, %mul3A_641 : vector<16xf32>
      %mul3A_643 = arith.constant -5.000000e+01 : f32
      %mul3A_644 = vector.broadcast %mul3A_643 : f32 to vector<16xf32>
      %mul3A_645 = arith.mulf %mul3A_644, %add3A_642 : vector<16xf32>
      %neg3A_646 = arith.constant 0.000000e+00 : f32
      %neg3A_647 = vector.broadcast %neg3A_646 : f32 to vector<16xf32>
      %neg3A_648 = arith.subf %neg3A_647, %add3A_624 : vector<16xf32>
      %div3A_649 = arith.constant 4.000000e+00 : f32
      %div3A_650 = vector.broadcast %div3A_649 : f32 to vector<16xf32>
      %div3A_651 = arith.divf %neg3A_648, %div3A_650 : vector<16xf32>
      %exp3A_652 = math.exp %div3A_651 : vector<16xf32>
      %mul3A_653 = arith.mulf %mul3A_645, %exp3A_652 : vector<16xf32>
      %add3A_654 = arith.addf %add3A_577, %mul3A_653 : vector<16xf32>
      %slice3A_655 = vector.extract_strided_slice %select_n3A_258 {offsets = [4], sizes = [1], strides = [1]} : vector<16xi32> to vector<1xi32>
      %squeeze3A_656 = vector.extract %slice3A_655[0] : i32 from vector<1xi32>
      %eq3A_657 = vector.broadcast %squeeze3A_656 : i32 to vector<16xi32>
      %eq3A_658 = arith.cmpi eq, %select_n3A_88, %eq3A_657 : vector<16xi32>
      %slice3A_659 = vector.extract_strided_slice %select_n3A_281 {offsets = [4], sizes = [1], strides = [1]} : vector<16xi32> to vector<1xi32>
      %squeeze3A_660 = vector.extract %slice3A_659[0] : i32 from vector<1xi32>
      %eq3A_661 = vector.broadcast %squeeze3A_660 : i32 to vector<16xi32>
      %eq3A_662 = arith.cmpi eq, %select_n3A_111, %eq3A_661 : vector<16xi32>
      %and3A_663 = arith.andi %eq3A_658, %eq3A_662 : vector<16xi1>
      %slice3A_664 = vector.extract_strided_slice %select_n3A_304 {offsets = [4], sizes = [1], strides = [1]} : vector<16xi32> to vector<1xi32>
      %squeeze3A_665 = vector.extract %slice3A_664[0] : i32 from vector<1xi32>
      %eq3A_666 = vector.broadcast %squeeze3A_665 : i32 to vector<16xi32>
      %eq3A_667 = arith.cmpi eq, %select_n3A_134, %eq3A_666 : vector<16xi32>
      %and3A_668 = arith.andi %and3A_663, %eq3A_667 : vector<16xi1>
      %slice3A_669 = vector.extract_strided_slice %select_n3A_327 {offsets = [4], sizes = [1], strides = [1]} : vector<16xi32> to vector<1xi32>
      %squeeze3A_670 = vector.extract %slice3A_669[0] : i32 from vector<1xi32>
      %eq3A_671 = vector.broadcast %squeeze3A_670 : i32 to vector<16xi32>
      %eq3A_672 = arith.cmpi eq, %select_n3A_157, %eq3A_671 : vector<16xi32>
      %and3A_673 = arith.andi %and3A_668, %eq3A_672 : vector<16xi1>
      %slice3A_674 = vector.extract_strided_slice %select_n3A_350 {offsets = [4], sizes = [1], strides = [1]} : vector<16xi32> to vector<1xi32>
      %squeeze3A_675 = vector.extract %slice3A_674[0] : i32 from vector<1xi32>
      %eq3A_676 = vector.broadcast %squeeze3A_675 : i32 to vector<16xi32>
      %eq3A_677 = arith.cmpi eq, %select_n3A_180, %eq3A_676 : vector<16xi32>
      %and3A_678 = arith.andi %and3A_673, %eq3A_677 : vector<16xi1>
      %jit3A_679 = arith.constant 1.000000e+00 : f32
      %jit3A_680 = arith.constant 0.000000e+00 : f32
      %broadcast_in_dim3A_681 = vector.broadcast %jit3A_679 : f32 to vector<16xf32>
      %broadcast_in_dim3A_682 = vector.broadcast %jit3A_680 : f32 to vector<16xf32>
      %select_n3A_683 = arith.select %and3A_678, %broadcast_in_dim3A_681, %broadcast_in_dim3A_682 : vector<16xi1>, vector<16xf32>
      %add3A_684 = arith.addf %add3A_607, %select_n3A_683 : vector<16xf32>
      %slice3A_685 = vector.extract_strided_slice %get3A_215 {offsets = [4], sizes = [1], strides = [1]} : vector<16xf32> to vector<1xf32>
      %squeeze3A_686 = vector.extract %slice3A_685[0] : f32 from vector<1xf32>
      %sub3A_687 = vector.broadcast %squeeze3A_686 : f32 to vector<16xf32>
      %sub3A_688 = arith.subf %add3A_184, %sub3A_687 : vector<16xf32>
      %mul3A_689 = arith.mulf %sub3A_688, %sub3A_688 : vector<16xf32>
      %slice3A_690 = vector.extract_strided_slice %get3A_220 {offsets = [4], sizes = [1], strides = [1]} : vector<16xf32> to vector<1xf32>
      %squeeze3A_691 = vector.extract %slice3A_690[0] : f32 from vector<1xf32>
      %sub3A_692 = vector.broadcast %squeeze3A_691 : f32 to vector<16xf32>
      %sub3A_693 = arith.subf %add3A_188, %sub3A_692 : vector<16xf32>
      %mul3A_694 = arith.mulf %sub3A_693, %sub3A_693 : vector<16xf32>
      %add3A_695 = arith.addf %mul3A_689, %mul3A_694 : vector<16xf32>
      %slice3A_696 = vector.extract_strided_slice %get3A_225 {offsets = [4], sizes = [1], strides = [1]} : vector<16xf32> to vector<1xf32>
      %squeeze3A_697 = vector.extract %slice3A_696[0] : f32 from vector<1xf32>
      %sub3A_698 = vector.broadcast %squeeze3A_697 : f32 to vector<16xf32>
      %sub3A_699 = arith.subf %add3A_192, %sub3A_698 : vector<16xf32>
      %mul3A_700 = arith.mulf %sub3A_699, %sub3A_699 : vector<16xf32>
      %add3A_701 = arith.addf %add3A_695, %mul3A_700 : vector<16xf32>
      %mul3A_702 = arith.constant 2.500000e-01 : f32
      %mul3A_703 = vector.broadcast %mul3A_702 : f32 to vector<16xf32>
      %mul3A_704 = arith.mulf %mul3A_703, %add3A_196 : vector<16xf32>
      %slice3A_705 = vector.extract_strided_slice %get3A_230 {offsets = [4], sizes = [1], strides = [1]} : vector<16xf32> to vector<1xf32>
      %squeeze3A_706 = vector.extract %slice3A_705[0] : f32 from vector<1xf32>
      %mul3A_707 = vector.broadcast %squeeze3A_706 : f32 to vector<16xf32>
      %mul3A_708 = arith.mulf %mul3A_704, %mul3A_707 : vector<16xf32>
      %add3A_709 = arith.constant 1.000000e+00 : f32
      %add3A_710 = vector.broadcast %add3A_709 : f32 to vector<16xf32>
      %add3A_711 = arith.addf %add3A_710, %mul3A_708 : vector<16xf32>
      %mul3A_712 = arith.constant 2.500000e-01 : f32
      %mul3A_713 = vector.broadcast %mul3A_712 : f32 to vector<16xf32>
      %mul3A_714 = arith.mulf %mul3A_713, %add3A_200 : vector<16xf32>
      %slice3A_715 = vector.extract_strided_slice %get3A_235 {offsets = [4], sizes = [1], strides = [1]} : vector<16xf32> to vector<1xf32>
      %squeeze3A_716 = vector.extract %slice3A_715[0] : f32 from vector<1xf32>
      %mul3A_717 = vector.broadcast %squeeze3A_716 : f32 to vector<16xf32>
      %mul3A_718 = arith.mulf %mul3A_714, %mul3A_717 : vector<16xf32>
      %add3A_719 = arith.addf %add3A_711, %mul3A_718 : vector<16xf32>
      %mul3A_720 = arith.constant -5.000000e+01 : f32
      %mul3A_721 = vector.broadcast %mul3A_720 : f32 to vector<16xf32>
      %mul3A_722 = arith.mulf %mul3A_721, %add3A_719 : vector<16xf32>
      %neg3A_723 = arith.constant 0.000000e+00 : f32
      %neg3A_724 = vector.broadcast %neg3A_723 : f32 to vector<16xf32>
      %neg3A_725 = arith.subf %neg3A_724, %add3A_701 : vector<16xf32>
      %div3A_726 = arith.constant 4.000000e+00 : f32
      %div3A_727 = vector.broadcast %div3A_726 : f32 to vector<16xf32>
      %div3A_728 = arith.divf %neg3A_725, %div3A_727 : vector<16xf32>
      %exp3A_729 = math.exp %div3A_728 : vector<16xf32>
      %mul3A_730 = arith.mulf %mul3A_722, %exp3A_729 : vector<16xf32>
      %add3A_731 = arith.addf %add3A_654, %mul3A_730 : vector<16xf32>
      %slice3A_732 = vector.extract_strided_slice %select_n3A_258 {offsets = [5], sizes = [1], strides = [1]} : vector<16xi32> to vector<1xi32>
      %squeeze3A_733 = vector.extract %slice3A_732[0] : i32 from vector<1xi32>
      %eq3A_734 = vector.broadcast %squeeze3A_733 : i32 to vector<16xi32>
      %eq3A_735 = arith.cmpi eq, %select_n3A_88, %eq3A_734 : vector<16xi32>
      %slice3A_736 = vector.extract_strided_slice %select_n3A_281 {offsets = [5], sizes = [1], strides = [1]} : vector<16xi32> to vector<1xi32>
      %squeeze3A_737 = vector.extract %slice3A_736[0] : i32 from vector<1xi32>
      %eq3A_738 = vector.broadcast %squeeze3A_737 : i32 to vector<16xi32>
      %eq3A_739 = arith.cmpi eq, %select_n3A_111, %eq3A_738 : vector<16xi32>
      %and3A_740 = arith.andi %eq3A_735, %eq3A_739 : vector<16xi1>
      %slice3A_741 = vector.extract_strided_slice %select_n3A_304 {offsets = [5], sizes = [1], strides = [1]} : vector<16xi32> to vector<1xi32>
      %squeeze3A_742 = vector.extract %slice3A_741[0] : i32 from vector<1xi32>
      %eq3A_743 = vector.broadcast %squeeze3A_742 : i32 to vector<16xi32>
      %eq3A_744 = arith.cmpi eq, %select_n3A_134, %eq3A_743 : vector<16xi32>
      %and3A_745 = arith.andi %and3A_740, %eq3A_744 : vector<16xi1>
      %slice3A_746 = vector.extract_strided_slice %select_n3A_327 {offsets = [5], sizes = [1], strides = [1]} : vector<16xi32> to vector<1xi32>
      %squeeze3A_747 = vector.extract %slice3A_746[0] : i32 from vector<1xi32>
      %eq3A_748 = vector.broadcast %squeeze3A_747 : i32 to vector<16xi32>
      %eq3A_749 = arith.cmpi eq, %select_n3A_157, %eq3A_748 : vector<16xi32>
      %and3A_750 = arith.andi %and3A_745, %eq3A_749 : vector<16xi1>
      %slice3A_751 = vector.extract_strided_slice %select_n3A_350 {offsets = [5], sizes = [1], strides = [1]} : vector<16xi32> to vector<1xi32>
      %squeeze3A_752 = vector.extract %slice3A_751[0] : i32 from vector<1xi32>
      %eq3A_753 = vector.broadcast %squeeze3A_752 : i32 to vector<16xi32>
      %eq3A_754 = arith.cmpi eq, %select_n3A_180, %eq3A_753 : vector<16xi32>
      %and3A_755 = arith.andi %and3A_750, %eq3A_754 : vector<16xi1>
      %jit3A_756 = arith.constant 1.000000e+00 : f32
      %jit3A_757 = arith.constant 0.000000e+00 : f32
      %broadcast_in_dim3A_758 = vector.broadcast %jit3A_756 : f32 to vector<16xf32>
      %broadcast_in_dim3A_759 = vector.broadcast %jit3A_757 : f32 to vector<16xf32>
      %select_n3A_760 = arith.select %and3A_755, %broadcast_in_dim3A_758, %broadcast_in_dim3A_759 : vector<16xi1>, vector<16xf32>
      %add3A_761 = arith.addf %add3A_684, %select_n3A_760 : vector<16xf32>
      %slice3A_762 = vector.extract_strided_slice %get3A_215 {offsets = [5], sizes = [1], strides = [1]} : vector<16xf32> to vector<1xf32>
      %squeeze3A_763 = vector.extract %slice3A_762[0] : f32 from vector<1xf32>
      %sub3A_764 = vector.broadcast %squeeze3A_763 : f32 to vector<16xf32>
      %sub3A_765 = arith.subf %add3A_184, %sub3A_764 : vector<16xf32>
      %mul3A_766 = arith.mulf %sub3A_765, %sub3A_765 : vector<16xf32>
      %slice3A_767 = vector.extract_strided_slice %get3A_220 {offsets = [5], sizes = [1], strides = [1]} : vector<16xf32> to vector<1xf32>
      %squeeze3A_768 = vector.extract %slice3A_767[0] : f32 from vector<1xf32>
      %sub3A_769 = vector.broadcast %squeeze3A_768 : f32 to vector<16xf32>
      %sub3A_770 = arith.subf %add3A_188, %sub3A_769 : vector<16xf32>
      %mul3A_771 = arith.mulf %sub3A_770, %sub3A_770 : vector<16xf32>
      %add3A_772 = arith.addf %mul3A_766, %mul3A_771 : vector<16xf32>
      %slice3A_773 = vector.extract_strided_slice %get3A_225 {offsets = [5], sizes = [1], strides = [1]} : vector<16xf32> to vector<1xf32>
      %squeeze3A_774 = vector.extract %slice3A_773[0] : f32 from vector<1xf32>
      %sub3A_775 = vector.broadcast %squeeze3A_774 : f32 to vector<16xf32>
      %sub3A_776 = arith.subf %add3A_192, %sub3A_775 : vector<16xf32>
      %mul3A_777 = arith.mulf %sub3A_776, %sub3A_776 : vector<16xf32>
      %add3A_778 = arith.addf %add3A_772, %mul3A_777 : vector<16xf32>
      %mul3A_779 = arith.constant 2.500000e-01 : f32
      %mul3A_780 = vector.broadcast %mul3A_779 : f32 to vector<16xf32>
      %mul3A_781 = arith.mulf %mul3A_780, %add3A_196 : vector<16xf32>
      %slice3A_782 = vector.extract_strided_slice %get3A_230 {offsets = [5], sizes = [1], strides = [1]} : vector<16xf32> to vector<1xf32>
      %squeeze3A_783 = vector.extract %slice3A_782[0] : f32 from vector<1xf32>
      %mul3A_784 = vector.broadcast %squeeze3A_783 : f32 to vector<16xf32>
      %mul3A_785 = arith.mulf %mul3A_781, %mul3A_784 : vector<16xf32>
      %add3A_786 = arith.constant 1.000000e+00 : f32
      %add3A_787 = vector.broadcast %add3A_786 : f32 to vector<16xf32>
      %add3A_788 = arith.addf %add3A_787, %mul3A_785 : vector<16xf32>
      %mul3A_789 = arith.constant 2.500000e-01 : f32
      %mul3A_790 = vector.broadcast %mul3A_789 : f32 to vector<16xf32>
      %mul3A_791 = arith.mulf %mul3A_790, %add3A_200 : vector<16xf32>
      %slice3A_792 = vector.extract_strided_slice %get3A_235 {offsets = [5], sizes = [1], strides = [1]} : vector<16xf32> to vector<1xf32>
      %squeeze3A_793 = vector.extract %slice3A_792[0] : f32 from vector<1xf32>
      %mul3A_794 = vector.broadcast %squeeze3A_793 : f32 to vector<16xf32>
      %mul3A_795 = arith.mulf %mul3A_791, %mul3A_794 : vector<16xf32>
      %add3A_796 = arith.addf %add3A_788, %mul3A_795 : vector<16xf32>
      %mul3A_797 = arith.constant -5.000000e+01 : f32
      %mul3A_798 = vector.broadcast %mul3A_797 : f32 to vector<16xf32>
      %mul3A_799 = arith.mulf %mul3A_798, %add3A_796 : vector<16xf32>
      %neg3A_800 = arith.constant 0.000000e+00 : f32
      %neg3A_801 = vector.broadcast %neg3A_800 : f32 to vector<16xf32>
      %neg3A_802 = arith.subf %neg3A_801, %add3A_778 : vector<16xf32>
      %div3A_803 = arith.constant 4.000000e+00 : f32
      %div3A_804 = vector.broadcast %div3A_803 : f32 to vector<16xf32>
      %div3A_805 = arith.divf %neg3A_802, %div3A_804 : vector<16xf32>
      %exp3A_806 = math.exp %div3A_805 : vector<16xf32>
      %mul3A_807 = arith.mulf %mul3A_799, %exp3A_806 : vector<16xf32>
      %add3A_808 = arith.addf %add3A_731, %mul3A_807 : vector<16xf32>
      %slice3A_809 = vector.extract_strided_slice %select_n3A_258 {offsets = [6], sizes = [1], strides = [1]} : vector<16xi32> to vector<1xi32>
      %squeeze3A_810 = vector.extract %slice3A_809[0] : i32 from vector<1xi32>
      %eq3A_811 = vector.broadcast %squeeze3A_810 : i32 to vector<16xi32>
      %eq3A_812 = arith.cmpi eq, %select_n3A_88, %eq3A_811 : vector<16xi32>
      %slice3A_813 = vector.extract_strided_slice %select_n3A_281 {offsets = [6], sizes = [1], strides = [1]} : vector<16xi32> to vector<1xi32>
      %squeeze3A_814 = vector.extract %slice3A_813[0] : i32 from vector<1xi32>
      %eq3A_815 = vector.broadcast %squeeze3A_814 : i32 to vector<16xi32>
      %eq3A_816 = arith.cmpi eq, %select_n3A_111, %eq3A_815 : vector<16xi32>
      %and3A_817 = arith.andi %eq3A_812, %eq3A_816 : vector<16xi1>
      %slice3A_818 = vector.extract_strided_slice %select_n3A_304 {offsets = [6], sizes = [1], strides = [1]} : vector<16xi32> to vector<1xi32>
      %squeeze3A_819 = vector.extract %slice3A_818[0] : i32 from vector<1xi32>
      %eq3A_820 = vector.broadcast %squeeze3A_819 : i32 to vector<16xi32>
      %eq3A_821 = arith.cmpi eq, %select_n3A_134, %eq3A_820 : vector<16xi32>
      %and3A_822 = arith.andi %and3A_817, %eq3A_821 : vector<16xi1>
      %slice3A_823 = vector.extract_strided_slice %select_n3A_327 {offsets = [6], sizes = [1], strides = [1]} : vector<16xi32> to vector<1xi32>
      %squeeze3A_824 = vector.extract %slice3A_823[0] : i32 from vector<1xi32>
      %eq3A_825 = vector.broadcast %squeeze3A_824 : i32 to vector<16xi32>
      %eq3A_826 = arith.cmpi eq, %select_n3A_157, %eq3A_825 : vector<16xi32>
      %and3A_827 = arith.andi %and3A_822, %eq3A_826 : vector<16xi1>
      %slice3A_828 = vector.extract_strided_slice %select_n3A_350 {offsets = [6], sizes = [1], strides = [1]} : vector<16xi32> to vector<1xi32>
      %squeeze3A_829 = vector.extract %slice3A_828[0] : i32 from vector<1xi32>
      %eq3A_830 = vector.broadcast %squeeze3A_829 : i32 to vector<16xi32>
      %eq3A_831 = arith.cmpi eq, %select_n3A_180, %eq3A_830 : vector<16xi32>
      %and3A_832 = arith.andi %and3A_827, %eq3A_831 : vector<16xi1>
      %jit3A_833 = arith.constant 1.000000e+00 : f32
      %jit3A_834 = arith.constant 0.000000e+00 : f32
      %broadcast_in_dim3A_835 = vector.broadcast %jit3A_833 : f32 to vector<16xf32>
      %broadcast_in_dim3A_836 = vector.broadcast %jit3A_834 : f32 to vector<16xf32>
      %select_n3A_837 = arith.select %and3A_832, %broadcast_in_dim3A_835, %broadcast_in_dim3A_836 : vector<16xi1>, vector<16xf32>
      %add3A_838 = arith.addf %add3A_761, %select_n3A_837 : vector<16xf32>
      %slice3A_839 = vector.extract_strided_slice %get3A_215 {offsets = [6], sizes = [1], strides = [1]} : vector<16xf32> to vector<1xf32>
      %squeeze3A_840 = vector.extract %slice3A_839[0] : f32 from vector<1xf32>
      %sub3A_841 = vector.broadcast %squeeze3A_840 : f32 to vector<16xf32>
      %sub3A_842 = arith.subf %add3A_184, %sub3A_841 : vector<16xf32>
      %mul3A_843 = arith.mulf %sub3A_842, %sub3A_842 : vector<16xf32>
      %slice3A_844 = vector.extract_strided_slice %get3A_220 {offsets = [6], sizes = [1], strides = [1]} : vector<16xf32> to vector<1xf32>
      %squeeze3A_845 = vector.extract %slice3A_844[0] : f32 from vector<1xf32>
      %sub3A_846 = vector.broadcast %squeeze3A_845 : f32 to vector<16xf32>
      %sub3A_847 = arith.subf %add3A_188, %sub3A_846 : vector<16xf32>
      %mul3A_848 = arith.mulf %sub3A_847, %sub3A_847 : vector<16xf32>
      %add3A_849 = arith.addf %mul3A_843, %mul3A_848 : vector<16xf32>
      %slice3A_850 = vector.extract_strided_slice %get3A_225 {offsets = [6], sizes = [1], strides = [1]} : vector<16xf32> to vector<1xf32>
      %squeeze3A_851 = vector.extract %slice3A_850[0] : f32 from vector<1xf32>
      %sub3A_852 = vector.broadcast %squeeze3A_851 : f32 to vector<16xf32>
      %sub3A_853 = arith.subf %add3A_192, %sub3A_852 : vector<16xf32>
      %mul3A_854 = arith.mulf %sub3A_853, %sub3A_853 : vector<16xf32>
      %add3A_855 = arith.addf %add3A_849, %mul3A_854 : vector<16xf32>
      %mul3A_856 = arith.constant 2.500000e-01 : f32
      %mul3A_857 = vector.broadcast %mul3A_856 : f32 to vector<16xf32>
      %mul3A_858 = arith.mulf %mul3A_857, %add3A_196 : vector<16xf32>
      %slice3A_859 = vector.extract_strided_slice %get3A_230 {offsets = [6], sizes = [1], strides = [1]} : vector<16xf32> to vector<1xf32>
      %squeeze3A_860 = vector.extract %slice3A_859[0] : f32 from vector<1xf32>
      %mul3A_861 = vector.broadcast %squeeze3A_860 : f32 to vector<16xf32>
      %mul3A_862 = arith.mulf %mul3A_858, %mul3A_861 : vector<16xf32>
      %add3A_863 = arith.constant 1.000000e+00 : f32
      %add3A_864 = vector.broadcast %add3A_863 : f32 to vector<16xf32>
      %add3A_865 = arith.addf %add3A_864, %mul3A_862 : vector<16xf32>
      %mul3A_866 = arith.constant 2.500000e-01 : f32
      %mul3A_867 = vector.broadcast %mul3A_866 : f32 to vector<16xf32>
      %mul3A_868 = arith.mulf %mul3A_867, %add3A_200 : vector<16xf32>
      %slice3A_869 = vector.extract_strided_slice %get3A_235 {offsets = [6], sizes = [1], strides = [1]} : vector<16xf32> to vector<1xf32>
      %squeeze3A_870 = vector.extract %slice3A_869[0] : f32 from vector<1xf32>
      %mul3A_871 = vector.broadcast %squeeze3A_870 : f32 to vector<16xf32>
      %mul3A_872 = arith.mulf %mul3A_868, %mul3A_871 : vector<16xf32>
      %add3A_873 = arith.addf %add3A_865, %mul3A_872 : vector<16xf32>
      %mul3A_874 = arith.constant -5.000000e+01 : f32
      %mul3A_875 = vector.broadcast %mul3A_874 : f32 to vector<16xf32>
      %mul3A_876 = arith.mulf %mul3A_875, %add3A_873 : vector<16xf32>
      %neg3A_877 = arith.constant 0.000000e+00 : f32
      %neg3A_878 = vector.broadcast %neg3A_877 : f32 to vector<16xf32>
      %neg3A_879 = arith.subf %neg3A_878, %add3A_855 : vector<16xf32>
      %div3A_880 = arith.constant 4.000000e+00 : f32
      %div3A_881 = vector.broadcast %div3A_880 : f32 to vector<16xf32>
      %div3A_882 = arith.divf %neg3A_879, %div3A_881 : vector<16xf32>
      %exp3A_883 = math.exp %div3A_882 : vector<16xf32>
      %mul3A_884 = arith.mulf %mul3A_876, %exp3A_883 : vector<16xf32>
      %add3A_885 = arith.addf %add3A_808, %mul3A_884 : vector<16xf32>
      %slice3A_886 = vector.extract_strided_slice %select_n3A_258 {offsets = [7], sizes = [1], strides = [1]} : vector<16xi32> to vector<1xi32>
      %squeeze3A_887 = vector.extract %slice3A_886[0] : i32 from vector<1xi32>
      %eq3A_888 = vector.broadcast %squeeze3A_887 : i32 to vector<16xi32>
      %eq3A_889 = arith.cmpi eq, %select_n3A_88, %eq3A_888 : vector<16xi32>
      %slice3A_890 = vector.extract_strided_slice %select_n3A_281 {offsets = [7], sizes = [1], strides = [1]} : vector<16xi32> to vector<1xi32>
      %squeeze3A_891 = vector.extract %slice3A_890[0] : i32 from vector<1xi32>
      %eq3A_892 = vector.broadcast %squeeze3A_891 : i32 to vector<16xi32>
      %eq3A_893 = arith.cmpi eq, %select_n3A_111, %eq3A_892 : vector<16xi32>
      %and3A_894 = arith.andi %eq3A_889, %eq3A_893 : vector<16xi1>
      %slice3A_895 = vector.extract_strided_slice %select_n3A_304 {offsets = [7], sizes = [1], strides = [1]} : vector<16xi32> to vector<1xi32>
      %squeeze3A_896 = vector.extract %slice3A_895[0] : i32 from vector<1xi32>
      %eq3A_897 = vector.broadcast %squeeze3A_896 : i32 to vector<16xi32>
      %eq3A_898 = arith.cmpi eq, %select_n3A_134, %eq3A_897 : vector<16xi32>
      %and3A_899 = arith.andi %and3A_894, %eq3A_898 : vector<16xi1>
      %slice3A_900 = vector.extract_strided_slice %select_n3A_327 {offsets = [7], sizes = [1], strides = [1]} : vector<16xi32> to vector<1xi32>
      %squeeze3A_901 = vector.extract %slice3A_900[0] : i32 from vector<1xi32>
      %eq3A_902 = vector.broadcast %squeeze3A_901 : i32 to vector<16xi32>
      %eq3A_903 = arith.cmpi eq, %select_n3A_157, %eq3A_902 : vector<16xi32>
      %and3A_904 = arith.andi %and3A_899, %eq3A_903 : vector<16xi1>
      %slice3A_905 = vector.extract_strided_slice %select_n3A_350 {offsets = [7], sizes = [1], strides = [1]} : vector<16xi32> to vector<1xi32>
      %squeeze3A_906 = vector.extract %slice3A_905[0] : i32 from vector<1xi32>
      %eq3A_907 = vector.broadcast %squeeze3A_906 : i32 to vector<16xi32>
      %eq3A_908 = arith.cmpi eq, %select_n3A_180, %eq3A_907 : vector<16xi32>
      %and3A_909 = arith.andi %and3A_904, %eq3A_908 : vector<16xi1>
      %jit3A_910 = arith.constant 1.000000e+00 : f32
      %jit3A_911 = arith.constant 0.000000e+00 : f32
      %broadcast_in_dim3A_912 = vector.broadcast %jit3A_910 : f32 to vector<16xf32>
      %broadcast_in_dim3A_913 = vector.broadcast %jit3A_911 : f32 to vector<16xf32>
      %select_n3A_914 = arith.select %and3A_909, %broadcast_in_dim3A_912, %broadcast_in_dim3A_913 : vector<16xi1>, vector<16xf32>
      %add3A_915 = arith.addf %add3A_838, %select_n3A_914 : vector<16xf32>
      %slice3A_916 = vector.extract_strided_slice %get3A_215 {offsets = [7], sizes = [1], strides = [1]} : vector<16xf32> to vector<1xf32>
      %squeeze3A_917 = vector.extract %slice3A_916[0] : f32 from vector<1xf32>
      %sub3A_918 = vector.broadcast %squeeze3A_917 : f32 to vector<16xf32>
      %sub3A_919 = arith.subf %add3A_184, %sub3A_918 : vector<16xf32>
      %mul3A_920 = arith.mulf %sub3A_919, %sub3A_919 : vector<16xf32>
      %slice3A_921 = vector.extract_strided_slice %get3A_220 {offsets = [7], sizes = [1], strides = [1]} : vector<16xf32> to vector<1xf32>
      %squeeze3A_922 = vector.extract %slice3A_921[0] : f32 from vector<1xf32>
      %sub3A_923 = vector.broadcast %squeeze3A_922 : f32 to vector<16xf32>
      %sub3A_924 = arith.subf %add3A_188, %sub3A_923 : vector<16xf32>
      %mul3A_925 = arith.mulf %sub3A_924, %sub3A_924 : vector<16xf32>
      %add3A_926 = arith.addf %mul3A_920, %mul3A_925 : vector<16xf32>
      %slice3A_927 = vector.extract_strided_slice %get3A_225 {offsets = [7], sizes = [1], strides = [1]} : vector<16xf32> to vector<1xf32>
      %squeeze3A_928 = vector.extract %slice3A_927[0] : f32 from vector<1xf32>
      %sub3A_929 = vector.broadcast %squeeze3A_928 : f32 to vector<16xf32>
      %sub3A_930 = arith.subf %add3A_192, %sub3A_929 : vector<16xf32>
      %mul3A_931 = arith.mulf %sub3A_930, %sub3A_930 : vector<16xf32>
      %add3A_932 = arith.addf %add3A_926, %mul3A_931 : vector<16xf32>
      %mul3A_933 = arith.constant 2.500000e-01 : f32
      %mul3A_934 = vector.broadcast %mul3A_933 : f32 to vector<16xf32>
      %mul3A_935 = arith.mulf %mul3A_934, %add3A_196 : vector<16xf32>
      %slice3A_936 = vector.extract_strided_slice %get3A_230 {offsets = [7], sizes = [1], strides = [1]} : vector<16xf32> to vector<1xf32>
      %squeeze3A_937 = vector.extract %slice3A_936[0] : f32 from vector<1xf32>
      %mul3A_938 = vector.broadcast %squeeze3A_937 : f32 to vector<16xf32>
      %mul3A_939 = arith.mulf %mul3A_935, %mul3A_938 : vector<16xf32>
      %add3A_940 = arith.constant 1.000000e+00 : f32
      %add3A_941 = vector.broadcast %add3A_940 : f32 to vector<16xf32>
      %add3A_942 = arith.addf %add3A_941, %mul3A_939 : vector<16xf32>
      %mul3A_943 = arith.constant 2.500000e-01 : f32
      %mul3A_944 = vector.broadcast %mul3A_943 : f32 to vector<16xf32>
      %mul3A_945 = arith.mulf %mul3A_944, %add3A_200 : vector<16xf32>
      %slice3A_946 = vector.extract_strided_slice %get3A_235 {offsets = [7], sizes = [1], strides = [1]} : vector<16xf32> to vector<1xf32>
      %squeeze3A_947 = vector.extract %slice3A_946[0] : f32 from vector<1xf32>
      %mul3A_948 = vector.broadcast %squeeze3A_947 : f32 to vector<16xf32>
      %mul3A_949 = arith.mulf %mul3A_945, %mul3A_948 : vector<16xf32>
      %add3A_950 = arith.addf %add3A_942, %mul3A_949 : vector<16xf32>
      %mul3A_951 = arith.constant -5.000000e+01 : f32
      %mul3A_952 = vector.broadcast %mul3A_951 : f32 to vector<16xf32>
      %mul3A_953 = arith.mulf %mul3A_952, %add3A_950 : vector<16xf32>
      %neg3A_954 = arith.constant 0.000000e+00 : f32
      %neg3A_955 = vector.broadcast %neg3A_954 : f32 to vector<16xf32>
      %neg3A_956 = arith.subf %neg3A_955, %add3A_932 : vector<16xf32>
      %div3A_957 = arith.constant 4.000000e+00 : f32
      %div3A_958 = vector.broadcast %div3A_957 : f32 to vector<16xf32>
      %div3A_959 = arith.divf %neg3A_956, %div3A_958 : vector<16xf32>
      %exp3A_960 = math.exp %div3A_959 : vector<16xf32>
      %mul3A_961 = arith.mulf %mul3A_953, %exp3A_960 : vector<16xf32>
      %add3A_962 = arith.addf %add3A_885, %mul3A_961 : vector<16xf32>
      %slice3A_963 = vector.extract_strided_slice %select_n3A_258 {offsets = [8], sizes = [1], strides = [1]} : vector<16xi32> to vector<1xi32>
      %squeeze3A_964 = vector.extract %slice3A_963[0] : i32 from vector<1xi32>
      %eq3A_965 = vector.broadcast %squeeze3A_964 : i32 to vector<16xi32>
      %eq3A_966 = arith.cmpi eq, %select_n3A_88, %eq3A_965 : vector<16xi32>
      %slice3A_967 = vector.extract_strided_slice %select_n3A_281 {offsets = [8], sizes = [1], strides = [1]} : vector<16xi32> to vector<1xi32>
      %squeeze3A_968 = vector.extract %slice3A_967[0] : i32 from vector<1xi32>
      %eq3A_969 = vector.broadcast %squeeze3A_968 : i32 to vector<16xi32>
      %eq3A_970 = arith.cmpi eq, %select_n3A_111, %eq3A_969 : vector<16xi32>
      %and3A_971 = arith.andi %eq3A_966, %eq3A_970 : vector<16xi1>
      %slice3A_972 = vector.extract_strided_slice %select_n3A_304 {offsets = [8], sizes = [1], strides = [1]} : vector<16xi32> to vector<1xi32>
      %squeeze3A_973 = vector.extract %slice3A_972[0] : i32 from vector<1xi32>
      %eq3A_974 = vector.broadcast %squeeze3A_973 : i32 to vector<16xi32>
      %eq3A_975 = arith.cmpi eq, %select_n3A_134, %eq3A_974 : vector<16xi32>
      %and3A_976 = arith.andi %and3A_971, %eq3A_975 : vector<16xi1>
      %slice3A_977 = vector.extract_strided_slice %select_n3A_327 {offsets = [8], sizes = [1], strides = [1]} : vector<16xi32> to vector<1xi32>
      %squeeze3A_978 = vector.extract %slice3A_977[0] : i32 from vector<1xi32>
      %eq3A_979 = vector.broadcast %squeeze3A_978 : i32 to vector<16xi32>
      %eq3A_980 = arith.cmpi eq, %select_n3A_157, %eq3A_979 : vector<16xi32>
      %and3A_981 = arith.andi %and3A_976, %eq3A_980 : vector<16xi1>
      %slice3A_982 = vector.extract_strided_slice %select_n3A_350 {offsets = [8], sizes = [1], strides = [1]} : vector<16xi32> to vector<1xi32>
      %squeeze3A_983 = vector.extract %slice3A_982[0] : i32 from vector<1xi32>
      %eq3A_984 = vector.broadcast %squeeze3A_983 : i32 to vector<16xi32>
      %eq3A_985 = arith.cmpi eq, %select_n3A_180, %eq3A_984 : vector<16xi32>
      %and3A_986 = arith.andi %and3A_981, %eq3A_985 : vector<16xi1>
      %jit3A_987 = arith.constant 1.000000e+00 : f32
      %jit3A_988 = arith.constant 0.000000e+00 : f32
      %broadcast_in_dim3A_989 = vector.broadcast %jit3A_987 : f32 to vector<16xf32>
      %broadcast_in_dim3A_990 = vector.broadcast %jit3A_988 : f32 to vector<16xf32>
      %select_n3A_991 = arith.select %and3A_986, %broadcast_in_dim3A_989, %broadcast_in_dim3A_990 : vector<16xi1>, vector<16xf32>
      %add3A_992 = arith.addf %add3A_915, %select_n3A_991 : vector<16xf32>
      %slice3A_993 = vector.extract_strided_slice %get3A_215 {offsets = [8], sizes = [1], strides = [1]} : vector<16xf32> to vector<1xf32>
      %squeeze3A_994 = vector.extract %slice3A_993[0] : f32 from vector<1xf32>
      %sub3A_995 = vector.broadcast %squeeze3A_994 : f32 to vector<16xf32>
      %sub3A_996 = arith.subf %add3A_184, %sub3A_995 : vector<16xf32>
      %mul3A_997 = arith.mulf %sub3A_996, %sub3A_996 : vector<16xf32>
      %slice3A_998 = vector.extract_strided_slice %get3A_220 {offsets = [8], sizes = [1], strides = [1]} : vector<16xf32> to vector<1xf32>
      %squeeze3A_999 = vector.extract %slice3A_998[0] : f32 from vector<1xf32>
      %sub3A_1000 = vector.broadcast %squeeze3A_999 : f32 to vector<16xf32>
      %sub3A_1001 = arith.subf %add3A_188, %sub3A_1000 : vector<16xf32>
      %mul3A_1002 = arith.mulf %sub3A_1001, %sub3A_1001 : vector<16xf32>
      %add3A_1003 = arith.addf %mul3A_997, %mul3A_1002 : vector<16xf32>
      %slice3A_1004 = vector.extract_strided_slice %get3A_225 {offsets = [8], sizes = [1], strides = [1]} : vector<16xf32> to vector<1xf32>
      %squeeze3A_1005 = vector.extract %slice3A_1004[0] : f32 from vector<1xf32>
      %sub3A_1006 = vector.broadcast %squeeze3A_1005 : f32 to vector<16xf32>
      %sub3A_1007 = arith.subf %add3A_192, %sub3A_1006 : vector<16xf32>
      %mul3A_1008 = arith.mulf %sub3A_1007, %sub3A_1007 : vector<16xf32>
      %add3A_1009 = arith.addf %add3A_1003, %mul3A_1008 : vector<16xf32>
      %mul3A_1010 = arith.constant 2.500000e-01 : f32
      %mul3A_1011 = vector.broadcast %mul3A_1010 : f32 to vector<16xf32>
      %mul3A_1012 = arith.mulf %mul3A_1011, %add3A_196 : vector<16xf32>
      %slice3A_1013 = vector.extract_strided_slice %get3A_230 {offsets = [8], sizes = [1], strides = [1]} : vector<16xf32> to vector<1xf32>
      %squeeze3A_1014 = vector.extract %slice3A_1013[0] : f32 from vector<1xf32>
      %mul3A_1015 = vector.broadcast %squeeze3A_1014 : f32 to vector<16xf32>
      %mul3A_1016 = arith.mulf %mul3A_1012, %mul3A_1015 : vector<16xf32>
      %add3A_1017 = arith.constant 1.000000e+00 : f32
      %add3A_1018 = vector.broadcast %add3A_1017 : f32 to vector<16xf32>
      %add3A_1019 = arith.addf %add3A_1018, %mul3A_1016 : vector<16xf32>
      %mul3A_1020 = arith.constant 2.500000e-01 : f32
      %mul3A_1021 = vector.broadcast %mul3A_1020 : f32 to vector<16xf32>
      %mul3A_1022 = arith.mulf %mul3A_1021, %add3A_200 : vector<16xf32>
      %slice3A_1023 = vector.extract_strided_slice %get3A_235 {offsets = [8], sizes = [1], strides = [1]} : vector<16xf32> to vector<1xf32>
      %squeeze3A_1024 = vector.extract %slice3A_1023[0] : f32 from vector<1xf32>
      %mul3A_1025 = vector.broadcast %squeeze3A_1024 : f32 to vector<16xf32>
      %mul3A_1026 = arith.mulf %mul3A_1022, %mul3A_1025 : vector<16xf32>
      %add3A_1027 = arith.addf %add3A_1019, %mul3A_1026 : vector<16xf32>
      %mul3A_1028 = arith.constant -5.000000e+01 : f32
      %mul3A_1029 = vector.broadcast %mul3A_1028 : f32 to vector<16xf32>
      %mul3A_1030 = arith.mulf %mul3A_1029, %add3A_1027 : vector<16xf32>
      %neg3A_1031 = arith.constant 0.000000e+00 : f32
      %neg3A_1032 = vector.broadcast %neg3A_1031 : f32 to vector<16xf32>
      %neg3A_1033 = arith.subf %neg3A_1032, %add3A_1009 : vector<16xf32>
      %div3A_1034 = arith.constant 4.000000e+00 : f32
      %div3A_1035 = vector.broadcast %div3A_1034 : f32 to vector<16xf32>
      %div3A_1036 = arith.divf %neg3A_1033, %div3A_1035 : vector<16xf32>
      %exp3A_1037 = math.exp %div3A_1036 : vector<16xf32>
      %mul3A_1038 = arith.mulf %mul3A_1030, %exp3A_1037 : vector<16xf32>
      %add3A_1039 = arith.addf %add3A_962, %mul3A_1038 : vector<16xf32>
      %slice3A_1040 = vector.extract_strided_slice %select_n3A_258 {offsets = [9], sizes = [1], strides = [1]} : vector<16xi32> to vector<1xi32>
      %squeeze3A_1041 = vector.extract %slice3A_1040[0] : i32 from vector<1xi32>
      %eq3A_1042 = vector.broadcast %squeeze3A_1041 : i32 to vector<16xi32>
      %eq3A_1043 = arith.cmpi eq, %select_n3A_88, %eq3A_1042 : vector<16xi32>
      %slice3A_1044 = vector.extract_strided_slice %select_n3A_281 {offsets = [9], sizes = [1], strides = [1]} : vector<16xi32> to vector<1xi32>
      %squeeze3A_1045 = vector.extract %slice3A_1044[0] : i32 from vector<1xi32>
      %eq3A_1046 = vector.broadcast %squeeze3A_1045 : i32 to vector<16xi32>
      %eq3A_1047 = arith.cmpi eq, %select_n3A_111, %eq3A_1046 : vector<16xi32>
      %and3A_1048 = arith.andi %eq3A_1043, %eq3A_1047 : vector<16xi1>
      %slice3A_1049 = vector.extract_strided_slice %select_n3A_304 {offsets = [9], sizes = [1], strides = [1]} : vector<16xi32> to vector<1xi32>
      %squeeze3A_1050 = vector.extract %slice3A_1049[0] : i32 from vector<1xi32>
      %eq3A_1051 = vector.broadcast %squeeze3A_1050 : i32 to vector<16xi32>
      %eq3A_1052 = arith.cmpi eq, %select_n3A_134, %eq3A_1051 : vector<16xi32>
      %and3A_1053 = arith.andi %and3A_1048, %eq3A_1052 : vector<16xi1>
      %slice3A_1054 = vector.extract_strided_slice %select_n3A_327 {offsets = [9], sizes = [1], strides = [1]} : vector<16xi32> to vector<1xi32>
      %squeeze3A_1055 = vector.extract %slice3A_1054[0] : i32 from vector<1xi32>
      %eq3A_1056 = vector.broadcast %squeeze3A_1055 : i32 to vector<16xi32>
      %eq3A_1057 = arith.cmpi eq, %select_n3A_157, %eq3A_1056 : vector<16xi32>
      %and3A_1058 = arith.andi %and3A_1053, %eq3A_1057 : vector<16xi1>
      %slice3A_1059 = vector.extract_strided_slice %select_n3A_350 {offsets = [9], sizes = [1], strides = [1]} : vector<16xi32> to vector<1xi32>
      %squeeze3A_1060 = vector.extract %slice3A_1059[0] : i32 from vector<1xi32>
      %eq3A_1061 = vector.broadcast %squeeze3A_1060 : i32 to vector<16xi32>
      %eq3A_1062 = arith.cmpi eq, %select_n3A_180, %eq3A_1061 : vector<16xi32>
      %and3A_1063 = arith.andi %and3A_1058, %eq3A_1062 : vector<16xi1>
      %jit3A_1064 = arith.constant 1.000000e+00 : f32
      %jit3A_1065 = arith.constant 0.000000e+00 : f32
      %broadcast_in_dim3A_1066 = vector.broadcast %jit3A_1064 : f32 to vector<16xf32>
      %broadcast_in_dim3A_1067 = vector.broadcast %jit3A_1065 : f32 to vector<16xf32>
      %select_n3A_1068 = arith.select %and3A_1063, %broadcast_in_dim3A_1066, %broadcast_in_dim3A_1067 : vector<16xi1>, vector<16xf32>
      %add3A_1069 = arith.addf %add3A_992, %select_n3A_1068 : vector<16xf32>
      %slice3A_1070 = vector.extract_strided_slice %get3A_215 {offsets = [9], sizes = [1], strides = [1]} : vector<16xf32> to vector<1xf32>
      %squeeze3A_1071 = vector.extract %slice3A_1070[0] : f32 from vector<1xf32>
      %sub3A_1072 = vector.broadcast %squeeze3A_1071 : f32 to vector<16xf32>
      %sub3A_1073 = arith.subf %add3A_184, %sub3A_1072 : vector<16xf32>
      %mul3A_1074 = arith.mulf %sub3A_1073, %sub3A_1073 : vector<16xf32>
      %slice3A_1075 = vector.extract_strided_slice %get3A_220 {offsets = [9], sizes = [1], strides = [1]} : vector<16xf32> to vector<1xf32>
      %squeeze3A_1076 = vector.extract %slice3A_1075[0] : f32 from vector<1xf32>
      %sub3A_1077 = vector.broadcast %squeeze3A_1076 : f32 to vector<16xf32>
      %sub3A_1078 = arith.subf %add3A_188, %sub3A_1077 : vector<16xf32>
      %mul3A_1079 = arith.mulf %sub3A_1078, %sub3A_1078 : vector<16xf32>
      %add3A_1080 = arith.addf %mul3A_1074, %mul3A_1079 : vector<16xf32>
      %slice3A_1081 = vector.extract_strided_slice %get3A_225 {offsets = [9], sizes = [1], strides = [1]} : vector<16xf32> to vector<1xf32>
      %squeeze3A_1082 = vector.extract %slice3A_1081[0] : f32 from vector<1xf32>
      %sub3A_1083 = vector.broadcast %squeeze3A_1082 : f32 to vector<16xf32>
      %sub3A_1084 = arith.subf %add3A_192, %sub3A_1083 : vector<16xf32>
      %mul3A_1085 = arith.mulf %sub3A_1084, %sub3A_1084 : vector<16xf32>
      %add3A_1086 = arith.addf %add3A_1080, %mul3A_1085 : vector<16xf32>
      %mul3A_1087 = arith.constant 2.500000e-01 : f32
      %mul3A_1088 = vector.broadcast %mul3A_1087 : f32 to vector<16xf32>
      %mul3A_1089 = arith.mulf %mul3A_1088, %add3A_196 : vector<16xf32>
      %slice3A_1090 = vector.extract_strided_slice %get3A_230 {offsets = [9], sizes = [1], strides = [1]} : vector<16xf32> to vector<1xf32>
      %squeeze3A_1091 = vector.extract %slice3A_1090[0] : f32 from vector<1xf32>
      %mul3A_1092 = vector.broadcast %squeeze3A_1091 : f32 to vector<16xf32>
      %mul3A_1093 = arith.mulf %mul3A_1089, %mul3A_1092 : vector<16xf32>
      %add3A_1094 = arith.constant 1.000000e+00 : f32
      %add3A_1095 = vector.broadcast %add3A_1094 : f32 to vector<16xf32>
      %add3A_1096 = arith.addf %add3A_1095, %mul3A_1093 : vector<16xf32>
      %mul3A_1097 = arith.constant 2.500000e-01 : f32
      %mul3A_1098 = vector.broadcast %mul3A_1097 : f32 to vector<16xf32>
      %mul3A_1099 = arith.mulf %mul3A_1098, %add3A_200 : vector<16xf32>
      %slice3A_1100 = vector.extract_strided_slice %get3A_235 {offsets = [9], sizes = [1], strides = [1]} : vector<16xf32> to vector<1xf32>
      %squeeze3A_1101 = vector.extract %slice3A_1100[0] : f32 from vector<1xf32>
      %mul3A_1102 = vector.broadcast %squeeze3A_1101 : f32 to vector<16xf32>
      %mul3A_1103 = arith.mulf %mul3A_1099, %mul3A_1102 : vector<16xf32>
      %add3A_1104 = arith.addf %add3A_1096, %mul3A_1103 : vector<16xf32>
      %mul3A_1105 = arith.constant -5.000000e+01 : f32
      %mul3A_1106 = vector.broadcast %mul3A_1105 : f32 to vector<16xf32>
      %mul3A_1107 = arith.mulf %mul3A_1106, %add3A_1104 : vector<16xf32>
      %neg3A_1108 = arith.constant 0.000000e+00 : f32
      %neg3A_1109 = vector.broadcast %neg3A_1108 : f32 to vector<16xf32>
      %neg3A_1110 = arith.subf %neg3A_1109, %add3A_1086 : vector<16xf32>
      %div3A_1111 = arith.constant 4.000000e+00 : f32
      %div3A_1112 = vector.broadcast %div3A_1111 : f32 to vector<16xf32>
      %div3A_1113 = arith.divf %neg3A_1110, %div3A_1112 : vector<16xf32>
      %exp3A_1114 = math.exp %div3A_1113 : vector<16xf32>
      %mul3A_1115 = arith.mulf %mul3A_1107, %exp3A_1114 : vector<16xf32>
      %add3A_1116 = arith.addf %add3A_1039, %mul3A_1115 : vector<16xf32>
      %slice3A_1117 = vector.extract_strided_slice %select_n3A_258 {offsets = [10], sizes = [1], strides = [1]} : vector<16xi32> to vector<1xi32>
      %squeeze3A_1118 = vector.extract %slice3A_1117[0] : i32 from vector<1xi32>
      %eq3A_1119 = vector.broadcast %squeeze3A_1118 : i32 to vector<16xi32>
      %eq3A_1120 = arith.cmpi eq, %select_n3A_88, %eq3A_1119 : vector<16xi32>
      %slice3A_1121 = vector.extract_strided_slice %select_n3A_281 {offsets = [10], sizes = [1], strides = [1]} : vector<16xi32> to vector<1xi32>
      %squeeze3A_1122 = vector.extract %slice3A_1121[0] : i32 from vector<1xi32>
      %eq3A_1123 = vector.broadcast %squeeze3A_1122 : i32 to vector<16xi32>
      %eq3A_1124 = arith.cmpi eq, %select_n3A_111, %eq3A_1123 : vector<16xi32>
      %and3A_1125 = arith.andi %eq3A_1120, %eq3A_1124 : vector<16xi1>
      %slice3A_1126 = vector.extract_strided_slice %select_n3A_304 {offsets = [10], sizes = [1], strides = [1]} : vector<16xi32> to vector<1xi32>
      %squeeze3A_1127 = vector.extract %slice3A_1126[0] : i32 from vector<1xi32>
      %eq3A_1128 = vector.broadcast %squeeze3A_1127 : i32 to vector<16xi32>
      %eq3A_1129 = arith.cmpi eq, %select_n3A_134, %eq3A_1128 : vector<16xi32>
      %and3A_1130 = arith.andi %and3A_1125, %eq3A_1129 : vector<16xi1>
      %slice3A_1131 = vector.extract_strided_slice %select_n3A_327 {offsets = [10], sizes = [1], strides = [1]} : vector<16xi32> to vector<1xi32>
      %squeeze3A_1132 = vector.extract %slice3A_1131[0] : i32 from vector<1xi32>
      %eq3A_1133 = vector.broadcast %squeeze3A_1132 : i32 to vector<16xi32>
      %eq3A_1134 = arith.cmpi eq, %select_n3A_157, %eq3A_1133 : vector<16xi32>
      %and3A_1135 = arith.andi %and3A_1130, %eq3A_1134 : vector<16xi1>
      %slice3A_1136 = vector.extract_strided_slice %select_n3A_350 {offsets = [10], sizes = [1], strides = [1]} : vector<16xi32> to vector<1xi32>
      %squeeze3A_1137 = vector.extract %slice3A_1136[0] : i32 from vector<1xi32>
      %eq3A_1138 = vector.broadcast %squeeze3A_1137 : i32 to vector<16xi32>
      %eq3A_1139 = arith.cmpi eq, %select_n3A_180, %eq3A_1138 : vector<16xi32>
      %and3A_1140 = arith.andi %and3A_1135, %eq3A_1139 : vector<16xi1>
      %jit3A_1141 = arith.constant 1.000000e+00 : f32
      %jit3A_1142 = arith.constant 0.000000e+00 : f32
      %broadcast_in_dim3A_1143 = vector.broadcast %jit3A_1141 : f32 to vector<16xf32>
      %broadcast_in_dim3A_1144 = vector.broadcast %jit3A_1142 : f32 to vector<16xf32>
      %select_n3A_1145 = arith.select %and3A_1140, %broadcast_in_dim3A_1143, %broadcast_in_dim3A_1144 : vector<16xi1>, vector<16xf32>
      %add3A_1146 = arith.addf %add3A_1069, %select_n3A_1145 : vector<16xf32>
      %slice3A_1147 = vector.extract_strided_slice %get3A_215 {offsets = [10], sizes = [1], strides = [1]} : vector<16xf32> to vector<1xf32>
      %squeeze3A_1148 = vector.extract %slice3A_1147[0] : f32 from vector<1xf32>
      %sub3A_1149 = vector.broadcast %squeeze3A_1148 : f32 to vector<16xf32>
      %sub3A_1150 = arith.subf %add3A_184, %sub3A_1149 : vector<16xf32>
      %mul3A_1151 = arith.mulf %sub3A_1150, %sub3A_1150 : vector<16xf32>
      %slice3A_1152 = vector.extract_strided_slice %get3A_220 {offsets = [10], sizes = [1], strides = [1]} : vector<16xf32> to vector<1xf32>
      %squeeze3A_1153 = vector.extract %slice3A_1152[0] : f32 from vector<1xf32>
      %sub3A_1154 = vector.broadcast %squeeze3A_1153 : f32 to vector<16xf32>
      %sub3A_1155 = arith.subf %add3A_188, %sub3A_1154 : vector<16xf32>
      %mul3A_1156 = arith.mulf %sub3A_1155, %sub3A_1155 : vector<16xf32>
      %add3A_1157 = arith.addf %mul3A_1151, %mul3A_1156 : vector<16xf32>
      %slice3A_1158 = vector.extract_strided_slice %get3A_225 {offsets = [10], sizes = [1], strides = [1]} : vector<16xf32> to vector<1xf32>
      %squeeze3A_1159 = vector.extract %slice3A_1158[0] : f32 from vector<1xf32>
      %sub3A_1160 = vector.broadcast %squeeze3A_1159 : f32 to vector<16xf32>
      %sub3A_1161 = arith.subf %add3A_192, %sub3A_1160 : vector<16xf32>
      %mul3A_1162 = arith.mulf %sub3A_1161, %sub3A_1161 : vector<16xf32>
      %add3A_1163 = arith.addf %add3A_1157, %mul3A_1162 : vector<16xf32>
      %mul3A_1164 = arith.constant 2.500000e-01 : f32
      %mul3A_1165 = vector.broadcast %mul3A_1164 : f32 to vector<16xf32>
      %mul3A_1166 = arith.mulf %mul3A_1165, %add3A_196 : vector<16xf32>
      %slice3A_1167 = vector.extract_strided_slice %get3A_230 {offsets = [10], sizes = [1], strides = [1]} : vector<16xf32> to vector<1xf32>
      %squeeze3A_1168 = vector.extract %slice3A_1167[0] : f32 from vector<1xf32>
      %mul3A_1169 = vector.broadcast %squeeze3A_1168 : f32 to vector<16xf32>
      %mul3A_1170 = arith.mulf %mul3A_1166, %mul3A_1169 : vector<16xf32>
      %add3A_1171 = arith.constant 1.000000e+00 : f32
      %add3A_1172 = vector.broadcast %add3A_1171 : f32 to vector<16xf32>
      %add3A_1173 = arith.addf %add3A_1172, %mul3A_1170 : vector<16xf32>
      %mul3A_1174 = arith.constant 2.500000e-01 : f32
      %mul3A_1175 = vector.broadcast %mul3A_1174 : f32 to vector<16xf32>
      %mul3A_1176 = arith.mulf %mul3A_1175, %add3A_200 : vector<16xf32>
      %slice3A_1177 = vector.extract_strided_slice %get3A_235 {offsets = [10], sizes = [1], strides = [1]} : vector<16xf32> to vector<1xf32>
      %squeeze3A_1178 = vector.extract %slice3A_1177[0] : f32 from vector<1xf32>
      %mul3A_1179 = vector.broadcast %squeeze3A_1178 : f32 to vector<16xf32>
      %mul3A_1180 = arith.mulf %mul3A_1176, %mul3A_1179 : vector<16xf32>
      %add3A_1181 = arith.addf %add3A_1173, %mul3A_1180 : vector<16xf32>
      %mul3A_1182 = arith.constant -5.000000e+01 : f32
      %mul3A_1183 = vector.broadcast %mul3A_1182 : f32 to vector<16xf32>
      %mul3A_1184 = arith.mulf %mul3A_1183, %add3A_1181 : vector<16xf32>
      %neg3A_1185 = arith.constant 0.000000e+00 : f32
      %neg3A_1186 = vector.broadcast %neg3A_1185 : f32 to vector<16xf32>
      %neg3A_1187 = arith.subf %neg3A_1186, %add3A_1163 : vector<16xf32>
      %div3A_1188 = arith.constant 4.000000e+00 : f32
      %div3A_1189 = vector.broadcast %div3A_1188 : f32 to vector<16xf32>
      %div3A_1190 = arith.divf %neg3A_1187, %div3A_1189 : vector<16xf32>
      %exp3A_1191 = math.exp %div3A_1190 : vector<16xf32>
      %mul3A_1192 = arith.mulf %mul3A_1184, %exp3A_1191 : vector<16xf32>
      %add3A_1193 = arith.addf %add3A_1116, %mul3A_1192 : vector<16xf32>
      %slice3A_1194 = vector.extract_strided_slice %select_n3A_258 {offsets = [11], sizes = [1], strides = [1]} : vector<16xi32> to vector<1xi32>
      %squeeze3A_1195 = vector.extract %slice3A_1194[0] : i32 from vector<1xi32>
      %eq3A_1196 = vector.broadcast %squeeze3A_1195 : i32 to vector<16xi32>
      %eq3A_1197 = arith.cmpi eq, %select_n3A_88, %eq3A_1196 : vector<16xi32>
      %slice3A_1198 = vector.extract_strided_slice %select_n3A_281 {offsets = [11], sizes = [1], strides = [1]} : vector<16xi32> to vector<1xi32>
      %squeeze3A_1199 = vector.extract %slice3A_1198[0] : i32 from vector<1xi32>
      %eq3A_1200 = vector.broadcast %squeeze3A_1199 : i32 to vector<16xi32>
      %eq3A_1201 = arith.cmpi eq, %select_n3A_111, %eq3A_1200 : vector<16xi32>
      %and3A_1202 = arith.andi %eq3A_1197, %eq3A_1201 : vector<16xi1>
      %slice3A_1203 = vector.extract_strided_slice %select_n3A_304 {offsets = [11], sizes = [1], strides = [1]} : vector<16xi32> to vector<1xi32>
      %squeeze3A_1204 = vector.extract %slice3A_1203[0] : i32 from vector<1xi32>
      %eq3A_1205 = vector.broadcast %squeeze3A_1204 : i32 to vector<16xi32>
      %eq3A_1206 = arith.cmpi eq, %select_n3A_134, %eq3A_1205 : vector<16xi32>
      %and3A_1207 = arith.andi %and3A_1202, %eq3A_1206 : vector<16xi1>
      %slice3A_1208 = vector.extract_strided_slice %select_n3A_327 {offsets = [11], sizes = [1], strides = [1]} : vector<16xi32> to vector<1xi32>
      %squeeze3A_1209 = vector.extract %slice3A_1208[0] : i32 from vector<1xi32>
      %eq3A_1210 = vector.broadcast %squeeze3A_1209 : i32 to vector<16xi32>
      %eq3A_1211 = arith.cmpi eq, %select_n3A_157, %eq3A_1210 : vector<16xi32>
      %and3A_1212 = arith.andi %and3A_1207, %eq3A_1211 : vector<16xi1>
      %slice3A_1213 = vector.extract_strided_slice %select_n3A_350 {offsets = [11], sizes = [1], strides = [1]} : vector<16xi32> to vector<1xi32>
      %squeeze3A_1214 = vector.extract %slice3A_1213[0] : i32 from vector<1xi32>
      %eq3A_1215 = vector.broadcast %squeeze3A_1214 : i32 to vector<16xi32>
      %eq3A_1216 = arith.cmpi eq, %select_n3A_180, %eq3A_1215 : vector<16xi32>
      %and3A_1217 = arith.andi %and3A_1212, %eq3A_1216 : vector<16xi1>
      %jit3A_1218 = arith.constant 1.000000e+00 : f32
      %jit3A_1219 = arith.constant 0.000000e+00 : f32
      %broadcast_in_dim3A_1220 = vector.broadcast %jit3A_1218 : f32 to vector<16xf32>
      %broadcast_in_dim3A_1221 = vector.broadcast %jit3A_1219 : f32 to vector<16xf32>
      %select_n3A_1222 = arith.select %and3A_1217, %broadcast_in_dim3A_1220, %broadcast_in_dim3A_1221 : vector<16xi1>, vector<16xf32>
      %add3A_1223 = arith.addf %add3A_1146, %select_n3A_1222 : vector<16xf32>
      %slice3A_1224 = vector.extract_strided_slice %get3A_215 {offsets = [11], sizes = [1], strides = [1]} : vector<16xf32> to vector<1xf32>
      %squeeze3A_1225 = vector.extract %slice3A_1224[0] : f32 from vector<1xf32>
      %sub3A_1226 = vector.broadcast %squeeze3A_1225 : f32 to vector<16xf32>
      %sub3A_1227 = arith.subf %add3A_184, %sub3A_1226 : vector<16xf32>
      %mul3A_1228 = arith.mulf %sub3A_1227, %sub3A_1227 : vector<16xf32>
      %slice3A_1229 = vector.extract_strided_slice %get3A_220 {offsets = [11], sizes = [1], strides = [1]} : vector<16xf32> to vector<1xf32>
      %squeeze3A_1230 = vector.extract %slice3A_1229[0] : f32 from vector<1xf32>
      %sub3A_1231 = vector.broadcast %squeeze3A_1230 : f32 to vector<16xf32>
      %sub3A_1232 = arith.subf %add3A_188, %sub3A_1231 : vector<16xf32>
      %mul3A_1233 = arith.mulf %sub3A_1232, %sub3A_1232 : vector<16xf32>
      %add3A_1234 = arith.addf %mul3A_1228, %mul3A_1233 : vector<16xf32>
      %slice3A_1235 = vector.extract_strided_slice %get3A_225 {offsets = [11], sizes = [1], strides = [1]} : vector<16xf32> to vector<1xf32>
      %squeeze3A_1236 = vector.extract %slice3A_1235[0] : f32 from vector<1xf32>
      %sub3A_1237 = vector.broadcast %squeeze3A_1236 : f32 to vector<16xf32>
      %sub3A_1238 = arith.subf %add3A_192, %sub3A_1237 : vector<16xf32>
      %mul3A_1239 = arith.mulf %sub3A_1238, %sub3A_1238 : vector<16xf32>
      %add3A_1240 = arith.addf %add3A_1234, %mul3A_1239 : vector<16xf32>
      %mul3A_1241 = arith.constant 2.500000e-01 : f32
      %mul3A_1242 = vector.broadcast %mul3A_1241 : f32 to vector<16xf32>
      %mul3A_1243 = arith.mulf %mul3A_1242, %add3A_196 : vector<16xf32>
      %slice3A_1244 = vector.extract_strided_slice %get3A_230 {offsets = [11], sizes = [1], strides = [1]} : vector<16xf32> to vector<1xf32>
      %squeeze3A_1245 = vector.extract %slice3A_1244[0] : f32 from vector<1xf32>
      %mul3A_1246 = vector.broadcast %squeeze3A_1245 : f32 to vector<16xf32>
      %mul3A_1247 = arith.mulf %mul3A_1243, %mul3A_1246 : vector<16xf32>
      %add3A_1248 = arith.constant 1.000000e+00 : f32
      %add3A_1249 = vector.broadcast %add3A_1248 : f32 to vector<16xf32>
      %add3A_1250 = arith.addf %add3A_1249, %mul3A_1247 : vector<16xf32>
      %mul3A_1251 = arith.constant 2.500000e-01 : f32
      %mul3A_1252 = vector.broadcast %mul3A_1251 : f32 to vector<16xf32>
      %mul3A_1253 = arith.mulf %mul3A_1252, %add3A_200 : vector<16xf32>
      %slice3A_1254 = vector.extract_strided_slice %get3A_235 {offsets = [11], sizes = [1], strides = [1]} : vector<16xf32> to vector<1xf32>
      %squeeze3A_1255 = vector.extract %slice3A_1254[0] : f32 from vector<1xf32>
      %mul3A_1256 = vector.broadcast %squeeze3A_1255 : f32 to vector<16xf32>
      %mul3A_1257 = arith.mulf %mul3A_1253, %mul3A_1256 : vector<16xf32>
      %add3A_1258 = arith.addf %add3A_1250, %mul3A_1257 : vector<16xf32>
      %mul3A_1259 = arith.constant -5.000000e+01 : f32
      %mul3A_1260 = vector.broadcast %mul3A_1259 : f32 to vector<16xf32>
      %mul3A_1261 = arith.mulf %mul3A_1260, %add3A_1258 : vector<16xf32>
      %neg3A_1262 = arith.constant 0.000000e+00 : f32
      %neg3A_1263 = vector.broadcast %neg3A_1262 : f32 to vector<16xf32>
      %neg3A_1264 = arith.subf %neg3A_1263, %add3A_1240 : vector<16xf32>
      %div3A_1265 = arith.constant 4.000000e+00 : f32
      %div3A_1266 = vector.broadcast %div3A_1265 : f32 to vector<16xf32>
      %div3A_1267 = arith.divf %neg3A_1264, %div3A_1266 : vector<16xf32>
      %exp3A_1268 = math.exp %div3A_1267 : vector<16xf32>
      %mul3A_1269 = arith.mulf %mul3A_1261, %exp3A_1268 : vector<16xf32>
      %add3A_1270 = arith.addf %add3A_1193, %mul3A_1269 : vector<16xf32>
      %slice3A_1271 = vector.extract_strided_slice %select_n3A_258 {offsets = [12], sizes = [1], strides = [1]} : vector<16xi32> to vector<1xi32>
      %squeeze3A_1272 = vector.extract %slice3A_1271[0] : i32 from vector<1xi32>
      %eq3A_1273 = vector.broadcast %squeeze3A_1272 : i32 to vector<16xi32>
      %eq3A_1274 = arith.cmpi eq, %select_n3A_88, %eq3A_1273 : vector<16xi32>
      %slice3A_1275 = vector.extract_strided_slice %select_n3A_281 {offsets = [12], sizes = [1], strides = [1]} : vector<16xi32> to vector<1xi32>
      %squeeze3A_1276 = vector.extract %slice3A_1275[0] : i32 from vector<1xi32>
      %eq3A_1277 = vector.broadcast %squeeze3A_1276 : i32 to vector<16xi32>
      %eq3A_1278 = arith.cmpi eq, %select_n3A_111, %eq3A_1277 : vector<16xi32>
      %and3A_1279 = arith.andi %eq3A_1274, %eq3A_1278 : vector<16xi1>
      %slice3A_1280 = vector.extract_strided_slice %select_n3A_304 {offsets = [12], sizes = [1], strides = [1]} : vector<16xi32> to vector<1xi32>
      %squeeze3A_1281 = vector.extract %slice3A_1280[0] : i32 from vector<1xi32>
      %eq3A_1282 = vector.broadcast %squeeze3A_1281 : i32 to vector<16xi32>
      %eq3A_1283 = arith.cmpi eq, %select_n3A_134, %eq3A_1282 : vector<16xi32>
      %and3A_1284 = arith.andi %and3A_1279, %eq3A_1283 : vector<16xi1>
      %slice3A_1285 = vector.extract_strided_slice %select_n3A_327 {offsets = [12], sizes = [1], strides = [1]} : vector<16xi32> to vector<1xi32>
      %squeeze3A_1286 = vector.extract %slice3A_1285[0] : i32 from vector<1xi32>
      %eq3A_1287 = vector.broadcast %squeeze3A_1286 : i32 to vector<16xi32>
      %eq3A_1288 = arith.cmpi eq, %select_n3A_157, %eq3A_1287 : vector<16xi32>
      %and3A_1289 = arith.andi %and3A_1284, %eq3A_1288 : vector<16xi1>
      %slice3A_1290 = vector.extract_strided_slice %select_n3A_350 {offsets = [12], sizes = [1], strides = [1]} : vector<16xi32> to vector<1xi32>
      %squeeze3A_1291 = vector.extract %slice3A_1290[0] : i32 from vector<1xi32>
      %eq3A_1292 = vector.broadcast %squeeze3A_1291 : i32 to vector<16xi32>
      %eq3A_1293 = arith.cmpi eq, %select_n3A_180, %eq3A_1292 : vector<16xi32>
      %and3A_1294 = arith.andi %and3A_1289, %eq3A_1293 : vector<16xi1>
      %jit3A_1295 = arith.constant 1.000000e+00 : f32
      %jit3A_1296 = arith.constant 0.000000e+00 : f32
      %broadcast_in_dim3A_1297 = vector.broadcast %jit3A_1295 : f32 to vector<16xf32>
      %broadcast_in_dim3A_1298 = vector.broadcast %jit3A_1296 : f32 to vector<16xf32>
      %select_n3A_1299 = arith.select %and3A_1294, %broadcast_in_dim3A_1297, %broadcast_in_dim3A_1298 : vector<16xi1>, vector<16xf32>
      %add3A_1300 = arith.addf %add3A_1223, %select_n3A_1299 : vector<16xf32>
      %slice3A_1301 = vector.extract_strided_slice %get3A_215 {offsets = [12], sizes = [1], strides = [1]} : vector<16xf32> to vector<1xf32>
      %squeeze3A_1302 = vector.extract %slice3A_1301[0] : f32 from vector<1xf32>
      %sub3A_1303 = vector.broadcast %squeeze3A_1302 : f32 to vector<16xf32>
      %sub3A_1304 = arith.subf %add3A_184, %sub3A_1303 : vector<16xf32>
      %mul3A_1305 = arith.mulf %sub3A_1304, %sub3A_1304 : vector<16xf32>
      %slice3A_1306 = vector.extract_strided_slice %get3A_220 {offsets = [12], sizes = [1], strides = [1]} : vector<16xf32> to vector<1xf32>
      %squeeze3A_1307 = vector.extract %slice3A_1306[0] : f32 from vector<1xf32>
      %sub3A_1308 = vector.broadcast %squeeze3A_1307 : f32 to vector<16xf32>
      %sub3A_1309 = arith.subf %add3A_188, %sub3A_1308 : vector<16xf32>
      %mul3A_1310 = arith.mulf %sub3A_1309, %sub3A_1309 : vector<16xf32>
      %add3A_1311 = arith.addf %mul3A_1305, %mul3A_1310 : vector<16xf32>
      %slice3A_1312 = vector.extract_strided_slice %get3A_225 {offsets = [12], sizes = [1], strides = [1]} : vector<16xf32> to vector<1xf32>
      %squeeze3A_1313 = vector.extract %slice3A_1312[0] : f32 from vector<1xf32>
      %sub3A_1314 = vector.broadcast %squeeze3A_1313 : f32 to vector<16xf32>
      %sub3A_1315 = arith.subf %add3A_192, %sub3A_1314 : vector<16xf32>
      %mul3A_1316 = arith.mulf %sub3A_1315, %sub3A_1315 : vector<16xf32>
      %add3A_1317 = arith.addf %add3A_1311, %mul3A_1316 : vector<16xf32>
      %mul3A_1318 = arith.constant 2.500000e-01 : f32
      %mul3A_1319 = vector.broadcast %mul3A_1318 : f32 to vector<16xf32>
      %mul3A_1320 = arith.mulf %mul3A_1319, %add3A_196 : vector<16xf32>
      %slice3A_1321 = vector.extract_strided_slice %get3A_230 {offsets = [12], sizes = [1], strides = [1]} : vector<16xf32> to vector<1xf32>
      %squeeze3A_1322 = vector.extract %slice3A_1321[0] : f32 from vector<1xf32>
      %mul3A_1323 = vector.broadcast %squeeze3A_1322 : f32 to vector<16xf32>
      %mul3A_1324 = arith.mulf %mul3A_1320, %mul3A_1323 : vector<16xf32>
      %add3A_1325 = arith.constant 1.000000e+00 : f32
      %add3A_1326 = vector.broadcast %add3A_1325 : f32 to vector<16xf32>
      %add3A_1327 = arith.addf %add3A_1326, %mul3A_1324 : vector<16xf32>
      %mul3A_1328 = arith.constant 2.500000e-01 : f32
      %mul3A_1329 = vector.broadcast %mul3A_1328 : f32 to vector<16xf32>
      %mul3A_1330 = arith.mulf %mul3A_1329, %add3A_200 : vector<16xf32>
      %slice3A_1331 = vector.extract_strided_slice %get3A_235 {offsets = [12], sizes = [1], strides = [1]} : vector<16xf32> to vector<1xf32>
      %squeeze3A_1332 = vector.extract %slice3A_1331[0] : f32 from vector<1xf32>
      %mul3A_1333 = vector.broadcast %squeeze3A_1332 : f32 to vector<16xf32>
      %mul3A_1334 = arith.mulf %mul3A_1330, %mul3A_1333 : vector<16xf32>
      %add3A_1335 = arith.addf %add3A_1327, %mul3A_1334 : vector<16xf32>
      %mul3A_1336 = arith.constant -5.000000e+01 : f32
      %mul3A_1337 = vector.broadcast %mul3A_1336 : f32 to vector<16xf32>
      %mul3A_1338 = arith.mulf %mul3A_1337, %add3A_1335 : vector<16xf32>
      %neg3A_1339 = arith.constant 0.000000e+00 : f32
      %neg3A_1340 = vector.broadcast %neg3A_1339 : f32 to vector<16xf32>
      %neg3A_1341 = arith.subf %neg3A_1340, %add3A_1317 : vector<16xf32>
      %div3A_1342 = arith.constant 4.000000e+00 : f32
      %div3A_1343 = vector.broadcast %div3A_1342 : f32 to vector<16xf32>
      %div3A_1344 = arith.divf %neg3A_1341, %div3A_1343 : vector<16xf32>
      %exp3A_1345 = math.exp %div3A_1344 : vector<16xf32>
      %mul3A_1346 = arith.mulf %mul3A_1338, %exp3A_1345 : vector<16xf32>
      %add3A_1347 = arith.addf %add3A_1270, %mul3A_1346 : vector<16xf32>
      %slice3A_1348 = vector.extract_strided_slice %select_n3A_258 {offsets = [13], sizes = [1], strides = [1]} : vector<16xi32> to vector<1xi32>
      %squeeze3A_1349 = vector.extract %slice3A_1348[0] : i32 from vector<1xi32>
      %eq3A_1350 = vector.broadcast %squeeze3A_1349 : i32 to vector<16xi32>
      %eq3A_1351 = arith.cmpi eq, %select_n3A_88, %eq3A_1350 : vector<16xi32>
      %slice3A_1352 = vector.extract_strided_slice %select_n3A_281 {offsets = [13], sizes = [1], strides = [1]} : vector<16xi32> to vector<1xi32>
      %squeeze3A_1353 = vector.extract %slice3A_1352[0] : i32 from vector<1xi32>
      %eq3A_1354 = vector.broadcast %squeeze3A_1353 : i32 to vector<16xi32>
      %eq3A_1355 = arith.cmpi eq, %select_n3A_111, %eq3A_1354 : vector<16xi32>
      %and3A_1356 = arith.andi %eq3A_1351, %eq3A_1355 : vector<16xi1>
      %slice3A_1357 = vector.extract_strided_slice %select_n3A_304 {offsets = [13], sizes = [1], strides = [1]} : vector<16xi32> to vector<1xi32>
      %squeeze3A_1358 = vector.extract %slice3A_1357[0] : i32 from vector<1xi32>
      %eq3A_1359 = vector.broadcast %squeeze3A_1358 : i32 to vector<16xi32>
      %eq3A_1360 = arith.cmpi eq, %select_n3A_134, %eq3A_1359 : vector<16xi32>
      %and3A_1361 = arith.andi %and3A_1356, %eq3A_1360 : vector<16xi1>
      %slice3A_1362 = vector.extract_strided_slice %select_n3A_327 {offsets = [13], sizes = [1], strides = [1]} : vector<16xi32> to vector<1xi32>
      %squeeze3A_1363 = vector.extract %slice3A_1362[0] : i32 from vector<1xi32>
      %eq3A_1364 = vector.broadcast %squeeze3A_1363 : i32 to vector<16xi32>
      %eq3A_1365 = arith.cmpi eq, %select_n3A_157, %eq3A_1364 : vector<16xi32>
      %and3A_1366 = arith.andi %and3A_1361, %eq3A_1365 : vector<16xi1>
      %slice3A_1367 = vector.extract_strided_slice %select_n3A_350 {offsets = [13], sizes = [1], strides = [1]} : vector<16xi32> to vector<1xi32>
      %squeeze3A_1368 = vector.extract %slice3A_1367[0] : i32 from vector<1xi32>
      %eq3A_1369 = vector.broadcast %squeeze3A_1368 : i32 to vector<16xi32>
      %eq3A_1370 = arith.cmpi eq, %select_n3A_180, %eq3A_1369 : vector<16xi32>
      %and3A_1371 = arith.andi %and3A_1366, %eq3A_1370 : vector<16xi1>
      %jit3A_1372 = arith.constant 1.000000e+00 : f32
      %jit3A_1373 = arith.constant 0.000000e+00 : f32
      %broadcast_in_dim3A_1374 = vector.broadcast %jit3A_1372 : f32 to vector<16xf32>
      %broadcast_in_dim3A_1375 = vector.broadcast %jit3A_1373 : f32 to vector<16xf32>
      %select_n3A_1376 = arith.select %and3A_1371, %broadcast_in_dim3A_1374, %broadcast_in_dim3A_1375 : vector<16xi1>, vector<16xf32>
      %add3A_1377 = arith.addf %add3A_1300, %select_n3A_1376 : vector<16xf32>
      %slice3A_1378 = vector.extract_strided_slice %get3A_215 {offsets = [13], sizes = [1], strides = [1]} : vector<16xf32> to vector<1xf32>
      %squeeze3A_1379 = vector.extract %slice3A_1378[0] : f32 from vector<1xf32>
      %sub3A_1380 = vector.broadcast %squeeze3A_1379 : f32 to vector<16xf32>
      %sub3A_1381 = arith.subf %add3A_184, %sub3A_1380 : vector<16xf32>
      %mul3A_1382 = arith.mulf %sub3A_1381, %sub3A_1381 : vector<16xf32>
      %slice3A_1383 = vector.extract_strided_slice %get3A_220 {offsets = [13], sizes = [1], strides = [1]} : vector<16xf32> to vector<1xf32>
      %squeeze3A_1384 = vector.extract %slice3A_1383[0] : f32 from vector<1xf32>
      %sub3A_1385 = vector.broadcast %squeeze3A_1384 : f32 to vector<16xf32>
      %sub3A_1386 = arith.subf %add3A_188, %sub3A_1385 : vector<16xf32>
      %mul3A_1387 = arith.mulf %sub3A_1386, %sub3A_1386 : vector<16xf32>
      %add3A_1388 = arith.addf %mul3A_1382, %mul3A_1387 : vector<16xf32>
      %slice3A_1389 = vector.extract_strided_slice %get3A_225 {offsets = [13], sizes = [1], strides = [1]} : vector<16xf32> to vector<1xf32>
      %squeeze3A_1390 = vector.extract %slice3A_1389[0] : f32 from vector<1xf32>
      %sub3A_1391 = vector.broadcast %squeeze3A_1390 : f32 to vector<16xf32>
      %sub3A_1392 = arith.subf %add3A_192, %sub3A_1391 : vector<16xf32>
      %mul3A_1393 = arith.mulf %sub3A_1392, %sub3A_1392 : vector<16xf32>
      %add3A_1394 = arith.addf %add3A_1388, %mul3A_1393 : vector<16xf32>
      %mul3A_1395 = arith.constant 2.500000e-01 : f32
      %mul3A_1396 = vector.broadcast %mul3A_1395 : f32 to vector<16xf32>
      %mul3A_1397 = arith.mulf %mul3A_1396, %add3A_196 : vector<16xf32>
      %slice3A_1398 = vector.extract_strided_slice %get3A_230 {offsets = [13], sizes = [1], strides = [1]} : vector<16xf32> to vector<1xf32>
      %squeeze3A_1399 = vector.extract %slice3A_1398[0] : f32 from vector<1xf32>
      %mul3A_1400 = vector.broadcast %squeeze3A_1399 : f32 to vector<16xf32>
      %mul3A_1401 = arith.mulf %mul3A_1397, %mul3A_1400 : vector<16xf32>
      %add3A_1402 = arith.constant 1.000000e+00 : f32
      %add3A_1403 = vector.broadcast %add3A_1402 : f32 to vector<16xf32>
      %add3A_1404 = arith.addf %add3A_1403, %mul3A_1401 : vector<16xf32>
      %mul3A_1405 = arith.constant 2.500000e-01 : f32
      %mul3A_1406 = vector.broadcast %mul3A_1405 : f32 to vector<16xf32>
      %mul3A_1407 = arith.mulf %mul3A_1406, %add3A_200 : vector<16xf32>
      %slice3A_1408 = vector.extract_strided_slice %get3A_235 {offsets = [13], sizes = [1], strides = [1]} : vector<16xf32> to vector<1xf32>
      %squeeze3A_1409 = vector.extract %slice3A_1408[0] : f32 from vector<1xf32>
      %mul3A_1410 = vector.broadcast %squeeze3A_1409 : f32 to vector<16xf32>
      %mul3A_1411 = arith.mulf %mul3A_1407, %mul3A_1410 : vector<16xf32>
      %add3A_1412 = arith.addf %add3A_1404, %mul3A_1411 : vector<16xf32>
      %mul3A_1413 = arith.constant -5.000000e+01 : f32
      %mul3A_1414 = vector.broadcast %mul3A_1413 : f32 to vector<16xf32>
      %mul3A_1415 = arith.mulf %mul3A_1414, %add3A_1412 : vector<16xf32>
      %neg3A_1416 = arith.constant 0.000000e+00 : f32
      %neg3A_1417 = vector.broadcast %neg3A_1416 : f32 to vector<16xf32>
      %neg3A_1418 = arith.subf %neg3A_1417, %add3A_1394 : vector<16xf32>
      %div3A_1419 = arith.constant 4.000000e+00 : f32
      %div3A_1420 = vector.broadcast %div3A_1419 : f32 to vector<16xf32>
      %div3A_1421 = arith.divf %neg3A_1418, %div3A_1420 : vector<16xf32>
      %exp3A_1422 = math.exp %div3A_1421 : vector<16xf32>
      %mul3A_1423 = arith.mulf %mul3A_1415, %exp3A_1422 : vector<16xf32>
      %add3A_1424 = arith.addf %add3A_1347, %mul3A_1423 : vector<16xf32>
      %slice3A_1425 = vector.extract_strided_slice %select_n3A_258 {offsets = [14], sizes = [1], strides = [1]} : vector<16xi32> to vector<1xi32>
      %squeeze3A_1426 = vector.extract %slice3A_1425[0] : i32 from vector<1xi32>
      %eq3A_1427 = vector.broadcast %squeeze3A_1426 : i32 to vector<16xi32>
      %eq3A_1428 = arith.cmpi eq, %select_n3A_88, %eq3A_1427 : vector<16xi32>
      %slice3A_1429 = vector.extract_strided_slice %select_n3A_281 {offsets = [14], sizes = [1], strides = [1]} : vector<16xi32> to vector<1xi32>
      %squeeze3A_1430 = vector.extract %slice3A_1429[0] : i32 from vector<1xi32>
      %eq3A_1431 = vector.broadcast %squeeze3A_1430 : i32 to vector<16xi32>
      %eq3A_1432 = arith.cmpi eq, %select_n3A_111, %eq3A_1431 : vector<16xi32>
      %and3A_1433 = arith.andi %eq3A_1428, %eq3A_1432 : vector<16xi1>
      %slice3A_1434 = vector.extract_strided_slice %select_n3A_304 {offsets = [14], sizes = [1], strides = [1]} : vector<16xi32> to vector<1xi32>
      %squeeze3A_1435 = vector.extract %slice3A_1434[0] : i32 from vector<1xi32>
      %eq3A_1436 = vector.broadcast %squeeze3A_1435 : i32 to vector<16xi32>
      %eq3A_1437 = arith.cmpi eq, %select_n3A_134, %eq3A_1436 : vector<16xi32>
      %and3A_1438 = arith.andi %and3A_1433, %eq3A_1437 : vector<16xi1>
      %slice3A_1439 = vector.extract_strided_slice %select_n3A_327 {offsets = [14], sizes = [1], strides = [1]} : vector<16xi32> to vector<1xi32>
      %squeeze3A_1440 = vector.extract %slice3A_1439[0] : i32 from vector<1xi32>
      %eq3A_1441 = vector.broadcast %squeeze3A_1440 : i32 to vector<16xi32>
      %eq3A_1442 = arith.cmpi eq, %select_n3A_157, %eq3A_1441 : vector<16xi32>
      %and3A_1443 = arith.andi %and3A_1438, %eq3A_1442 : vector<16xi1>
      %slice3A_1444 = vector.extract_strided_slice %select_n3A_350 {offsets = [14], sizes = [1], strides = [1]} : vector<16xi32> to vector<1xi32>
      %squeeze3A_1445 = vector.extract %slice3A_1444[0] : i32 from vector<1xi32>
      %eq3A_1446 = vector.broadcast %squeeze3A_1445 : i32 to vector<16xi32>
      %eq3A_1447 = arith.cmpi eq, %select_n3A_180, %eq3A_1446 : vector<16xi32>
      %and3A_1448 = arith.andi %and3A_1443, %eq3A_1447 : vector<16xi1>
      %jit3A_1449 = arith.constant 1.000000e+00 : f32
      %jit3A_1450 = arith.constant 0.000000e+00 : f32
      %broadcast_in_dim3A_1451 = vector.broadcast %jit3A_1449 : f32 to vector<16xf32>
      %broadcast_in_dim3A_1452 = vector.broadcast %jit3A_1450 : f32 to vector<16xf32>
      %select_n3A_1453 = arith.select %and3A_1448, %broadcast_in_dim3A_1451, %broadcast_in_dim3A_1452 : vector<16xi1>, vector<16xf32>
      %add3A_1454 = arith.addf %add3A_1377, %select_n3A_1453 : vector<16xf32>
      %slice3A_1455 = vector.extract_strided_slice %get3A_215 {offsets = [14], sizes = [1], strides = [1]} : vector<16xf32> to vector<1xf32>
      %squeeze3A_1456 = vector.extract %slice3A_1455[0] : f32 from vector<1xf32>
      %sub3A_1457 = vector.broadcast %squeeze3A_1456 : f32 to vector<16xf32>
      %sub3A_1458 = arith.subf %add3A_184, %sub3A_1457 : vector<16xf32>
      %mul3A_1459 = arith.mulf %sub3A_1458, %sub3A_1458 : vector<16xf32>
      %slice3A_1460 = vector.extract_strided_slice %get3A_220 {offsets = [14], sizes = [1], strides = [1]} : vector<16xf32> to vector<1xf32>
      %squeeze3A_1461 = vector.extract %slice3A_1460[0] : f32 from vector<1xf32>
      %sub3A_1462 = vector.broadcast %squeeze3A_1461 : f32 to vector<16xf32>
      %sub3A_1463 = arith.subf %add3A_188, %sub3A_1462 : vector<16xf32>
      %mul3A_1464 = arith.mulf %sub3A_1463, %sub3A_1463 : vector<16xf32>
      %add3A_1465 = arith.addf %mul3A_1459, %mul3A_1464 : vector<16xf32>
      %slice3A_1466 = vector.extract_strided_slice %get3A_225 {offsets = [14], sizes = [1], strides = [1]} : vector<16xf32> to vector<1xf32>
      %squeeze3A_1467 = vector.extract %slice3A_1466[0] : f32 from vector<1xf32>
      %sub3A_1468 = vector.broadcast %squeeze3A_1467 : f32 to vector<16xf32>
      %sub3A_1469 = arith.subf %add3A_192, %sub3A_1468 : vector<16xf32>
      %mul3A_1470 = arith.mulf %sub3A_1469, %sub3A_1469 : vector<16xf32>
      %add3A_1471 = arith.addf %add3A_1465, %mul3A_1470 : vector<16xf32>
      %mul3A_1472 = arith.constant 2.500000e-01 : f32
      %mul3A_1473 = vector.broadcast %mul3A_1472 : f32 to vector<16xf32>
      %mul3A_1474 = arith.mulf %mul3A_1473, %add3A_196 : vector<16xf32>
      %slice3A_1475 = vector.extract_strided_slice %get3A_230 {offsets = [14], sizes = [1], strides = [1]} : vector<16xf32> to vector<1xf32>
      %squeeze3A_1476 = vector.extract %slice3A_1475[0] : f32 from vector<1xf32>
      %mul3A_1477 = vector.broadcast %squeeze3A_1476 : f32 to vector<16xf32>
      %mul3A_1478 = arith.mulf %mul3A_1474, %mul3A_1477 : vector<16xf32>
      %add3A_1479 = arith.constant 1.000000e+00 : f32
      %add3A_1480 = vector.broadcast %add3A_1479 : f32 to vector<16xf32>
      %add3A_1481 = arith.addf %add3A_1480, %mul3A_1478 : vector<16xf32>
      %mul3A_1482 = arith.constant 2.500000e-01 : f32
      %mul3A_1483 = vector.broadcast %mul3A_1482 : f32 to vector<16xf32>
      %mul3A_1484 = arith.mulf %mul3A_1483, %add3A_200 : vector<16xf32>
      %slice3A_1485 = vector.extract_strided_slice %get3A_235 {offsets = [14], sizes = [1], strides = [1]} : vector<16xf32> to vector<1xf32>
      %squeeze3A_1486 = vector.extract %slice3A_1485[0] : f32 from vector<1xf32>
      %mul3A_1487 = vector.broadcast %squeeze3A_1486 : f32 to vector<16xf32>
      %mul3A_1488 = arith.mulf %mul3A_1484, %mul3A_1487 : vector<16xf32>
      %add3A_1489 = arith.addf %add3A_1481, %mul3A_1488 : vector<16xf32>
      %mul3A_1490 = arith.constant -5.000000e+01 : f32
      %mul3A_1491 = vector.broadcast %mul3A_1490 : f32 to vector<16xf32>
      %mul3A_1492 = arith.mulf %mul3A_1491, %add3A_1489 : vector<16xf32>
      %neg3A_1493 = arith.constant 0.000000e+00 : f32
      %neg3A_1494 = vector.broadcast %neg3A_1493 : f32 to vector<16xf32>
      %neg3A_1495 = arith.subf %neg3A_1494, %add3A_1471 : vector<16xf32>
      %div3A_1496 = arith.constant 4.000000e+00 : f32
      %div3A_1497 = vector.broadcast %div3A_1496 : f32 to vector<16xf32>
      %div3A_1498 = arith.divf %neg3A_1495, %div3A_1497 : vector<16xf32>
      %exp3A_1499 = math.exp %div3A_1498 : vector<16xf32>
      %mul3A_1500 = arith.mulf %mul3A_1492, %exp3A_1499 : vector<16xf32>
      %add3A_1501 = arith.addf %add3A_1424, %mul3A_1500 : vector<16xf32>
      %slice3A_1502 = vector.extract_strided_slice %select_n3A_258 {offsets = [15], sizes = [1], strides = [1]} : vector<16xi32> to vector<1xi32>
      %squeeze3A_1503 = vector.extract %slice3A_1502[0] : i32 from vector<1xi32>
      %eq3A_1504 = vector.broadcast %squeeze3A_1503 : i32 to vector<16xi32>
      %eq3A_1505 = arith.cmpi eq, %select_n3A_88, %eq3A_1504 : vector<16xi32>
      %slice3A_1506 = vector.extract_strided_slice %select_n3A_281 {offsets = [15], sizes = [1], strides = [1]} : vector<16xi32> to vector<1xi32>
      %squeeze3A_1507 = vector.extract %slice3A_1506[0] : i32 from vector<1xi32>
      %eq3A_1508 = vector.broadcast %squeeze3A_1507 : i32 to vector<16xi32>
      %eq3A_1509 = arith.cmpi eq, %select_n3A_111, %eq3A_1508 : vector<16xi32>
      %and3A_1510 = arith.andi %eq3A_1505, %eq3A_1509 : vector<16xi1>
      %slice3A_1511 = vector.extract_strided_slice %select_n3A_304 {offsets = [15], sizes = [1], strides = [1]} : vector<16xi32> to vector<1xi32>
      %squeeze3A_1512 = vector.extract %slice3A_1511[0] : i32 from vector<1xi32>
      %eq3A_1513 = vector.broadcast %squeeze3A_1512 : i32 to vector<16xi32>
      %eq3A_1514 = arith.cmpi eq, %select_n3A_134, %eq3A_1513 : vector<16xi32>
      %and3A_1515 = arith.andi %and3A_1510, %eq3A_1514 : vector<16xi1>
      %slice3A_1516 = vector.extract_strided_slice %select_n3A_327 {offsets = [15], sizes = [1], strides = [1]} : vector<16xi32> to vector<1xi32>
      %squeeze3A_1517 = vector.extract %slice3A_1516[0] : i32 from vector<1xi32>
      %eq3A_1518 = vector.broadcast %squeeze3A_1517 : i32 to vector<16xi32>
      %eq3A_1519 = arith.cmpi eq, %select_n3A_157, %eq3A_1518 : vector<16xi32>
      %and3A_1520 = arith.andi %and3A_1515, %eq3A_1519 : vector<16xi1>
      %slice3A_1521 = vector.extract_strided_slice %select_n3A_350 {offsets = [15], sizes = [1], strides = [1]} : vector<16xi32> to vector<1xi32>
      %squeeze3A_1522 = vector.extract %slice3A_1521[0] : i32 from vector<1xi32>
      %eq3A_1523 = vector.broadcast %squeeze3A_1522 : i32 to vector<16xi32>
      %eq3A_1524 = arith.cmpi eq, %select_n3A_180, %eq3A_1523 : vector<16xi32>
      %and3A_1525 = arith.andi %and3A_1520, %eq3A_1524 : vector<16xi1>
      %jit3A_1526 = arith.constant 1.000000e+00 : f32
      %jit3A_1527 = arith.constant 0.000000e+00 : f32
      %broadcast_in_dim3A_1528 = vector.broadcast %jit3A_1526 : f32 to vector<16xf32>
      %broadcast_in_dim3A_1529 = vector.broadcast %jit3A_1527 : f32 to vector<16xf32>
      %select_n3A_1530 = arith.select %and3A_1525, %broadcast_in_dim3A_1528, %broadcast_in_dim3A_1529 : vector<16xi1>, vector<16xf32>
      %add3A_1531 = arith.addf %add3A_1454, %select_n3A_1530 : vector<16xf32>
      %slice3A_1532 = vector.extract_strided_slice %get3A_215 {offsets = [15], sizes = [1], strides = [1]} : vector<16xf32> to vector<1xf32>
      %squeeze3A_1533 = vector.extract %slice3A_1532[0] : f32 from vector<1xf32>
      %sub3A_1534 = vector.broadcast %squeeze3A_1533 : f32 to vector<16xf32>
      %sub3A_1535 = arith.subf %add3A_184, %sub3A_1534 : vector<16xf32>
      %mul3A_1536 = arith.mulf %sub3A_1535, %sub3A_1535 : vector<16xf32>
      %slice3A_1537 = vector.extract_strided_slice %get3A_220 {offsets = [15], sizes = [1], strides = [1]} : vector<16xf32> to vector<1xf32>
      %squeeze3A_1538 = vector.extract %slice3A_1537[0] : f32 from vector<1xf32>
      %sub3A_1539 = vector.broadcast %squeeze3A_1538 : f32 to vector<16xf32>
      %sub3A_1540 = arith.subf %add3A_188, %sub3A_1539 : vector<16xf32>
      %mul3A_1541 = arith.mulf %sub3A_1540, %sub3A_1540 : vector<16xf32>
      %add3A_1542 = arith.addf %mul3A_1536, %mul3A_1541 : vector<16xf32>
      %slice3A_1543 = vector.extract_strided_slice %get3A_225 {offsets = [15], sizes = [1], strides = [1]} : vector<16xf32> to vector<1xf32>
      %squeeze3A_1544 = vector.extract %slice3A_1543[0] : f32 from vector<1xf32>
      %sub3A_1545 = vector.broadcast %squeeze3A_1544 : f32 to vector<16xf32>
      %sub3A_1546 = arith.subf %add3A_192, %sub3A_1545 : vector<16xf32>
      %mul3A_1547 = arith.mulf %sub3A_1546, %sub3A_1546 : vector<16xf32>
      %add3A_1548 = arith.addf %add3A_1542, %mul3A_1547 : vector<16xf32>
      %mul3A_1549 = arith.constant 2.500000e-01 : f32
      %mul3A_1550 = vector.broadcast %mul3A_1549 : f32 to vector<16xf32>
      %mul3A_1551 = arith.mulf %mul3A_1550, %add3A_196 : vector<16xf32>
      %slice3A_1552 = vector.extract_strided_slice %get3A_230 {offsets = [15], sizes = [1], strides = [1]} : vector<16xf32> to vector<1xf32>
      %squeeze3A_1553 = vector.extract %slice3A_1552[0] : f32 from vector<1xf32>
      %mul3A_1554 = vector.broadcast %squeeze3A_1553 : f32 to vector<16xf32>
      %mul3A_1555 = arith.mulf %mul3A_1551, %mul3A_1554 : vector<16xf32>
      %add3A_1556 = arith.constant 1.000000e+00 : f32
      %add3A_1557 = vector.broadcast %add3A_1556 : f32 to vector<16xf32>
      %add3A_1558 = arith.addf %add3A_1557, %mul3A_1555 : vector<16xf32>
      %mul3A_1559 = arith.constant 2.500000e-01 : f32
      %mul3A_1560 = vector.broadcast %mul3A_1559 : f32 to vector<16xf32>
      %mul3A_1561 = arith.mulf %mul3A_1560, %add3A_200 : vector<16xf32>
      %slice3A_1562 = vector.extract_strided_slice %get3A_235 {offsets = [15], sizes = [1], strides = [1]} : vector<16xf32> to vector<1xf32>
      %squeeze3A_1563 = vector.extract %slice3A_1562[0] : f32 from vector<1xf32>
      %mul3A_1564 = vector.broadcast %squeeze3A_1563 : f32 to vector<16xf32>
      %mul3A_1565 = arith.mulf %mul3A_1561, %mul3A_1564 : vector<16xf32>
      %add3A_1566 = arith.addf %add3A_1558, %mul3A_1565 : vector<16xf32>
      %mul3A_1567 = arith.constant -5.000000e+01 : f32
      %mul3A_1568 = vector.broadcast %mul3A_1567 : f32 to vector<16xf32>
      %mul3A_1569 = arith.mulf %mul3A_1568, %add3A_1566 : vector<16xf32>
      %neg3A_1570 = arith.constant 0.000000e+00 : f32
      %neg3A_1571 = vector.broadcast %neg3A_1570 : f32 to vector<16xf32>
      %neg3A_1572 = arith.subf %neg3A_1571, %add3A_1548 : vector<16xf32>
      %div3A_1573 = arith.constant 4.000000e+00 : f32
      %div3A_1574 = vector.broadcast %div3A_1573 : f32 to vector<16xf32>
      %div3A_1575 = arith.divf %neg3A_1572, %div3A_1574 : vector<16xf32>
      %exp3A_1576 = math.exp %div3A_1575 : vector<16xf32>
      %mul3A_1577 = arith.mulf %mul3A_1569, %exp3A_1576 : vector<16xf32>
      %add3A_1578 = arith.addf %add3A_1501, %mul3A_1577 : vector<16xf32>
      %mul3A_1579 = arith.constant 2 : i32
      %mul3A_1580 = arith.muli %select_n3A_30, %mul3A_1579 : i32
      %add3A_1581 = arith.constant 1 : i32
      %add3A_1582 = arith.addi %mul3A_1580, %add3A_1581 : i32
      %mul3A_1583 = arith.constant 16 : i32
      %mul3A_1584 = arith.muli %add3A_1582, %mul3A_1583 : i32
      %multiple_of3A_1585 = tpu.assume_multiple %mul3A_1584, 16 : i32
      %get3A_1586 = arith.constant 0 : i32
      %get3A_1587 = arith.index_cast %get3A_1586 : i32 to index
      %get3A_1588 = arith.index_cast %multiple_of3A_1585 : i32 to index
      %get3A_1589 = tpu.vector_load %arg5[%get3A_1587, %get3A_1588] {strides = array<i32>} : memref<5x128xf32, #tpu.memory_space<vmem>>, vector<1x16xf32>,
      %get3A_1590 = vector.shape_cast %get3A_1589 : vector<1x16xf32> to vector<16xf32>
      %get3A_1591 = arith.constant 1 : i32
      %get3A_1592 = arith.index_cast %get3A_1591 : i32 to index
      %get3A_1593 = arith.index_cast %multiple_of3A_1585 : i32 to index
      %get3A_1594 = tpu.vector_load %arg5[%get3A_1592, %get3A_1593] {strides = array<i32>} : memref<5x128xf32, #tpu.memory_space<vmem>>, vector<1x16xf32>,
      %get3A_1595 = vector.shape_cast %get3A_1594 : vector<1x16xf32> to vector<16xf32>
      %get3A_1596 = arith.constant 2 : i32
      %get3A_1597 = arith.index_cast %get3A_1596 : i32 to index
      %get3A_1598 = arith.index_cast %multiple_of3A_1585 : i32 to index
      %get3A_1599 = tpu.vector_load %arg5[%get3A_1597, %get3A_1598] {strides = array<i32>} : memref<5x128xf32, #tpu.memory_space<vmem>>, vector<1x16xf32>,
      %get3A_1600 = vector.shape_cast %get3A_1599 : vector<1x16xf32> to vector<16xf32>
      %get3A_1601 = arith.constant 3 : i32
      %get3A_1602 = arith.index_cast %get3A_1601 : i32 to index
      %get3A_1603 = arith.index_cast %multiple_of3A_1585 : i32 to index
      %get3A_1604 = tpu.vector_load %arg5[%get3A_1602, %get3A_1603] {strides = array<i32>} : memref<5x128xf32, #tpu.memory_space<vmem>>, vector<1x16xf32>,
      %get3A_1605 = vector.shape_cast %get3A_1604 : vector<1x16xf32> to vector<16xf32>
      %get3A_1606 = arith.constant 4 : i32
      %get3A_1607 = arith.index_cast %get3A_1606 : i32 to index
      %get3A_1608 = arith.index_cast %multiple_of3A_1585 : i32 to index
      %get3A_1609 = tpu.vector_load %arg5[%get3A_1607, %get3A_1608] {strides = array<i32>} : memref<5x128xf32, #tpu.memory_space<vmem>>, vector<1x16xf32>,
      %get3A_1610 = vector.shape_cast %get3A_1609 : vector<1x16xf32> to vector<16xf32>
      %sub3A_1611 = arith.constant -3.200000e+01 : f32
      %sub3A_1612 = vector.broadcast %sub3A_1611 : f32 to vector<16xf32>
      %sub3A_1613 = arith.subf %get3A_1590, %sub3A_1612 : vector<16xf32>
      %add3A_1614 = arith.constant 5.000000e-01 : f32
      %add3A_1615 = vector.broadcast %add3A_1614 : f32 to vector<16xf32>
      %add3A_1616 = arith.addf %sub3A_1613, %add3A_1615 : vector<16xf32>
      %convert_element_type3A_1617 = arith.fptosi %add3A_1616 : vector<16xf32> to vector<16xi32>
      %convert_element_type3A_1618 = arith.sitofp %convert_element_type3A_1617 : vector<16xi32> to vector<16xf32>
      %sub3A_1619 = arith.subf %convert_element_type3A_1618, %sub3A_1613 : vector<16xf32>
      %eq3A_1620 = arith.constant 5.000000e-01 : f32
      %eq3A_1621 = vector.broadcast %eq3A_1620 : f32 to vector<16xf32>
      %eq3A_1622 = arith.cmpf oeq, %sub3A_1619, %eq3A_1621 : vector<16xf32>
      %and3A_1623 = arith.constant 1 : i32
      %and3A_1624 = vector.broadcast %and3A_1623 : i32 to vector<16xi32>
      %and3A_1625 = arith.andi %convert_element_type3A_1617, %and3A_1624 : vector<16xi32>
      %eq3A_1626 = arith.constant 1 : i32
      %eq3A_1627 = vector.broadcast %eq3A_1626 : i32 to vector<16xi32>
      %eq3A_1628 = arith.cmpi eq, %and3A_1625, %eq3A_1627 : vector<16xi32>
      %and3A_1629 = arith.andi %eq3A_1622, %eq3A_1628 : vector<16xi1>
      %sub3A_1630 = arith.constant 1 : i32
      %sub3A_1631 = vector.broadcast %sub3A_1630 : i32 to vector<16xi32>
      %sub3A_1632 = arith.subi %convert_element_type3A_1617, %sub3A_1631 : vector<16xi32>
      %select_n3A_1633 = arith.select %and3A_1629, %sub3A_1632, %convert_element_type3A_1617 : vector<16xi1>, vector<16xi32>
      %sub3A_1634 = arith.constant -3.200000e+01 : f32
      %sub3A_1635 = vector.broadcast %sub3A_1634 : f32 to vector<16xf32>
      %sub3A_1636 = arith.subf %get3A_1595, %sub3A_1635 : vector<16xf32>
      %add3A_1637 = arith.constant 5.000000e-01 : f32
      %add3A_1638 = vector.broadcast %add3A_1637 : f32 to vector<16xf32>
      %add3A_1639 = arith.addf %sub3A_1636, %add3A_1638 : vector<16xf32>
      %convert_element_type3A_1640 = arith.fptosi %add3A_1639 : vector<16xf32> to vector<16xi32>
      %convert_element_type3A_1641 = arith.sitofp %convert_element_type3A_1640 : vector<16xi32> to vector<16xf32>
      %sub3A_1642 = arith.subf %convert_element_type3A_1641, %sub3A_1636 : vector<16xf32>
      %eq3A_1643 = arith.constant 5.000000e-01 : f32
      %eq3A_1644 = vector.broadcast %eq3A_1643 : f32 to vector<16xf32>
      %eq3A_1645 = arith.cmpf oeq, %sub3A_1642, %eq3A_1644 : vector<16xf32>
      %and3A_1646 = arith.constant 1 : i32
      %and3A_1647 = vector.broadcast %and3A_1646 : i32 to vector<16xi32>
      %and3A_1648 = arith.andi %convert_element_type3A_1640, %and3A_1647 : vector<16xi32>
      %eq3A_1649 = arith.constant 1 : i32
      %eq3A_1650 = vector.broadcast %eq3A_1649 : i32 to vector<16xi32>
      %eq3A_1651 = arith.cmpi eq, %and3A_1648, %eq3A_1650 : vector<16xi32>
      %and3A_1652 = arith.andi %eq3A_1645, %eq3A_1651 : vector<16xi1>
      %sub3A_1653 = arith.constant 1 : i32
      %sub3A_1654 = vector.broadcast %sub3A_1653 : i32 to vector<16xi32>
      %sub3A_1655 = arith.subi %convert_element_type3A_1640, %sub3A_1654 : vector<16xi32>
      %select_n3A_1656 = arith.select %and3A_1652, %sub3A_1655, %convert_element_type3A_1640 : vector<16xi1>, vector<16xi32>
      %sub3A_1657 = arith.constant -3.200000e+01 : f32
      %sub3A_1658 = vector.broadcast %sub3A_1657 : f32 to vector<16xf32>
      %sub3A_1659 = arith.subf %get3A_1600, %sub3A_1658 : vector<16xf32>
      %add3A_1660 = arith.constant 5.000000e-01 : f32
      %add3A_1661 = vector.broadcast %add3A_1660 : f32 to vector<16xf32>
      %add3A_1662 = arith.addf %sub3A_1659, %add3A_1661 : vector<16xf32>
      %convert_element_type3A_1663 = arith.fptosi %add3A_1662 : vector<16xf32> to vector<16xi32>
      %convert_element_type3A_1664 = arith.sitofp %convert_element_type3A_1663 : vector<16xi32> to vector<16xf32>
      %sub3A_1665 = arith.subf %convert_element_type3A_1664, %sub3A_1659 : vector<16xf32>
      %eq3A_1666 = arith.constant 5.000000e-01 : f32
      %eq3A_1667 = vector.broadcast %eq3A_1666 : f32 to vector<16xf32>
      %eq3A_1668 = arith.cmpf oeq, %sub3A_1665, %eq3A_1667 : vector<16xf32>
      %and3A_1669 = arith.constant 1 : i32
      %and3A_1670 = vector.broadcast %and3A_1669 : i32 to vector<16xi32>
      %and3A_1671 = arith.andi %convert_element_type3A_1663, %and3A_1670 : vector<16xi32>
      %eq3A_1672 = arith.constant 1 : i32
      %eq3A_1673 = vector.broadcast %eq3A_1672 : i32 to vector<16xi32>
      %eq3A_1674 = arith.cmpi eq, %and3A_1671, %eq3A_1673 : vector<16xi32>
      %and3A_1675 = arith.andi %eq3A_1668, %eq3A_1674 : vector<16xi1>
      %sub3A_1676 = arith.constant 1 : i32
      %sub3A_1677 = vector.broadcast %sub3A_1676 : i32 to vector<16xi32>
      %sub3A_1678 = arith.subi %convert_element_type3A_1663, %sub3A_1677 : vector<16xi32>
      %select_n3A_1679 = arith.select %and3A_1675, %sub3A_1678, %convert_element_type3A_1663 : vector<16xi1>, vector<16xi32>
      %sub3A_1680 = arith.constant -5.000000e-01 : f32
      %sub3A_1681 = vector.broadcast %sub3A_1680 : f32 to vector<16xf32>
      %sub3A_1682 = arith.subf %get3A_1605, %sub3A_1681 : vector<16xf32>
      %add3A_1683 = arith.constant 5.000000e-01 : f32
      %add3A_1684 = vector.broadcast %add3A_1683 : f32 to vector<16xf32>
      %add3A_1685 = arith.addf %sub3A_1682, %add3A_1684 : vector<16xf32>
      %convert_element_type3A_1686 = arith.fptosi %add3A_1685 : vector<16xf32> to vector<16xi32>
      %convert_element_type3A_1687 = arith.sitofp %convert_element_type3A_1686 : vector<16xi32> to vector<16xf32>
      %sub3A_1688 = arith.subf %convert_element_type3A_1687, %sub3A_1682 : vector<16xf32>
      %eq3A_1689 = arith.constant 5.000000e-01 : f32
      %eq3A_1690 = vector.broadcast %eq3A_1689 : f32 to vector<16xf32>
      %eq3A_1691 = arith.cmpf oeq, %sub3A_1688, %eq3A_1690 : vector<16xf32>
      %and3A_1692 = arith.constant 1 : i32
      %and3A_1693 = vector.broadcast %and3A_1692 : i32 to vector<16xi32>
      %and3A_1694 = arith.andi %convert_element_type3A_1686, %and3A_1693 : vector<16xi32>
      %eq3A_1695 = arith.constant 1 : i32
      %eq3A_1696 = vector.broadcast %eq3A_1695 : i32 to vector<16xi32>
      %eq3A_1697 = arith.cmpi eq, %and3A_1694, %eq3A_1696 : vector<16xi32>
      %and3A_1698 = arith.andi %eq3A_1691, %eq3A_1697 : vector<16xi1>
      %sub3A_1699 = arith.constant 1 : i32
      %sub3A_1700 = vector.broadcast %sub3A_1699 : i32 to vector<16xi32>
      %sub3A_1701 = arith.subi %convert_element_type3A_1686, %sub3A_1700 : vector<16xi32>
      %select_n3A_1702 = arith.select %and3A_1698, %sub3A_1701, %convert_element_type3A_1686 : vector<16xi1>, vector<16xi32>
      %sub3A_1703 = arith.constant -5.000000e-01 : f32
      %sub3A_1704 = vector.broadcast %sub3A_1703 : f32 to vector<16xf32>
      %sub3A_1705 = arith.subf %get3A_1610, %sub3A_1704 : vector<16xf32>
      %add3A_1706 = arith.constant 5.000000e-01 : f32
      %add3A_1707 = vector.broadcast %add3A_1706 : f32 to vector<16xf32>
      %add3A_1708 = arith.addf %sub3A_1705, %add3A_1707 : vector<16xf32>
      %convert_element_type3A_1709 = arith.fptosi %add3A_1708 : vector<16xf32> to vector<16xi32>
      %convert_element_type3A_1710 = arith.sitofp %convert_element_type3A_1709 : vector<16xi32> to vector<16xf32>
      %sub3A_1711 = arith.subf %convert_element_type3A_1710, %sub3A_1705 : vector<16xf32>
      %eq3A_1712 = arith.constant 5.000000e-01 : f32
      %eq3A_1713 = vector.broadcast %eq3A_1712 : f32 to vector<16xf32>
      %eq3A_1714 = arith.cmpf oeq, %sub3A_1711, %eq3A_1713 : vector<16xf32>
      %and3A_1715 = arith.constant 1 : i32
      %and3A_1716 = vector.broadcast %and3A_1715 : i32 to vector<16xi32>
      %and3A_1717 = arith.andi %convert_element_type3A_1709, %and3A_1716 : vector<16xi32>
      %eq3A_1718 = arith.constant 1 : i32
      %eq3A_1719 = vector.broadcast %eq3A_1718 : i32 to vector<16xi32>
      %eq3A_1720 = arith.cmpi eq, %and3A_1717, %eq3A_1719 : vector<16xi32>
      %and3A_1721 = arith.andi %eq3A_1714, %eq3A_1720 : vector<16xi1>
      %sub3A_1722 = arith.constant 1 : i32
      %sub3A_1723 = vector.broadcast %sub3A_1722 : i32 to vector<16xi32>
      %sub3A_1724 = arith.subi %convert_element_type3A_1709, %sub3A_1723 : vector<16xi32>
      %select_n3A_1725 = arith.select %and3A_1721, %sub3A_1724, %convert_element_type3A_1709 : vector<16xi1>, vector<16xi32>
      %slice3A_1726 = vector.extract_strided_slice %select_n3A_1633 {offsets = [0], sizes = [1], strides = [1]} : vector<16xi32> to vector<1xi32>
      %squeeze3A_1727 = vector.extract %slice3A_1726[0] : i32 from vector<1xi32>
      %eq3A_1728 = vector.broadcast %squeeze3A_1727 : i32 to vector<16xi32>
      %eq3A_1729 = arith.cmpi eq, %select_n3A_88, %eq3A_1728 : vector<16xi32>
      %slice3A_1730 = vector.extract_strided_slice %select_n3A_1656 {offsets = [0], sizes = [1], strides = [1]} : vector<16xi32> to vector<1xi32>
      %squeeze3A_1731 = vector.extract %slice3A_1730[0] : i32 from vector<1xi32>
      %eq3A_1732 = vector.broadcast %squeeze3A_1731 : i32 to vector<16xi32>
      %eq3A_1733 = arith.cmpi eq, %select_n3A_111, %eq3A_1732 : vector<16xi32>
      %and3A_1734 = arith.andi %eq3A_1729, %eq3A_1733 : vector<16xi1>
      %slice3A_1735 = vector.extract_strided_slice %select_n3A_1679 {offsets = [0], sizes = [1], strides = [1]} : vector<16xi32> to vector<1xi32>
      %squeeze3A_1736 = vector.extract %slice3A_1735[0] : i32 from vector<1xi32>
      %eq3A_1737 = vector.broadcast %squeeze3A_1736 : i32 to vector<16xi32>
      %eq3A_1738 = arith.cmpi eq, %select_n3A_134, %eq3A_1737 : vector<16xi32>
      %and3A_1739 = arith.andi %and3A_1734, %eq3A_1738 : vector<16xi1>
      %slice3A_1740 = vector.extract_strided_slice %select_n3A_1702 {offsets = [0], sizes = [1], strides = [1]} : vector<16xi32> to vector<1xi32>
      %squeeze3A_1741 = vector.extract %slice3A_1740[0] : i32 from vector<1xi32>
      %eq3A_1742 = vector.broadcast %squeeze3A_1741 : i32 to vector<16xi32>
      %eq3A_1743 = arith.cmpi eq, %select_n3A_157, %eq3A_1742 : vector<16xi32>
      %and3A_1744 = arith.andi %and3A_1739, %eq3A_1743 : vector<16xi1>
      %slice3A_1745 = vector.extract_strided_slice %select_n3A_1725 {offsets = [0], sizes = [1], strides = [1]} : vector<16xi32> to vector<1xi32>
      %squeeze3A_1746 = vector.extract %slice3A_1745[0] : i32 from vector<1xi32>
      %eq3A_1747 = vector.broadcast %squeeze3A_1746 : i32 to vector<16xi32>
      %eq3A_1748 = arith.cmpi eq, %select_n3A_180, %eq3A_1747 : vector<16xi32>
      %and3A_1749 = arith.andi %and3A_1744, %eq3A_1748 : vector<16xi1>
      %jit3A_1750 = arith.constant 1.000000e+00 : f32
      %jit3A_1751 = arith.constant 0.000000e+00 : f32
      %broadcast_in_dim3A_1752 = vector.broadcast %jit3A_1750 : f32 to vector<16xf32>
      %broadcast_in_dim3A_1753 = vector.broadcast %jit3A_1751 : f32 to vector<16xf32>
      %select_n3A_1754 = arith.select %and3A_1749, %broadcast_in_dim3A_1752, %broadcast_in_dim3A_1753 : vector<16xi1>, vector<16xf32>
      %add3A_1755 = arith.addf %add3A_1531, %select_n3A_1754 : vector<16xf32>
      %slice3A_1756 = vector.extract_strided_slice %get3A_1590 {offsets = [0], sizes = [1], strides = [1]} : vector<16xf32> to vector<1xf32>
      %squeeze3A_1757 = vector.extract %slice3A_1756[0] : f32 from vector<1xf32>
      %sub3A_1758 = vector.broadcast %squeeze3A_1757 : f32 to vector<16xf32>
      %sub3A_1759 = arith.subf %add3A_184, %sub3A_1758 : vector<16xf32>
      %mul3A_1760 = arith.mulf %sub3A_1759, %sub3A_1759 : vector<16xf32>
      %slice3A_1761 = vector.extract_strided_slice %get3A_1595 {offsets = [0], sizes = [1], strides = [1]} : vector<16xf32> to vector<1xf32>
      %squeeze3A_1762 = vector.extract %slice3A_1761[0] : f32 from vector<1xf32>
      %sub3A_1763 = vector.broadcast %squeeze3A_1762 : f32 to vector<16xf32>
      %sub3A_1764 = arith.subf %add3A_188, %sub3A_1763 : vector<16xf32>
      %mul3A_1765 = arith.mulf %sub3A_1764, %sub3A_1764 : vector<16xf32>
      %add3A_1766 = arith.addf %mul3A_1760, %mul3A_1765 : vector<16xf32>
      %slice3A_1767 = vector.extract_strided_slice %get3A_1600 {offsets = [0], sizes = [1], strides = [1]} : vector<16xf32> to vector<1xf32>
      %squeeze3A_1768 = vector.extract %slice3A_1767[0] : f32 from vector<1xf32>
      %sub3A_1769 = vector.broadcast %squeeze3A_1768 : f32 to vector<16xf32>
      %sub3A_1770 = arith.subf %add3A_192, %sub3A_1769 : vector<16xf32>
      %mul3A_1771 = arith.mulf %sub3A_1770, %sub3A_1770 : vector<16xf32>
      %add3A_1772 = arith.addf %add3A_1766, %mul3A_1771 : vector<16xf32>
      %mul3A_1773 = arith.constant 2.500000e-01 : f32
      %mul3A_1774 = vector.broadcast %mul3A_1773 : f32 to vector<16xf32>
      %mul3A_1775 = arith.mulf %mul3A_1774, %add3A_196 : vector<16xf32>
      %slice3A_1776 = vector.extract_strided_slice %get3A_1605 {offsets = [0], sizes = [1], strides = [1]} : vector<16xf32> to vector<1xf32>
      %squeeze3A_1777 = vector.extract %slice3A_1776[0] : f32 from vector<1xf32>
      %mul3A_1778 = vector.broadcast %squeeze3A_1777 : f32 to vector<16xf32>
      %mul3A_1779 = arith.mulf %mul3A_1775, %mul3A_1778 : vector<16xf32>
      %add3A_1780 = arith.constant 1.000000e+00 : f32
      %add3A_1781 = vector.broadcast %add3A_1780 : f32 to vector<16xf32>
      %add3A_1782 = arith.addf %add3A_1781, %mul3A_1779 : vector<16xf32>
      %mul3A_1783 = arith.constant 2.500000e-01 : f32
      %mul3A_1784 = vector.broadcast %mul3A_1783 : f32 to vector<16xf32>
      %mul3A_1785 = arith.mulf %mul3A_1784, %add3A_200 : vector<16xf32>
      %slice3A_1786 = vector.extract_strided_slice %get3A_1610 {offsets = [0], sizes = [1], strides = [1]} : vector<16xf32> to vector<1xf32>
      %squeeze3A_1787 = vector.extract %slice3A_1786[0] : f32 from vector<1xf32>
      %mul3A_1788 = vector.broadcast %squeeze3A_1787 : f32 to vector<16xf32>
      %mul3A_1789 = arith.mulf %mul3A_1785, %mul3A_1788 : vector<16xf32>
      %add3A_1790 = arith.addf %add3A_1782, %mul3A_1789 : vector<16xf32>
      %mul3A_1791 = arith.constant -5.000000e+01 : f32
      %mul3A_1792 = vector.broadcast %mul3A_1791 : f32 to vector<16xf32>
      %mul3A_1793 = arith.mulf %mul3A_1792, %add3A_1790 : vector<16xf32>
      %neg3A_1794 = arith.constant 0.000000e+00 : f32
      %neg3A_1795 = vector.broadcast %neg3A_1794 : f32 to vector<16xf32>
      %neg3A_1796 = arith.subf %neg3A_1795, %add3A_1772 : vector<16xf32>
      %div3A_1797 = arith.constant 4.000000e+00 : f32
      %div3A_1798 = vector.broadcast %div3A_1797 : f32 to vector<16xf32>
      %div3A_1799 = arith.divf %neg3A_1796, %div3A_1798 : vector<16xf32>
      %exp3A_1800 = math.exp %div3A_1799 : vector<16xf32>
      %mul3A_1801 = arith.mulf %mul3A_1793, %exp3A_1800 : vector<16xf32>
      %add3A_1802 = arith.addf %add3A_1578, %mul3A_1801 : vector<16xf32>
      %slice3A_1803 = vector.extract_strided_slice %select_n3A_1633 {offsets = [1], sizes = [1], strides = [1]} : vector<16xi32> to vector<1xi32>
      %squeeze3A_1804 = vector.extract %slice3A_1803[0] : i32 from vector<1xi32>
      %eq3A_1805 = vector.broadcast %squeeze3A_1804 : i32 to vector<16xi32>
      %eq3A_1806 = arith.cmpi eq, %select_n3A_88, %eq3A_1805 : vector<16xi32>
      %slice3A_1807 = vector.extract_strided_slice %select_n3A_1656 {offsets = [1], sizes = [1], strides = [1]} : vector<16xi32> to vector<1xi32>
      %squeeze3A_1808 = vector.extract %slice3A_1807[0] : i32 from vector<1xi32>
      %eq3A_1809 = vector.broadcast %squeeze3A_1808 : i32 to vector<16xi32>
      %eq3A_1810 = arith.cmpi eq, %select_n3A_111, %eq3A_1809 : vector<16xi32>
      %and3A_1811 = arith.andi %eq3A_1806, %eq3A_1810 : vector<16xi1>
      %slice3A_1812 = vector.extract_strided_slice %select_n3A_1679 {offsets = [1], sizes = [1], strides = [1]} : vector<16xi32> to vector<1xi32>
      %squeeze3A_1813 = vector.extract %slice3A_1812[0] : i32 from vector<1xi32>
      %eq3A_1814 = vector.broadcast %squeeze3A_1813 : i32 to vector<16xi32>
      %eq3A_1815 = arith.cmpi eq, %select_n3A_134, %eq3A_1814 : vector<16xi32>
      %and3A_1816 = arith.andi %and3A_1811, %eq3A_1815 : vector<16xi1>
      %slice3A_1817 = vector.extract_strided_slice %select_n3A_1702 {offsets = [1], sizes = [1], strides = [1]} : vector<16xi32> to vector<1xi32>
      %squeeze3A_1818 = vector.extract %slice3A_1817[0] : i32 from vector<1xi32>
      %eq3A_1819 = vector.broadcast %squeeze3A_1818 : i32 to vector<16xi32>
      %eq3A_1820 = arith.cmpi eq, %select_n3A_157, %eq3A_1819 : vector<16xi32>
      %and3A_1821 = arith.andi %and3A_1816, %eq3A_1820 : vector<16xi1>
      %slice3A_1822 = vector.extract_strided_slice %select_n3A_1725 {offsets = [1], sizes = [1], strides = [1]} : vector<16xi32> to vector<1xi32>
      %squeeze3A_1823 = vector.extract %slice3A_1822[0] : i32 from vector<1xi32>
      %eq3A_1824 = vector.broadcast %squeeze3A_1823 : i32 to vector<16xi32>
      %eq3A_1825 = arith.cmpi eq, %select_n3A_180, %eq3A_1824 : vector<16xi32>
      %and3A_1826 = arith.andi %and3A_1821, %eq3A_1825 : vector<16xi1>
      %jit3A_1827 = arith.constant 1.000000e+00 : f32
      %jit3A_1828 = arith.constant 0.000000e+00 : f32
      %broadcast_in_dim3A_1829 = vector.broadcast %jit3A_1827 : f32 to vector<16xf32>
      %broadcast_in_dim3A_1830 = vector.broadcast %jit3A_1828 : f32 to vector<16xf32>
      %select_n3A_1831 = arith.select %and3A_1826, %broadcast_in_dim3A_1829, %broadcast_in_dim3A_1830 : vector<16xi1>, vector<16xf32>
      %add3A_1832 = arith.addf %add3A_1755, %select_n3A_1831 : vector<16xf32>
      %slice3A_1833 = vector.extract_strided_slice %get3A_1590 {offsets = [1], sizes = [1], strides = [1]} : vector<16xf32> to vector<1xf32>
      %squeeze3A_1834 = vector.extract %slice3A_1833[0] : f32 from vector<1xf32>
      %sub3A_1835 = vector.broadcast %squeeze3A_1834 : f32 to vector<16xf32>
      %sub3A_1836 = arith.subf %add3A_184, %sub3A_1835 : vector<16xf32>
      %mul3A_1837 = arith.mulf %sub3A_1836, %sub3A_1836 : vector<16xf32>
      %slice3A_1838 = vector.extract_strided_slice %get3A_1595 {offsets = [1], sizes = [1], strides = [1]} : vector<16xf32> to vector<1xf32>
      %squeeze3A_1839 = vector.extract %slice3A_1838[0] : f32 from vector<1xf32>
      %sub3A_1840 = vector.broadcast %squeeze3A_1839 : f32 to vector<16xf32>
      %sub3A_1841 = arith.subf %add3A_188, %sub3A_1840 : vector<16xf32>
      %mul3A_1842 = arith.mulf %sub3A_1841, %sub3A_1841 : vector<16xf32>
      %add3A_1843 = arith.addf %mul3A_1837, %mul3A_1842 : vector<16xf32>
      %slice3A_1844 = vector.extract_strided_slice %get3A_1600 {offsets = [1], sizes = [1], strides = [1]} : vector<16xf32> to vector<1xf32>
      %squeeze3A_1845 = vector.extract %slice3A_1844[0] : f32 from vector<1xf32>
      %sub3A_1846 = vector.broadcast %squeeze3A_1845 : f32 to vector<16xf32>
      %sub3A_1847 = arith.subf %add3A_192, %sub3A_1846 : vector<16xf32>
      %mul3A_1848 = arith.mulf %sub3A_1847, %sub3A_1847 : vector<16xf32>
      %add3A_1849 = arith.addf %add3A_1843, %mul3A_1848 : vector<16xf32>
      %mul3A_1850 = arith.constant 2.500000e-01 : f32
      %mul3A_1851 = vector.broadcast %mul3A_1850 : f32 to vector<16xf32>
      %mul3A_1852 = arith.mulf %mul3A_1851, %add3A_196 : vector<16xf32>
      %slice3A_1853 = vector.extract_strided_slice %get3A_1605 {offsets = [1], sizes = [1], strides = [1]} : vector<16xf32> to vector<1xf32>
      %squeeze3A_1854 = vector.extract %slice3A_1853[0] : f32 from vector<1xf32>
      %mul3A_1855 = vector.broadcast %squeeze3A_1854 : f32 to vector<16xf32>
      %mul3A_1856 = arith.mulf %mul3A_1852, %mul3A_1855 : vector<16xf32>
      %add3A_1857 = arith.constant 1.000000e+00 : f32
      %add3A_1858 = vector.broadcast %add3A_1857 : f32 to vector<16xf32>
      %add3A_1859 = arith.addf %add3A_1858, %mul3A_1856 : vector<16xf32>
      %mul3A_1860 = arith.constant 2.500000e-01 : f32
      %mul3A_1861 = vector.broadcast %mul3A_1860 : f32 to vector<16xf32>
      %mul3A_1862 = arith.mulf %mul3A_1861, %add3A_200 : vector<16xf32>
      %slice3A_1863 = vector.extract_strided_slice %get3A_1610 {offsets = [1], sizes = [1], strides = [1]} : vector<16xf32> to vector<1xf32>
      %squeeze3A_1864 = vector.extract %slice3A_1863[0] : f32 from vector<1xf32>
      %mul3A_1865 = vector.broadcast %squeeze3A_1864 : f32 to vector<16xf32>
      %mul3A_1866 = arith.mulf %mul3A_1862, %mul3A_1865 : vector<16xf32>
      %add3A_1867 = arith.addf %add3A_1859, %mul3A_1866 : vector<16xf32>
      %mul3A_1868 = arith.constant -5.000000e+01 : f32
      %mul3A_1869 = vector.broadcast %mul3A_1868 : f32 to vector<16xf32>
      %mul3A_1870 = arith.mulf %mul3A_1869, %add3A_1867 : vector<16xf32>
      %neg3A_1871 = arith.constant 0.000000e+00 : f32
      %neg3A_1872 = vector.broadcast %neg3A_1871 : f32 to vector<16xf32>
      %neg3A_1873 = arith.subf %neg3A_1872, %add3A_1849 : vector<16xf32>
      %div3A_1874 = arith.constant 4.000000e+00 : f32
      %div3A_1875 = vector.broadcast %div3A_1874 : f32 to vector<16xf32>
      %div3A_1876 = arith.divf %neg3A_1873, %div3A_1875 : vector<16xf32>
      %exp3A_1877 = math.exp %div3A_1876 : vector<16xf32>
      %mul3A_1878 = arith.mulf %mul3A_1870, %exp3A_1877 : vector<16xf32>
      %add3A_1879 = arith.addf %add3A_1802, %mul3A_1878 : vector<16xf32>
      %slice3A_1880 = vector.extract_strided_slice %select_n3A_1633 {offsets = [2], sizes = [1], strides = [1]} : vector<16xi32> to vector<1xi32>
      %squeeze3A_1881 = vector.extract %slice3A_1880[0] : i32 from vector<1xi32>
      %eq3A_1882 = vector.broadcast %squeeze3A_1881 : i32 to vector<16xi32>
      %eq3A_1883 = arith.cmpi eq, %select_n3A_88, %eq3A_1882 : vector<16xi32>
      %slice3A_1884 = vector.extract_strided_slice %select_n3A_1656 {offsets = [2], sizes = [1], strides = [1]} : vector<16xi32> to vector<1xi32>
      %squeeze3A_1885 = vector.extract %slice3A_1884[0] : i32 from vector<1xi32>
      %eq3A_1886 = vector.broadcast %squeeze3A_1885 : i32 to vector<16xi32>
      %eq3A_1887 = arith.cmpi eq, %select_n3A_111, %eq3A_1886 : vector<16xi32>
      %and3A_1888 = arith.andi %eq3A_1883, %eq3A_1887 : vector<16xi1>
      %slice3A_1889 = vector.extract_strided_slice %select_n3A_1679 {offsets = [2], sizes = [1], strides = [1]} : vector<16xi32> to vector<1xi32>
      %squeeze3A_1890 = vector.extract %slice3A_1889[0] : i32 from vector<1xi32>
      %eq3A_1891 = vector.broadcast %squeeze3A_1890 : i32 to vector<16xi32>
      %eq3A_1892 = arith.cmpi eq, %select_n3A_134, %eq3A_1891 : vector<16xi32>
      %and3A_1893 = arith.andi %and3A_1888, %eq3A_1892 : vector<16xi1>
      %slice3A_1894 = vector.extract_strided_slice %select_n3A_1702 {offsets = [2], sizes = [1], strides = [1]} : vector<16xi32> to vector<1xi32>
      %squeeze3A_1895 = vector.extract %slice3A_1894[0] : i32 from vector<1xi32>
      %eq3A_1896 = vector.broadcast %squeeze3A_1895 : i32 to vector<16xi32>
      %eq3A_1897 = arith.cmpi eq, %select_n3A_157, %eq3A_1896 : vector<16xi32>
      %and3A_1898 = arith.andi %and3A_1893, %eq3A_1897 : vector<16xi1>
      %slice3A_1899 = vector.extract_strided_slice %select_n3A_1725 {offsets = [2], sizes = [1], strides = [1]} : vector<16xi32> to vector<1xi32>
      %squeeze3A_1900 = vector.extract %slice3A_1899[0] : i32 from vector<1xi32>
      %eq3A_1901 = vector.broadcast %squeeze3A_1900 : i32 to vector<16xi32>
      %eq3A_1902 = arith.cmpi eq, %select_n3A_180, %eq3A_1901 : vector<16xi32>
      %and3A_1903 = arith.andi %and3A_1898, %eq3A_1902 : vector<16xi1>
      %jit3A_1904 = arith.constant 1.000000e+00 : f32
      %jit3A_1905 = arith.constant 0.000000e+00 : f32
      %broadcast_in_dim3A_1906 = vector.broadcast %jit3A_1904 : f32 to vector<16xf32>
      %broadcast_in_dim3A_1907 = vector.broadcast %jit3A_1905 : f32 to vector<16xf32>
      %select_n3A_1908 = arith.select %and3A_1903, %broadcast_in_dim3A_1906, %broadcast_in_dim3A_1907 : vector<16xi1>, vector<16xf32>
      %add3A_1909 = arith.addf %add3A_1832, %select_n3A_1908 : vector<16xf32>
      %slice3A_1910 = vector.extract_strided_slice %get3A_1590 {offsets = [2], sizes = [1], strides = [1]} : vector<16xf32> to vector<1xf32>
      %squeeze3A_1911 = vector.extract %slice3A_1910[0] : f32 from vector<1xf32>
      %sub3A_1912 = vector.broadcast %squeeze3A_1911 : f32 to vector<16xf32>
      %sub3A_1913 = arith.subf %add3A_184, %sub3A_1912 : vector<16xf32>
      %mul3A_1914 = arith.mulf %sub3A_1913, %sub3A_1913 : vector<16xf32>
      %slice3A_1915 = vector.extract_strided_slice %get3A_1595 {offsets = [2], sizes = [1], strides = [1]} : vector<16xf32> to vector<1xf32>
      %squeeze3A_1916 = vector.extract %slice3A_1915[0] : f32 from vector<1xf32>
      %sub3A_1917 = vector.broadcast %squeeze3A_1916 : f32 to vector<16xf32>
      %sub3A_1918 = arith.subf %add3A_188, %sub3A_1917 : vector<16xf32>
      %mul3A_1919 = arith.mulf %sub3A_1918, %sub3A_1918 : vector<16xf32>
      %add3A_1920 = arith.addf %mul3A_1914, %mul3A_1919 : vector<16xf32>
      %slice3A_1921 = vector.extract_strided_slice %get3A_1600 {offsets = [2], sizes = [1], strides = [1]} : vector<16xf32> to vector<1xf32>
      %squeeze3A_1922 = vector.extract %slice3A_1921[0] : f32 from vector<1xf32>
      %sub3A_1923 = vector.broadcast %squeeze3A_1922 : f32 to vector<16xf32>
      %sub3A_1924 = arith.subf %add3A_192, %sub3A_1923 : vector<16xf32>
      %mul3A_1925 = arith.mulf %sub3A_1924, %sub3A_1924 : vector<16xf32>
      %add3A_1926 = arith.addf %add3A_1920, %mul3A_1925 : vector<16xf32>
      %mul3A_1927 = arith.constant 2.500000e-01 : f32
      %mul3A_1928 = vector.broadcast %mul3A_1927 : f32 to vector<16xf32>
      %mul3A_1929 = arith.mulf %mul3A_1928, %add3A_196 : vector<16xf32>
      %slice3A_1930 = vector.extract_strided_slice %get3A_1605 {offsets = [2], sizes = [1], strides = [1]} : vector<16xf32> to vector<1xf32>
      %squeeze3A_1931 = vector.extract %slice3A_1930[0] : f32 from vector<1xf32>
      %mul3A_1932 = vector.broadcast %squeeze3A_1931 : f32 to vector<16xf32>
      %mul3A_1933 = arith.mulf %mul3A_1929, %mul3A_1932 : vector<16xf32>
      %add3A_1934 = arith.constant 1.000000e+00 : f32
      %add3A_1935 = vector.broadcast %add3A_1934 : f32 to vector<16xf32>
      %add3A_1936 = arith.addf %add3A_1935, %mul3A_1933 : vector<16xf32>
      %mul3A_1937 = arith.constant 2.500000e-01 : f32
      %mul3A_1938 = vector.broadcast %mul3A_1937 : f32 to vector<16xf32>
      %mul3A_1939 = arith.mulf %mul3A_1938, %add3A_200 : vector<16xf32>
      %slice3A_1940 = vector.extract_strided_slice %get3A_1610 {offsets = [2], sizes = [1], strides = [1]} : vector<16xf32> to vector<1xf32>
      %squeeze3A_1941 = vector.extract %slice3A_1940[0] : f32 from vector<1xf32>
      %mul3A_1942 = vector.broadcast %squeeze3A_1941 : f32 to vector<16xf32>
      %mul3A_1943 = arith.mulf %mul3A_1939, %mul3A_1942 : vector<16xf32>
      %add3A_1944 = arith.addf %add3A_1936, %mul3A_1943 : vector<16xf32>
      %mul3A_1945 = arith.constant -5.000000e+01 : f32
      %mul3A_1946 = vector.broadcast %mul3A_1945 : f32 to vector<16xf32>
      %mul3A_1947 = arith.mulf %mul3A_1946, %add3A_1944 : vector<16xf32>
      %neg3A_1948 = arith.constant 0.000000e+00 : f32
      %neg3A_1949 = vector.broadcast %neg3A_1948 : f32 to vector<16xf32>
      %neg3A_1950 = arith.subf %neg3A_1949, %add3A_1926 : vector<16xf32>
      %div3A_1951 = arith.constant 4.000000e+00 : f32
      %div3A_1952 = vector.broadcast %div3A_1951 : f32 to vector<16xf32>
      %div3A_1953 = arith.divf %neg3A_1950, %div3A_1952 : vector<16xf32>
      %exp3A_1954 = math.exp %div3A_1953 : vector<16xf32>
      %mul3A_1955 = arith.mulf %mul3A_1947, %exp3A_1954 : vector<16xf32>
      %add3A_1956 = arith.addf %add3A_1879, %mul3A_1955 : vector<16xf32>
      %slice3A_1957 = vector.extract_strided_slice %select_n3A_1633 {offsets = [3], sizes = [1], strides = [1]} : vector<16xi32> to vector<1xi32>
      %squeeze3A_1958 = vector.extract %slice3A_1957[0] : i32 from vector<1xi32>
      %eq3A_1959 = vector.broadcast %squeeze3A_1958 : i32 to vector<16xi32>
      %eq3A_1960 = arith.cmpi eq, %select_n3A_88, %eq3A_1959 : vector<16xi32>
      %slice3A_1961 = vector.extract_strided_slice %select_n3A_1656 {offsets = [3], sizes = [1], strides = [1]} : vector<16xi32> to vector<1xi32>
      %squeeze3A_1962 = vector.extract %slice3A_1961[0] : i32 from vector<1xi32>
      %eq3A_1963 = vector.broadcast %squeeze3A_1962 : i32 to vector<16xi32>
      %eq3A_1964 = arith.cmpi eq, %select_n3A_111, %eq3A_1963 : vector<16xi32>
      %and3A_1965 = arith.andi %eq3A_1960, %eq3A_1964 : vector<16xi1>
      %slice3A_1966 = vector.extract_strided_slice %select_n3A_1679 {offsets = [3], sizes = [1], strides = [1]} : vector<16xi32> to vector<1xi32>
      %squeeze3A_1967 = vector.extract %slice3A_1966[0] : i32 from vector<1xi32>
      %eq3A_1968 = vector.broadcast %squeeze3A_1967 : i32 to vector<16xi32>
      %eq3A_1969 = arith.cmpi eq, %select_n3A_134, %eq3A_1968 : vector<16xi32>
      %and3A_1970 = arith.andi %and3A_1965, %eq3A_1969 : vector<16xi1>
      %slice3A_1971 = vector.extract_strided_slice %select_n3A_1702 {offsets = [3], sizes = [1], strides = [1]} : vector<16xi32> to vector<1xi32>
      %squeeze3A_1972 = vector.extract %slice3A_1971[0] : i32 from vector<1xi32>
      %eq3A_1973 = vector.broadcast %squeeze3A_1972 : i32 to vector<16xi32>
      %eq3A_1974 = arith.cmpi eq, %select_n3A_157, %eq3A_1973 : vector<16xi32>
      %and3A_1975 = arith.andi %and3A_1970, %eq3A_1974 : vector<16xi1>
      %slice3A_1976 = vector.extract_strided_slice %select_n3A_1725 {offsets = [3], sizes = [1], strides = [1]} : vector<16xi32> to vector<1xi32>
      %squeeze3A_1977 = vector.extract %slice3A_1976[0] : i32 from vector<1xi32>
      %eq3A_1978 = vector.broadcast %squeeze3A_1977 : i32 to vector<16xi32>
      %eq3A_1979 = arith.cmpi eq, %select_n3A_180, %eq3A_1978 : vector<16xi32>
      %and3A_1980 = arith.andi %and3A_1975, %eq3A_1979 : vector<16xi1>
      %jit3A_1981 = arith.constant 1.000000e+00 : f32
      %jit3A_1982 = arith.constant 0.000000e+00 : f32
      %broadcast_in_dim3A_1983 = vector.broadcast %jit3A_1981 : f32 to vector<16xf32>
      %broadcast_in_dim3A_1984 = vector.broadcast %jit3A_1982 : f32 to vector<16xf32>
      %select_n3A_1985 = arith.select %and3A_1980, %broadcast_in_dim3A_1983, %broadcast_in_dim3A_1984 : vector<16xi1>, vector<16xf32>
      %add3A_1986 = arith.addf %add3A_1909, %select_n3A_1985 : vector<16xf32>
      %slice3A_1987 = vector.extract_strided_slice %get3A_1590 {offsets = [3], sizes = [1], strides = [1]} : vector<16xf32> to vector<1xf32>
      %squeeze3A_1988 = vector.extract %slice3A_1987[0] : f32 from vector<1xf32>
      %sub3A_1989 = vector.broadcast %squeeze3A_1988 : f32 to vector<16xf32>
      %sub3A_1990 = arith.subf %add3A_184, %sub3A_1989 : vector<16xf32>
      %mul3A_1991 = arith.mulf %sub3A_1990, %sub3A_1990 : vector<16xf32>
      %slice3A_1992 = vector.extract_strided_slice %get3A_1595 {offsets = [3], sizes = [1], strides = [1]} : vector<16xf32> to vector<1xf32>
      %squeeze3A_1993 = vector.extract %slice3A_1992[0] : f32 from vector<1xf32>
      %sub3A_1994 = vector.broadcast %squeeze3A_1993 : f32 to vector<16xf32>
      %sub3A_1995 = arith.subf %add3A_188, %sub3A_1994 : vector<16xf32>
      %mul3A_1996 = arith.mulf %sub3A_1995, %sub3A_1995 : vector<16xf32>
      %add3A_1997 = arith.addf %mul3A_1991, %mul3A_1996 : vector<16xf32>
      %slice3A_1998 = vector.extract_strided_slice %get3A_1600 {offsets = [3], sizes = [1], strides = [1]} : vector<16xf32> to vector<1xf32>
      %squeeze3A_1999 = vector.extract %slice3A_1998[0] : f32 from vector<1xf32>
      %sub3A_2000 = vector.broadcast %squeeze3A_1999 : f32 to vector<16xf32>
      %sub3A_2001 = arith.subf %add3A_192, %sub3A_2000 : vector<16xf32>
      %mul3A_2002 = arith.mulf %sub3A_2001, %sub3A_2001 : vector<16xf32>
      %add3A_2003 = arith.addf %add3A_1997, %mul3A_2002 : vector<16xf32>
      %mul3A_2004 = arith.constant 2.500000e-01 : f32
      %mul3A_2005 = vector.broadcast %mul3A_2004 : f32 to vector<16xf32>
      %mul3A_2006 = arith.mulf %mul3A_2005, %add3A_196 : vector<16xf32>
      %slice3A_2007 = vector.extract_strided_slice %get3A_1605 {offsets = [3], sizes = [1], strides = [1]} : vector<16xf32> to vector<1xf32>
      %squeeze3A_2008 = vector.extract %slice3A_2007[0] : f32 from vector<1xf32>
      %mul3A_2009 = vector.broadcast %squeeze3A_2008 : f32 to vector<16xf32>
      %mul3A_2010 = arith.mulf %mul3A_2006, %mul3A_2009 : vector<16xf32>
      %add3A_2011 = arith.constant 1.000000e+00 : f32
      %add3A_2012 = vector.broadcast %add3A_2011 : f32 to vector<16xf32>
      %add3A_2013 = arith.addf %add3A_2012, %mul3A_2010 : vector<16xf32>
      %mul3A_2014 = arith.constant 2.500000e-01 : f32
      %mul3A_2015 = vector.broadcast %mul3A_2014 : f32 to vector<16xf32>
      %mul3A_2016 = arith.mulf %mul3A_2015, %add3A_200 : vector<16xf32>
      %slice3A_2017 = vector.extract_strided_slice %get3A_1610 {offsets = [3], sizes = [1], strides = [1]} : vector<16xf32> to vector<1xf32>
      %squeeze3A_2018 = vector.extract %slice3A_2017[0] : f32 from vector<1xf32>
      %mul3A_2019 = vector.broadcast %squeeze3A_2018 : f32 to vector<16xf32>
      %mul3A_2020 = arith.mulf %mul3A_2016, %mul3A_2019 : vector<16xf32>
      %add3A_2021 = arith.addf %add3A_2013, %mul3A_2020 : vector<16xf32>
      %mul3A_2022 = arith.constant -5.000000e+01 : f32
      %mul3A_2023 = vector.broadcast %mul3A_2022 : f32 to vector<16xf32>
      %mul3A_2024 = arith.mulf %mul3A_2023, %add3A_2021 : vector<16xf32>
      %neg3A_2025 = arith.constant 0.000000e+00 : f32
      %neg3A_2026 = vector.broadcast %neg3A_2025 : f32 to vector<16xf32>
      %neg3A_2027 = arith.subf %neg3A_2026, %add3A_2003 : vector<16xf32>
      %div3A_2028 = arith.constant 4.000000e+00 : f32
      %div3A_2029 = vector.broadcast %div3A_2028 : f32 to vector<16xf32>
      %div3A_2030 = arith.divf %neg3A_2027, %div3A_2029 : vector<16xf32>
      %exp3A_2031 = math.exp %div3A_2030 : vector<16xf32>
      %mul3A_2032 = arith.mulf %mul3A_2024, %exp3A_2031 : vector<16xf32>
      %add3A_2033 = arith.addf %add3A_1956, %mul3A_2032 : vector<16xf32>
      %slice3A_2034 = vector.extract_strided_slice %select_n3A_1633 {offsets = [4], sizes = [1], strides = [1]} : vector<16xi32> to vector<1xi32>
      %squeeze3A_2035 = vector.extract %slice3A_2034[0] : i32 from vector<1xi32>
      %eq3A_2036 = vector.broadcast %squeeze3A_2035 : i32 to vector<16xi32>
      %eq3A_2037 = arith.cmpi eq, %select_n3A_88, %eq3A_2036 : vector<16xi32>
      %slice3A_2038 = vector.extract_strided_slice %select_n3A_1656 {offsets = [4], sizes = [1], strides = [1]} : vector<16xi32> to vector<1xi32>
      %squeeze3A_2039 = vector.extract %slice3A_2038[0] : i32 from vector<1xi32>
      %eq3A_2040 = vector.broadcast %squeeze3A_2039 : i32 to vector<16xi32>
      %eq3A_2041 = arith.cmpi eq, %select_n3A_111, %eq3A_2040 : vector<16xi32>
      %and3A_2042 = arith.andi %eq3A_2037, %eq3A_2041 : vector<16xi1>
      %slice3A_2043 = vector.extract_strided_slice %select_n3A_1679 {offsets = [4], sizes = [1], strides = [1]} : vector<16xi32> to vector<1xi32>
      %squeeze3A_2044 = vector.extract %slice3A_2043[0] : i32 from vector<1xi32>
      %eq3A_2045 = vector.broadcast %squeeze3A_2044 : i32 to vector<16xi32>
      %eq3A_2046 = arith.cmpi eq, %select_n3A_134, %eq3A_2045 : vector<16xi32>
      %and3A_2047 = arith.andi %and3A_2042, %eq3A_2046 : vector<16xi1>
      %slice3A_2048 = vector.extract_strided_slice %select_n3A_1702 {offsets = [4], sizes = [1], strides = [1]} : vector<16xi32> to vector<1xi32>
      %squeeze3A_2049 = vector.extract %slice3A_2048[0] : i32 from vector<1xi32>
      %eq3A_2050 = vector.broadcast %squeeze3A_2049 : i32 to vector<16xi32>
      %eq3A_2051 = arith.cmpi eq, %select_n3A_157, %eq3A_2050 : vector<16xi32>
      %and3A_2052 = arith.andi %and3A_2047, %eq3A_2051 : vector<16xi1>
      %slice3A_2053 = vector.extract_strided_slice %select_n3A_1725 {offsets = [4], sizes = [1], strides = [1]} : vector<16xi32> to vector<1xi32>
      %squeeze3A_2054 = vector.extract %slice3A_2053[0] : i32 from vector<1xi32>
      %eq3A_2055 = vector.broadcast %squeeze3A_2054 : i32 to vector<16xi32>
      %eq3A_2056 = arith.cmpi eq, %select_n3A_180, %eq3A_2055 : vector<16xi32>
      %and3A_2057 = arith.andi %and3A_2052, %eq3A_2056 : vector<16xi1>
      %jit3A_2058 = arith.constant 1.000000e+00 : f32
      %jit3A_2059 = arith.constant 0.000000e+00 : f32
      %broadcast_in_dim3A_2060 = vector.broadcast %jit3A_2058 : f32 to vector<16xf32>
      %broadcast_in_dim3A_2061 = vector.broadcast %jit3A_2059 : f32 to vector<16xf32>
      %select_n3A_2062 = arith.select %and3A_2057, %broadcast_in_dim3A_2060, %broadcast_in_dim3A_2061 : vector<16xi1>, vector<16xf32>
      %add3A_2063 = arith.addf %add3A_1986, %select_n3A_2062 : vector<16xf32>
      %slice3A_2064 = vector.extract_strided_slice %get3A_1590 {offsets = [4], sizes = [1], strides = [1]} : vector<16xf32> to vector<1xf32>
      %squeeze3A_2065 = vector.extract %slice3A_2064[0] : f32 from vector<1xf32>
      %sub3A_2066 = vector.broadcast %squeeze3A_2065 : f32 to vector<16xf32>
      %sub3A_2067 = arith.subf %add3A_184, %sub3A_2066 : vector<16xf32>
      %mul3A_2068 = arith.mulf %sub3A_2067, %sub3A_2067 : vector<16xf32>
      %slice3A_2069 = vector.extract_strided_slice %get3A_1595 {offsets = [4], sizes = [1], strides = [1]} : vector<16xf32> to vector<1xf32>
      %squeeze3A_2070 = vector.extract %slice3A_2069[0] : f32 from vector<1xf32>
      %sub3A_2071 = vector.broadcast %squeeze3A_2070 : f32 to vector<16xf32>
      %sub3A_2072 = arith.subf %add3A_188, %sub3A_2071 : vector<16xf32>
      %mul3A_2073 = arith.mulf %sub3A_2072, %sub3A_2072 : vector<16xf32>
      %add3A_2074 = arith.addf %mul3A_2068, %mul3A_2073 : vector<16xf32>
      %slice3A_2075 = vector.extract_strided_slice %get3A_1600 {offsets = [4], sizes = [1], strides = [1]} : vector<16xf32> to vector<1xf32>
      %squeeze3A_2076 = vector.extract %slice3A_2075[0] : f32 from vector<1xf32>
      %sub3A_2077 = vector.broadcast %squeeze3A_2076 : f32 to vector<16xf32>
      %sub3A_2078 = arith.subf %add3A_192, %sub3A_2077 : vector<16xf32>
      %mul3A_2079 = arith.mulf %sub3A_2078, %sub3A_2078 : vector<16xf32>
      %add3A_2080 = arith.addf %add3A_2074, %mul3A_2079 : vector<16xf32>
      %mul3A_2081 = arith.constant 2.500000e-01 : f32
      %mul3A_2082 = vector.broadcast %mul3A_2081 : f32 to vector<16xf32>
      %mul3A_2083 = arith.mulf %mul3A_2082, %add3A_196 : vector<16xf32>
      %slice3A_2084 = vector.extract_strided_slice %get3A_1605 {offsets = [4], sizes = [1], strides = [1]} : vector<16xf32> to vector<1xf32>
      %squeeze3A_2085 = vector.extract %slice3A_2084[0] : f32 from vector<1xf32>
      %mul3A_2086 = vector.broadcast %squeeze3A_2085 : f32 to vector<16xf32>
      %mul3A_2087 = arith.mulf %mul3A_2083, %mul3A_2086 : vector<16xf32>
      %add3A_2088 = arith.constant 1.000000e+00 : f32
      %add3A_2089 = vector.broadcast %add3A_2088 : f32 to vector<16xf32>
      %add3A_2090 = arith.addf %add3A_2089, %mul3A_2087 : vector<16xf32>
      %mul3A_2091 = arith.constant 2.500000e-01 : f32
      %mul3A_2092 = vector.broadcast %mul3A_2091 : f32 to vector<16xf32>
      %mul3A_2093 = arith.mulf %mul3A_2092, %add3A_200 : vector<16xf32>
      %slice3A_2094 = vector.extract_strided_slice %get3A_1610 {offsets = [4], sizes = [1], strides = [1]} : vector<16xf32> to vector<1xf32>
      %squeeze3A_2095 = vector.extract %slice3A_2094[0] : f32 from vector<1xf32>
      %mul3A_2096 = vector.broadcast %squeeze3A_2095 : f32 to vector<16xf32>
      %mul3A_2097 = arith.mulf %mul3A_2093, %mul3A_2096 : vector<16xf32>
      %add3A_2098 = arith.addf %add3A_2090, %mul3A_2097 : vector<16xf32>
      %mul3A_2099 = arith.constant -5.000000e+01 : f32
      %mul3A_2100 = vector.broadcast %mul3A_2099 : f32 to vector<16xf32>
      %mul3A_2101 = arith.mulf %mul3A_2100, %add3A_2098 : vector<16xf32>
      %neg3A_2102 = arith.constant 0.000000e+00 : f32
      %neg3A_2103 = vector.broadcast %neg3A_2102 : f32 to vector<16xf32>
      %neg3A_2104 = arith.subf %neg3A_2103, %add3A_2080 : vector<16xf32>
      %div3A_2105 = arith.constant 4.000000e+00 : f32
      %div3A_2106 = vector.broadcast %div3A_2105 : f32 to vector<16xf32>
      %div3A_2107 = arith.divf %neg3A_2104, %div3A_2106 : vector<16xf32>
      %exp3A_2108 = math.exp %div3A_2107 : vector<16xf32>
      %mul3A_2109 = arith.mulf %mul3A_2101, %exp3A_2108 : vector<16xf32>
      %add3A_2110 = arith.addf %add3A_2033, %mul3A_2109 : vector<16xf32>
      %slice3A_2111 = vector.extract_strided_slice %select_n3A_1633 {offsets = [5], sizes = [1], strides = [1]} : vector<16xi32> to vector<1xi32>
      %squeeze3A_2112 = vector.extract %slice3A_2111[0] : i32 from vector<1xi32>
      %eq3A_2113 = vector.broadcast %squeeze3A_2112 : i32 to vector<16xi32>
      %eq3A_2114 = arith.cmpi eq, %select_n3A_88, %eq3A_2113 : vector<16xi32>
      %slice3A_2115 = vector.extract_strided_slice %select_n3A_1656 {offsets = [5], sizes = [1], strides = [1]} : vector<16xi32> to vector<1xi32>
      %squeeze3A_2116 = vector.extract %slice3A_2115[0] : i32 from vector<1xi32>
      %eq3A_2117 = vector.broadcast %squeeze3A_2116 : i32 to vector<16xi32>
      %eq3A_2118 = arith.cmpi eq, %select_n3A_111, %eq3A_2117 : vector<16xi32>
      %and3A_2119 = arith.andi %eq3A_2114, %eq3A_2118 : vector<16xi1>
      %slice3A_2120 = vector.extract_strided_slice %select_n3A_1679 {offsets = [5], sizes = [1], strides = [1]} : vector<16xi32> to vector<1xi32>
      %squeeze3A_2121 = vector.extract %slice3A_2120[0] : i32 from vector<1xi32>
      %eq3A_2122 = vector.broadcast %squeeze3A_2121 : i32 to vector<16xi32>
      %eq3A_2123 = arith.cmpi eq, %select_n3A_134, %eq3A_2122 : vector<16xi32>
      %and3A_2124 = arith.andi %and3A_2119, %eq3A_2123 : vector<16xi1>
      %slice3A_2125 = vector.extract_strided_slice %select_n3A_1702 {offsets = [5], sizes = [1], strides = [1]} : vector<16xi32> to vector<1xi32>
      %squeeze3A_2126 = vector.extract %slice3A_2125[0] : i32 from vector<1xi32>
      %eq3A_2127 = vector.broadcast %squeeze3A_2126 : i32 to vector<16xi32>
      %eq3A_2128 = arith.cmpi eq, %select_n3A_157, %eq3A_2127 : vector<16xi32>
      %and3A_2129 = arith.andi %and3A_2124, %eq3A_2128 : vector<16xi1>
      %slice3A_2130 = vector.extract_strided_slice %select_n3A_1725 {offsets = [5], sizes = [1], strides = [1]} : vector<16xi32> to vector<1xi32>
      %squeeze3A_2131 = vector.extract %slice3A_2130[0] : i32 from vector<1xi32>
      %eq3A_2132 = vector.broadcast %squeeze3A_2131 : i32 to vector<16xi32>
      %eq3A_2133 = arith.cmpi eq, %select_n3A_180, %eq3A_2132 : vector<16xi32>
      %and3A_2134 = arith.andi %and3A_2129, %eq3A_2133 : vector<16xi1>
      %jit3A_2135 = arith.constant 1.000000e+00 : f32
      %jit3A_2136 = arith.constant 0.000000e+00 : f32
      %broadcast_in_dim3A_2137 = vector.broadcast %jit3A_2135 : f32 to vector<16xf32>
      %broadcast_in_dim3A_2138 = vector.broadcast %jit3A_2136 : f32 to vector<16xf32>
      %select_n3A_2139 = arith.select %and3A_2134, %broadcast_in_dim3A_2137, %broadcast_in_dim3A_2138 : vector<16xi1>, vector<16xf32>
      %add3A_2140 = arith.addf %add3A_2063, %select_n3A_2139 : vector<16xf32>
      %slice3A_2141 = vector.extract_strided_slice %get3A_1590 {offsets = [5], sizes = [1], strides = [1]} : vector<16xf32> to vector<1xf32>
      %squeeze3A_2142 = vector.extract %slice3A_2141[0] : f32 from vector<1xf32>
      %sub3A_2143 = vector.broadcast %squeeze3A_2142 : f32 to vector<16xf32>
      %sub3A_2144 = arith.subf %add3A_184, %sub3A_2143 : vector<16xf32>
      %mul3A_2145 = arith.mulf %sub3A_2144, %sub3A_2144 : vector<16xf32>
      %slice3A_2146 = vector.extract_strided_slice %get3A_1595 {offsets = [5], sizes = [1], strides = [1]} : vector<16xf32> to vector<1xf32>
      %squeeze3A_2147 = vector.extract %slice3A_2146[0] : f32 from vector<1xf32>
      %sub3A_2148 = vector.broadcast %squeeze3A_2147 : f32 to vector<16xf32>
      %sub3A_2149 = arith.subf %add3A_188, %sub3A_2148 : vector<16xf32>
      %mul3A_2150 = arith.mulf %sub3A_2149, %sub3A_2149 : vector<16xf32>
      %add3A_2151 = arith.addf %mul3A_2145, %mul3A_2150 : vector<16xf32>
      %slice3A_2152 = vector.extract_strided_slice %get3A_1600 {offsets = [5], sizes = [1], strides = [1]} : vector<16xf32> to vector<1xf32>
      %squeeze3A_2153 = vector.extract %slice3A_2152[0] : f32 from vector<1xf32>
      %sub3A_2154 = vector.broadcast %squeeze3A_2153 : f32 to vector<16xf32>
      %sub3A_2155 = arith.subf %add3A_192, %sub3A_2154 : vector<16xf32>
      %mul3A_2156 = arith.mulf %sub3A_2155, %sub3A_2155 : vector<16xf32>
      %add3A_2157 = arith.addf %add3A_2151, %mul3A_2156 : vector<16xf32>
      %mul3A_2158 = arith.constant 2.500000e-01 : f32
      %mul3A_2159 = vector.broadcast %mul3A_2158 : f32 to vector<16xf32>
      %mul3A_2160 = arith.mulf %mul3A_2159, %add3A_196 : vector<16xf32>
      %slice3A_2161 = vector.extract_strided_slice %get3A_1605 {offsets = [5], sizes = [1], strides = [1]} : vector<16xf32> to vector<1xf32>
      %squeeze3A_2162 = vector.extract %slice3A_2161[0] : f32 from vector<1xf32>
      %mul3A_2163 = vector.broadcast %squeeze3A_2162 : f32 to vector<16xf32>
      %mul3A_2164 = arith.mulf %mul3A_2160, %mul3A_2163 : vector<16xf32>
      %add3A_2165 = arith.constant 1.000000e+00 : f32
      %add3A_2166 = vector.broadcast %add3A_2165 : f32 to vector<16xf32>
      %add3A_2167 = arith.addf %add3A_2166, %mul3A_2164 : vector<16xf32>
      %mul3A_2168 = arith.constant 2.500000e-01 : f32
      %mul3A_2169 = vector.broadcast %mul3A_2168 : f32 to vector<16xf32>
      %mul3A_2170 = arith.mulf %mul3A_2169, %add3A_200 : vector<16xf32>
      %slice3A_2171 = vector.extract_strided_slice %get3A_1610 {offsets = [5], sizes = [1], strides = [1]} : vector<16xf32> to vector<1xf32>
      %squeeze3A_2172 = vector.extract %slice3A_2171[0] : f32 from vector<1xf32>
      %mul3A_2173 = vector.broadcast %squeeze3A_2172 : f32 to vector<16xf32>
      %mul3A_2174 = arith.mulf %mul3A_2170, %mul3A_2173 : vector<16xf32>
      %add3A_2175 = arith.addf %add3A_2167, %mul3A_2174 : vector<16xf32>
      %mul3A_2176 = arith.constant -5.000000e+01 : f32
      %mul3A_2177 = vector.broadcast %mul3A_2176 : f32 to vector<16xf32>
      %mul3A_2178 = arith.mulf %mul3A_2177, %add3A_2175 : vector<16xf32>
      %neg3A_2179 = arith.constant 0.000000e+00 : f32
      %neg3A_2180 = vector.broadcast %neg3A_2179 : f32 to vector<16xf32>
      %neg3A_2181 = arith.subf %neg3A_2180, %add3A_2157 : vector<16xf32>
      %div3A_2182 = arith.constant 4.000000e+00 : f32
      %div3A_2183 = vector.broadcast %div3A_2182 : f32 to vector<16xf32>
      %div3A_2184 = arith.divf %neg3A_2181, %div3A_2183 : vector<16xf32>
      %exp3A_2185 = math.exp %div3A_2184 : vector<16xf32>
      %mul3A_2186 = arith.mulf %mul3A_2178, %exp3A_2185 : vector<16xf32>
      %add3A_2187 = arith.addf %add3A_2110, %mul3A_2186 : vector<16xf32>
      %slice3A_2188 = vector.extract_strided_slice %select_n3A_1633 {offsets = [6], sizes = [1], strides = [1]} : vector<16xi32> to vector<1xi32>
      %squeeze3A_2189 = vector.extract %slice3A_2188[0] : i32 from vector<1xi32>
      %eq3A_2190 = vector.broadcast %squeeze3A_2189 : i32 to vector<16xi32>
      %eq3A_2191 = arith.cmpi eq, %select_n3A_88, %eq3A_2190 : vector<16xi32>
      %slice3A_2192 = vector.extract_strided_slice %select_n3A_1656 {offsets = [6], sizes = [1], strides = [1]} : vector<16xi32> to vector<1xi32>
      %squeeze3A_2193 = vector.extract %slice3A_2192[0] : i32 from vector<1xi32>
      %eq3A_2194 = vector.broadcast %squeeze3A_2193 : i32 to vector<16xi32>
      %eq3A_2195 = arith.cmpi eq, %select_n3A_111, %eq3A_2194 : vector<16xi32>
      %and3A_2196 = arith.andi %eq3A_2191, %eq3A_2195 : vector<16xi1>
      %slice3A_2197 = vector.extract_strided_slice %select_n3A_1679 {offsets = [6], sizes = [1], strides = [1]} : vector<16xi32> to vector<1xi32>
      %squeeze3A_2198 = vector.extract %slice3A_2197[0] : i32 from vector<1xi32>
      %eq3A_2199 = vector.broadcast %squeeze3A_2198 : i32 to vector<16xi32>
      %eq3A_2200 = arith.cmpi eq, %select_n3A_134, %eq3A_2199 : vector<16xi32>
      %and3A_2201 = arith.andi %and3A_2196, %eq3A_2200 : vector<16xi1>
      %slice3A_2202 = vector.extract_strided_slice %select_n3A_1702 {offsets = [6], sizes = [1], strides = [1]} : vector<16xi32> to vector<1xi32>
      %squeeze3A_2203 = vector.extract %slice3A_2202[0] : i32 from vector<1xi32>
      %eq3A_2204 = vector.broadcast %squeeze3A_2203 : i32 to vector<16xi32>
      %eq3A_2205 = arith.cmpi eq, %select_n3A_157, %eq3A_2204 : vector<16xi32>
      %and3A_2206 = arith.andi %and3A_2201, %eq3A_2205 : vector<16xi1>
      %slice3A_2207 = vector.extract_strided_slice %select_n3A_1725 {offsets = [6], sizes = [1], strides = [1]} : vector<16xi32> to vector<1xi32>
      %squeeze3A_2208 = vector.extract %slice3A_2207[0] : i32 from vector<1xi32>
      %eq3A_2209 = vector.broadcast %squeeze3A_2208 : i32 to vector<16xi32>
      %eq3A_2210 = arith.cmpi eq, %select_n3A_180, %eq3A_2209 : vector<16xi32>
      %and3A_2211 = arith.andi %and3A_2206, %eq3A_2210 : vector<16xi1>
      %jit3A_2212 = arith.constant 1.000000e+00 : f32
      %jit3A_2213 = arith.constant 0.000000e+00 : f32
      %broadcast_in_dim3A_2214 = vector.broadcast %jit3A_2212 : f32 to vector<16xf32>
      %broadcast_in_dim3A_2215 = vector.broadcast %jit3A_2213 : f32 to vector<16xf32>
      %select_n3A_2216 = arith.select %and3A_2211, %broadcast_in_dim3A_2214, %broadcast_in_dim3A_2215 : vector<16xi1>, vector<16xf32>
      %add3A_2217 = arith.addf %add3A_2140, %select_n3A_2216 : vector<16xf32>
      %slice3A_2218 = vector.extract_strided_slice %get3A_1590 {offsets = [6], sizes = [1], strides = [1]} : vector<16xf32> to vector<1xf32>
      %squeeze3A_2219 = vector.extract %slice3A_2218[0] : f32 from vector<1xf32>
      %sub3A_2220 = vector.broadcast %squeeze3A_2219 : f32 to vector<16xf32>
      %sub3A_2221 = arith.subf %add3A_184, %sub3A_2220 : vector<16xf32>
      %mul3A_2222 = arith.mulf %sub3A_2221, %sub3A_2221 : vector<16xf32>
      %slice3A_2223 = vector.extract_strided_slice %get3A_1595 {offsets = [6], sizes = [1], strides = [1]} : vector<16xf32> to vector<1xf32>
      %squeeze3A_2224 = vector.extract %slice3A_2223[0] : f32 from vector<1xf32>
      %sub3A_2225 = vector.broadcast %squeeze3A_2224 : f32 to vector<16xf32>
      %sub3A_2226 = arith.subf %add3A_188, %sub3A_2225 : vector<16xf32>
      %mul3A_2227 = arith.mulf %sub3A_2226, %sub3A_2226 : vector<16xf32>
      %add3A_2228 = arith.addf %mul3A_2222, %mul3A_2227 : vector<16xf32>
      %slice3A_2229 = vector.extract_strided_slice %get3A_1600 {offsets = [6], sizes = [1], strides = [1]} : vector<16xf32> to vector<1xf32>
      %squeeze3A_2230 = vector.extract %slice3A_2229[0] : f32 from vector<1xf32>
      %sub3A_2231 = vector.broadcast %squeeze3A_2230 : f32 to vector<16xf32>
      %sub3A_2232 = arith.subf %add3A_192, %sub3A_2231 : vector<16xf32>
      %mul3A_2233 = arith.mulf %sub3A_2232, %sub3A_2232 : vector<16xf32>
      %add3A_2234 = arith.addf %add3A_2228, %mul3A_2233 : vector<16xf32>
      %mul3A_2235 = arith.constant 2.500000e-01 : f32
      %mul3A_2236 = vector.broadcast %mul3A_2235 : f32 to vector<16xf32>
      %mul3A_2237 = arith.mulf %mul3A_2236, %add3A_196 : vector<16xf32>
      %slice3A_2238 = vector.extract_strided_slice %get3A_1605 {offsets = [6], sizes = [1], strides = [1]} : vector<16xf32> to vector<1xf32>
      %squeeze3A_2239 = vector.extract %slice3A_2238[0] : f32 from vector<1xf32>
      %mul3A_2240 = vector.broadcast %squeeze3A_2239 : f32 to vector<16xf32>
      %mul3A_2241 = arith.mulf %mul3A_2237, %mul3A_2240 : vector<16xf32>
      %add3A_2242 = arith.constant 1.000000e+00 : f32
      %add3A_2243 = vector.broadcast %add3A_2242 : f32 to vector<16xf32>
      %add3A_2244 = arith.addf %add3A_2243, %mul3A_2241 : vector<16xf32>
      %mul3A_2245 = arith.constant 2.500000e-01 : f32
      %mul3A_2246 = vector.broadcast %mul3A_2245 : f32 to vector<16xf32>
      %mul3A_2247 = arith.mulf %mul3A_2246, %add3A_200 : vector<16xf32>
      %slice3A_2248 = vector.extract_strided_slice %get3A_1610 {offsets = [6], sizes = [1], strides = [1]} : vector<16xf32> to vector<1xf32>
      %squeeze3A_2249 = vector.extract %slice3A_2248[0] : f32 from vector<1xf32>
      %mul3A_2250 = vector.broadcast %squeeze3A_2249 : f32 to vector<16xf32>
      %mul3A_2251 = arith.mulf %mul3A_2247, %mul3A_2250 : vector<16xf32>
      %add3A_2252 = arith.addf %add3A_2244, %mul3A_2251 : vector<16xf32>
      %mul3A_2253 = arith.constant -5.000000e+01 : f32
      %mul3A_2254 = vector.broadcast %mul3A_2253 : f32 to vector<16xf32>
      %mul3A_2255 = arith.mulf %mul3A_2254, %add3A_2252 : vector<16xf32>
      %neg3A_2256 = arith.constant 0.000000e+00 : f32
      %neg3A_2257 = vector.broadcast %neg3A_2256 : f32 to vector<16xf32>
      %neg3A_2258 = arith.subf %neg3A_2257, %add3A_2234 : vector<16xf32>
      %div3A_2259 = arith.constant 4.000000e+00 : f32
      %div3A_2260 = vector.broadcast %div3A_2259 : f32 to vector<16xf32>
      %div3A_2261 = arith.divf %neg3A_2258, %div3A_2260 : vector<16xf32>
      %exp3A_2262 = math.exp %div3A_2261 : vector<16xf32>
      %mul3A_2263 = arith.mulf %mul3A_2255, %exp3A_2262 : vector<16xf32>
      %add3A_2264 = arith.addf %add3A_2187, %mul3A_2263 : vector<16xf32>
      %slice3A_2265 = vector.extract_strided_slice %select_n3A_1633 {offsets = [7], sizes = [1], strides = [1]} : vector<16xi32> to vector<1xi32>
      %squeeze3A_2266 = vector.extract %slice3A_2265[0] : i32 from vector<1xi32>
      %eq3A_2267 = vector.broadcast %squeeze3A_2266 : i32 to vector<16xi32>
      %eq3A_2268 = arith.cmpi eq, %select_n3A_88, %eq3A_2267 : vector<16xi32>
      %slice3A_2269 = vector.extract_strided_slice %select_n3A_1656 {offsets = [7], sizes = [1], strides = [1]} : vector<16xi32> to vector<1xi32>
      %squeeze3A_2270 = vector.extract %slice3A_2269[0] : i32 from vector<1xi32>
      %eq3A_2271 = vector.broadcast %squeeze3A_2270 : i32 to vector<16xi32>
      %eq3A_2272 = arith.cmpi eq, %select_n3A_111, %eq3A_2271 : vector<16xi32>
      %and3A_2273 = arith.andi %eq3A_2268, %eq3A_2272 : vector<16xi1>
      %slice3A_2274 = vector.extract_strided_slice %select_n3A_1679 {offsets = [7], sizes = [1], strides = [1]} : vector<16xi32> to vector<1xi32>
      %squeeze3A_2275 = vector.extract %slice3A_2274[0] : i32 from vector<1xi32>
      %eq3A_2276 = vector.broadcast %squeeze3A_2275 : i32 to vector<16xi32>
      %eq3A_2277 = arith.cmpi eq, %select_n3A_134, %eq3A_2276 : vector<16xi32>
      %and3A_2278 = arith.andi %and3A_2273, %eq3A_2277 : vector<16xi1>
      %slice3A_2279 = vector.extract_strided_slice %select_n3A_1702 {offsets = [7], sizes = [1], strides = [1]} : vector<16xi32> to vector<1xi32>
      %squeeze3A_2280 = vector.extract %slice3A_2279[0] : i32 from vector<1xi32>
      %eq3A_2281 = vector.broadcast %squeeze3A_2280 : i32 to vector<16xi32>
      %eq3A_2282 = arith.cmpi eq, %select_n3A_157, %eq3A_2281 : vector<16xi32>
      %and3A_2283 = arith.andi %and3A_2278, %eq3A_2282 : vector<16xi1>
      %slice3A_2284 = vector.extract_strided_slice %select_n3A_1725 {offsets = [7], sizes = [1], strides = [1]} : vector<16xi32> to vector<1xi32>
      %squeeze3A_2285 = vector.extract %slice3A_2284[0] : i32 from vector<1xi32>
      %eq3A_2286 = vector.broadcast %squeeze3A_2285 : i32 to vector<16xi32>
      %eq3A_2287 = arith.cmpi eq, %select_n3A_180, %eq3A_2286 : vector<16xi32>
      %and3A_2288 = arith.andi %and3A_2283, %eq3A_2287 : vector<16xi1>
      %jit3A_2289 = arith.constant 1.000000e+00 : f32
      %jit3A_2290 = arith.constant 0.000000e+00 : f32
      %broadcast_in_dim3A_2291 = vector.broadcast %jit3A_2289 : f32 to vector<16xf32>
      %broadcast_in_dim3A_2292 = vector.broadcast %jit3A_2290 : f32 to vector<16xf32>
      %select_n3A_2293 = arith.select %and3A_2288, %broadcast_in_dim3A_2291, %broadcast_in_dim3A_2292 : vector<16xi1>, vector<16xf32>
      %add3A_2294 = arith.addf %add3A_2217, %select_n3A_2293 : vector<16xf32>
      %slice3A_2295 = vector.extract_strided_slice %get3A_1590 {offsets = [7], sizes = [1], strides = [1]} : vector<16xf32> to vector<1xf32>
      %squeeze3A_2296 = vector.extract %slice3A_2295[0] : f32 from vector<1xf32>
      %sub3A_2297 = vector.broadcast %squeeze3A_2296 : f32 to vector<16xf32>
      %sub3A_2298 = arith.subf %add3A_184, %sub3A_2297 : vector<16xf32>
      %mul3A_2299 = arith.mulf %sub3A_2298, %sub3A_2298 : vector<16xf32>
      %slice3A_2300 = vector.extract_strided_slice %get3A_1595 {offsets = [7], sizes = [1], strides = [1]} : vector<16xf32> to vector<1xf32>
      %squeeze3A_2301 = vector.extract %slice3A_2300[0] : f32 from vector<1xf32>
      %sub3A_2302 = vector.broadcast %squeeze3A_2301 : f32 to vector<16xf32>
      %sub3A_2303 = arith.subf %add3A_188, %sub3A_2302 : vector<16xf32>
      %mul3A_2304 = arith.mulf %sub3A_2303, %sub3A_2303 : vector<16xf32>
      %add3A_2305 = arith.addf %mul3A_2299, %mul3A_2304 : vector<16xf32>
      %slice3A_2306 = vector.extract_strided_slice %get3A_1600 {offsets = [7], sizes = [1], strides = [1]} : vector<16xf32> to vector<1xf32>
      %squeeze3A_2307 = vector.extract %slice3A_2306[0] : f32 from vector<1xf32>
      %sub3A_2308 = vector.broadcast %squeeze3A_2307 : f32 to vector<16xf32>
      %sub3A_2309 = arith.subf %add3A_192, %sub3A_2308 : vector<16xf32>
      %mul3A_2310 = arith.mulf %sub3A_2309, %sub3A_2309 : vector<16xf32>
      %add3A_2311 = arith.addf %add3A_2305, %mul3A_2310 : vector<16xf32>
      %mul3A_2312 = arith.constant 2.500000e-01 : f32
      %mul3A_2313 = vector.broadcast %mul3A_2312 : f32 to vector<16xf32>
      %mul3A_2314 = arith.mulf %mul3A_2313, %add3A_196 : vector<16xf32>
      %slice3A_2315 = vector.extract_strided_slice %get3A_1605 {offsets = [7], sizes = [1], strides = [1]} : vector<16xf32> to vector<1xf32>
      %squeeze3A_2316 = vector.extract %slice3A_2315[0] : f32 from vector<1xf32>
      %mul3A_2317 = vector.broadcast %squeeze3A_2316 : f32 to vector<16xf32>
      %mul3A_2318 = arith.mulf %mul3A_2314, %mul3A_2317 : vector<16xf32>
      %add3A_2319 = arith.constant 1.000000e+00 : f32
      %add3A_2320 = vector.broadcast %add3A_2319 : f32 to vector<16xf32>
      %add3A_2321 = arith.addf %add3A_2320, %mul3A_2318 : vector<16xf32>
      %mul3A_2322 = arith.constant 2.500000e-01 : f32
      %mul3A_2323 = vector.broadcast %mul3A_2322 : f32 to vector<16xf32>
      %mul3A_2324 = arith.mulf %mul3A_2323, %add3A_200 : vector<16xf32>
      %slice3A_2325 = vector.extract_strided_slice %get3A_1610 {offsets = [7], sizes = [1], strides = [1]} : vector<16xf32> to vector<1xf32>
      %squeeze3A_2326 = vector.extract %slice3A_2325[0] : f32 from vector<1xf32>
      %mul3A_2327 = vector.broadcast %squeeze3A_2326 : f32 to vector<16xf32>
      %mul3A_2328 = arith.mulf %mul3A_2324, %mul3A_2327 : vector<16xf32>
      %add3A_2329 = arith.addf %add3A_2321, %mul3A_2328 : vector<16xf32>
      %mul3A_2330 = arith.constant -5.000000e+01 : f32
      %mul3A_2331 = vector.broadcast %mul3A_2330 : f32 to vector<16xf32>
      %mul3A_2332 = arith.mulf %mul3A_2331, %add3A_2329 : vector<16xf32>
      %neg3A_2333 = arith.constant 0.000000e+00 : f32
      %neg3A_2334 = vector.broadcast %neg3A_2333 : f32 to vector<16xf32>
      %neg3A_2335 = arith.subf %neg3A_2334, %add3A_2311 : vector<16xf32>
      %div3A_2336 = arith.constant 4.000000e+00 : f32
      %div3A_2337 = vector.broadcast %div3A_2336 : f32 to vector<16xf32>
      %div3A_2338 = arith.divf %neg3A_2335, %div3A_2337 : vector<16xf32>
      %exp3A_2339 = math.exp %div3A_2338 : vector<16xf32>
      %mul3A_2340 = arith.mulf %mul3A_2332, %exp3A_2339 : vector<16xf32>
      %add3A_2341 = arith.addf %add3A_2264, %mul3A_2340 : vector<16xf32>
      %slice3A_2342 = vector.extract_strided_slice %select_n3A_1633 {offsets = [8], sizes = [1], strides = [1]} : vector<16xi32> to vector<1xi32>
      %squeeze3A_2343 = vector.extract %slice3A_2342[0] : i32 from vector<1xi32>
      %eq3A_2344 = vector.broadcast %squeeze3A_2343 : i32 to vector<16xi32>
      %eq3A_2345 = arith.cmpi eq, %select_n3A_88, %eq3A_2344 : vector<16xi32>
      %slice3A_2346 = vector.extract_strided_slice %select_n3A_1656 {offsets = [8], sizes = [1], strides = [1]} : vector<16xi32> to vector<1xi32>
      %squeeze3A_2347 = vector.extract %slice3A_2346[0] : i32 from vector<1xi32>
      %eq3A_2348 = vector.broadcast %squeeze3A_2347 : i32 to vector<16xi32>
      %eq3A_2349 = arith.cmpi eq, %select_n3A_111, %eq3A_2348 : vector<16xi32>
      %and3A_2350 = arith.andi %eq3A_2345, %eq3A_2349 : vector<16xi1>
      %slice3A_2351 = vector.extract_strided_slice %select_n3A_1679 {offsets = [8], sizes = [1], strides = [1]} : vector<16xi32> to vector<1xi32>
      %squeeze3A_2352 = vector.extract %slice3A_2351[0] : i32 from vector<1xi32>
      %eq3A_2353 = vector.broadcast %squeeze3A_2352 : i32 to vector<16xi32>
      %eq3A_2354 = arith.cmpi eq, %select_n3A_134, %eq3A_2353 : vector<16xi32>
      %and3A_2355 = arith.andi %and3A_2350, %eq3A_2354 : vector<16xi1>
      %slice3A_2356 = vector.extract_strided_slice %select_n3A_1702 {offsets = [8], sizes = [1], strides = [1]} : vector<16xi32> to vector<1xi32>
      %squeeze3A_2357 = vector.extract %slice3A_2356[0] : i32 from vector<1xi32>
      %eq3A_2358 = vector.broadcast %squeeze3A_2357 : i32 to vector<16xi32>
      %eq3A_2359 = arith.cmpi eq, %select_n3A_157, %eq3A_2358 : vector<16xi32>
      %and3A_2360 = arith.andi %and3A_2355, %eq3A_2359 : vector<16xi1>
      %slice3A_2361 = vector.extract_strided_slice %select_n3A_1725 {offsets = [8], sizes = [1], strides = [1]} : vector<16xi32> to vector<1xi32>
      %squeeze3A_2362 = vector.extract %slice3A_2361[0] : i32 from vector<1xi32>
      %eq3A_2363 = vector.broadcast %squeeze3A_2362 : i32 to vector<16xi32>
      %eq3A_2364 = arith.cmpi eq, %select_n3A_180, %eq3A_2363 : vector<16xi32>
      %and3A_2365 = arith.andi %and3A_2360, %eq3A_2364 : vector<16xi1>
      %jit3A_2366 = arith.constant 1.000000e+00 : f32
      %jit3A_2367 = arith.constant 0.000000e+00 : f32
      %broadcast_in_dim3A_2368 = vector.broadcast %jit3A_2366 : f32 to vector<16xf32>
      %broadcast_in_dim3A_2369 = vector.broadcast %jit3A_2367 : f32 to vector<16xf32>
      %select_n3A_2370 = arith.select %and3A_2365, %broadcast_in_dim3A_2368, %broadcast_in_dim3A_2369 : vector<16xi1>, vector<16xf32>
      %add3A_2371 = arith.addf %add3A_2294, %select_n3A_2370 : vector<16xf32>
      %slice3A_2372 = vector.extract_strided_slice %get3A_1590 {offsets = [8], sizes = [1], strides = [1]} : vector<16xf32> to vector<1xf32>
      %squeeze3A_2373 = vector.extract %slice3A_2372[0] : f32 from vector<1xf32>
      %sub3A_2374 = vector.broadcast %squeeze3A_2373 : f32 to vector<16xf32>
      %sub3A_2375 = arith.subf %add3A_184, %sub3A_2374 : vector<16xf32>
      %mul3A_2376 = arith.mulf %sub3A_2375, %sub3A_2375 : vector<16xf32>
      %slice3A_2377 = vector.extract_strided_slice %get3A_1595 {offsets = [8], sizes = [1], strides = [1]} : vector<16xf32> to vector<1xf32>
      %squeeze3A_2378 = vector.extract %slice3A_2377[0] : f32 from vector<1xf32>
      %sub3A_2379 = vector.broadcast %squeeze3A_2378 : f32 to vector<16xf32>
      %sub3A_2380 = arith.subf %add3A_188, %sub3A_2379 : vector<16xf32>
      %mul3A_2381 = arith.mulf %sub3A_2380, %sub3A_2380 : vector<16xf32>
      %add3A_2382 = arith.addf %mul3A_2376, %mul3A_2381 : vector<16xf32>
      %slice3A_2383 = vector.extract_strided_slice %get3A_1600 {offsets = [8], sizes = [1], strides = [1]} : vector<16xf32> to vector<1xf32>
      %squeeze3A_2384 = vector.extract %slice3A_2383[0] : f32 from vector<1xf32>
      %sub3A_2385 = vector.broadcast %squeeze3A_2384 : f32 to vector<16xf32>
      %sub3A_2386 = arith.subf %add3A_192, %sub3A_2385 : vector<16xf32>
      %mul3A_2387 = arith.mulf %sub3A_2386, %sub3A_2386 : vector<16xf32>
      %add3A_2388 = arith.addf %add3A_2382, %mul3A_2387 : vector<16xf32>
      %mul3A_2389 = arith.constant 2.500000e-01 : f32
      %mul3A_2390 = vector.broadcast %mul3A_2389 : f32 to vector<16xf32>
      %mul3A_2391 = arith.mulf %mul3A_2390, %add3A_196 : vector<16xf32>
      %slice3A_2392 = vector.extract_strided_slice %get3A_1605 {offsets = [8], sizes = [1], strides = [1]} : vector<16xf32> to vector<1xf32>
      %squeeze3A_2393 = vector.extract %slice3A_2392[0] : f32 from vector<1xf32>
      %mul3A_2394 = vector.broadcast %squeeze3A_2393 : f32 to vector<16xf32>
      %mul3A_2395 = arith.mulf %mul3A_2391, %mul3A_2394 : vector<16xf32>
      %add3A_2396 = arith.constant 1.000000e+00 : f32
      %add3A_2397 = vector.broadcast %add3A_2396 : f32 to vector<16xf32>
      %add3A_2398 = arith.addf %add3A_2397, %mul3A_2395 : vector<16xf32>
      %mul3A_2399 = arith.constant 2.500000e-01 : f32
      %mul3A_2400 = vector.broadcast %mul3A_2399 : f32 to vector<16xf32>
      %mul3A_2401 = arith.mulf %mul3A_2400, %add3A_200 : vector<16xf32>
      %slice3A_2402 = vector.extract_strided_slice %get3A_1610 {offsets = [8], sizes = [1], strides = [1]} : vector<16xf32> to vector<1xf32>
      %squeeze3A_2403 = vector.extract %slice3A_2402[0] : f32 from vector<1xf32>
      %mul3A_2404 = vector.broadcast %squeeze3A_2403 : f32 to vector<16xf32>
      %mul3A_2405 = arith.mulf %mul3A_2401, %mul3A_2404 : vector<16xf32>
      %add3A_2406 = arith.addf %add3A_2398, %mul3A_2405 : vector<16xf32>
      %mul3A_2407 = arith.constant -5.000000e+01 : f32
      %mul3A_2408 = vector.broadcast %mul3A_2407 : f32 to vector<16xf32>
      %mul3A_2409 = arith.mulf %mul3A_2408, %add3A_2406 : vector<16xf32>
      %neg3A_2410 = arith.constant 0.000000e+00 : f32
      %neg3A_2411 = vector.broadcast %neg3A_2410 : f32 to vector<16xf32>
      %neg3A_2412 = arith.subf %neg3A_2411, %add3A_2388 : vector<16xf32>
      %div3A_2413 = arith.constant 4.000000e+00 : f32
      %div3A_2414 = vector.broadcast %div3A_2413 : f32 to vector<16xf32>
      %div3A_2415 = arith.divf %neg3A_2412, %div3A_2414 : vector<16xf32>
      %exp3A_2416 = math.exp %div3A_2415 : vector<16xf32>
      %mul3A_2417 = arith.mulf %mul3A_2409, %exp3A_2416 : vector<16xf32>
      %add3A_2418 = arith.addf %add3A_2341, %mul3A_2417 : vector<16xf32>
      %slice3A_2419 = vector.extract_strided_slice %select_n3A_1633 {offsets = [9], sizes = [1], strides = [1]} : vector<16xi32> to vector<1xi32>
      %squeeze3A_2420 = vector.extract %slice3A_2419[0] : i32 from vector<1xi32>
      %eq3A_2421 = vector.broadcast %squeeze3A_2420 : i32 to vector<16xi32>
      %eq3A_2422 = arith.cmpi eq, %select_n3A_88, %eq3A_2421 : vector<16xi32>
      %slice3A_2423 = vector.extract_strided_slice %select_n3A_1656 {offsets = [9], sizes = [1], strides = [1]} : vector<16xi32> to vector<1xi32>
      %squeeze3A_2424 = vector.extract %slice3A_2423[0] : i32 from vector<1xi32>
      %eq3A_2425 = vector.broadcast %squeeze3A_2424 : i32 to vector<16xi32>
      %eq3A_2426 = arith.cmpi eq, %select_n3A_111, %eq3A_2425 : vector<16xi32>
      %and3A_2427 = arith.andi %eq3A_2422, %eq3A_2426 : vector<16xi1>
      %slice3A_2428 = vector.extract_strided_slice %select_n3A_1679 {offsets = [9], sizes = [1], strides = [1]} : vector<16xi32> to vector<1xi32>
      %squeeze3A_2429 = vector.extract %slice3A_2428[0] : i32 from vector<1xi32>
      %eq3A_2430 = vector.broadcast %squeeze3A_2429 : i32 to vector<16xi32>
      %eq3A_2431 = arith.cmpi eq, %select_n3A_134, %eq3A_2430 : vector<16xi32>
      %and3A_2432 = arith.andi %and3A_2427, %eq3A_2431 : vector<16xi1>
      %slice3A_2433 = vector.extract_strided_slice %select_n3A_1702 {offsets = [9], sizes = [1], strides = [1]} : vector<16xi32> to vector<1xi32>
      %squeeze3A_2434 = vector.extract %slice3A_2433[0] : i32 from vector<1xi32>
      %eq3A_2435 = vector.broadcast %squeeze3A_2434 : i32 to vector<16xi32>
      %eq3A_2436 = arith.cmpi eq, %select_n3A_157, %eq3A_2435 : vector<16xi32>
      %and3A_2437 = arith.andi %and3A_2432, %eq3A_2436 : vector<16xi1>
      %slice3A_2438 = vector.extract_strided_slice %select_n3A_1725 {offsets = [9], sizes = [1], strides = [1]} : vector<16xi32> to vector<1xi32>
      %squeeze3A_2439 = vector.extract %slice3A_2438[0] : i32 from vector<1xi32>
      %eq3A_2440 = vector.broadcast %squeeze3A_2439 : i32 to vector<16xi32>
      %eq3A_2441 = arith.cmpi eq, %select_n3A_180, %eq3A_2440 : vector<16xi32>
      %and3A_2442 = arith.andi %and3A_2437, %eq3A_2441 : vector<16xi1>
      %jit3A_2443 = arith.constant 1.000000e+00 : f32
      %jit3A_2444 = arith.constant 0.000000e+00 : f32
      %broadcast_in_dim3A_2445 = vector.broadcast %jit3A_2443 : f32 to vector<16xf32>
      %broadcast_in_dim3A_2446 = vector.broadcast %jit3A_2444 : f32 to vector<16xf32>
      %select_n3A_2447 = arith.select %and3A_2442, %broadcast_in_dim3A_2445, %broadcast_in_dim3A_2446 : vector<16xi1>, vector<16xf32>
      %add3A_2448 = arith.addf %add3A_2371, %select_n3A_2447 : vector<16xf32>
      %slice3A_2449 = vector.extract_strided_slice %get3A_1590 {offsets = [9], sizes = [1], strides = [1]} : vector<16xf32> to vector<1xf32>
      %squeeze3A_2450 = vector.extract %slice3A_2449[0] : f32 from vector<1xf32>
      %sub3A_2451 = vector.broadcast %squeeze3A_2450 : f32 to vector<16xf32>
      %sub3A_2452 = arith.subf %add3A_184, %sub3A_2451 : vector<16xf32>
      %mul3A_2453 = arith.mulf %sub3A_2452, %sub3A_2452 : vector<16xf32>
      %slice3A_2454 = vector.extract_strided_slice %get3A_1595 {offsets = [9], sizes = [1], strides = [1]} : vector<16xf32> to vector<1xf32>
      %squeeze3A_2455 = vector.extract %slice3A_2454[0] : f32 from vector<1xf32>
      %sub3A_2456 = vector.broadcast %squeeze3A_2455 : f32 to vector<16xf32>
      %sub3A_2457 = arith.subf %add3A_188, %sub3A_2456 : vector<16xf32>
      %mul3A_2458 = arith.mulf %sub3A_2457, %sub3A_2457 : vector<16xf32>
      %add3A_2459 = arith.addf %mul3A_2453, %mul3A_2458 : vector<16xf32>
      %slice3A_2460 = vector.extract_strided_slice %get3A_1600 {offsets = [9], sizes = [1], strides = [1]} : vector<16xf32> to vector<1xf32>
      %squeeze3A_2461 = vector.extract %slice3A_2460[0] : f32 from vector<1xf32>
      %sub3A_2462 = vector.broadcast %squeeze3A_2461 : f32 to vector<16xf32>
      %sub3A_2463 = arith.subf %add3A_192, %sub3A_2462 : vector<16xf32>
      %mul3A_2464 = arith.mulf %sub3A_2463, %sub3A_2463 : vector<16xf32>
      %add3A_2465 = arith.addf %add3A_2459, %mul3A_2464 : vector<16xf32>
      %mul3A_2466 = arith.constant 2.500000e-01 : f32
      %mul3A_2467 = vector.broadcast %mul3A_2466 : f32 to vector<16xf32>
      %mul3A_2468 = arith.mulf %mul3A_2467, %add3A_196 : vector<16xf32>
      %slice3A_2469 = vector.extract_strided_slice %get3A_1605 {offsets = [9], sizes = [1], strides = [1]} : vector<16xf32> to vector<1xf32>
      %squeeze3A_2470 = vector.extract %slice3A_2469[0] : f32 from vector<1xf32>
      %mul3A_2471 = vector.broadcast %squeeze3A_2470 : f32 to vector<16xf32>
      %mul3A_2472 = arith.mulf %mul3A_2468, %mul3A_2471 : vector<16xf32>
      %add3A_2473 = arith.constant 1.000000e+00 : f32
      %add3A_2474 = vector.broadcast %add3A_2473 : f32 to vector<16xf32>
      %add3A_2475 = arith.addf %add3A_2474, %mul3A_2472 : vector<16xf32>
      %mul3A_2476 = arith.constant 2.500000e-01 : f32
      %mul3A_2477 = vector.broadcast %mul3A_2476 : f32 to vector<16xf32>
      %mul3A_2478 = arith.mulf %mul3A_2477, %add3A_200 : vector<16xf32>
      %slice3A_2479 = vector.extract_strided_slice %get3A_1610 {offsets = [9], sizes = [1], strides = [1]} : vector<16xf32> to vector<1xf32>
      %squeeze3A_2480 = vector.extract %slice3A_2479[0] : f32 from vector<1xf32>
      %mul3A_2481 = vector.broadcast %squeeze3A_2480 : f32 to vector<16xf32>
      %mul3A_2482 = arith.mulf %mul3A_2478, %mul3A_2481 : vector<16xf32>
      %add3A_2483 = arith.addf %add3A_2475, %mul3A_2482 : vector<16xf32>
      %mul3A_2484 = arith.constant -5.000000e+01 : f32
      %mul3A_2485 = vector.broadcast %mul3A_2484 : f32 to vector<16xf32>
      %mul3A_2486 = arith.mulf %mul3A_2485, %add3A_2483 : vector<16xf32>
      %neg3A_2487 = arith.constant 0.000000e+00 : f32
      %neg3A_2488 = vector.broadcast %neg3A_2487 : f32 to vector<16xf32>
      %neg3A_2489 = arith.subf %neg3A_2488, %add3A_2465 : vector<16xf32>
      %div3A_2490 = arith.constant 4.000000e+00 : f32
      %div3A_2491 = vector.broadcast %div3A_2490 : f32 to vector<16xf32>
      %div3A_2492 = arith.divf %neg3A_2489, %div3A_2491 : vector<16xf32>
      %exp3A_2493 = math.exp %div3A_2492 : vector<16xf32>
      %mul3A_2494 = arith.mulf %mul3A_2486, %exp3A_2493 : vector<16xf32>
      %add3A_2495 = arith.addf %add3A_2418, %mul3A_2494 : vector<16xf32>
      %slice3A_2496 = vector.extract_strided_slice %select_n3A_1633 {offsets = [10], sizes = [1], strides = [1]} : vector<16xi32> to vector<1xi32>
      %squeeze3A_2497 = vector.extract %slice3A_2496[0] : i32 from vector<1xi32>
      %eq3A_2498 = vector.broadcast %squeeze3A_2497 : i32 to vector<16xi32>
      %eq3A_2499 = arith.cmpi eq, %select_n3A_88, %eq3A_2498 : vector<16xi32>
      %slice3A_2500 = vector.extract_strided_slice %select_n3A_1656 {offsets = [10], sizes = [1], strides = [1]} : vector<16xi32> to vector<1xi32>
      %squeeze3A_2501 = vector.extract %slice3A_2500[0] : i32 from vector<1xi32>
      %eq3A_2502 = vector.broadcast %squeeze3A_2501 : i32 to vector<16xi32>
      %eq3A_2503 = arith.cmpi eq, %select_n3A_111, %eq3A_2502 : vector<16xi32>
      %and3A_2504 = arith.andi %eq3A_2499, %eq3A_2503 : vector<16xi1>
      %slice3A_2505 = vector.extract_strided_slice %select_n3A_1679 {offsets = [10], sizes = [1], strides = [1]} : vector<16xi32> to vector<1xi32>
      %squeeze3A_2506 = vector.extract %slice3A_2505[0] : i32 from vector<1xi32>
      %eq3A_2507 = vector.broadcast %squeeze3A_2506 : i32 to vector<16xi32>
      %eq3A_2508 = arith.cmpi eq, %select_n3A_134, %eq3A_2507 : vector<16xi32>
      %and3A_2509 = arith.andi %and3A_2504, %eq3A_2508 : vector<16xi1>
      %slice3A_2510 = vector.extract_strided_slice %select_n3A_1702 {offsets = [10], sizes = [1], strides = [1]} : vector<16xi32> to vector<1xi32>
      %squeeze3A_2511 = vector.extract %slice3A_2510[0] : i32 from vector<1xi32>
      %eq3A_2512 = vector.broadcast %squeeze3A_2511 : i32 to vector<16xi32>
      %eq3A_2513 = arith.cmpi eq, %select_n3A_157, %eq3A_2512 : vector<16xi32>
      %and3A_2514 = arith.andi %and3A_2509, %eq3A_2513 : vector<16xi1>
      %slice3A_2515 = vector.extract_strided_slice %select_n3A_1725 {offsets = [10], sizes = [1], strides = [1]} : vector<16xi32> to vector<1xi32>
      %squeeze3A_2516 = vector.extract %slice3A_2515[0] : i32 from vector<1xi32>
      %eq3A_2517 = vector.broadcast %squeeze3A_2516 : i32 to vector<16xi32>
      %eq3A_2518 = arith.cmpi eq, %select_n3A_180, %eq3A_2517 : vector<16xi32>
      %and3A_2519 = arith.andi %and3A_2514, %eq3A_2518 : vector<16xi1>
      %jit3A_2520 = arith.constant 1.000000e+00 : f32
      %jit3A_2521 = arith.constant 0.000000e+00 : f32
      %broadcast_in_dim3A_2522 = vector.broadcast %jit3A_2520 : f32 to vector<16xf32>
      %broadcast_in_dim3A_2523 = vector.broadcast %jit3A_2521 : f32 to vector<16xf32>
      %select_n3A_2524 = arith.select %and3A_2519, %broadcast_in_dim3A_2522, %broadcast_in_dim3A_2523 : vector<16xi1>, vector<16xf32>
      %add3A_2525 = arith.addf %add3A_2448, %select_n3A_2524 : vector<16xf32>
      %slice3A_2526 = vector.extract_strided_slice %get3A_1590 {offsets = [10], sizes = [1], strides = [1]} : vector<16xf32> to vector<1xf32>
      %squeeze3A_2527 = vector.extract %slice3A_2526[0] : f32 from vector<1xf32>
      %sub3A_2528 = vector.broadcast %squeeze3A_2527 : f32 to vector<16xf32>
      %sub3A_2529 = arith.subf %add3A_184, %sub3A_2528 : vector<16xf32>
      %mul3A_2530 = arith.mulf %sub3A_2529, %sub3A_2529 : vector<16xf32>
      %slice3A_2531 = vector.extract_strided_slice %get3A_1595 {offsets = [10], sizes = [1], strides = [1]} : vector<16xf32> to vector<1xf32>
      %squeeze3A_2532 = vector.extract %slice3A_2531[0] : f32 from vector<1xf32>
      %sub3A_2533 = vector.broadcast %squeeze3A_2532 : f32 to vector<16xf32>
      %sub3A_2534 = arith.subf %add3A_188, %sub3A_2533 : vector<16xf32>
      %mul3A_2535 = arith.mulf %sub3A_2534, %sub3A_2534 : vector<16xf32>
      %add3A_2536 = arith.addf %mul3A_2530, %mul3A_2535 : vector<16xf32>
      %slice3A_2537 = vector.extract_strided_slice %get3A_1600 {offsets = [10], sizes = [1], strides = [1]} : vector<16xf32> to vector<1xf32>
      %squeeze3A_2538 = vector.extract %slice3A_2537[0] : f32 from vector<1xf32>
      %sub3A_2539 = vector.broadcast %squeeze3A_2538 : f32 to vector<16xf32>
      %sub3A_2540 = arith.subf %add3A_192, %sub3A_2539 : vector<16xf32>
      %mul3A_2541 = arith.mulf %sub3A_2540, %sub3A_2540 : vector<16xf32>
      %add3A_2542 = arith.addf %add3A_2536, %mul3A_2541 : vector<16xf32>
      %mul3A_2543 = arith.constant 2.500000e-01 : f32
      %mul3A_2544 = vector.broadcast %mul3A_2543 : f32 to vector<16xf32>
      %mul3A_2545 = arith.mulf %mul3A_2544, %add3A_196 : vector<16xf32>
      %slice3A_2546 = vector.extract_strided_slice %get3A_1605 {offsets = [10], sizes = [1], strides = [1]} : vector<16xf32> to vector<1xf32>
      %squeeze3A_2547 = vector.extract %slice3A_2546[0] : f32 from vector<1xf32>
      %mul3A_2548 = vector.broadcast %squeeze3A_2547 : f32 to vector<16xf32>
      %mul3A_2549 = arith.mulf %mul3A_2545, %mul3A_2548 : vector<16xf32>
      %add3A_2550 = arith.constant 1.000000e+00 : f32
      %add3A_2551 = vector.broadcast %add3A_2550 : f32 to vector<16xf32>
      %add3A_2552 = arith.addf %add3A_2551, %mul3A_2549 : vector<16xf32>
      %mul3A_2553 = arith.constant 2.500000e-01 : f32
      %mul3A_2554 = vector.broadcast %mul3A_2553 : f32 to vector<16xf32>
      %mul3A_2555 = arith.mulf %mul3A_2554, %add3A_200 : vector<16xf32>
      %slice3A_2556 = vector.extract_strided_slice %get3A_1610 {offsets = [10], sizes = [1], strides = [1]} : vector<16xf32> to vector<1xf32>
      %squeeze3A_2557 = vector.extract %slice3A_2556[0] : f32 from vector<1xf32>
      %mul3A_2558 = vector.broadcast %squeeze3A_2557 : f32 to vector<16xf32>
      %mul3A_2559 = arith.mulf %mul3A_2555, %mul3A_2558 : vector<16xf32>
      %add3A_2560 = arith.addf %add3A_2552, %mul3A_2559 : vector<16xf32>
      %mul3A_2561 = arith.constant -5.000000e+01 : f32
      %mul3A_2562 = vector.broadcast %mul3A_2561 : f32 to vector<16xf32>
      %mul3A_2563 = arith.mulf %mul3A_2562, %add3A_2560 : vector<16xf32>
      %neg3A_2564 = arith.constant 0.000000e+00 : f32
      %neg3A_2565 = vector.broadcast %neg3A_2564 : f32 to vector<16xf32>
      %neg3A_2566 = arith.subf %neg3A_2565, %add3A_2542 : vector<16xf32>
      %div3A_2567 = arith.constant 4.000000e+00 : f32
      %div3A_2568 = vector.broadcast %div3A_2567 : f32 to vector<16xf32>
      %div3A_2569 = arith.divf %neg3A_2566, %div3A_2568 : vector<16xf32>
      %exp3A_2570 = math.exp %div3A_2569 : vector<16xf32>
      %mul3A_2571 = arith.mulf %mul3A_2563, %exp3A_2570 : vector<16xf32>
      %add3A_2572 = arith.addf %add3A_2495, %mul3A_2571 : vector<16xf32>
      %slice3A_2573 = vector.extract_strided_slice %select_n3A_1633 {offsets = [11], sizes = [1], strides = [1]} : vector<16xi32> to vector<1xi32>
      %squeeze3A_2574 = vector.extract %slice3A_2573[0] : i32 from vector<1xi32>
      %eq3A_2575 = vector.broadcast %squeeze3A_2574 : i32 to vector<16xi32>
      %eq3A_2576 = arith.cmpi eq, %select_n3A_88, %eq3A_2575 : vector<16xi32>
      %slice3A_2577 = vector.extract_strided_slice %select_n3A_1656 {offsets = [11], sizes = [1], strides = [1]} : vector<16xi32> to vector<1xi32>
      %squeeze3A_2578 = vector.extract %slice3A_2577[0] : i32 from vector<1xi32>
      %eq3A_2579 = vector.broadcast %squeeze3A_2578 : i32 to vector<16xi32>
      %eq3A_2580 = arith.cmpi eq, %select_n3A_111, %eq3A_2579 : vector<16xi32>
      %and3A_2581 = arith.andi %eq3A_2576, %eq3A_2580 : vector<16xi1>
      %slice3A_2582 = vector.extract_strided_slice %select_n3A_1679 {offsets = [11], sizes = [1], strides = [1]} : vector<16xi32> to vector<1xi32>
      %squeeze3A_2583 = vector.extract %slice3A_2582[0] : i32 from vector<1xi32>
      %eq3A_2584 = vector.broadcast %squeeze3A_2583 : i32 to vector<16xi32>
      %eq3A_2585 = arith.cmpi eq, %select_n3A_134, %eq3A_2584 : vector<16xi32>
      %and3A_2586 = arith.andi %and3A_2581, %eq3A_2585 : vector<16xi1>
      %slice3A_2587 = vector.extract_strided_slice %select_n3A_1702 {offsets = [11], sizes = [1], strides = [1]} : vector<16xi32> to vector<1xi32>
      %squeeze3A_2588 = vector.extract %slice3A_2587[0] : i32 from vector<1xi32>
      %eq3A_2589 = vector.broadcast %squeeze3A_2588 : i32 to vector<16xi32>
      %eq3A_2590 = arith.cmpi eq, %select_n3A_157, %eq3A_2589 : vector<16xi32>
      %and3A_2591 = arith.andi %and3A_2586, %eq3A_2590 : vector<16xi1>
      %slice3A_2592 = vector.extract_strided_slice %select_n3A_1725 {offsets = [11], sizes = [1], strides = [1]} : vector<16xi32> to vector<1xi32>
      %squeeze3A_2593 = vector.extract %slice3A_2592[0] : i32 from vector<1xi32>
      %eq3A_2594 = vector.broadcast %squeeze3A_2593 : i32 to vector<16xi32>
      %eq3A_2595 = arith.cmpi eq, %select_n3A_180, %eq3A_2594 : vector<16xi32>
      %and3A_2596 = arith.andi %and3A_2591, %eq3A_2595 : vector<16xi1>
      %jit3A_2597 = arith.constant 1.000000e+00 : f32
      %jit3A_2598 = arith.constant 0.000000e+00 : f32
      %broadcast_in_dim3A_2599 = vector.broadcast %jit3A_2597 : f32 to vector<16xf32>
      %broadcast_in_dim3A_2600 = vector.broadcast %jit3A_2598 : f32 to vector<16xf32>
      %select_n3A_2601 = arith.select %and3A_2596, %broadcast_in_dim3A_2599, %broadcast_in_dim3A_2600 : vector<16xi1>, vector<16xf32>
      %add3A_2602 = arith.addf %add3A_2525, %select_n3A_2601 : vector<16xf32>
      %slice3A_2603 = vector.extract_strided_slice %get3A_1590 {offsets = [11], sizes = [1], strides = [1]} : vector<16xf32> to vector<1xf32>
      %squeeze3A_2604 = vector.extract %slice3A_2603[0] : f32 from vector<1xf32>
      %sub3A_2605 = vector.broadcast %squeeze3A_2604 : f32 to vector<16xf32>
      %sub3A_2606 = arith.subf %add3A_184, %sub3A_2605 : vector<16xf32>
      %mul3A_2607 = arith.mulf %sub3A_2606, %sub3A_2606 : vector<16xf32>
      %slice3A_2608 = vector.extract_strided_slice %get3A_1595 {offsets = [11], sizes = [1], strides = [1]} : vector<16xf32> to vector<1xf32>
      %squeeze3A_2609 = vector.extract %slice3A_2608[0] : f32 from vector<1xf32>
      %sub3A_2610 = vector.broadcast %squeeze3A_2609 : f32 to vector<16xf32>
      %sub3A_2611 = arith.subf %add3A_188, %sub3A_2610 : vector<16xf32>
      %mul3A_2612 = arith.mulf %sub3A_2611, %sub3A_2611 : vector<16xf32>
      %add3A_2613 = arith.addf %mul3A_2607, %mul3A_2612 : vector<16xf32>
      %slice3A_2614 = vector.extract_strided_slice %get3A_1600 {offsets = [11], sizes = [1], strides = [1]} : vector<16xf32> to vector<1xf32>
      %squeeze3A_2615 = vector.extract %slice3A_2614[0] : f32 from vector<1xf32>
      %sub3A_2616 = vector.broadcast %squeeze3A_2615 : f32 to vector<16xf32>
      %sub3A_2617 = arith.subf %add3A_192, %sub3A_2616 : vector<16xf32>
      %mul3A_2618 = arith.mulf %sub3A_2617, %sub3A_2617 : vector<16xf32>
      %add3A_2619 = arith.addf %add3A_2613, %mul3A_2618 : vector<16xf32>
      %mul3A_2620 = arith.constant 2.500000e-01 : f32
      %mul3A_2621 = vector.broadcast %mul3A_2620 : f32 to vector<16xf32>
      %mul3A_2622 = arith.mulf %mul3A_2621, %add3A_196 : vector<16xf32>
      %slice3A_2623 = vector.extract_strided_slice %get3A_1605 {offsets = [11], sizes = [1], strides = [1]} : vector<16xf32> to vector<1xf32>
      %squeeze3A_2624 = vector.extract %slice3A_2623[0] : f32 from vector<1xf32>
      %mul3A_2625 = vector.broadcast %squeeze3A_2624 : f32 to vector<16xf32>
      %mul3A_2626 = arith.mulf %mul3A_2622, %mul3A_2625 : vector<16xf32>
      %add3A_2627 = arith.constant 1.000000e+00 : f32
      %add3A_2628 = vector.broadcast %add3A_2627 : f32 to vector<16xf32>
      %add3A_2629 = arith.addf %add3A_2628, %mul3A_2626 : vector<16xf32>
      %mul3A_2630 = arith.constant 2.500000e-01 : f32
      %mul3A_2631 = vector.broadcast %mul3A_2630 : f32 to vector<16xf32>
      %mul3A_2632 = arith.mulf %mul3A_2631, %add3A_200 : vector<16xf32>
      %slice3A_2633 = vector.extract_strided_slice %get3A_1610 {offsets = [11], sizes = [1], strides = [1]} : vector<16xf32> to vector<1xf32>
      %squeeze3A_2634 = vector.extract %slice3A_2633[0] : f32 from vector<1xf32>
      %mul3A_2635 = vector.broadcast %squeeze3A_2634 : f32 to vector<16xf32>
      %mul3A_2636 = arith.mulf %mul3A_2632, %mul3A_2635 : vector<16xf32>
      %add3A_2637 = arith.addf %add3A_2629, %mul3A_2636 : vector<16xf32>
      %mul3A_2638 = arith.constant -5.000000e+01 : f32
      %mul3A_2639 = vector.broadcast %mul3A_2638 : f32 to vector<16xf32>
      %mul3A_2640 = arith.mulf %mul3A_2639, %add3A_2637 : vector<16xf32>
      %neg3A_2641 = arith.constant 0.000000e+00 : f32
      %neg3A_2642 = vector.broadcast %neg3A_2641 : f32 to vector<16xf32>
      %neg3A_2643 = arith.subf %neg3A_2642, %add3A_2619 : vector<16xf32>
      %div3A_2644 = arith.constant 4.000000e+00 : f32
      %div3A_2645 = vector.broadcast %div3A_2644 : f32 to vector<16xf32>
      %div3A_2646 = arith.divf %neg3A_2643, %div3A_2645 : vector<16xf32>
      %exp3A_2647 = math.exp %div3A_2646 : vector<16xf32>
      %mul3A_2648 = arith.mulf %mul3A_2640, %exp3A_2647 : vector<16xf32>
      %add3A_2649 = arith.addf %add3A_2572, %mul3A_2648 : vector<16xf32>
      %slice3A_2650 = vector.extract_strided_slice %select_n3A_1633 {offsets = [12], sizes = [1], strides = [1]} : vector<16xi32> to vector<1xi32>
      %squeeze3A_2651 = vector.extract %slice3A_2650[0] : i32 from vector<1xi32>
      %eq3A_2652 = vector.broadcast %squeeze3A_2651 : i32 to vector<16xi32>
      %eq3A_2653 = arith.cmpi eq, %select_n3A_88, %eq3A_2652 : vector<16xi32>
      %slice3A_2654 = vector.extract_strided_slice %select_n3A_1656 {offsets = [12], sizes = [1], strides = [1]} : vector<16xi32> to vector<1xi32>
      %squeeze3A_2655 = vector.extract %slice3A_2654[0] : i32 from vector<1xi32>
      %eq3A_2656 = vector.broadcast %squeeze3A_2655 : i32 to vector<16xi32>
      %eq3A_2657 = arith.cmpi eq, %select_n3A_111, %eq3A_2656 : vector<16xi32>
      %and3A_2658 = arith.andi %eq3A_2653, %eq3A_2657 : vector<16xi1>
      %slice3A_2659 = vector.extract_strided_slice %select_n3A_1679 {offsets = [12], sizes = [1], strides = [1]} : vector<16xi32> to vector<1xi32>
      %squeeze3A_2660 = vector.extract %slice3A_2659[0] : i32 from vector<1xi32>
      %eq3A_2661 = vector.broadcast %squeeze3A_2660 : i32 to vector<16xi32>
      %eq3A_2662 = arith.cmpi eq, %select_n3A_134, %eq3A_2661 : vector<16xi32>
      %and3A_2663 = arith.andi %and3A_2658, %eq3A_2662 : vector<16xi1>
      %slice3A_2664 = vector.extract_strided_slice %select_n3A_1702 {offsets = [12], sizes = [1], strides = [1]} : vector<16xi32> to vector<1xi32>
      %squeeze3A_2665 = vector.extract %slice3A_2664[0] : i32 from vector<1xi32>
      %eq3A_2666 = vector.broadcast %squeeze3A_2665 : i32 to vector<16xi32>
      %eq3A_2667 = arith.cmpi eq, %select_n3A_157, %eq3A_2666 : vector<16xi32>
      %and3A_2668 = arith.andi %and3A_2663, %eq3A_2667 : vector<16xi1>
      %slice3A_2669 = vector.extract_strided_slice %select_n3A_1725 {offsets = [12], sizes = [1], strides = [1]} : vector<16xi32> to vector<1xi32>
      %squeeze3A_2670 = vector.extract %slice3A_2669[0] : i32 from vector<1xi32>
      %eq3A_2671 = vector.broadcast %squeeze3A_2670 : i32 to vector<16xi32>
      %eq3A_2672 = arith.cmpi eq, %select_n3A_180, %eq3A_2671 : vector<16xi32>
      %and3A_2673 = arith.andi %and3A_2668, %eq3A_2672 : vector<16xi1>
      %jit3A_2674 = arith.constant 1.000000e+00 : f32
      %jit3A_2675 = arith.constant 0.000000e+00 : f32
      %broadcast_in_dim3A_2676 = vector.broadcast %jit3A_2674 : f32 to vector<16xf32>
      %broadcast_in_dim3A_2677 = vector.broadcast %jit3A_2675 : f32 to vector<16xf32>
      %select_n3A_2678 = arith.select %and3A_2673, %broadcast_in_dim3A_2676, %broadcast_in_dim3A_2677 : vector<16xi1>, vector<16xf32>
      %add3A_2679 = arith.addf %add3A_2602, %select_n3A_2678 : vector<16xf32>
      %slice3A_2680 = vector.extract_strided_slice %get3A_1590 {offsets = [12], sizes = [1], strides = [1]} : vector<16xf32> to vector<1xf32>
      %squeeze3A_2681 = vector.extract %slice3A_2680[0] : f32 from vector<1xf32>
      %sub3A_2682 = vector.broadcast %squeeze3A_2681 : f32 to vector<16xf32>
      %sub3A_2683 = arith.subf %add3A_184, %sub3A_2682 : vector<16xf32>
      %mul3A_2684 = arith.mulf %sub3A_2683, %sub3A_2683 : vector<16xf32>
      %slice3A_2685 = vector.extract_strided_slice %get3A_1595 {offsets = [12], sizes = [1], strides = [1]} : vector<16xf32> to vector<1xf32>
      %squeeze3A_2686 = vector.extract %slice3A_2685[0] : f32 from vector<1xf32>
      %sub3A_2687 = vector.broadcast %squeeze3A_2686 : f32 to vector<16xf32>
      %sub3A_2688 = arith.subf %add3A_188, %sub3A_2687 : vector<16xf32>
      %mul3A_2689 = arith.mulf %sub3A_2688, %sub3A_2688 : vector<16xf32>
      %add3A_2690 = arith.addf %mul3A_2684, %mul3A_2689 : vector<16xf32>
      %slice3A_2691 = vector.extract_strided_slice %get3A_1600 {offsets = [12], sizes = [1], strides = [1]} : vector<16xf32> to vector<1xf32>
      %squeeze3A_2692 = vector.extract %slice3A_2691[0] : f32 from vector<1xf32>
      %sub3A_2693 = vector.broadcast %squeeze3A_2692 : f32 to vector<16xf32>
      %sub3A_2694 = arith.subf %add3A_192, %sub3A_2693 : vector<16xf32>
      %mul3A_2695 = arith.mulf %sub3A_2694, %sub3A_2694 : vector<16xf32>
      %add3A_2696 = arith.addf %add3A_2690, %mul3A_2695 : vector<16xf32>
      %mul3A_2697 = arith.constant 2.500000e-01 : f32
      %mul3A_2698 = vector.broadcast %mul3A_2697 : f32 to vector<16xf32>
      %mul3A_2699 = arith.mulf %mul3A_2698, %add3A_196 : vector<16xf32>
      %slice3A_2700 = vector.extract_strided_slice %get3A_1605 {offsets = [12], sizes = [1], strides = [1]} : vector<16xf32> to vector<1xf32>
      %squeeze3A_2701 = vector.extract %slice3A_2700[0] : f32 from vector<1xf32>
      %mul3A_2702 = vector.broadcast %squeeze3A_2701 : f32 to vector<16xf32>
      %mul3A_2703 = arith.mulf %mul3A_2699, %mul3A_2702 : vector<16xf32>
      %add3A_2704 = arith.constant 1.000000e+00 : f32
      %add3A_2705 = vector.broadcast %add3A_2704 : f32 to vector<16xf32>
      %add3A_2706 = arith.addf %add3A_2705, %mul3A_2703 : vector<16xf32>
      %mul3A_2707 = arith.constant 2.500000e-01 : f32
      %mul3A_2708 = vector.broadcast %mul3A_2707 : f32 to vector<16xf32>
      %mul3A_2709 = arith.mulf %mul3A_2708, %add3A_200 : vector<16xf32>
      %slice3A_2710 = vector.extract_strided_slice %get3A_1610 {offsets = [12], sizes = [1], strides = [1]} : vector<16xf32> to vector<1xf32>
      %squeeze3A_2711 = vector.extract %slice3A_2710[0] : f32 from vector<1xf32>
      %mul3A_2712 = vector.broadcast %squeeze3A_2711 : f32 to vector<16xf32>
      %mul3A_2713 = arith.mulf %mul3A_2709, %mul3A_2712 : vector<16xf32>
      %add3A_2714 = arith.addf %add3A_2706, %mul3A_2713 : vector<16xf32>
      %mul3A_2715 = arith.constant -5.000000e+01 : f32
      %mul3A_2716 = vector.broadcast %mul3A_2715 : f32 to vector<16xf32>
      %mul3A_2717 = arith.mulf %mul3A_2716, %add3A_2714 : vector<16xf32>
      %neg3A_2718 = arith.constant 0.000000e+00 : f32
      %neg3A_2719 = vector.broadcast %neg3A_2718 : f32 to vector<16xf32>
      %neg3A_2720 = arith.subf %neg3A_2719, %add3A_2696 : vector<16xf32>
      %div3A_2721 = arith.constant 4.000000e+00 : f32
      %div3A_2722 = vector.broadcast %div3A_2721 : f32 to vector<16xf32>
      %div3A_2723 = arith.divf %neg3A_2720, %div3A_2722 : vector<16xf32>
      %exp3A_2724 = math.exp %div3A_2723 : vector<16xf32>
      %mul3A_2725 = arith.mulf %mul3A_2717, %exp3A_2724 : vector<16xf32>
      %add3A_2726 = arith.addf %add3A_2649, %mul3A_2725 : vector<16xf32>
      %slice3A_2727 = vector.extract_strided_slice %select_n3A_1633 {offsets = [13], sizes = [1], strides = [1]} : vector<16xi32> to vector<1xi32>
      %squeeze3A_2728 = vector.extract %slice3A_2727[0] : i32 from vector<1xi32>
      %eq3A_2729 = vector.broadcast %squeeze3A_2728 : i32 to vector<16xi32>
      %eq3A_2730 = arith.cmpi eq, %select_n3A_88, %eq3A_2729 : vector<16xi32>
      %slice3A_2731 = vector.extract_strided_slice %select_n3A_1656 {offsets = [13], sizes = [1], strides = [1]} : vector<16xi32> to vector<1xi32>
      %squeeze3A_2732 = vector.extract %slice3A_2731[0] : i32 from vector<1xi32>
      %eq3A_2733 = vector.broadcast %squeeze3A_2732 : i32 to vector<16xi32>
      %eq3A_2734 = arith.cmpi eq, %select_n3A_111, %eq3A_2733 : vector<16xi32>
      %and3A_2735 = arith.andi %eq3A_2730, %eq3A_2734 : vector<16xi1>
      %slice3A_2736 = vector.extract_strided_slice %select_n3A_1679 {offsets = [13], sizes = [1], strides = [1]} : vector<16xi32> to vector<1xi32>
      %squeeze3A_2737 = vector.extract %slice3A_2736[0] : i32 from vector<1xi32>
      %eq3A_2738 = vector.broadcast %squeeze3A_2737 : i32 to vector<16xi32>
      %eq3A_2739 = arith.cmpi eq, %select_n3A_134, %eq3A_2738 : vector<16xi32>
      %and3A_2740 = arith.andi %and3A_2735, %eq3A_2739 : vector<16xi1>
      %slice3A_2741 = vector.extract_strided_slice %select_n3A_1702 {offsets = [13], sizes = [1], strides = [1]} : vector<16xi32> to vector<1xi32>
      %squeeze3A_2742 = vector.extract %slice3A_2741[0] : i32 from vector<1xi32>
      %eq3A_2743 = vector.broadcast %squeeze3A_2742 : i32 to vector<16xi32>
      %eq3A_2744 = arith.cmpi eq, %select_n3A_157, %eq3A_2743 : vector<16xi32>
      %and3A_2745 = arith.andi %and3A_2740, %eq3A_2744 : vector<16xi1>
      %slice3A_2746 = vector.extract_strided_slice %select_n3A_1725 {offsets = [13], sizes = [1], strides = [1]} : vector<16xi32> to vector<1xi32>
      %squeeze3A_2747 = vector.extract %slice3A_2746[0] : i32 from vector<1xi32>
      %eq3A_2748 = vector.broadcast %squeeze3A_2747 : i32 to vector<16xi32>
      %eq3A_2749 = arith.cmpi eq, %select_n3A_180, %eq3A_2748 : vector<16xi32>
      %and3A_2750 = arith.andi %and3A_2745, %eq3A_2749 : vector<16xi1>
      %jit3A_2751 = arith.constant 1.000000e+00 : f32
      %jit3A_2752 = arith.constant 0.000000e+00 : f32
      %broadcast_in_dim3A_2753 = vector.broadcast %jit3A_2751 : f32 to vector<16xf32>
      %broadcast_in_dim3A_2754 = vector.broadcast %jit3A_2752 : f32 to vector<16xf32>
      %select_n3A_2755 = arith.select %and3A_2750, %broadcast_in_dim3A_2753, %broadcast_in_dim3A_2754 : vector<16xi1>, vector<16xf32>
      %add3A_2756 = arith.addf %add3A_2679, %select_n3A_2755 : vector<16xf32>
      %slice3A_2757 = vector.extract_strided_slice %get3A_1590 {offsets = [13], sizes = [1], strides = [1]} : vector<16xf32> to vector<1xf32>
      %squeeze3A_2758 = vector.extract %slice3A_2757[0] : f32 from vector<1xf32>
      %sub3A_2759 = vector.broadcast %squeeze3A_2758 : f32 to vector<16xf32>
      %sub3A_2760 = arith.subf %add3A_184, %sub3A_2759 : vector<16xf32>
      %mul3A_2761 = arith.mulf %sub3A_2760, %sub3A_2760 : vector<16xf32>
      %slice3A_2762 = vector.extract_strided_slice %get3A_1595 {offsets = [13], sizes = [1], strides = [1]} : vector<16xf32> to vector<1xf32>
      %squeeze3A_2763 = vector.extract %slice3A_2762[0] : f32 from vector<1xf32>
      %sub3A_2764 = vector.broadcast %squeeze3A_2763 : f32 to vector<16xf32>
      %sub3A_2765 = arith.subf %add3A_188, %sub3A_2764 : vector<16xf32>
      %mul3A_2766 = arith.mulf %sub3A_2765, %sub3A_2765 : vector<16xf32>
      %add3A_2767 = arith.addf %mul3A_2761, %mul3A_2766 : vector<16xf32>
      %slice3A_2768 = vector.extract_strided_slice %get3A_1600 {offsets = [13], sizes = [1], strides = [1]} : vector<16xf32> to vector<1xf32>
      %squeeze3A_2769 = vector.extract %slice3A_2768[0] : f32 from vector<1xf32>
      %sub3A_2770 = vector.broadcast %squeeze3A_2769 : f32 to vector<16xf32>
      %sub3A_2771 = arith.subf %add3A_192, %sub3A_2770 : vector<16xf32>
      %mul3A_2772 = arith.mulf %sub3A_2771, %sub3A_2771 : vector<16xf32>
      %add3A_2773 = arith.addf %add3A_2767, %mul3A_2772 : vector<16xf32>
      %mul3A_2774 = arith.constant 2.500000e-01 : f32
      %mul3A_2775 = vector.broadcast %mul3A_2774 : f32 to vector<16xf32>
      %mul3A_2776 = arith.mulf %mul3A_2775, %add3A_196 : vector<16xf32>
      %slice3A_2777 = vector.extract_strided_slice %get3A_1605 {offsets = [13], sizes = [1], strides = [1]} : vector<16xf32> to vector<1xf32>
      %squeeze3A_2778 = vector.extract %slice3A_2777[0] : f32 from vector<1xf32>
      %mul3A_2779 = vector.broadcast %squeeze3A_2778 : f32 to vector<16xf32>
      %mul3A_2780 = arith.mulf %mul3A_2776, %mul3A_2779 : vector<16xf32>
      %add3A_2781 = arith.constant 1.000000e+00 : f32
      %add3A_2782 = vector.broadcast %add3A_2781 : f32 to vector<16xf32>
      %add3A_2783 = arith.addf %add3A_2782, %mul3A_2780 : vector<16xf32>
      %mul3A_2784 = arith.constant 2.500000e-01 : f32
      %mul3A_2785 = vector.broadcast %mul3A_2784 : f32 to vector<16xf32>
      %mul3A_2786 = arith.mulf %mul3A_2785, %add3A_200 : vector<16xf32>
      %slice3A_2787 = vector.extract_strided_slice %get3A_1610 {offsets = [13], sizes = [1], strides = [1]} : vector<16xf32> to vector<1xf32>
      %squeeze3A_2788 = vector.extract %slice3A_2787[0] : f32 from vector<1xf32>
      %mul3A_2789 = vector.broadcast %squeeze3A_2788 : f32 to vector<16xf32>
      %mul3A_2790 = arith.mulf %mul3A_2786, %mul3A_2789 : vector<16xf32>
      %add3A_2791 = arith.addf %add3A_2783, %mul3A_2790 : vector<16xf32>
      %mul3A_2792 = arith.constant -5.000000e+01 : f32
      %mul3A_2793 = vector.broadcast %mul3A_2792 : f32 to vector<16xf32>
      %mul3A_2794 = arith.mulf %mul3A_2793, %add3A_2791 : vector<16xf32>
      %neg3A_2795 = arith.constant 0.000000e+00 : f32
      %neg3A_2796 = vector.broadcast %neg3A_2795 : f32 to vector<16xf32>
      %neg3A_2797 = arith.subf %neg3A_2796, %add3A_2773 : vector<16xf32>
      %div3A_2798 = arith.constant 4.000000e+00 : f32
      %div3A_2799 = vector.broadcast %div3A_2798 : f32 to vector<16xf32>
      %div3A_2800 = arith.divf %neg3A_2797, %div3A_2799 : vector<16xf32>
      %exp3A_2801 = math.exp %div3A_2800 : vector<16xf32>
      %mul3A_2802 = arith.mulf %mul3A_2794, %exp3A_2801 : vector<16xf32>
      %add3A_2803 = arith.addf %add3A_2726, %mul3A_2802 : vector<16xf32>
      %slice3A_2804 = vector.extract_strided_slice %select_n3A_1633 {offsets = [14], sizes = [1], strides = [1]} : vector<16xi32> to vector<1xi32>
      %squeeze3A_2805 = vector.extract %slice3A_2804[0] : i32 from vector<1xi32>
      %eq3A_2806 = vector.broadcast %squeeze3A_2805 : i32 to vector<16xi32>
      %eq3A_2807 = arith.cmpi eq, %select_n3A_88, %eq3A_2806 : vector<16xi32>
      %slice3A_2808 = vector.extract_strided_slice %select_n3A_1656 {offsets = [14], sizes = [1], strides = [1]} : vector<16xi32> to vector<1xi32>
      %squeeze3A_2809 = vector.extract %slice3A_2808[0] : i32 from vector<1xi32>
      %eq3A_2810 = vector.broadcast %squeeze3A_2809 : i32 to vector<16xi32>
      %eq3A_2811 = arith.cmpi eq, %select_n3A_111, %eq3A_2810 : vector<16xi32>
      %and3A_2812 = arith.andi %eq3A_2807, %eq3A_2811 : vector<16xi1>
      %slice3A_2813 = vector.extract_strided_slice %select_n3A_1679 {offsets = [14], sizes = [1], strides = [1]} : vector<16xi32> to vector<1xi32>
      %squeeze3A_2814 = vector.extract %slice3A_2813[0] : i32 from vector<1xi32>
      %eq3A_2815 = vector.broadcast %squeeze3A_2814 : i32 to vector<16xi32>
      %eq3A_2816 = arith.cmpi eq, %select_n3A_134, %eq3A_2815 : vector<16xi32>
      %and3A_2817 = arith.andi %and3A_2812, %eq3A_2816 : vector<16xi1>
      %slice3A_2818 = vector.extract_strided_slice %select_n3A_1702 {offsets = [14], sizes = [1], strides = [1]} : vector<16xi32> to vector<1xi32>
      %squeeze3A_2819 = vector.extract %slice3A_2818[0] : i32 from vector<1xi32>
      %eq3A_2820 = vector.broadcast %squeeze3A_2819 : i32 to vector<16xi32>
      %eq3A_2821 = arith.cmpi eq, %select_n3A_157, %eq3A_2820 : vector<16xi32>
      %and3A_2822 = arith.andi %and3A_2817, %eq3A_2821 : vector<16xi1>
      %slice3A_2823 = vector.extract_strided_slice %select_n3A_1725 {offsets = [14], sizes = [1], strides = [1]} : vector<16xi32> to vector<1xi32>
      %squeeze3A_2824 = vector.extract %slice3A_2823[0] : i32 from vector<1xi32>
      %eq3A_2825 = vector.broadcast %squeeze3A_2824 : i32 to vector<16xi32>
      %eq3A_2826 = arith.cmpi eq, %select_n3A_180, %eq3A_2825 : vector<16xi32>
      %and3A_2827 = arith.andi %and3A_2822, %eq3A_2826 : vector<16xi1>
      %jit3A_2828 = arith.constant 1.000000e+00 : f32
      %jit3A_2829 = arith.constant 0.000000e+00 : f32
      %broadcast_in_dim3A_2830 = vector.broadcast %jit3A_2828 : f32 to vector<16xf32>
      %broadcast_in_dim3A_2831 = vector.broadcast %jit3A_2829 : f32 to vector<16xf32>
      %select_n3A_2832 = arith.select %and3A_2827, %broadcast_in_dim3A_2830, %broadcast_in_dim3A_2831 : vector<16xi1>, vector<16xf32>
      %add3A_2833 = arith.addf %add3A_2756, %select_n3A_2832 : vector<16xf32>
      %slice3A_2834 = vector.extract_strided_slice %get3A_1590 {offsets = [14], sizes = [1], strides = [1]} : vector<16xf32> to vector<1xf32>
      %squeeze3A_2835 = vector.extract %slice3A_2834[0] : f32 from vector<1xf32>
      %sub3A_2836 = vector.broadcast %squeeze3A_2835 : f32 to vector<16xf32>
      %sub3A_2837 = arith.subf %add3A_184, %sub3A_2836 : vector<16xf32>
      %mul3A_2838 = arith.mulf %sub3A_2837, %sub3A_2837 : vector<16xf32>
      %slice3A_2839 = vector.extract_strided_slice %get3A_1595 {offsets = [14], sizes = [1], strides = [1]} : vector<16xf32> to vector<1xf32>
      %squeeze3A_2840 = vector.extract %slice3A_2839[0] : f32 from vector<1xf32>
      %sub3A_2841 = vector.broadcast %squeeze3A_2840 : f32 to vector<16xf32>
      %sub3A_2842 = arith.subf %add3A_188, %sub3A_2841 : vector<16xf32>
      %mul3A_2843 = arith.mulf %sub3A_2842, %sub3A_2842 : vector<16xf32>
      %add3A_2844 = arith.addf %mul3A_2838, %mul3A_2843 : vector<16xf32>
      %slice3A_2845 = vector.extract_strided_slice %get3A_1600 {offsets = [14], sizes = [1], strides = [1]} : vector<16xf32> to vector<1xf32>
      %squeeze3A_2846 = vector.extract %slice3A_2845[0] : f32 from vector<1xf32>
      %sub3A_2847 = vector.broadcast %squeeze3A_2846 : f32 to vector<16xf32>
      %sub3A_2848 = arith.subf %add3A_192, %sub3A_2847 : vector<16xf32>
      %mul3A_2849 = arith.mulf %sub3A_2848, %sub3A_2848 : vector<16xf32>
      %add3A_2850 = arith.addf %add3A_2844, %mul3A_2849 : vector<16xf32>
      %mul3A_2851 = arith.constant 2.500000e-01 : f32
      %mul3A_2852 = vector.broadcast %mul3A_2851 : f32 to vector<16xf32>
      %mul3A_2853 = arith.mulf %mul3A_2852, %add3A_196 : vector<16xf32>
      %slice3A_2854 = vector.extract_strided_slice %get3A_1605 {offsets = [14], sizes = [1], strides = [1]} : vector<16xf32> to vector<1xf32>
      %squeeze3A_2855 = vector.extract %slice3A_2854[0] : f32 from vector<1xf32>
      %mul3A_2856 = vector.broadcast %squeeze3A_2855 : f32 to vector<16xf32>
      %mul3A_2857 = arith.mulf %mul3A_2853, %mul3A_2856 : vector<16xf32>
      %add3A_2858 = arith.constant 1.000000e+00 : f32
      %add3A_2859 = vector.broadcast %add3A_2858 : f32 to vector<16xf32>
      %add3A_2860 = arith.addf %add3A_2859, %mul3A_2857 : vector<16xf32>
      %mul3A_2861 = arith.constant 2.500000e-01 : f32
      %mul3A_2862 = vector.broadcast %mul3A_2861 : f32 to vector<16xf32>
      %mul3A_2863 = arith.mulf %mul3A_2862, %add3A_200 : vector<16xf32>
      %slice3A_2864 = vector.extract_strided_slice %get3A_1610 {offsets = [14], sizes = [1], strides = [1]} : vector<16xf32> to vector<1xf32>
      %squeeze3A_2865 = vector.extract %slice3A_2864[0] : f32 from vector<1xf32>
      %mul3A_2866 = vector.broadcast %squeeze3A_2865 : f32 to vector<16xf32>
      %mul3A_2867 = arith.mulf %mul3A_2863, %mul3A_2866 : vector<16xf32>
      %add3A_2868 = arith.addf %add3A_2860, %mul3A_2867 : vector<16xf32>
      %mul3A_2869 = arith.constant -5.000000e+01 : f32
      %mul3A_2870 = vector.broadcast %mul3A_2869 : f32 to vector<16xf32>
      %mul3A_2871 = arith.mulf %mul3A_2870, %add3A_2868 : vector<16xf32>
      %neg3A_2872 = arith.constant 0.000000e+00 : f32
      %neg3A_2873 = vector.broadcast %neg3A_2872 : f32 to vector<16xf32>
      %neg3A_2874 = arith.subf %neg3A_2873, %add3A_2850 : vector<16xf32>
      %div3A_2875 = arith.constant 4.000000e+00 : f32
      %div3A_2876 = vector.broadcast %div3A_2875 : f32 to vector<16xf32>
      %div3A_2877 = arith.divf %neg3A_2874, %div3A_2876 : vector<16xf32>
      %exp3A_2878 = math.exp %div3A_2877 : vector<16xf32>
      %mul3A_2879 = arith.mulf %mul3A_2871, %exp3A_2878 : vector<16xf32>
      %add3A_2880 = arith.addf %add3A_2803, %mul3A_2879 : vector<16xf32>
      %slice3A_2881 = vector.extract_strided_slice %select_n3A_1633 {offsets = [15], sizes = [1], strides = [1]} : vector<16xi32> to vector<1xi32>
      %squeeze3A_2882 = vector.extract %slice3A_2881[0] : i32 from vector<1xi32>
      %eq3A_2883 = vector.broadcast %squeeze3A_2882 : i32 to vector<16xi32>
      %eq3A_2884 = arith.cmpi eq, %select_n3A_88, %eq3A_2883 : vector<16xi32>
      %slice3A_2885 = vector.extract_strided_slice %select_n3A_1656 {offsets = [15], sizes = [1], strides = [1]} : vector<16xi32> to vector<1xi32>
      %squeeze3A_2886 = vector.extract %slice3A_2885[0] : i32 from vector<1xi32>
      %eq3A_2887 = vector.broadcast %squeeze3A_2886 : i32 to vector<16xi32>
      %eq3A_2888 = arith.cmpi eq, %select_n3A_111, %eq3A_2887 : vector<16xi32>
      %and3A_2889 = arith.andi %eq3A_2884, %eq3A_2888 : vector<16xi1>
      %slice3A_2890 = vector.extract_strided_slice %select_n3A_1679 {offsets = [15], sizes = [1], strides = [1]} : vector<16xi32> to vector<1xi32>
      %squeeze3A_2891 = vector.extract %slice3A_2890[0] : i32 from vector<1xi32>
      %eq3A_2892 = vector.broadcast %squeeze3A_2891 : i32 to vector<16xi32>
      %eq3A_2893 = arith.cmpi eq, %select_n3A_134, %eq3A_2892 : vector<16xi32>
      %and3A_2894 = arith.andi %and3A_2889, %eq3A_2893 : vector<16xi1>
      %slice3A_2895 = vector.extract_strided_slice %select_n3A_1702 {offsets = [15], sizes = [1], strides = [1]} : vector<16xi32> to vector<1xi32>
      %squeeze3A_2896 = vector.extract %slice3A_2895[0] : i32 from vector<1xi32>
      %eq3A_2897 = vector.broadcast %squeeze3A_2896 : i32 to vector<16xi32>
      %eq3A_2898 = arith.cmpi eq, %select_n3A_157, %eq3A_2897 : vector<16xi32>
      %and3A_2899 = arith.andi %and3A_2894, %eq3A_2898 : vector<16xi1>
      %slice3A_2900 = vector.extract_strided_slice %select_n3A_1725 {offsets = [15], sizes = [1], strides = [1]} : vector<16xi32> to vector<1xi32>
      %squeeze3A_2901 = vector.extract %slice3A_2900[0] : i32 from vector<1xi32>
      %eq3A_2902 = vector.broadcast %squeeze3A_2901 : i32 to vector<16xi32>
      %eq3A_2903 = arith.cmpi eq, %select_n3A_180, %eq3A_2902 : vector<16xi32>
      %and3A_2904 = arith.andi %and3A_2899, %eq3A_2903 : vector<16xi1>
      %jit3A_2905 = arith.constant 1.000000e+00 : f32
      %jit3A_2906 = arith.constant 0.000000e+00 : f32
      %broadcast_in_dim3A_2907 = vector.broadcast %jit3A_2905 : f32 to vector<16xf32>
      %broadcast_in_dim3A_2908 = vector.broadcast %jit3A_2906 : f32 to vector<16xf32>
      %select_n3A_2909 = arith.select %and3A_2904, %broadcast_in_dim3A_2907, %broadcast_in_dim3A_2908 : vector<16xi1>, vector<16xf32>
      %add3A_2910 = arith.addf %add3A_2833, %select_n3A_2909 : vector<16xf32>
      %slice3A_2911 = vector.extract_strided_slice %get3A_1590 {offsets = [15], sizes = [1], strides = [1]} : vector<16xf32> to vector<1xf32>
      %squeeze3A_2912 = vector.extract %slice3A_2911[0] : f32 from vector<1xf32>
      %sub3A_2913 = vector.broadcast %squeeze3A_2912 : f32 to vector<16xf32>
      %sub3A_2914 = arith.subf %add3A_184, %sub3A_2913 : vector<16xf32>
      %mul3A_2915 = arith.mulf %sub3A_2914, %sub3A_2914 : vector<16xf32>
      %slice3A_2916 = vector.extract_strided_slice %get3A_1595 {offsets = [15], sizes = [1], strides = [1]} : vector<16xf32> to vector<1xf32>
      %squeeze3A_2917 = vector.extract %slice3A_2916[0] : f32 from vector<1xf32>
      %sub3A_2918 = vector.broadcast %squeeze3A_2917 : f32 to vector<16xf32>
      %sub3A_2919 = arith.subf %add3A_188, %sub3A_2918 : vector<16xf32>
      %mul3A_2920 = arith.mulf %sub3A_2919, %sub3A_2919 : vector<16xf32>
      %add3A_2921 = arith.addf %mul3A_2915, %mul3A_2920 : vector<16xf32>
      %slice3A_2922 = vector.extract_strided_slice %get3A_1600 {offsets = [15], sizes = [1], strides = [1]} : vector<16xf32> to vector<1xf32>
      %squeeze3A_2923 = vector.extract %slice3A_2922[0] : f32 from vector<1xf32>
      %sub3A_2924 = vector.broadcast %squeeze3A_2923 : f32 to vector<16xf32>
      %sub3A_2925 = arith.subf %add3A_192, %sub3A_2924 : vector<16xf32>
      %mul3A_2926 = arith.mulf %sub3A_2925, %sub3A_2925 : vector<16xf32>
      %add3A_2927 = arith.addf %add3A_2921, %mul3A_2926 : vector<16xf32>
      %mul3A_2928 = arith.constant 2.500000e-01 : f32
      %mul3A_2929 = vector.broadcast %mul3A_2928 : f32 to vector<16xf32>
      %mul3A_2930 = arith.mulf %mul3A_2929, %add3A_196 : vector<16xf32>
      %slice3A_2931 = vector.extract_strided_slice %get3A_1605 {offsets = [15], sizes = [1], strides = [1]} : vector<16xf32> to vector<1xf32>
      %squeeze3A_2932 = vector.extract %slice3A_2931[0] : f32 from vector<1xf32>
      %mul3A_2933 = vector.broadcast %squeeze3A_2932 : f32 to vector<16xf32>
      %mul3A_2934 = arith.mulf %mul3A_2930, %mul3A_2933 : vector<16xf32>
      %add3A_2935 = arith.constant 1.000000e+00 : f32
      %add3A_2936 = vector.broadcast %add3A_2935 : f32 to vector<16xf32>
      %add3A_2937 = arith.addf %add3A_2936, %mul3A_2934 : vector<16xf32>
      %mul3A_2938 = arith.constant 2.500000e-01 : f32
      %mul3A_2939 = vector.broadcast %mul3A_2938 : f32 to vector<16xf32>
      %mul3A_2940 = arith.mulf %mul3A_2939, %add3A_200 : vector<16xf32>
      %slice3A_2941 = vector.extract_strided_slice %get3A_1610 {offsets = [15], sizes = [1], strides = [1]} : vector<16xf32> to vector<1xf32>
      %squeeze3A_2942 = vector.extract %slice3A_2941[0] : f32 from vector<1xf32>
      %mul3A_2943 = vector.broadcast %squeeze3A_2942 : f32 to vector<16xf32>
      %mul3A_2944 = arith.mulf %mul3A_2940, %mul3A_2943 : vector<16xf32>
      %add3A_2945 = arith.addf %add3A_2937, %mul3A_2944 : vector<16xf32>
      %mul3A_2946 = arith.constant -5.000000e+01 : f32
      %mul3A_2947 = vector.broadcast %mul3A_2946 : f32 to vector<16xf32>
      %mul3A_2948 = arith.mulf %mul3A_2947, %add3A_2945 : vector<16xf32>
      %neg3A_2949 = arith.constant 0.000000e+00 : f32
      %neg3A_2950 = vector.broadcast %neg3A_2949 : f32 to vector<16xf32>
      %neg3A_2951 = arith.subf %neg3A_2950, %add3A_2927 : vector<16xf32>
      %div3A_2952 = arith.constant 4.000000e+00 : f32
      %div3A_2953 = vector.broadcast %div3A_2952 : f32 to vector<16xf32>
      %div3A_2954 = arith.divf %neg3A_2951, %div3A_2953 : vector<16xf32>
      %exp3A_2955 = math.exp %div3A_2954 : vector<16xf32>
      %mul3A_2956 = arith.mulf %mul3A_2948, %exp3A_2955 : vector<16xf32>
      %add3A_2957 = arith.addf %add3A_2880, %mul3A_2956 : vector<16xf32>
      %swap3A = arith.constant 0 : i32
      %swap3A_2958 = arith.index_cast %swap3A : i32 to index
      %swap3A_2959 = arith.constant 0 : index
      %swap3A_2960 = tpu.vector_load %arg6[%swap3A_2958, %swap3A_2959] {strides = array<i32>} : memref<2x16xf32, #tpu.memory_space<vmem>>, vector<1x16xf32>,
      %swap3A_2961 = vector.shape_cast %swap3A_2960 : vector<1x16xf32> to vector<16xf32>
      %swap3A_2962 = vector.shape_cast %add3A_2957 : vector<16xf32> to vector<1x16xf32>
      tpu.vector_store %arg6[%swap3A_2958, %swap3A_2959], %swap3A_2962 {strides = array<i32>} : memref<2x16xf32, #tpu.memory_space<vmem>>, vector<1x16xf32>,
      %swap3A_2963 = arith.constant 1 : i32
      %swap3A_2964 = arith.index_cast %swap3A_2963 : i32 to index
      %swap3A_2965 = arith.constant 0 : index
      %swap3A_2966 = tpu.vector_load %arg6[%swap3A_2964, %swap3A_2965] {strides = array<i32>} : memref<2x16xf32, #tpu.memory_space<vmem>>, vector<1x16xf32>,
      %swap3A_2967 = vector.shape_cast %swap3A_2966 : vector<1x16xf32> to vector<16xf32>
      %swap3A_2968 = vector.shape_cast %add3A_2910 : vector<16xf32> to vector<1x16xf32>
      tpu.vector_store %arg6[%swap3A_2964, %swap3A_2965], %swap3A_2968 {strides = array<i32>} : memref<2x16xf32, #tpu.memory_space<vmem>>, vector<1x16xf32>,
      "tpu.region"() ({
        %run_scoped3A = tpu.sem_alloc : memref<!tpu.dma_semaphore, #tpu.memory_space<semaphore_mem>>
        %dma_start3A = arith.constant 0 : i32
        %dma_start3A_2969 = arith.constant 0 : i32
        %dma_start3A_2970 = tpu.memref_slice %arg4[%arg0, %arg1, %dma_start3A, %dma_start3A_2969] : memref<2x16x2x16xf32, #tpu.memory_space<hbm>> -> memref<1x1x2x16xf32, #tpu.memory_space<hbm>>
        %dma_start3A_2971 = tpu.memref_squeeze %dma_start3A_2970 : memref<1x1x2x16xf32, #tpu.memory_space<hbm>> -> memref<2x16xf32, #tpu.memory_space<hbm>>
        %dma_start3A_2972 = arith.constant 0 : i32
        %dma_start3A_2973 = arith.constant 0 : i32
        %dma_start3A_2974 = tpu.memref_slice %arg4[%arg0, %arg1, %dma_start3A_2972, %dma_start3A_2973] : memref<2x16x2x16xf32, #tpu.memory_space<hbm>> -> memref<1x1x2x16xf32, #tpu.memory_space<hbm>>
        %dma_start3A_2975 = tpu.memref_squeeze %dma_start3A_2974 : memref<1x1x2x16xf32, #tpu.memory_space<hbm>> -> memref<2x16xf32, #tpu.memory_space<hbm>>
        tpu.enqueue_dma source(%arg6 : memref<2x16xf32, #tpu.memory_space<vmem>>) target(%dma_start3A_2975 : memref<2x16xf32, #tpu.memory_space<hbm>>) target_semaphore(%run_scoped3A : memref<!tpu.dma_semaphore, #tpu.memory_space<semaphore_mem>>)
        %dma_wait3A = arith.constant 0 : i32
        %dma_wait3A_2976 = arith.constant 0 : i32
        %dma_wait3A_2977 = tpu.memref_slice %arg4[%arg0, %arg1, %dma_wait3A, %dma_wait3A_2976] : memref<2x16x2x16xf32, #tpu.memory_space<hbm>> -> memref<1x1x2x16xf32, #tpu.memory_space<hbm>>
        %dma_wait3A_2978 = tpu.memref_squeeze %dma_wait3A_2977 : memref<1x1x2x16xf32, #tpu.memory_space<hbm>> -> memref<2x16xf32, #tpu.memory_space<hbm>>
        %dma_wait3A_2979 = arith.constant 0 : i32
        %dma_wait3A_2980 = arith.constant 0 : i32
        %dma_wait3A_2981 = tpu.memref_slice %arg4[%arg0, %arg1, %dma_wait3A_2979, %dma_wait3A_2980] : memref<2x16x2x16xf32, #tpu.memory_space<hbm>> -> memref<1x1x2x16xf32, #tpu.memory_space<hbm>>
        %dma_wait3A_2982 = tpu.memref_squeeze %dma_wait3A_2981 : memref<1x1x2x16xf32, #tpu.memory_space<hbm>> -> memref<2x16xf32, #tpu.memory_space<hbm>>
        tpu.wait_dma2 semaphore(%run_scoped3A : memref<!tpu.dma_semaphore, #tpu.memory_space<semaphore_mem>>) src(%arg6 : memref<2x16xf32, #tpu.memory_space<vmem>>) dst(%dma_wait3A_2982 : memref<2x16xf32, #tpu.memory_space<hbm>>)
        tpu.yield
      }) : () -> ()
    } else {
    }
    %barrier3A = arith.constant 0 : index
    tpu.barrier barrier_id(%barrier3A)
    %convert_element_type3A_37 = arith.extui %and3A_35 : i1 to i32
    %cond3A_38 = arith.constant 0 : i32
    %cond3A_39 = arith.cmpi ne, %convert_element_type3A_37, %cond3A_38 : i32
    scf.if %cond3A_39 {
      %mul3A_40 = arith.constant 16 : i32
      %mul3A_41 = arith.muli %add3A, %mul3A_40 : i32
      %multiple_of3A = tpu.assume_multiple %mul3A_41, 16 : i32
      "tpu.region"() ({
        %run_scoped3A = tpu.sem_alloc : memref<!tpu.dma_semaphore, #tpu.memory_space<semaphore_mem>>
        %dma_start3A = arith.constant 0 : i32
        %dma_start3A_303 = arith.constant 0 : i32
        %dma_start3A_304 = tpu.memref_slice %arg4[%arg0, %arg1, %dma_start3A, %dma_start3A_303] : memref<2x16x2x16xf32, #tpu.memory_space<hbm>> -> memref<1x4x2x16xf32, #tpu.memory_space<hbm>>
        %dma_start3A_305 = tpu.memref_squeeze %dma_start3A_304 : memref<1x4x2x16xf32, #tpu.memory_space<hbm>> -> memref<4x2x16xf32, #tpu.memory_space<hbm>>
        %dma_start3A_306 = arith.constant 0 : i32
        %dma_start3A_307 = arith.constant 0 : i32
        %dma_start3A_308 = tpu.memref_slice %arg4[%arg0, %arg1, %dma_start3A_306, %dma_start3A_307] : memref<2x16x2x16xf32, #tpu.memory_space<hbm>> -> memref<1x4x2x16xf32, #tpu.memory_space<hbm>>
        %dma_start3A_309 = tpu.memref_squeeze %dma_start3A_308 : memref<1x4x2x16xf32, #tpu.memory_space<hbm>> -> memref<4x2x16xf32, #tpu.memory_space<hbm>>
        tpu.enqueue_dma source(%dma_start3A_309 : memref<4x2x16xf32, #tpu.memory_space<hbm>>) target(%arg7 : memref<4x2x16xf32, #tpu.memory_space<vmem>>) target_semaphore(%run_scoped3A : memref<!tpu.dma_semaphore, #tpu.memory_space<semaphore_mem>>)
        %dma_wait3A = arith.constant 0 : i32
        %dma_wait3A_310 = arith.constant 0 : i32
        %dma_wait3A_311 = tpu.memref_slice %arg4[%arg0, %arg1, %dma_wait3A, %dma_wait3A_310] : memref<2x16x2x16xf32, #tpu.memory_space<hbm>> -> memref<1x4x2x16xf32, #tpu.memory_space<hbm>>
        %dma_wait3A_312 = tpu.memref_squeeze %dma_wait3A_311 : memref<1x4x2x16xf32, #tpu.memory_space<hbm>> -> memref<4x2x16xf32, #tpu.memory_space<hbm>>
        %dma_wait3A_313 = arith.constant 0 : i32
        %dma_wait3A_314 = arith.constant 0 : i32
        %dma_wait3A_315 = tpu.memref_slice %arg4[%arg0, %arg1, %dma_wait3A_313, %dma_wait3A_314] : memref<2x16x2x16xf32, #tpu.memory_space<hbm>> -> memref<1x4x2x16xf32, #tpu.memory_space<hbm>>
        %dma_wait3A_316 = tpu.memref_squeeze %dma_wait3A_315 : memref<1x4x2x16xf32, #tpu.memory_space<hbm>> -> memref<4x2x16xf32, #tpu.memory_space<hbm>>
        tpu.wait_dma2 semaphore(%run_scoped3A : memref<!tpu.dma_semaphore, #tpu.memory_space<semaphore_mem>>) src(%dma_wait3A_316 : memref<4x2x16xf32, #tpu.memory_space<hbm>>) dst(%arg7 : memref<4x2x16xf32, #tpu.memory_space<vmem>>)
        tpu.yield
      }) : () -> ()
      %get3A = arith.constant 0 : i32
      %get3A_42 = arith.constant 0 : i32
      %get3A_43 = arith.index_cast %get3A : i32 to index
      %get3A_44 = arith.index_cast %get3A_42 : i32 to index
      %get3A_45 = arith.constant 0 : index
      %get3A_46 = tpu.vector_load %arg7[%get3A_43, %get3A_44, %get3A_45] {strides = array<i32>} : memref<4x2x16xf32, #tpu.memory_space<vmem>>, vector<1x1x16xf32>,
      %get3A_47 = vector.shape_cast %get3A_46 : vector<1x1x16xf32> to vector<16xf32>
      %get3A_48 = arith.constant 1 : i32
      %get3A_49 = arith.constant 0 : i32
      %get3A_50 = arith.index_cast %get3A_48 : i32 to index
      %get3A_51 = arith.index_cast %get3A_49 : i32 to index
      %get3A_52 = arith.constant 0 : index
      %get3A_53 = tpu.vector_load %arg7[%get3A_50, %get3A_51, %get3A_52] {strides = array<i32>} : memref<4x2x16xf32, #tpu.memory_space<vmem>>, vector<1x1x16xf32>,
      %get3A_54 = vector.shape_cast %get3A_53 : vector<1x1x16xf32> to vector<16xf32>
      %add3A_55 = arith.addf %get3A_47, %get3A_54 : vector<16xf32>
      %get3A_56 = arith.constant 2 : i32
      %get3A_57 = arith.constant 0 : i32
      %get3A_58 = arith.index_cast %get3A_56 : i32 to index
      %get3A_59 = arith.index_cast %get3A_57 : i32 to index
      %get3A_60 = arith.constant 0 : index
      %get3A_61 = tpu.vector_load %arg7[%get3A_58, %get3A_59, %get3A_60] {strides = array<i32>} : memref<4x2x16xf32, #tpu.memory_space<vmem>>, vector<1x1x16xf32>,
      %get3A_62 = vector.shape_cast %get3A_61 : vector<1x1x16xf32> to vector<16xf32>
      %add3A_63 = arith.addf %add3A_55, %get3A_62 : vector<16xf32>
      %get3A_64 = arith.constant 3 : i32
      %get3A_65 = arith.constant 0 : i32
      %get3A_66 = arith.index_cast %get3A_64 : i32 to index
      %get3A_67 = arith.index_cast %get3A_65 : i32 to index
      %get3A_68 = arith.constant 0 : index
      %get3A_69 = tpu.vector_load %arg7[%get3A_66, %get3A_67, %get3A_68] {strides = array<i32>} : memref<4x2x16xf32, #tpu.memory_space<vmem>>, vector<1x1x16xf32>,
      %get3A_70 = vector.shape_cast %get3A_69 : vector<1x1x16xf32> to vector<16xf32>
      %add3A_71 = arith.addf %add3A_63, %get3A_70 : vector<16xf32>
      %get3A_72 = arith.constant 0 : i32
      %get3A_73 = arith.constant 1 : i32
      %get3A_74 = arith.index_cast %get3A_72 : i32 to index
      %get3A_75 = arith.index_cast %get3A_73 : i32 to index
      %get3A_76 = arith.constant 0 : index
      %get3A_77 = tpu.vector_load %arg7[%get3A_74, %get3A_75, %get3A_76] {strides = array<i32>} : memref<4x2x16xf32, #tpu.memory_space<vmem>>, vector<1x1x16xf32>,
      %get3A_78 = vector.shape_cast %get3A_77 : vector<1x1x16xf32> to vector<16xf32>
      %get3A_79 = arith.constant 1 : i32
      %get3A_80 = arith.constant 1 : i32
      %get3A_81 = arith.index_cast %get3A_79 : i32 to index
      %get3A_82 = arith.index_cast %get3A_80 : i32 to index
      %get3A_83 = arith.constant 0 : index
      %get3A_84 = tpu.vector_load %arg7[%get3A_81, %get3A_82, %get3A_83] {strides = array<i32>} : memref<4x2x16xf32, #tpu.memory_space<vmem>>, vector<1x1x16xf32>,
      %get3A_85 = vector.shape_cast %get3A_84 : vector<1x1x16xf32> to vector<16xf32>
      %add3A_86 = arith.addf %get3A_78, %get3A_85 : vector<16xf32>
      %get3A_87 = arith.constant 2 : i32
      %get3A_88 = arith.constant 1 : i32
      %get3A_89 = arith.index_cast %get3A_87 : i32 to index
      %get3A_90 = arith.index_cast %get3A_88 : i32 to index
      %get3A_91 = arith.constant 0 : index
      %get3A_92 = tpu.vector_load %arg7[%get3A_89, %get3A_90, %get3A_91] {strides = array<i32>} : memref<4x2x16xf32, #tpu.memory_space<vmem>>, vector<1x1x16xf32>,
      %get3A_93 = vector.shape_cast %get3A_92 : vector<1x1x16xf32> to vector<16xf32>
      %add3A_94 = arith.addf %add3A_86, %get3A_93 : vector<16xf32>
      %get3A_95 = arith.constant 3 : i32
      %get3A_96 = arith.constant 1 : i32
      %get3A_97 = arith.index_cast %get3A_95 : i32 to index
      %get3A_98 = arith.index_cast %get3A_96 : i32 to index
      %get3A_99 = arith.constant 0 : index
      %get3A_100 = tpu.vector_load %arg7[%get3A_97, %get3A_98, %get3A_99] {strides = array<i32>} : memref<4x2x16xf32, #tpu.memory_space<vmem>>, vector<1x1x16xf32>,
      %get3A_101 = vector.shape_cast %get3A_100 : vector<1x1x16xf32> to vector<16xf32>
      %add3A_102 = arith.addf %add3A_94, %get3A_101 : vector<16xf32>
      %get3A_103 = arith.constant 0 : i32
      %get3A_104 = arith.index_cast %get3A_103 : i32 to index
      %get3A_105 = arith.index_cast %multiple_of3A : i32 to index
      %get3A_106 = tpu.vector_load %arg5[%get3A_104, %get3A_105] {strides = array<i32>} : memref<5x128xf32, #tpu.memory_space<vmem>>, vector<1x16xf32>,
      %get3A_107 = vector.shape_cast %get3A_106 : vector<1x16xf32> to vector<16xf32>
      %get3A_108 = arith.constant 1 : i32
      %get3A_109 = arith.index_cast %get3A_108 : i32 to index
      %get3A_110 = arith.index_cast %multiple_of3A : i32 to index
      %get3A_111 = tpu.vector_load %arg5[%get3A_109, %get3A_110] {strides = array<i32>} : memref<5x128xf32, #tpu.memory_space<vmem>>, vector<1x16xf32>,
      %get3A_112 = vector.shape_cast %get3A_111 : vector<1x16xf32> to vector<16xf32>
      %get3A_113 = arith.constant 2 : i32
      %get3A_114 = arith.index_cast %get3A_113 : i32 to index
      %get3A_115 = arith.index_cast %multiple_of3A : i32 to index
      %get3A_116 = tpu.vector_load %arg5[%get3A_114, %get3A_115] {strides = array<i32>} : memref<5x128xf32, #tpu.memory_space<vmem>>, vector<1x16xf32>,
      %get3A_117 = vector.shape_cast %get3A_116 : vector<1x16xf32> to vector<16xf32>
      %get3A_118 = arith.constant 3 : i32
      %get3A_119 = arith.index_cast %get3A_118 : i32 to index
      %get3A_120 = arith.index_cast %multiple_of3A : i32 to index
      %get3A_121 = tpu.vector_load %arg5[%get3A_119, %get3A_120] {strides = array<i32>} : memref<5x128xf32, #tpu.memory_space<vmem>>, vector<1x16xf32>,
      %get3A_122 = vector.shape_cast %get3A_121 : vector<1x16xf32> to vector<16xf32>
      %get3A_123 = arith.constant 4 : i32
      %get3A_124 = arith.index_cast %get3A_123 : i32 to index
      %get3A_125 = arith.index_cast %multiple_of3A : i32 to index
      %get3A_126 = tpu.vector_load %arg5[%get3A_124, %get3A_125] {strides = array<i32>} : memref<5x128xf32, #tpu.memory_space<vmem>>, vector<1x16xf32>,
      %get3A_127 = vector.shape_cast %get3A_126 : vector<1x16xf32> to vector<16xf32>
      %sub3A_128 = arith.constant -3.200000e+01 : f32
      %sub3A_129 = vector.broadcast %sub3A_128 : f32 to vector<16xf32>
      %sub3A_130 = arith.subf %get3A_107, %sub3A_129 : vector<16xf32>
      %add3A_131 = arith.constant 5.000000e-01 : f32
      %add3A_132 = vector.broadcast %add3A_131 : f32 to vector<16xf32>
      %add3A_133 = arith.addf %sub3A_130, %add3A_132 : vector<16xf32>
      %convert_element_type3A_134 = arith.fptosi %add3A_133 : vector<16xf32> to vector<16xi32>
      %convert_element_type3A_135 = arith.sitofp %convert_element_type3A_134 : vector<16xi32> to vector<16xf32>
      %sub3A_136 = arith.subf %convert_element_type3A_135, %sub3A_130 : vector<16xf32>
      %eq3A_137 = arith.constant 5.000000e-01 : f32
      %eq3A_138 = vector.broadcast %eq3A_137 : f32 to vector<16xf32>
      %eq3A_139 = arith.cmpf oeq, %sub3A_136, %eq3A_138 : vector<16xf32>
      %and3A_140 = arith.constant 1 : i32
      %and3A_141 = vector.broadcast %and3A_140 : i32 to vector<16xi32>
      %and3A_142 = arith.andi %convert_element_type3A_134, %and3A_141 : vector<16xi32>
      %eq3A_143 = arith.constant 1 : i32
      %eq3A_144 = vector.broadcast %eq3A_143 : i32 to vector<16xi32>
      %eq3A_145 = arith.cmpi eq, %and3A_142, %eq3A_144 : vector<16xi32>
      %and3A_146 = arith.andi %eq3A_139, %eq3A_145 : vector<16xi1>
      %sub3A_147 = arith.constant 1 : i32
      %sub3A_148 = vector.broadcast %sub3A_147 : i32 to vector<16xi32>
      %sub3A_149 = arith.subi %convert_element_type3A_134, %sub3A_148 : vector<16xi32>
      %select_n3A_150 = arith.select %and3A_146, %sub3A_149, %convert_element_type3A_134 : vector<16xi1>, vector<16xi32>
      %sub3A_151 = arith.constant -3.200000e+01 : f32
      %sub3A_152 = vector.broadcast %sub3A_151 : f32 to vector<16xf32>
      %sub3A_153 = arith.subf %get3A_112, %sub3A_152 : vector<16xf32>
      %add3A_154 = arith.constant 5.000000e-01 : f32
      %add3A_155 = vector.broadcast %add3A_154 : f32 to vector<16xf32>
      %add3A_156 = arith.addf %sub3A_153, %add3A_155 : vector<16xf32>
      %convert_element_type3A_157 = arith.fptosi %add3A_156 : vector<16xf32> to vector<16xi32>
      %convert_element_type3A_158 = arith.sitofp %convert_element_type3A_157 : vector<16xi32> to vector<16xf32>
      %sub3A_159 = arith.subf %convert_element_type3A_158, %sub3A_153 : vector<16xf32>
      %eq3A_160 = arith.constant 5.000000e-01 : f32
      %eq3A_161 = vector.broadcast %eq3A_160 : f32 to vector<16xf32>
      %eq3A_162 = arith.cmpf oeq, %sub3A_159, %eq3A_161 : vector<16xf32>
      %and3A_163 = arith.constant 1 : i32
      %and3A_164 = vector.broadcast %and3A_163 : i32 to vector<16xi32>
      %and3A_165 = arith.andi %convert_element_type3A_157, %and3A_164 : vector<16xi32>
      %eq3A_166 = arith.constant 1 : i32
      %eq3A_167 = vector.broadcast %eq3A_166 : i32 to vector<16xi32>
      %eq3A_168 = arith.cmpi eq, %and3A_165, %eq3A_167 : vector<16xi32>
      %and3A_169 = arith.andi %eq3A_162, %eq3A_168 : vector<16xi1>
      %sub3A_170 = arith.constant 1 : i32
      %sub3A_171 = vector.broadcast %sub3A_170 : i32 to vector<16xi32>
      %sub3A_172 = arith.subi %convert_element_type3A_157, %sub3A_171 : vector<16xi32>
      %select_n3A_173 = arith.select %and3A_169, %sub3A_172, %convert_element_type3A_157 : vector<16xi1>, vector<16xi32>
      %sub3A_174 = arith.constant -3.200000e+01 : f32
      %sub3A_175 = vector.broadcast %sub3A_174 : f32 to vector<16xf32>
      %sub3A_176 = arith.subf %get3A_117, %sub3A_175 : vector<16xf32>
      %add3A_177 = arith.constant 5.000000e-01 : f32
      %add3A_178 = vector.broadcast %add3A_177 : f32 to vector<16xf32>
      %add3A_179 = arith.addf %sub3A_176, %add3A_178 : vector<16xf32>
      %convert_element_type3A_180 = arith.fptosi %add3A_179 : vector<16xf32> to vector<16xi32>
      %convert_element_type3A_181 = arith.sitofp %convert_element_type3A_180 : vector<16xi32> to vector<16xf32>
      %sub3A_182 = arith.subf %convert_element_type3A_181, %sub3A_176 : vector<16xf32>
      %eq3A_183 = arith.constant 5.000000e-01 : f32
      %eq3A_184 = vector.broadcast %eq3A_183 : f32 to vector<16xf32>
      %eq3A_185 = arith.cmpf oeq, %sub3A_182, %eq3A_184 : vector<16xf32>
      %and3A_186 = arith.constant 1 : i32
      %and3A_187 = vector.broadcast %and3A_186 : i32 to vector<16xi32>
      %and3A_188 = arith.andi %convert_element_type3A_180, %and3A_187 : vector<16xi32>
      %eq3A_189 = arith.constant 1 : i32
      %eq3A_190 = vector.broadcast %eq3A_189 : i32 to vector<16xi32>
      %eq3A_191 = arith.cmpi eq, %and3A_188, %eq3A_190 : vector<16xi32>
      %and3A_192 = arith.andi %eq3A_185, %eq3A_191 : vector<16xi1>
      %sub3A_193 = arith.constant 1 : i32
      %sub3A_194 = vector.broadcast %sub3A_193 : i32 to vector<16xi32>
      %sub3A_195 = arith.subi %convert_element_type3A_180, %sub3A_194 : vector<16xi32>
      %select_n3A_196 = arith.select %and3A_192, %sub3A_195, %convert_element_type3A_180 : vector<16xi1>, vector<16xi32>
      %sub3A_197 = arith.constant -5.000000e-01 : f32
      %sub3A_198 = vector.broadcast %sub3A_197 : f32 to vector<16xf32>
      %sub3A_199 = arith.subf %get3A_122, %sub3A_198 : vector<16xf32>
      %add3A_200 = arith.constant 5.000000e-01 : f32
      %add3A_201 = vector.broadcast %add3A_200 : f32 to vector<16xf32>
      %add3A_202 = arith.addf %sub3A_199, %add3A_201 : vector<16xf32>
      %convert_element_type3A_203 = arith.fptosi %add3A_202 : vector<16xf32> to vector<16xi32>
      %convert_element_type3A_204 = arith.sitofp %convert_element_type3A_203 : vector<16xi32> to vector<16xf32>
      %sub3A_205 = arith.subf %convert_element_type3A_204, %sub3A_199 : vector<16xf32>
      %eq3A_206 = arith.constant 5.000000e-01 : f32
      %eq3A_207 = vector.broadcast %eq3A_206 : f32 to vector<16xf32>
      %eq3A_208 = arith.cmpf oeq, %sub3A_205, %eq3A_207 : vector<16xf32>
      %and3A_209 = arith.constant 1 : i32
      %and3A_210 = vector.broadcast %and3A_209 : i32 to vector<16xi32>
      %and3A_211 = arith.andi %convert_element_type3A_203, %and3A_210 : vector<16xi32>
      %eq3A_212 = arith.constant 1 : i32
      %eq3A_213 = vector.broadcast %eq3A_212 : i32 to vector<16xi32>
      %eq3A_214 = arith.cmpi eq, %and3A_211, %eq3A_213 : vector<16xi32>
      %and3A_215 = arith.andi %eq3A_208, %eq3A_214 : vector<16xi1>
      %sub3A_216 = arith.constant 1 : i32
      %sub3A_217 = vector.broadcast %sub3A_216 : i32 to vector<16xi32>
      %sub3A_218 = arith.subi %convert_element_type3A_203, %sub3A_217 : vector<16xi32>
      %select_n3A_219 = arith.select %and3A_215, %sub3A_218, %convert_element_type3A_203 : vector<16xi1>, vector<16xi32>
      %sub3A_220 = arith.constant -5.000000e-01 : f32
      %sub3A_221 = vector.broadcast %sub3A_220 : f32 to vector<16xf32>
      %sub3A_222 = arith.subf %get3A_127, %sub3A_221 : vector<16xf32>
      %add3A_223 = arith.constant 5.000000e-01 : f32
      %add3A_224 = vector.broadcast %add3A_223 : f32 to vector<16xf32>
      %add3A_225 = arith.addf %sub3A_222, %add3A_224 : vector<16xf32>
      %convert_element_type3A_226 = arith.fptosi %add3A_225 : vector<16xf32> to vector<16xi32>
      %convert_element_type3A_227 = arith.sitofp %convert_element_type3A_226 : vector<16xi32> to vector<16xf32>
      %sub3A_228 = arith.subf %convert_element_type3A_227, %sub3A_222 : vector<16xf32>
      %eq3A_229 = arith.constant 5.000000e-01 : f32
      %eq3A_230 = vector.broadcast %eq3A_229 : f32 to vector<16xf32>
      %eq3A_231 = arith.cmpf oeq, %sub3A_228, %eq3A_230 : vector<16xf32>
      %and3A_232 = arith.constant 1 : i32
      %and3A_233 = vector.broadcast %and3A_232 : i32 to vector<16xi32>
      %and3A_234 = arith.andi %convert_element_type3A_226, %and3A_233 : vector<16xi32>
      %eq3A_235 = arith.constant 1 : i32
      %eq3A_236 = vector.broadcast %eq3A_235 : i32 to vector<16xi32>
      %eq3A_237 = arith.cmpi eq, %and3A_234, %eq3A_236 : vector<16xi32>
      %and3A_238 = arith.andi %eq3A_231, %eq3A_237 : vector<16xi1>
      %sub3A_239 = arith.constant 1 : i32
      %sub3A_240 = vector.broadcast %sub3A_239 : i32 to vector<16xi32>
      %sub3A_241 = arith.subi %convert_element_type3A_226, %sub3A_240 : vector<16xi32>
      %select_n3A_242 = arith.select %and3A_238, %sub3A_241, %convert_element_type3A_226 : vector<16xi1>, vector<16xi32>
      %convert_element_type3A_243 = arith.sitofp %select_n3A_150 : vector<16xi32> to vector<16xf32>
      %add3A_244 = arith.constant -3.200000e+01 : f32
      %add3A_245 = vector.broadcast %add3A_244 : f32 to vector<16xf32>
      %add3A_246 = arith.addf %add3A_245, %convert_element_type3A_243 : vector<16xf32>
      %convert_element_type3A_247 = arith.sitofp %select_n3A_173 : vector<16xi32> to vector<16xf32>
      %add3A_248 = arith.constant -3.200000e+01 : f32
      %add3A_249 = vector.broadcast %add3A_248 : f32 to vector<16xf32>
      %add3A_250 = arith.addf %add3A_249, %convert_element_type3A_247 : vector<16xf32>
      %convert_element_type3A_251 = arith.sitofp %select_n3A_196 : vector<16xi32> to vector<16xf32>
      %add3A_252 = arith.constant -3.200000e+01 : f32
      %add3A_253 = vector.broadcast %add3A_252 : f32 to vector<16xf32>
      %add3A_254 = arith.addf %add3A_253, %convert_element_type3A_251 : vector<16xf32>
      %convert_element_type3A_255 = arith.sitofp %select_n3A_219 : vector<16xi32> to vector<16xf32>
      %add3A_256 = arith.constant -5.000000e-01 : f32
      %add3A_257 = vector.broadcast %add3A_256 : f32 to vector<16xf32>
      %add3A_258 = arith.addf %add3A_257, %convert_element_type3A_255 : vector<16xf32>
      %convert_element_type3A_259 = arith.sitofp %select_n3A_242 : vector<16xi32> to vector<16xf32>
      %add3A_260 = arith.constant -5.000000e-01 : f32
      %add3A_261 = vector.broadcast %add3A_260 : f32 to vector<16xf32>
      %add3A_262 = arith.addf %add3A_261, %convert_element_type3A_259 : vector<16xf32>
      %sub3A_263 = arith.subf %add3A_246, %get3A_107 : vector<16xf32>
      %mul3A_264 = arith.mulf %sub3A_263, %sub3A_263 : vector<16xf32>
      %sub3A_265 = arith.subf %add3A_250, %get3A_112 : vector<16xf32>
      %mul3A_266 = arith.mulf %sub3A_265, %sub3A_265 : vector<16xf32>
      %add3A_267 = arith.addf %mul3A_264, %mul3A_266 : vector<16xf32>
      %sub3A_268 = arith.subf %add3A_254, %get3A_117 : vector<16xf32>
      %mul3A_269 = arith.mulf %sub3A_268, %sub3A_268 : vector<16xf32>
      %add3A_270 = arith.addf %add3A_267, %mul3A_269 : vector<16xf32>
      %mul3A_271 = arith.constant 2.500000e-01 : f32
      %mul3A_272 = vector.broadcast %mul3A_271 : f32 to vector<16xf32>
      %mul3A_273 = arith.mulf %mul3A_272, %add3A_258 : vector<16xf32>
      %mul3A_274 = arith.mulf %mul3A_273, %get3A_122 : vector<16xf32>
      %add3A_275 = arith.constant 1.000000e+00 : f32
      %add3A_276 = vector.broadcast %add3A_275 : f32 to vector<16xf32>
      %add3A_277 = arith.addf %add3A_276, %mul3A_274 : vector<16xf32>
      %mul3A_278 = arith.constant 2.500000e-01 : f32
      %mul3A_279 = vector.broadcast %mul3A_278 : f32 to vector<16xf32>
      %mul3A_280 = arith.mulf %mul3A_279, %add3A_262 : vector<16xf32>
      %mul3A_281 = arith.mulf %mul3A_280, %get3A_127 : vector<16xf32>
      %add3A_282 = arith.addf %add3A_277, %mul3A_281 : vector<16xf32>
      %mul3A_283 = arith.constant -5.000000e+01 : f32
      %mul3A_284 = vector.broadcast %mul3A_283 : f32 to vector<16xf32>
      %mul3A_285 = arith.mulf %mul3A_284, %add3A_282 : vector<16xf32>
      %neg3A = arith.constant 0.000000e+00 : f32
      %neg3A_286 = vector.broadcast %neg3A : f32 to vector<16xf32>
      %neg3A_287 = arith.subf %neg3A_286, %add3A_270 : vector<16xf32>
      %div3A_288 = arith.constant 4.000000e+00 : f32
      %div3A_289 = vector.broadcast %div3A_288 : f32 to vector<16xf32>
      %div3A_290 = arith.divf %neg3A_287, %div3A_289 : vector<16xf32>
      %exp3A = math.exp %div3A_290 : vector<16xf32>
      %mul3A_291 = arith.mulf %mul3A_285, %exp3A : vector<16xf32>
      %sub3A_292 = arith.subf %add3A_71, %mul3A_291 : vector<16xf32>
      %sub3A_293 = arith.constant 1.000000e+00 : f32
      %sub3A_294 = vector.broadcast %sub3A_293 : f32 to vector<16xf32>
      %sub3A_295 = arith.subf %add3A_102, %sub3A_294 : vector<16xf32>
      %mul3A_296 = arith.constant 9.99999995E+11 : f32
      %mul3A_297 = vector.broadcast %mul3A_296 : f32 to vector<16xf32>
      %mul3A_298 = arith.mulf %mul3A_297, %sub3A_295 : vector<16xf32>
      %add3A_299 = arith.addf %sub3A_292, %mul3A_298 : vector<16xf32>
      %swap3A = arith.constant 0 : index
      %swap3A_300 = tpu.vector_load %arg8[%swap3A] {strides = array<i32>} : memref<16xf32, #tpu.memory_space<vmem>>, vector<16xf32>,
      %swap3A_301 = vector.shape_cast %swap3A_300 : vector<16xf32> to vector<16xf32>
      %swap3A_302 = vector.shape_cast %add3A_299 : vector<16xf32> to vector<16xf32>
      tpu.vector_store %arg8[%swap3A], %swap3A_302 {strides = array<i32>} : memref<16xf32, #tpu.memory_space<vmem>>, vector<16xf32>,
      "tpu.region"() ({
        %run_scoped3A = tpu.sem_alloc : memref<!tpu.dma_semaphore, #tpu.memory_space<semaphore_mem>>
        %dma_start3A = tpu.memref_slice %arg3[%multiple_of3A] : memref<112xf32, #tpu.memory_space<hbm>> -> memref<16xf32, #tpu.memory_space<hbm>>
        %dma_start3A_303 = tpu.memref_slice %arg3[%multiple_of3A] : memref<112xf32, #tpu.memory_space<hbm>> -> memref<16xf32, #tpu.memory_space<hbm>>
        tpu.enqueue_dma source(%arg8 : memref<16xf32, #tpu.memory_space<vmem>>) target(%dma_start3A_303 : memref<16xf32, #tpu.memory_space<hbm>>) target_semaphore(%run_scoped3A : memref<!tpu.dma_semaphore, #tpu.memory_space<semaphore_mem>>)
        %dma_wait3A = tpu.memref_slice %arg3[%multiple_of3A] : memref<112xf32, #tpu.memory_space<hbm>> -> memref<16xf32, #tpu.memory_space<hbm>>
        %dma_wait3A_304 = tpu.memref_slice %arg3[%multiple_of3A] : memref<112xf32, #tpu.memory_space<hbm>> -> memref<16xf32, #tpu.memory_space<hbm>>
        tpu.wait_dma2 semaphore(%run_scoped3A : memref<!tpu.dma_semaphore, #tpu.memory_space<semaphore_mem>>) src(%arg8 : memref<16xf32, #tpu.memory_space<vmem>>) dst(%dma_wait3A_304 : memref<16xf32, #tpu.memory_space<hbm>>)
        tpu.yield
      }) : () -> ()
    } else {
    }
    return
  }
}

</mosaic_0001>

<sc_bundles>
// kernel: kernel.3.cloned.1.call-start
scs
__scs_entry_jumppad:
0x0: {  	(pc) =	sbr.rel $0x88, $3  }
0x1: {  	(tag) =	ssettag $0x0;
	lr =	simm.s32 $0x1  }
0x2: {  	[smem:$0x3FA0] =	sst lr;
	_ =	strace $0xD0000000  }
0x3: {  	_ = 	snop  }
0x4: {  	_ = 	snop  }
0x5: {  	_ = 	snop  }
0x6: {  	_ = 	snop  }
0x7: {  	_ = 	snop  }
__scs_overlays_trampoline_lowered:
0x8: {  	[smem:$0x3FAF] =	sst s0  }
0x9: {  	[smem:$0x3FB0] =	sst s1  }
0xa: {  	[smem:$0x3FB1] =	sst s2  }
0xb: {  	[smem:$0x3FB2] =	sst s3  }
0xc: {  	[smem:$0x3FB3] =	sst s4  }
0xd: {  	[smem:$0x3FB4] =	sst s5  }
0xe: {  	[smem:$0x3FB5] =	sst s6  }
0xf: {  	[smem:$0x3FB6] =	sst s7  }
0x10: {  	[smem:$0x3FB7] =	sst s8  }
0x11: {  	[smem:$0x3FB8] =	sst s9;
	s0 =	simm.s32 @!p0 $0x0  }
0x12: {  	s1 =	sld [smem:$0x3F9E];
	s0 =	simm.s32 @p0 $0x1  }
0x13: {  	[smem:$0x3FB9] =	sst s0;
	s0 =	simm.s32 @!p1 $0x0  }
0x14: {  	s2 =	sld [smem:$0x3F9D];
	s0 =	simm.s32 @p1 $0x1  }
0x15: {  	[smem:$0x3FBA] =	sst s0;
	s0 =	simm.s32 @!p2 $0x0  }
0x16: {  	s3 =	sld [smem:$0x3FDB];
	s0 =	simm.s32 @p2 $0x1  }
0x17: {  	s4 =	simm.s32 $0x1BF5;
	[smem:$0x3FBC] =	sst s0  }
0x18: {  	s0 =	sld [smem:$0x3F9F];
	_ =	swait.ge [sflag:s4], $0x0  }
0x19: {  	s7 =	sld [smem:$0x3FA0]  }
0x1a: {  	s8 =	sadd.s32 $0xFFFFE003, lr  }
0x1b: {  	s9 =	sadd.s32 $0xFFFFFEF7, lr;
	s5 =	simm.s32 $0xFFFFFFFF;
	p2 =	slt.u32 s8, $0xFFFFF086  }
0x1c: {  	p1 =	slt.u32 s9, $0xF7A;
	s5 =	simm.s32 @!p2 $0x0  }
0x1d: {  	s5 =	simm.s32 @p1 $0x1;
	p0 =	seq.s32 s7, s2  }
0x1e: {  	s7 =	smul.u32 @!p0 $0xF7A, s2;
	p2 =	seq.s32 @!p0 s5, $0x0  }
0x1f: {  	s9 =	smul.u32 $0xF7A, s1;
	s8 =	simm.s32 @!p0 $0x1BF5;
	p2 =	por !p2, p0  }
0x20: {  	[sflag:s8] =	ssyncset.s32 @!p0 $0xFFFFF086;
	s6 =	sadd.s32 @!p0 s3, s7;
	s7 =	simm.s32 @!p0 $0x108  }
0x21: {  	s3 =	sadd.s32 s3, s9;
	s6 =	sadd.s32 @!p0 $0x88, s6;
	s7 =	simm.s32 @p2 $0x1082  }
0x22: {  	[simem:s7], [sflag:s8] =	dma.local @!p0 [hbm:s6], $0xF7A  }
0x23: {  	s9 =	sor.u32 $0xD0000000, s2;
	s6 =	simm.s32 $0x108;
	_ =	swait.ge @!p0 [sflag:s8], $0x0  }
0x24: {  	s3 =	sadd.s32 $0x88, s3;
	s6 =	simm.s32 @!p1 $0x1082;
	[sflag:s4] =	ssyncset.s32 $0xFFFFF086  }
0x25: {  	[simem:s6], [sflag:s4] =	dma.local [hbm:s3], $0xF7A  }
0x26: {  	[smem:$0x3FA0] =	sst s1;
	(tag) =	ssettag s2;
	_ =	strace s9  }
0x27: {  	s1 =	sld [smem:$0x3FB0]  }
0x28: {  	s2 =	sld [smem:$0x3FB1]  }
0x29: {  	s4 =	sld [smem:$0x3FB3]  }
0x2a: {  	p0 =	seq.s32 s5, $0x0;
	s5 =	sld [smem:$0x3FB4]  }
0x2b: {  	s6 =	sld [smem:$0x3FB5]  }
0x2c: {  	s7 =	sld [smem:$0x3FB6]  }
0x2d: {  	s3 =	simm.s32 $0x108;
	s8 =	sld [smem:$0x3FB7]  }
0x2e: {  	s3 =	simm.s32 @!p0 $0x1082;
	s9 =	sld [smem:$0x3FB8]  }
0x2f: {  	lr =	sadd.s32 s0, s3;
	s0 =	sld [smem:$0x3FAF]  }
0x30: {  	s3 =	sld [smem:$0x3FB2]  }
0x31: {  	[smem:$0x3FBB] =	sst s10  }
0x32: {  	s10 =	sld [smem:$0x3FB9];
	_ =	sdelay $0x3  }
0x33: {  	p0 =	seq.s32 s10, $0x1;
	s10 =	sld [smem:$0x3FBB];
	_ =	sdelay $0x3  }
0x34: {  	[smem:$0x3FBB] =	sst s10  }
0x35: {  	s10 =	sld [smem:$0x3FBA];
	_ =	sdelay $0x3  }
0x36: {  	p1 =	seq.s32 s10, $0x1;
	s10 =	sld [smem:$0x3FBB];
	_ =	sdelay $0x3  }
0x37: {  	[smem:$0x3FBB] =	sst s10  }
0x38: {  	s10 =	sld [smem:$0x3FBC]  }
0x39: {  	_ = 	snop;
	(pc) =	sbr.ind lr, $3  }
0x3a: {  	_ = 	snop  }
0x3b: {  	_ = 	snop  }
0x3c: {  	p2 =	seq.s32 s10, $0x1;
	s10 =	sld [smem:$0x3FBB]  }
0x3d: {  	_ =	shalt  }
0x3e: {  	_ =	shalt  }
0x3f: {  	_ =	shalt  }
0x40: {  	_ =	shalt  }
0x41: {  	_ =	shalt  }
0x42: {  	_ =	shalt  }
0x43: {  	_ =	shalt  }
0x44: {  	_ =	shalt  }
0x45: {  	_ =	shalt  }
0x46: {  	_ =	shalt  }
0x47: {  	_ =	shalt  }
0x48: {  	_ =	shalt  }
0x49: {  	_ =	shalt  }
0x4a: {  	_ =	shalt  }
0x4b: {  	_ =	shalt  }
0x4c: {  	_ =	shalt  }
0x4d: {  	_ =	shalt  }
0x4e: {  	_ =	shalt  }
0x4f: {  	_ =	shalt  }
0x50: {  	_ =	shalt  }
0x51: {  	_ =	shalt  }
0x52: {  	_ =	shalt  }
0x53: {  	_ =	shalt  }
0x54: {  	_ =	shalt  }
0x55: {  	_ =	shalt  }
0x56: {  	_ =	shalt  }
0x57: {  	_ =	shalt  }
0x58: {  	_ =	shalt  }
0x59: {  	_ =	shalt  }
0x5a: {  	_ =	shalt  }
0x5b: {  	_ =	shalt  }
0x5c: {  	_ =	shalt  }
0x5d: {  	_ =	shalt  }
0x5e: {  	_ =	shalt  }
0x5f: {  	_ =	shalt  }
0x60: {  	_ =	shalt  }
0x61: {  	_ =	shalt  }
0x62: {  	_ =	shalt  }
0x63: {  	_ =	shalt  }
0x64: {  	_ =	shalt  }
0x65: {  	_ =	shalt  }
0x66: {  	_ =	shalt  }
0x67: {  	_ =	shalt  }
0x68: {  	_ =	shalt  }
0x69: {  	_ =	shalt  }
0x6a: {  	_ =	shalt  }
0x6b: {  	_ =	shalt  }
0x6c: {  	_ =	shalt  }
0x6d: {  	_ =	shalt  }
0x6e: {  	_ =	shalt  }
0x6f: {  	_ =	shalt  }
0x70: {  	_ =	shalt  }
0x71: {  	_ =	shalt  }
0x72: {  	_ =	shalt  }
0x73: {  	_ =	shalt  }
0x74: {  	_ =	shalt  }
0x75: {  	_ =	shalt  }
0x76: {  	_ =	shalt  }
0x77: {  	_ =	shalt  }
0x78: {  	_ =	shalt  }
0x79: {  	_ =	shalt  }
0x7a: {  	_ =	shalt  }
0x7b: {  	_ =	shalt  }
0x7c: {  	_ =	shalt  }
0x7d: {  	_ =	shalt  }
0x7e: {  	_ =	shalt  }
0x7f: {  	_ =	shalt  }
0x80: {  	_ =	shalt  }
0x81: {  	_ =	shalt  }
0x82: {  	_ =	shalt  }
0x83: {  	_ =	shalt  }
0x84: {  	_ =	shalt  }
0x85: {  	_ =	shalt  }
0x86: {  	_ =	shalt  }
0x87: {  	_ =	shalt  }
.Lfunc_end0:
.L_simem_size_0:
called_computation_lowered:
.L_overlay_start_0:
0x88: {  	s2 =	sld [smem:$0x3FD9]  }
0x89: {  	s3 =	sld [smem:$0x3FFE];
	_ =	sdelay $0x1  }
0x8a: {  	s1 =	srdreg.scid  }
0x8b: {  	s0 =	sand.u32 $0x1, s1  }
0x8c: {  	s17 =	sshll.u32 s0, $0xA;
	s2 =	sadd.s32 s3, s2  }
0x8d: {  	s2 =	sadd.s32 s2, s17  }
0x8e: {  	[smem:$0x3FC7] =	sst s2  }
0x8f: {  	_ = 	snop  }
0x90: {  	s2 =	sld [smem:$0x3FD0];
	(tm) =	ssettm $0x1  }
0x91: {  	s18 =	sld [smem:$0x3FFB];
	_ =	sdelay $0x3  }
0x92: {  	_ =	strace s18  }
0x93: {  	s3 =	sld [smem:$0x3FFC];
	_ =	sdelay $0x3  }
0x94: {  	_ =	strace s3  }
0x95: {  	s3 =	sld [smem:$0x3FFD];
	_ =	sdelay $0x3  }
0x96: {  	_ =	strace s3  }
0x97: {  	_ =	strace $0x8FFFFFFF  }
0x98: {  	s19 =	sld [smem:$0x3FDB];
	_ =	sdelay $0x1  }
0x99: {  	s4 =	simm.s32 $_scs_section_size  }
0x9a: {  	s5 =	simm.s32 $_size__tile_overlayer_lowered;
	s6 =	simm.s32 $_tile_overlayer_lowered  }
0x9b: {  	s22 =	simm.s32 $0x1BFF;
	s21 =	sshll.u32 s6, $0x1;
	s3 =	sadd.s32 s4, s19  }
0x9c: {  	s7 =	simm.s32 $0x0;
	s20 =	sshll.u32 s5, $0x1;
	s5 =	sadd.s32 s21, s3  }
0x9d: {  	[timem:s7], [sflag:s22] =	dma.local [hbm:s5], s20  }
0x9e: {  	_ =	swait.ge [sflag:s22], s20  }
0x9f: {  	s4 =	ssub.s32 $0x0, s20;
	[sflag:s22] =	ssyncset.done $0x0  }
0xa0: {  	[sflag:s22] =	ssyncadd.s32 s4;
	_ =	sdelay $0x1  }
0xa1: {  	s23 =	simm.s32 $0x1B8B  }
0xa2: {  	_ =	swait.ge [sflag:s23], $0x1  }
0xa3: {  	[sflag:s23] =	ssyncset.done $0x0  }
0xa4: {  	s25 =	simm.s32 $0x1B8E;
	s24 =	sld [smem:$0x3FFE];
	[sflag:s23] =	ssyncadd.s32 $0xFFFFFFFF  }
0xa5: {  	s26 =	simm.s32 $execute0_lowered;
	[smem:$0x3FD2] =	sst s25  }
0xa6: {  	s5 =	sshll.u32 s26, $0x1;
	_ =	strace $0x80000046;
	[dreg:$0x1] =	wrdreg $0xFFFFFFFF  }
0xa7: {  	s28 =	simm.s32 $_size_execute0_lowered;
	s3 =	sadd.s32 s3, s5;
	[dreg:$0x0] =	wrdreg $0x0  }
0xa8: {  	s5 =	sshll.u32 s28, $0x1;
	[dreg:$0x2] =	wrdreg s3  }
0xa9: {  	[dreg:$0x3] =	wrdreg s5  }
0xaa: {  	[dreg:$0x4] =	wrdreg $0xC0  }
0xab: {  	_ =	task [dreg:s7], $0x5FFFF  }
0xac: {  	[dreg:$0x1] =	wrdreg $0xFFFFFFFF  }
0xad: {  	[dreg:$0x0] =	wrdreg $0x60  }
0xae: {  	[dreg:$0x2] =	wrdreg s24  }
0xaf: {  	[dreg:$0x3] =	wrdreg s2  }
0xb0: {  	[dreg:$0x4] =	wrdreg $0x9  }
0xb1: {  	_ =	task.clear_ibuf [dreg:s7], $0x5FFFF;
	_ =	strace $0x90000046  }
0xb2: {  	s29 =	simm.s32 $0x9;
	_ =	strace $0x80000048  }
0xb3: {  	_ =	swait.ge [sflag:s29], $0x1  }
0xb4: {  	[sflag:s29] =	ssyncadd.s32 $0xFFFFFFFF  }
0xb5: {  	_ =	strace $0x90000048  }
0xb6: {  	_ =	sfence  }
0xb7: {  	s30 =	sld [smem:$0x0];
	_ =	sdelay $0x2  }
0xb8: {  	s31 =	sshll.u32 s1, $0xD;
	s1 =	sshrl.u32 s1, $0x2  }
0xb9: {  	s3 =	sand.u32 $0x4000, s31;
	s1 =	sadd.s32 s1, s30  }
0xba: {  	s0 =	sor.u32 s3, s0;
	s1 =	sshll.u32 s1, $0x11  }
0xbb: {  	s0 =	sor.u32 s1, s0  }
0xbc: {  	s0 =	sadd.s32 $0x8F2B, s0  }
0xbd: {  	[sflag:s0] =	ssyncadd.remote.s32 $0x1  }
0xbe: {  	_ =	sfence.sel $0xFFFF  }
0xbf: {  	[dreg:$0x0] =	wrdreg $0xFFFFFFFF;
	(pc) =	sbr.abs _section_cstart, $3  }
0xc0: {  	[dreg:$0x1] =	wrdreg $0xFFFFFFFF  }
0xc1: {  	_ =	task.clear_ibuf [dreg:s7], $0x2FFFF;
	_ =	strace $0x9FFFFFFF  }
0xc2: {  	(tm) =	ssettm $0x7FFFFFFF  }
0xc3: {  	_ =	shalt  }
tec
execute0_lowered:
.L_overlay_start_1:
0x0: {  	(tag) =	ssettag $0x1  }
0x1: {  	s4 =	rddreg [dreg:$0x0]  }
0x2: {  	s7 =	rddreg [dreg:$0x1];
	s1 =	simm.s32 $0x0  }
0x3: {  	[smem:$0x7FF] =	sst s1  }
0x4: {  	s0 =	rddreg [dreg:$0x2];
	v0 =	vimm.f32 $4.000000000e+00;
	_ =	strace $0x80000047  }
0x5: {  	s3 =	srdreg.scid;
	(erf) = vrcp.f32 v0  }
0x6: {  	s2 =	stileid.u32;
	s12 =	simm.s32 $0x900;
	s5 =	sand.u32 $0x1, s3  }
0x7: {  	s3 =	sadd.s32 $0x400, s4;
	s6 =	sshll.u32 s2, $0x5;
	s11 =	sshrl.u32 s2, $0x2  }
0x8: {  	s29 =	sand.u32 $0x3, s2;
	s8 =	ssub.s32 $0x2, s5;
	s10 =	sshll.u32 s5, $0x2  }
0x9: {  	s6 =	sadd.s32 s6, s4;
	s30 =	sshll.u32 s5, $0x9;
	s5 =	sshll.u32 s29, $0x5  }
.Ltmp0:
0xa: {  	p1 =	sne.s32 s29, $0x0;
	s9 =	sshrl.u32 s8, $0x1;
	(pc) =	sbr.rel .LBB2_1-.Ltmp0, $4  }
0xb: {  	s28 =	sor.u32 s11, s10;
	s6 =	sadd.s32 s30, s6;
	s10 =	simm.s32 $0x400  }
0xc: {  	s11 =	simm.s32 $0x500;
	s8 =	ssub.s32 s8, s9;
	s4 =	sshll.u32 s28, $0x4  }
0xd: {  	s31 =	sshll.u32 s28, $0x1;
	s6 =	sadd.s32 $0x600, s6;
	p0 =	sne.s32 s28, $0x7  }
0xe: {  	v1 =	vimm.s32 $0x0;
	v2 =	vimm.f32 $0.0e+00;
	s9 =	simm.s32 $0x1;
	s7 =	sadd.s32 s7, s31;
	s8 =	smax.u32 s8, $0x1;
	v0 =	vpop (erf)  }
.LBB2_2:
0xf: {  	[bflag:$0x0] =	sbarrier.arrive $0xFFFF  }
.LBB2_5:
0x10: {  	s8 =	sadd.s32 $0xFFFFFFFF, s8  }
0x11: {  	p2 =	sne.s32 s8, $0x0  }
.Ltmp1:
0x12: {  	_ = 	snop;
	(pc) =	sbr.rel @!p2 .LBB2_6-.Ltmp1, $1  }
0x13: {  	_ =	sdelay $0x3  }
.LBB2_1:
.Ltmp2:
0x14: {  	(pc) =	sbr.rel @!p0 .LBB2_2-.Ltmp2, $1  }
0x15: {  	_ =	sdelay $0x3  }
0x16: {  	[tilespmem:s1], [sflag:$0x1] =	stream.linear.gather [hbm4b:s3+s1], $0x280, $0x38;
	[tilespmem:$0x980] =	vst v63  }
0x17: {  	_ =	swait.ge [sflag:s9], $0x280  }
0x18: {  	[sflag:s9] =	ssyncset.done $0x0  }
0x19: {  	[sflag:s9] =	ssyncadd.s32 $0xFFFFFD80  }
0x1a: {  	v3 =	vld [tilespmem:s4+$0x0]  }
0x1b: {  	v4 =	vld [tilespmem:s4+$0x80]  }
0x1c: {  	v6 =	vld [tilespmem:s4+$0x100]  }
0x1d: {  	v7 =	vld [tilespmem:s4+$0x180]  }
0x1e: {  	v16 =	vld [tilespmem:s5+$0x80]  }
0x1f: {  	v17 =	vld [tilespmem:s5+$0x100]  }
0x20: {  	v15 =	vld [tilespmem:s5+$0x0]  }
0x21: {  	v3 =	vadd.f32 $3.200000000e+01, v3  }
0x22: {  	v4 =	vadd.f32 $3.200000000e+01, v4;
	v6 =	vadd.f32 $3.200000000e+01, v6  }
0x23: {  	v7 =	vadd.f32 $5.000000000e-01, v7;
	v42 =	vadd.f32 $3.200000000e+01, v16  }
0x24: {  	v22 =	vadd.f32 $3.200000000e+01, v17;
	v5 =	vadd.f32 $5.000000000e-01, v3  }
0x25: {  	v28 =	vld [tilespmem:s4+$0x200];
	v59 =	vbroadcast v15, $0x0;
	v9 =	vadd.f32 $5.000000000e-01, v4;
	v10 =	vadd.f32 $5.000000000e-01, v6  }
0x26: {  	v11 =	vadd.f32 $5.000000000e-01, v7;
	v14 =	vadd.f32 $5.000000000e-01, v42;
	v5 =	vtrunc.f32 v5  }
0x27: {  	v47 =	vadd.f32 $5.000000000e-01, v22;
	v27 =	vtrunc.f32 v9;
	v10 =	vtrunc.f32 v10  }
0x28: {  	v11 =	vtrunc.f32 v11;
	v21 =	vtrunc.f32 v14  }
0x29: {  	v38 =	vadd.f32 $3.200000000e+01, v15;
	v49 =	vtrunc.f32 v47;
	v5 =	vcvt.f32.s32 v5  }
0x2a: {  	v9 =	vadd.f32 $5.000000000e-01, v28;
	v10 =	vcvt.f32.s32 v10;
	v11 =	vcvt.f32.s32 v11  }
0x2b: {  	v40 =	vadd.f32 $5.000000000e-01, v38;
	v46 =	vcvt.f32.s32 v21;
	v8 =	vcvt.s32.f32 v5  }
0x2c: {  	v14 =	vld [tilespmem:s5+$0x180];
	v30 =	vadd.f32 $5.000000000e-01, v9;
	v29 =	vcvt.s32.f32 v10;
	v13 =	vcvt.s32.f32 v11  }
0x2d: {  	v31 =	vand.u32 $0x1, v10;
	v35 =	vand.u32 $0x1, v11;
	v3 =	vsub.f32 v8, v3  }
0x2e: {  	v25 =	vcvt.s32.f32 v46;
	v8 =	vcvt.f32.s32 v27;
	v32 =	vsub.f32 v13, v7;
	v13 =	vld [tilespmem:s5+$0x200]  }
0x2f: {  	v53 =	vand.u32 $0x1, v46;
	vm0 =	veq.f32 v3, $5.000000000e-01;
	v3 =	vand.u32 $0x1, v5  }
0x30: {  	vm2 =	veq.s32 v31, $0x1;
	vm1 =	veq.s32 v3, $0x1;
	v3 =	vcvt.s32.f32 v8  }
0x31: {  	vm13 =	veq.s32 v35, $0x1;
	vm7 =	veq.s32 v53, $0x1;
	v52 =	vadd.f32 $5.000000000e-01, v14  }
0x32: {  	v27 =	vbroadcast v16, $0x0;
	vm12 =	veq.f32 v32, $5.000000000e-01;
	v3 =	vsub.f32 v3, v4  }
0x33: {  	v55 =	vadd.f32 $5.000000000e-01, v52;
	vm0 =	vmand vm0, vm1;
	v26 =	vadd.f32 $5.000000000e-01, v13  }
0x34: {  	v12 =	vsel vm0, $0xFFFFFFFF, v1;
	vm9 =	veq.f32 v3, $5.000000000e-01;
	v3 =	vand.u32 $0x1, v8  }
0x35: {  	v58 =	vadd.f32 $5.000000000e-01, v26;
	vm10 =	veq.s32 v3, $0x1;
	v3 =	vsub.f32 v29, v6  }
0x36: {  	v6 =	vadd.s32 v5, v12;
	v29 =	vbroadcast v17, $0x0;
	vm0 =	vmand vm9, vm10  }
0x37: {  	v41 =	vcvt.s32.f32 v6;
	vm11 =	veq.f32 v3, $5.000000000e-01;
	v3 =	vtrunc.f32 v30  }
0x38: {  	vm1 =	vmand vm11, vm2;
	v33 =	vcvt.f32.s32 v3;
	v3 =	vsel vm0, $0xFFFFFFFF, v1  }
0x39: {  	vm0 =	vmand vm12, vm13;
	v34 =	vsel vm1, $0xFFFFFFFF, v1;
	v5 =	vadd.s32 v8, v3  }
0x3a: {  	v3 =	vsel vm0, $0xFFFFFFFF, v1;
	v8 =	vtrunc.f32 v40;
	v36 =	vcvt.s32.f32 v33  }
0x3b: {  	v4 =	vadd.s32 v10, v34;
	v3 =	vadd.s32 v11, v3;
	v39 =	vand.u32 $0x1, v33  }
0x3c: {  	v44 =	vcvt.s32.f32 v5;
	v18 =	vcvt.f32.s32 v8;
	v11 =	vsub.f32 v25, v42  }
0x3d: {  	v25 =	vtrunc.f32 v58;
	vm15 =	veq.s32 v39, $0x1;
	v45 =	vcvt.s32.f32 v4  }
0x3e: {  	v19 =	vcvt.s32.f32 v3;
	v25 =	vcvt.f32.s32 v25;
	v37 =	vsub.f32 v36, v9  }
0x3f: {  	v39 =	vbroadcast v14, $0x0;
	v9 =	vadd.f32 $-3.200000000e+01, v41;
	v8 =	vadd.f32 $-3.200000000e+01, v44  }
0x40: {  	v20 =	vcvt.s32.f32 v18;
	vm6 =	veq.f32 v11, $5.000000000e-01;
	v11 =	vtrunc.f32 v55  }
0x41: {  	v24 =	vand.u32 $0x1, v18;
	v36 =	vbroadcast v15, $0x1;
	v44 =	vbroadcast v13, $0x0  }
0x42: {  	v55 =	vbroadcast v16, $0x2;
	v10 =	vadd.f32 $-3.200000000e+01, v45;
	v23 =	vadd.f32 $-5.000000000e-01, v19  }
0x43: {  	vm5 =	veq.s32 v24, $0x1;
	v11 =	vcvt.f32.s32 v11;
	v30 =	vcvt.s32.f32 v25  }
0x44: {  	vm14 =	veq.f32 v37, $5.000000000e-01;
	v12 =	vsub.f32 v20, v38;
	v20 =	vsub.f32 v9, v59  }
0x45: {  	v27 =	vsub.f32 v8, v27;
	v37 =	vbroadcast v16, $0x1;
	v40 =	vsub.f32 v9, v36  }
0x46: {  	v58 =	vsub.f32 v8, v55;
	v59 =	vbroadcast v17, $0x2;
	vm0 =	vmand vm14, vm15  }
0x47: {  	v60 =	vcvt.s32.f32 v11;
	v29 =	vsub.f32 v10, v29;
	v61 =	vand.u32 $0x1, v11  }
0x48: {  	vm4 =	veq.f32 v12, $5.000000000e-01;
	v12 =	vcvt.f32.s32 v49;
	v20 =	vmul.f32 v20, v20  }
0x49: {  	v43 =	vsel vm0, $0xFFFFFFFF, v1;
	v27 =	vmul.f32 v27, v27;
	v42 =	vmul.f32 v40, v40  }
0x4a: {  	vm11 =	veq.s32 v61, $0x1;
	v61 =	vbroadcast v13, $0x1;
	v40 =	vbroadcast v15, $0x3  }
0x4b: {  	v7 =	vadd.s32 v33, v43;
	vm0 =	vmand vm4, vm5;
	v21 =	vsub.f32 v60, v52  }
0x4c: {  	v62 =	vmul.f32 v29, v29;
	v33 =	vand.u32 $0x1, v25;
	v48 =	vcvt.s32.f32 v7  }
0x4d: {  	v51 =	vsel vm0, $0xFFFFFFFF, v1;
	v54 =	vcvt.s32.f32 v12;
	vm0 =	vmand vm6, vm7  }
0x4e: {  	v28 =	vand.u32 $0x1, v12;
	v20 =	vadd.f32 v27, v20;
	vm13 =	veq.s32 v33, $0x1  }
0x4f: {  	v27 =	vsub.f32 v9, v40;
	v18 =	vadd.s32 v18, v51;
	v57 =	vsel vm0, $0xFFFFFFFF, v1  }
0x50: {  	vm9 =	veq.s32 v28, $0x1;
	v28 =	vsub.f32 v30, v26;
	v50 =	vadd.f32 $-5.000000000e-01, v48  }
0x51: {  	vm10 =	veq.f32 v21, $5.000000000e-01;
	v56 =	vsub.f32 v54, v22;
	v30 =	vadd.f32 v62, v20  }
0x52: {  	v22 =	vadd.s32 v46, v57;
	v34 =	vbroadcast v18, $0x0;
	v54 =	vbroadcast v15, $0x2  }
0x53: {  	vm12 =	veq.f32 v28, $5.000000000e-01;
	v35 =	vbroadcast v22, $0x0;
	v52 =	vbroadcast v22, $0x1  }
0x54: {  	v28 =	vsub.f32 v10, v59;
	v59 =	vbroadcast v14, $0x3;
	vm8 =	veq.f32 v56, $5.000000000e-01  }
0x55: {  	v32 =	vsub.f32 $0.0e+00, v30;
	vm14 =	veq.s32 v6, v34;
	v56 =	vbroadcast v14, $0x1  }
0x56: {  	v57 =	vsub.f32 v9, v54;
	v54 =	vbroadcast v22, $0x3;
	vm0 =	vmand vm8, vm9  }
0x57: {  	vm15 =	veq.s32 v5, v35;
	vm8 =	veq.s32 v5, v52;
	v63 =	vsel vm0, $0xFFFFFFFF, v1  }
0x58: {  	v33 =	vmul.f32 v28, v28;
	vm0 =	vmand vm10, vm11;
	v20 =	vadd.s32 v12, v63  }
0x59: {  	v31 =	vsel vm0, $0xFFFFFFFF, v1;
	v12 =	vmul.f32 v32, v0;
	vm0 =	vmand vm12, vm13  }
0x5a: {  	v32 =	vbroadcast v16, $0x4;
	v19 =	vadd.s32 v11, v31;
	v11 =	vmul.f32 $2.500000000e-01, v23  }
0x5b: {  	v38 =	vsel vm0, $0xFFFFFFFF, v1;
	v31 =	vbroadcast v17, $0x1;
	v46 =	vbroadcast v20, $0x0  }
0x5c: {  	v23 =	vsub.f32 v8, v37;
	v53 =	vbroadcast v20, $0x1;
	v37 =	vbroadcast v18, $0x2  }
0x5d: {  	vm0 =	vmand vm14, vm15;
	v12 =	vmul.f32 $1.442695020e+00, v12;
	v47 =	vbroadcast v19, $0x0  }
0x5e: {  	v21 =	vadd.s32 v25, v38;
	v62 =	vbroadcast v19, $0x1;
	v38 =	vbroadcast v22, $0x2  }
0x5f: {  	v41 =	vmul.f32 v11, v39;
	v23 =	vmul.f32 v23, v23;
	v43 =	vsub.f32 v10, v31  }
0x60: {  	vm4 =	veq.s32 v4, v46;
	v48 =	vbroadcast v21, $0x0;
	v60 =	vmul.f32 v11, v56  }
0x61: {  	vm9 =	veq.s32 v4, v53;
	v63 =	vbroadcast v21, $0x1;
	v39 =	vbroadcast v20, $0x2  }
0x62: {  	vm12 =	veq.s32 v6, v37;
	v53 =	vbroadcast v18, $0x3;
	(erf) = vpow2.f32 v12  }
0x63: {  	v12 =	vmul.f32 $2.500000000e-01, v50;
	vm0 =	vmand vm0, vm4;
	vm5 =	veq.s32 v3, v47  }
0x64: {  	v50 =	vbroadcast v18, $0x1;
	vm10 =	veq.s32 v3, v62;
	vm13 =	veq.s32 v5, v38  }
0x65: {  	v62 =	vbroadcast v13, $0x3;
	v23 =	vadd.f32 v23, v42;
	v45 =	vmul.f32 v43, v43  }
0x66: {  	v25 =	vadd.f32 $1.000000000e+00, v41;
	vm0 =	vmand vm0, vm5;
	vm6 =	veq.s32 v7, v48  }
0x67: {  	v26 =	vadd.f32 $1.000000000e+00, v60;
	v41 =	vbroadcast v16, $0x3;
	v42 =	vbroadcast v19, $0x2  }
0x68: {  	vm11 =	veq.s32 v7, v63;
	v43 =	vbroadcast v17, $0x3;
	v48 =	vbroadcast v13, $0x2  }
0x69: {  	vm14 =	veq.s32 v4, v39;
	v60 =	vbroadcast v21, $0x3;
	v63 =	vbroadcast v15, $0x4  }
0x6a: {  	vm5 =	veq.s32 v6, v53;
	v39 =	vbroadcast v18, $0x4;
	v53 =	vbroadcast v18, $0x5  }
0x6b: {  	v24 =	vmul.f32 v12, v44;
	vm0 =	vmand vm0, vm6;
	v29 =	vmul.f32 v12, v61  }
0x6c: {  	vm7 =	veq.s32 v6, v50;
	v44 =	vbroadcast v14, $0x2;
	v50 =	vbroadcast v21, $0x2  }
0x6d: {  	vm6 =	veq.s32 v5, v54;
	v61 =	vmul.f32 v11, v59;
	v54 =	vbroadcast v22, $0x5  }
0x6e: {  	v23 =	vadd.f32 v45, v23;
	v51 =	vsel vm0, $0x3F800000, v2;
	vm0 =	vmand vm7, vm8  }
0x6f: {  	v45 =	vmul.f32 v27, v27;
	v47 =	vsub.f32 v10, v43;
	vm15 =	veq.s32 v3, v42  }
0x70: {  	v27 =	vsub.f32 v9, v63;
	v43 =	vbroadcast v20, $0x4;
	v24 =	vadd.f32 v24, v25  }
0x71: {  	v25 =	vmul.f32 v58, v58;
	vm0 =	vmand vm0, vm9;
	v26 =	vadd.f32 v29, v26  }
0x72: {  	v29 =	vsub.f32 v8, v41;
	v28 =	vmul.f32 v11, v44;
	vm4 =	veq.s32 v7, v50  }
0x73: {  	v58 =	vbroadcast v19, $0x3;
	vm9 =	veq.s32 v7, v60;
	v41 =	vbroadcast v22, $0x4  }
0x74: {  	v44 =	vbroadcast v19, $0x4;
	v60 =	vbroadcast v19, $0x5;
	v23 =	vsub.f32 $0.0e+00, v23  }
0x75: {  	vm0 =	vmand vm0, vm10;
	v27 =	vmul.f32 v27, v27;
	vm10 =	veq.s32 v6, v39  }
0x76: {  	v39 =	vbroadcast v18, $0x6;
	v24 =	vmul.f32 $5.000000000e+01, v24;
	vm0 =	vmand vm0, vm11  }
0x77: {  	v34 =	vmul.f32 $5.000000000e+01, v26;
	v46 =	vmul.f32 v29, v29;
	v28 =	vadd.f32 $1.000000000e+00, v28  }
0x78: {  	vm8 =	veq.s32 v3, v58;
	vm11 =	veq.s32 v5, v41;
	v23 =	vmul.f32 v23, v0  }
0x79: {  	v35 =	vsel vm0, $0x3F800000, v2;
	vm0 =	vmand vm12, vm13;
	vm12 =	veq.s32 v4, v43  }
0x7a: {  	vm13 =	veq.s32 v3, v44;
	v43 =	vbroadcast v15, $0x7;
	v44 =	vbroadcast v16, $0x7  }
0x7b: {  	v26 =	vadd.f32 v35, v51;
	vm0 =	vmand vm0, vm14;
	v51 =	vmul.f32 v12, v48  }
0x7c: {  	v35 =	vbroadcast v16, $0x5;
	v49 =	vpop (erf);
	v23 =	vmul.f32 $1.442695020e+00, v23;
	vm0 =	vmand vm0, vm15  }
0x7d: {  	vm15 =	veq.s32 v6, v53;
	v24 =	vmul.f32 v49, v24;
	v49 =	vmul.f32 v47, v47  }
0x7e: {  	v52 =	vadd.f32 v51, v28;
	vm0 =	vmand vm0, vm4;
	v28 =	vsub.f32 v8, v32  }
0x7f: {  	v30 =	vsub.f32 v8, v35;
	v47 =	vbroadcast v13, $0x4;
	v51 =	vbroadcast v14, $0x5  }
0x80: {  	vm4 =	veq.s32 v5, v54;
	v54 =	vbroadcast v21, $0x6;
	(erf) = vpow2.f32 v23  }
0x81: {  	v23 =	vmul.f32 v57, v57;
	v55 =	vsel vm0, $0x3F800000, v2;
	v57 =	vbroadcast v20, $0x3  }
0x82: {  	vm0 =	vmand vm5, vm6;
	vm6 =	veq.s32 v3, v60;
	v60 =	vbroadcast v15, $0x8  }
0x83: {  	v24 =	vsub.f32 $0.0e+00, v24;
	v26 =	vadd.f32 v26, v55;
	v28 =	vmul.f32 v28, v28  }
0x84: {  	v55 =	vmul.f32 v11, v51;
	v23 =	vadd.f32 v25, v23;
	vm7 =	veq.s32 v4, v57  }
0x85: {  	v30 =	vmul.f32 v30, v30;
	v57 =	vbroadcast v20, $0x5;
	vm0 =	vmand vm0, vm7  }
0x86: {  	v58 =	vadd.f32 $1.000000000e+00, v55;
	v55 =	vbroadcast v14, $0x6;
	v23 =	vadd.f32 v33, v23  }
0x87: {  	vm0 =	vmand vm0, vm8;
	v33 =	vbroadcast v17, $0x4;
	vm5 =	veq.s32 v4, v57  }
0x88: {  	vm8 =	veq.s32 v6, v39;
	v39 =	vbroadcast v20, $0x7;
	vm0 =	vmand vm0, vm9  }
0x89: {  	v57 =	vmul.f32 v11, v55;
	v23 =	vsub.f32 $0.0e+00, v23;
	v29 =	vsub.f32 v10, v33  }
0x8a: {  	v32 =	vsel vm0, $0x3F800000, v2;
	vm0 =	vmand vm10, vm11;
	v33 =	vbroadcast v15, $0x6  }
0x8b: {  	vm0 =	vmand vm0, vm12;
	vm12 =	veq.s32 v7, v54;
	v54 =	vbroadcast v13, $0x8  }
0x8c: {  	v27 =	vadd.f32 v28, v27;
	v23 =	vmul.f32 v23, v0;
	v37 =	vmul.f32 v29, v29  }
0x8d: {  	v26 =	vadd.f32 v26, v32;
	v36 =	vpop (erf);
	v55 =	vmul.f32 v12, v54;
	v54 =	vbroadcast v14, $0xA  }
0x8e: {  	vm0 =	vmand vm0, vm13;
	v25 =	vmul.f32 v36, v34;
	v23 =	vmul.f32 $1.442695020e+00, v23  }
0x8f: {  	v34 =	vbroadcast v15, $0x5;
	v36 =	vbroadcast v17, $0x5;
	v27 =	vadd.f32 v37, v27  }
0x90: {  	(erf) = vpow2.f32 v23;
	v23 =	vadd.f32 v46, v45;
	v24 =	vsub.f32 v24, v25  }
0x91: {  	v25 =	vmul.f32 $5.000000000e+01, v52;
	v31 =	vsub.f32 v10, v36;
	v27 =	vsub.f32 $0.0e+00, v27  }
0x92: {  	v45 =	vbroadcast v21, $0x4;
	v46 =	vbroadcast v14, $0x4;
	v36 =	vsub.f32 v9, v33  }
0x93: {  	v33 =	vbroadcast v14, $0x7;
	v23 =	vadd.f32 v49, v23;
	v40 =	vmul.f32 v31, v31  }
0x94: {  	v27 =	vmul.f32 v27, v0;
	vm14 =	veq.s32 v7, v45;
	v48 =	vmul.f32 v11, v46  }
0x95: {  	v49 =	vmul.f32 v12, v47;
	v45 =	vbroadcast v22, $0x6;
	v47 =	vsub.f32 v8, v44  }
0x96: {  	v44 =	vbroadcast v18, $0x8;
	vm0 =	vmand vm0, vm14;
	v23 =	vsub.f32 $0.0e+00, v23  }
0x97: {  	v27 =	vmul.f32 $1.442695020e+00, v27;
	v50 =	vsel vm0, $0x3F800000, v2;
	v52 =	vadd.f32 $1.000000000e+00, v48  }
0x98: {  	vm0 =	vmand vm15, vm4;
	v48 =	vbroadcast v17, $0x7;
	vm9 =	veq.s32 v5, v45  }
0x99: {  	v45 =	vbroadcast v22, $0x8;
	v26 =	vadd.f32 v26, v50;
	v23 =	vmul.f32 v23, v0  }
0x9a: {  	vm0 =	vmand vm0, vm5;
	v50 =	vmul.f32 v47, v47;
	v47 =	vbroadcast v15, $0x9  }
0x9b: {  	vm0 =	vmand vm0, vm6;
	v51 =	vsub.f32 v10, v48;
	v23 =	vmul.f32 $1.442695020e+00, v23  }
0x9c: {  	v48 =	vbroadcast v16, $0x9;
	vm6 =	veq.s32 v6, v44;
	v44 =	vbroadcast v21, $0x9;
	v56 =	vpop (erf)  }
0x9d: {  	v28 =	vadd.f32 $1.000000000e+00, v57;
	v25 =	vmul.f32 v56, v25;
	(erf) = vpow2.f32 v23  }
0x9e: {  	vm15 =	veq.s32 v4, v39;
	v53 =	vmul.f32 v51, v51;
	v56 =	vbroadcast v13, $0x5  }
0x9f: {  	v23 =	vadd.f32 $1.000000000e+00, v61;
	v24 =	vsub.f32 v24, v25;
	v25 =	vmul.f32 v12, v62  }
0xa0: {  	v51 =	vsub.f32 v8, v48;
	(erf) = vpow2.f32 v27;
	v59 =	vmul.f32 v12, v56  }
0xa1: {  	v62 =	vbroadcast v21, $0x5;
	v23 =	vadd.f32 v25, v23;
	v25 =	vsub.f32 v9, v34  }
0xa2: {  	v56 =	vbroadcast v13, $0x6;
	v27 =	vadd.f32 v59, v58;
	v34 =	vbroadcast v16, $0x6  }
0xa3: {  	vm7 =	veq.s32 v7, v62;
	v59 =	vbroadcast v18, $0x7;
	v25 =	vmul.f32 v25, v25  }
0xa4: {  	v62 =	vbroadcast v22, $0x7;
	vm0 =	vmand vm0, vm7;
	vm7 =	veq.s32 v5, v45  }
0xa5: {  	v23 =	vmul.f32 $5.000000000e+01, v23;
	v63 =	vmul.f32 $5.000000000e+01, v27;
	v25 =	vadd.f32 v30, v25  }
0xa6: {  	v37 =	vsub.f32 v8, v34;
	v27 =	vmul.f32 v12, v56;
	vm13 =	veq.s32 v6, v59;
	v38 =	vpop (erf)  }
0xa7: {  	v56 =	vbroadcast v20, $0x8;
	v23 =	vmul.f32 v38, v23;
	v42 =	vadd.f32 v40, v25  }
0xa8: {  	v59 =	vbroadcast v21, $0x8;
	v41 =	vmul.f32 v37, v37;
	v27 =	vadd.f32 v27, v28  }
0xa9: {  	v28 =	vmul.f32 v11, v33;
	v23 =	vsub.f32 v24, v23;
	v24 =	vsub.f32 $0.0e+00, v42  }
0xaa: {  	v35 =	vsel vm0, $0x3F800000, v2;
	v37 =	vbroadcast v13, $0x7;
	v33 =	vbroadcast v16, $0xA  }
0xab: {  	vm0 =	vmand vm8, vm9;
	v38 =	vbroadcast v17, $0x6;
	v24 =	vmul.f32 v24, v0  }
0xac: {  	v40 =	vmul.f32 v36, v36;
	v28 =	vadd.f32 $1.000000000e+00, v28;
	v29 =	vmul.f32 v12, v37  }
0xad: {  	v27 =	vmul.f32 $5.000000000e+01, v27;
	v42 =	vsub.f32 v10, v38;
	v24 =	vmul.f32 $1.442695020e+00, v24  }
0xae: {  	v28 =	vadd.f32 v29, v28;
	v29 =	vsub.f32 v8, v33;
	v33 =	vbroadcast v18, $0xB  }
0xaf: {  	vm14 =	veq.s32 v5, v62;
	v46 =	vmul.f32 v42, v42;
	(erf) = vpow2.f32 v24  }
0xb0: {  	v24 =	vadd.f32 v49, v52;
	v49 =	vbroadcast v20, $0x6;
	v52 =	vbroadcast v19, $0x6  }
0xb1: {  	vm8 =	veq.s32 v4, v56;
	v42 =	vbroadcast v21, $0x7;
	v28 =	vmul.f32 $5.000000000e+01, v28  }
0xb2: {  	v24 =	vmul.f32 $5.000000000e+01, v24;
	vm10 =	veq.s32 v4, v49;
	vm11 =	veq.s32 v3, v52  }
0xb3: {  	v61 =	vpop (erf);
	v49 =	vbroadcast v14, $0x8;
	v52 =	vbroadcast v17, $0x9;
	vm0 =	vmand vm0, vm10  }
0xb4: {  	vm10 =	veq.s32 v7, v59;
	v59 =	vbroadcast v13, $0xA;
	v24 =	vmul.f32 v61, v24  }
0xb5: {  	vm0 =	vmand vm0, vm11;
	v61 =	vbroadcast v16, $0x8;
	v31 =	vsub.f32 v10, v52  }
0xb6: {  	v52 =	vbroadcast v15, $0xB;
	vm0 =	vmand vm0, vm12;
	v23 =	vsub.f32 v23, v24  }
0xb7: {  	v24 =	vadd.f32 v26, v35;
	v26 =	vadd.f32 v41, v40;
	v58 =	vsel vm0, $0x3F800000, v2  }
0xb8: {  	v30 =	vsub.f32 v8, v61;
	vm0 =	vmand vm13, vm14;
	v41 =	vbroadcast v19, $0x7  }
0xb9: {  	v57 =	vmul.f32 v31, v31;
	vm0 =	vmand vm0, vm15;
	vm15 =	veq.s32 v7, v44  }
0xba: {  	v44 =	vbroadcast v13, $0xB;
	v26 =	vadd.f32 v46, v26;
	v24 =	vadd.f32 v24, v58;
	v32 =	vpop (erf)  }
0xbb: {  	v35 =	vmul.f32 v30, v30;
	vm4 =	veq.s32 v3, v41;
	v25 =	vmul.f32 v32, v63  }
0xbc: {  	v30 =	vmul.f32 v51, v51;
	v58 =	vbroadcast v19, $0x8;
	v26 =	vsub.f32 $0.0e+00, v26  }
0xbd: {  	v41 =	vbroadcast v20, $0x9;
	v23 =	vsub.f32 v23, v25;
	v25 =	vsub.f32 v9, v43  }
0xbe: {  	vm5 =	veq.s32 v7, v42;
	v51 =	vbroadcast v20, $0xA;
	v26 =	vmul.f32 v26, v0  }
0xbf: {  	vm0 =	vmand vm0, vm4;
	v63 =	vbroadcast v17, $0x8;
	v25 =	vmul.f32 v25, v25  }
0xc0: {  	vm0 =	vmand vm0, vm5;
	vm9 =	veq.s32 v3, v58;
	v26 =	vmul.f32 $1.442695020e+00, v26  }
0xc1: {  	v32 =	vbroadcast v15, $0xA;
	v58 =	vmul.f32 v11, v54;
	v25 =	vadd.f32 v50, v25  }
0xc2: {  	vm13 =	veq.s32 v4, v41;
	v54 =	vbroadcast v19, $0xC;
	(erf) = vpow2.f32 v26  }
0xc3: {  	v46 =	vsel vm0, $0x3F800000, v2;
	vm0 =	vmand vm6, vm7;
	v25 =	vadd.f32 v53, v25  }
0xc4: {  	vm6 =	veq.s32 v4, v51;
	v36 =	vsub.f32 v10, v63;
	v24 =	vadd.f32 v24, v46  }
0xc5: {  	vm0 =	vmand vm0, vm8;
	v63 =	vbroadcast v18, $0x9;
	v25 =	vsub.f32 $0.0e+00, v25  }
0xc6: {  	vm0 =	vmand vm0, vm9;
	vm9 =	veq.s32 v6, v33;
	v33 =	vbroadcast v22, $0xD  }
0xc7: {  	v38 =	vmul.f32 v36, v36;
	v26 =	vsub.f32 v9, v60;
	v25 =	vmul.f32 v25, v0  }
0xc8: {  	vm0 =	vmand vm0, vm10;
	vm11 =	veq.s32 v6, v63;
	v36 =	vbroadcast v14, $0x9  }
0xc9: {  	v62 =	vsel vm0, $0x3F800000, v2;
	v34 =	vmul.f32 v26, v26;
	v25 =	vmul.f32 $1.442695020e+00, v25  }
0xca: {  	v50 =	vsub.f32 v9, v47;
	v53 =	vmul.f32 v11, v49;
	v49 =	vbroadcast v18, $0xA  }
0xcb: {  	v24 =	vadd.f32 v24, v62;
	v40 =	vpop (erf);
	(erf) = vpow2.f32 v25;
	v25 =	vadd.f32 v35, v34  }
0xcc: {  	vm4 =	veq.s32 v6, v49;
	v49 =	vbroadcast v18, $0xC;
	v26 =	vmul.f32 v40, v27  }
0xcd: {  	v27 =	vadd.f32 $1.000000000e+00, v53;
	v34 =	vbroadcast v22, $0x9;
	v25 =	vadd.f32 v38, v25  }
0xce: {  	v35 =	vbroadcast v17, $0xA;
	v40 =	vbroadcast v13, $0x9;
	v23 =	vsub.f32 v23, v26  }
0xcf: {  	v53 =	vbroadcast v16, $0xB;
	v27 =	vadd.f32 v55, v27;
	v25 =	vsub.f32 $0.0e+00, v25  }
0xd0: {  	vm12 =	veq.s32 v5, v34;
	v38 =	vmul.f32 v29, v29;
	v39 =	vsub.f32 v10, v35  }
0xd1: {  	v55 =	vsub.f32 v9, v52;
	v34 =	vbroadcast v22, $0xB;
	v25 =	vmul.f32 v25, v0  }
0xd2: {  	v56 =	vsub.f32 v8, v53;
	v35 =	vbroadcast v20, $0xB;
	v53 =	vbroadcast v20, $0xC  }
0xd3: {  	vm0 =	vmand vm11, vm12;
	v27 =	vmul.f32 $5.000000000e+01, v27;
	v25 =	vmul.f32 $1.442695020e+00, v25  }
0xd4: {  	v42 =	vmul.f32 v39, v39;
	vm0 =	vmand vm0, vm13;
	v39 =	vbroadcast v17, $0xC  }
0xd5: {  	vm10 =	veq.s32 v5, v34;
	v43 =	vpop (erf);
	(erf) = vpow2.f32 v25;
	v25 =	vmul.f32 v50, v50  }
0xd6: {  	vm11 =	veq.s32 v4, v35;
	v26 =	vmul.f32 v43, v28;
	v28 =	vmul.f32 v11, v36  }
0xd7: {  	v43 =	vbroadcast v19, $0x9;
	v50 =	vbroadcast v22, $0xA;
	v25 =	vadd.f32 v30, v25  }
0xd8: {  	v36 =	vbroadcast v15, $0xC;
	v23 =	vsub.f32 v23, v26;
	v28 =	vadd.f32 $1.000000000e+00, v28  }
0xd9: {  	v30 =	vmul.f32 v12, v40;
	vm14 =	veq.s32 v3, v43;
	vm5 =	veq.s32 v5, v50  }
0xda: {  	v40 =	vbroadcast v14, $0xB;
	v43 =	vsub.f32 v10, v39;
	v50 =	vbroadcast v22, $0xC  }
0xdb: {  	v39 =	vbroadcast v21, $0xD;
	vm0 =	vmand vm0, vm14;
	vm14 =	veq.s32 v6, v49  }
0xdc: {  	v49 =	vbroadcast v18, $0xE;
	v25 =	vadd.f32 v57, v25;
	v45 =	vadd.f32 v30, v28  }
0xdd: {  	vm0 =	vmand vm0, vm15;
	v57 =	vbroadcast v17, $0xB;
	v28 =	vadd.f32 $1.000000000e+00, v58  }
0xde: {  	v30 =	vmul.f32 v12, v59;
	vm15 =	veq.s32 v5, v50;
	v58 =	vbroadcast v16, $0xD  }
0xdf: {  	v50 =	vbroadcast v22, $0xE;
	v22 =	vbroadcast v22, $0xF;
	v47 =	vsel vm0, $0x3F800000, v2  }
0xe0: {  	vm0 =	vmand vm4, vm5;
	vm4 =	veq.s32 v4, v53;
	v53 =	vbroadcast v19, $0xE  }
0xe1: {  	v46 =	vmul.f32 $5.000000000e+01, v45;
	v24 =	vadd.f32 v24, v47;
	v45 =	vmul.f32 v43, v43  }
0xe2: {  	v29 =	vsub.f32 v10, v57;
	v47 =	vmul.f32 v12, v44;
	v57 =	vbroadcast v15, $0xD  }
0xe3: {  	v25 =	vsub.f32 $0.0e+00, v25;
	v43 =	vbroadcast v15, $0xE;
	v44 =	vbroadcast v16, $0xE  }
0xe4: {  	v28 =	vadd.f32 v30, v28;
	v15 =	vbroadcast v15, $0xF;
	v30 =	vbroadcast v20, $0xF  }
0xe5: {  	vm5 =	veq.s32 v3, v54;
	v25 =	vmul.f32 v25, v0;
	v29 =	vmul.f32 v29, v29  }
0xe6: {  	vm0 =	vmand vm0, vm6;
	v62 =	vmul.f32 $5.000000000e+01, v28;
	v28 =	vmul.f32 v11, v40  }
0xe7: {  	v40 =	vbroadcast v13, $0xD;
	v15 =	vsub.f32 v9, v15;
	v60 =	vpop (erf);
	v25 =	vmul.f32 $1.442695020e+00, v25  }
0xe8: {  	v61 =	vmul.f32 v60, v27;
	v27 =	vsub.f32 v9, v32;
	v60 =	vbroadcast v19, $0xA  }
0xe9: {  	v28 =	vadd.f32 $1.000000000e+00, v28;
	v15 =	vmul.f32 v15, v15;
	(erf) = vpow2.f32 v25  }
0xea: {  	v37 =	vmul.f32 v27, v27;
	v23 =	vsub.f32 v23, v61;
	v27 =	vmul.f32 v56, v56  }
0xeb: {  	v61 =	vbroadcast v21, $0xA;
	vm7 =	veq.s32 v3, v60;
	v56 =	vbroadcast v14, $0xC  }
0xec: {  	v60 =	vbroadcast v13, $0xC;
	v25 =	vadd.f32 v38, v37;
	v37 =	vbroadcast v16, $0xC  }
0xed: {  	vm0 =	vmand vm0, vm7;
	v38 =	vbroadcast v19, $0xB;
	v59 =	vmul.f32 v11, v56  }
0xee: {  	vm8 =	veq.s32 v7, v61;
	v61 =	vbroadcast v17, $0xD;
	v16 =	vbroadcast v16, $0xF  }
0xef: {  	vm0 =	vmand vm0, vm8;
	vm8 =	veq.s32 v5, v33;
	v25 =	vadd.f32 v42, v25  }
0xf0: {  	v63 =	vsel vm0, $0x3F800000, v2;
	vm0 =	vmand vm9, vm10;
	vm12 =	veq.s32 v3, v38  }
0xf1: {  	v38 =	vbroadcast v19, $0xD;
	v16 =	vsub.f32 v8, v16;
	v19 =	vbroadcast v19, $0xF  }
0xf2: {  	v24 =	vadd.f32 v24, v63;
	vm0 =	vmand vm0, vm11;
	v25 =	vsub.f32 $0.0e+00, v25  }
0xf3: {  	v63 =	vbroadcast v18, $0xD;
	vm11 =	veq.s32 v7, v39;
	v18 =	vbroadcast v18, $0xF  }
0xf4: {  	vm0 =	vmand vm0, vm12;
	v16 =	vmul.f32 v16, v16;
	v25 =	vmul.f32 v25, v0  }
0xf5: {  	vm10 =	veq.s32 v3, v38;
	vm12 =	veq.s32 v6, v49;
	vm7 =	veq.s32 v6, v63;
	v48 =	vpop (erf)  }
0xf6: {  	v15 =	vadd.f32 v16, v15;
	v26 =	vmul.f32 v48, v46;
	v25 =	vmul.f32 $1.442695020e+00, v25  }
0xf7: {  	v46 =	vbroadcast v21, $0xB;
	v48 =	vadd.f32 v47, v28;
	v28 =	vsub.f32 v8, v58  }
0xf8: {  	v47 =	vsub.f32 v8, v44;
	(erf) = vpow2.f32 v25;
	v25 =	vmul.f32 v55, v55  }
0xf9: {  	v23 =	vsub.f32 v23, v26;
	vm13 =	veq.s32 v7, v46;
	v55 =	vbroadcast v21, $0xC  }
0xfa: {  	v28 =	vmul.f32 v28, v28;
	v46 =	vsub.f32 v9, v43;
	v25 =	vadd.f32 v27, v25  }
0xfb: {  	vm0 =	vmand vm0, vm13;
	vm13 =	veq.s32 v5, v50;
	v27 =	vsub.f32 v9, v36  }
0xfc: {  	v51 =	vsel vm0, $0x3F800000, v2;
	vm0 =	vmand vm14, vm15;
	v25 =	vadd.f32 v29, v25  }
0xfd: {  	vm6 =	veq.s32 v7, v55;
	v36 =	vbroadcast v20, $0xD;
	vm15 =	veq.s32 v3, v53  }
0xfe: {  	v24 =	vadd.f32 v24, v51;
	vm0 =	vmand vm0, vm4;
	v25 =	vsub.f32 $0.0e+00, v25  }
0xff: {  	v41 =	vmul.f32 v27, v27;
	vm0 =	vmand vm0, vm5;
	vm5 =	veq.s32 v6, v18;
	v18 =	vld [tilespmem:s5+$0x110]  }
0x100: {  	v29 =	vsub.f32 v8, v37;
	v27 =	vmul.f32 v12, v60;
	v25 =	vmul.f32 v25, v0  }
0x101: {  	v37 =	vbroadcast v14, $0xD;
	vm9 =	veq.s32 v4, v36;
	v36 =	vbroadcast v21, $0xF  }
0x102: {  	v42 =	vmul.f32 v29, v29;
	v29 =	vsub.f32 v10, v61;
	v32 =	vpop (erf);
	v25 =	vmul.f32 $1.442695020e+00, v25  }
0x103: {  	vm0 =	vmand vm0, vm6;
	vm6 =	veq.s32 v5, v22;
	v26 =	vmul.f32 v32, v62  }
0x104: {  	v34 =	vmul.f32 v29, v29;
	v44 =	vadd.f32 $3.200000000e+01, v18;
	(erf) = vpow2.f32 v25  }
0x105: {  	v25 =	vadd.f32 v42, v41;
	v23 =	vsub.f32 v23, v26;
	v26 =	vmul.f32 $5.000000000e+01, v48  }
0x106: {  	v62 =	vsel vm0, $0x3F800000, v2;
	v48 =	vbroadcast v17, $0xE;
	v17 =	vbroadcast v17, $0xF  }
0x107: {  	vm0 =	vmand vm7, vm8;
	vm7 =	veq.s32 v4, v30;
	v25 =	vadd.f32 v45, v25  }
0x108: {  	vm8 =	veq.s32 v3, v19;
	v24 =	vadd.f32 v24, v62;
	v17 =	vsub.f32 v10, v17  }
0x109: {  	vm0 =	vmand vm0, vm9;
	v62 =	vbroadcast v13, $0xE;
	v25 =	vsub.f32 $0.0e+00, v25  }
0x10a: {  	v13 =	vbroadcast v13, $0xF;
	vm9 =	veq.s32 v7, v36;
	v55 =	vmul.f32 v17, v17  }
0x10b: {  	vm0 =	vmand vm0, vm10;
	v42 =	vmul.f32 v12, v40;
	v25 =	vmul.f32 v25, v0  }
0x10c: {  	vm0 =	vmand vm0, vm11;
	v29 =	vmul.f32 v12, v62;
	v15 =	vadd.f32 v55, v15  }
0x10d: {  	v13 =	vmul.f32 v12, v13;
	v45 =	vsel vm0, $0x3F800000, v2;
	v25 =	vmul.f32 $1.442695020e+00, v25;
	v52 =	vpop (erf)  }
0x10e: {  	vm0 =	vmand vm12, vm13;
	v61 =	vsub.f32 $0.0e+00, v15;
	v15 =	vld [tilespmem:s5+$0x10];
	v26 =	vmul.f32 v52, v26  }
0x10f: {  	(erf) = vpow2.f32 v25;
	v25 =	vsub.f32 v9, v57;
	v52 =	vbroadcast v20, $0xE  }
0x110: {  	v24 =	vadd.f32 v24, v45;
	v57 =	vbroadcast v21, $0xE;
	v23 =	vsub.f32 v23, v26  }
0x111: {  	v26 =	vadd.f32 $1.000000000e+00, v59;
	v25 =	vmul.f32 v25, v25;
	vm14 =	veq.s32 v4, v52  }
0x112: {  	v59 =	vbroadcast v14, $0xE;
	vm4 =	veq.s32 v7, v57;
	v14 =	vbroadcast v14, $0xF  }
0x113: {  	vm0 =	vmand vm0, vm14;
	v31 =	vadd.f32 $3.200000000e+01, v15;
	v26 =	vadd.f32 v27, v26  }
0x114: {  	v25 =	vadd.f32 v28, v25;
	v27 =	vmul.f32 v11, v37;
	v28 =	vsub.f32 v10, v48  }
0x115: {  	vm0 =	vmand vm0, vm15;
	v17 =	vmul.f32 v11, v59;
	v14 =	vmul.f32 v11, v14  }
0x116: {  	v48 =	vadd.f32 $5.000000000e-01, v44;
	vm0 =	vmand vm0, vm4;
	v25 =	vadd.f32 v34, v25  }
0x117: {  	v33 =	vadd.f32 $5.000000000e-01, v31;
	v26 =	vmul.f32 $5.000000000e+01, v26;
	v41 =	vadd.f32 $1.000000000e+00, v27  }
0x118: {  	v27 =	vmul.f32 v47, v47;
	v17 =	vadd.f32 $1.000000000e+00, v17;
	v25 =	vsub.f32 $0.0e+00, v25  }
0x119: {  	v51 =	vmul.f32 v28, v28;
	v63 =	vsel vm0, $0x3F800000, v2;
	v28 =	vmul.f32 v61, v0  }
0x11a: {  	vm0 =	vmand vm5, vm6;
	v32 =	vadd.f32 v29, v17;
	v17 =	vld [tilespmem:s5+$0x90];
	v25 =	vmul.f32 v25, v0  }
0x11b: {  	v14 =	vadd.f32 $1.000000000e+00, v14;
	v24 =	vadd.f32 v24, v63;
	v34 =	vtrunc.f32 v33  }
0x11c: {  	vm0 =	vmand vm0, vm7;
	v37 =	vcvt.f32.s32 v34;
	v25 =	vmul.f32 $1.442695020e+00, v25  }
0x11d: {  	vm0 =	vmand vm0, vm8;
	v13 =	vadd.f32 v13, v14;
	v34 =	vbroadcast v15, $0x0;
	v35 =	vpop (erf)  }
0x11e: {  	vm0 =	vmand vm0, vm9;
	v26 =	vmul.f32 v35, v26;
	(erf) = vpow2.f32 v25  }
0x11f: {  	v14 =	vld [tilespmem:s5+$0x210];
	v22 =	vmul.f32 $5.000000000e+01, v32;
	v39 =	vadd.f32 $3.200000000e+01, v17;
	v25 =	vmul.f32 v46, v46  }
0x120: {  	v38 =	vcvt.s32.f32 v37;
	v40 =	vmul.f32 $5.000000000e+01, v13;
	v13 =	vld [tilespmem:s5+$0x190];
	v23 =	vsub.f32 v23, v26  }
0x121: {  	v45 =	vand.u32 $0x1, v37;
	v43 =	vadd.f32 $5.000000000e-01, v39;
	v25 =	vadd.f32 v27, v25  }
0x122: {  	vm11 =	veq.s32 v45, $0x1;
	v26 =	vadd.f32 v42, v41;
	v20 =	vsub.f32 v38, v31  }
0x123: {  	v41 =	vsel vm0, $0x3F800000, v2;
	v46 =	vtrunc.f32 v43;
	v25 =	vadd.f32 v51, v25  }
0x124: {  	v53 =	vadd.f32 $5.000000000e-01, v14;
	vm10 =	veq.f32 v20, $5.000000000e-01;
	v47 =	vcvt.f32.s32 v46  }
0x125: {  	vm0 =	vmand vm10, vm11;
	v49 =	vadd.f32 $5.000000000e-01, v13;
	v25 =	vsub.f32 $0.0e+00, v25  }
0x126: {  	v26 =	vmul.f32 $5.000000000e+01, v26;
	v50 =	vsel vm0, $0xFFFFFFFF, v1;
	v51 =	vcvt.s32.f32 v47  }
0x127: {  	v52 =	vadd.f32 $5.000000000e-01, v49;
	v43 =	vbroadcast v18, $0x1;
	v25 =	vmul.f32 v25, v0;
	v54 =	vpop (erf)  }
0x128: {  	v19 =	vsub.f32 v51, v39;
	v39 =	vbroadcast v18, $0x0;
	v56 =	vmul.f32 v54, v26  }
0x129: {  	v60 =	vmul.f32 $1.442695020e+00, v25;
	v25 =	vtrunc.f32 v48;
	v54 =	vand.u32 $0x1, v47  }
0x12a: {  	vm12 =	veq.f32 v19, $5.000000000e-01;
	v25 =	vcvt.f32.s32 v25;
	vm13 =	veq.s32 v54, $0x1  }
0x12b: {  	v58 =	vsub.f32 v23, v56;
	(erf) = vpow2.f32 v60;
	v23 =	vmul.f32 $1.442695020e+00, v28  }
0x12c: {  	v28 =	vtrunc.f32 v52;
	v56 =	vadd.f32 $5.000000000e-01, v53;
	vm0 =	vmand vm12, vm13  }
0x12d: {  	v55 =	vcvt.s32.f32 v25;
	v57 =	vcvt.f32.s32 v28;
	v60 =	vand.u32 $0x1, v25  }
0x12e: {  	v61 =	vsel vm0, $0xFFFFFFFF, v1;
	(erf) = vpow2.f32 v23;
	v23 =	vadd.f32 v24, v41  }
0x12f: {  	v59 =	vtrunc.f32 v56;
	vm15 =	veq.s32 v60, $0x1;
	v41 =	vbroadcast v15, $0x1  }
0x130: {  	v19 =	vadd.s32 v47, v61;
	v60 =	vbroadcast v14, $0x0;
	v24 =	vcvt.f32.s32 v59  }
0x131: {  	v28 =	vcvt.s32.f32 v57;
	v52 =	vbroadcast v19, $0x0  }
0x132: {  	v47 =	vsub.f32 v10, v43;
	v59 =	vbroadcast v13, $0x0;
	v62 =	vcvt.s32.f32 v24  }
0x133: {  	v32 =	vand.u32 $0x1, v57;
	v30 =	vsub.f32 v9, v41;
	vm9 =	veq.s32 v5, v52  }
0x134: {  	v61 =	vmul.f32 v11, v59;
	v52 =	vbroadcast v18, $0x2;
	v33 =	vsub.f32 v62, v53;
	v35 =	vpop (erf)  }
0x135: {  	vm5 =	veq.s32 v32, $0x1;
	v59 =	vbroadcast v19, $0x2;
	v22 =	vmul.f32 v35, v22  }
0x136: {  	v45 =	vmul.f32 v30, v30;
	v62 =	vmul.f32 v12, v60;
	vm6 =	veq.f32 v33, $5.000000000e-01  }
0x137: {  	v33 =	vbroadcast v13, $0x1;
	v35 =	vbroadcast v17, $0x0;
	v42 =	vpop (erf);
	v16 =	vsub.f32 v58, v22  }
0x138: {  	v22 =	vmul.f32 v42, v40;
	v58 =	vsub.f32 v55, v44;
	v40 =	vand.u32 $0x1, v24  }
0x139: {  	v38 =	vsub.f32 v8, v35;
	v42 =	vbroadcast v17, $0x1;
	vm7 =	veq.s32 v40, $0x1  }
0x13a: {  	v26 =	vsub.f32 v16, v22;
	v16 =	vadd.s32 v37, v50;
	vm14 =	veq.f32 v58, $5.000000000e-01  }
0x13b: {  	v22 =	vsub.f32 v28, v49;
	v37 =	vsub.f32 v9, v34;
	v27 =	vmul.f32 v38, v38  }
0x13c: {  	v28 =	vsub.f32 v10, v39;
	v50 =	vmul.f32 v47, v47;
	v38 =	vbroadcast v14, $0x1  }
0x13d: {  	v31 =	vsub.f32 v8, v42;
	v47 =	vbroadcast v15, $0x2;
	v48 =	vbroadcast v16, $0x0  }
0x13e: {  	v34 =	vadd.f32 $1.000000000e+00, v61;
	v35 =	vbroadcast v16, $0x1;
	v32 =	vbroadcast v16, $0x6  }
0x13f: {  	vm4 =	veq.f32 v22, $5.000000000e-01;
	v22 =	vmul.f32 v37, v37;
	v44 =	vmul.f32 v28, v28  }
0x140: {  	vm0 =	vmand vm14, vm15;
	v46 =	vmul.f32 v31, v31;
	v37 =	vmul.f32 v11, v33  }
0x141: {  	v63 =	vsel vm0, $0xFFFFFFFF, v1;
	v41 =	vmul.f32 v12, v38;
	v38 =	vbroadcast v13, $0x2  }
0x142: {  	vm0 =	vmand vm4, vm5;
	v20 =	vadd.s32 v25, v63;
	vm8 =	veq.s32 v6, v48  }
0x143: {  	vm13 =	veq.s32 v6, v35;
	v48 =	vbroadcast v17, $0x2;
	v36 =	vsel vm0, $0xFFFFFFFF, v1  }
0x144: {  	v22 =	vadd.f32 v27, v22;
	vm0 =	vmand vm6, vm7;
	v49 =	vadd.f32 v46, v45  }
0x145: {  	v55 =	vbroadcast v20, $0x0;
	v39 =	vbroadcast v20, $0x1;
	v40 =	vadd.f32 $1.000000000e+00, v37  }
0x146: {  	vm7 =	veq.s32 v5, v59;
	v59 =	vbroadcast v19, $0x4;
	v21 =	vadd.s32 v57, v36  }
0x147: {  	v51 =	vsel vm0, $0xFFFFFFFF, v1;
	vm0 =	vmand vm8, vm9;
	v36 =	vbroadcast v19, $0x1  }
0x148: {  	v22 =	vadd.f32 v44, v22;
	v54 =	vadd.f32 v50, v49;
	v57 =	vbroadcast v21, $0x0  }
0x149: {  	vm10 =	veq.s32 v4, v55;
	v42 =	vbroadcast v21, $0x1;
	vm15 =	veq.s32 v4, v39  }
0x14a: {  	v50 =	vsub.f32 v9, v47;
	v35 =	vbroadcast v21, $0x2;
	v39 =	vbroadcast v14, $0x2  }
0x14b: {  	v47 =	vbroadcast v13, $0x3;
	vm0 =	vmand vm0, vm10;
	v53 =	vsub.f32 $0.0e+00, v22  }
0x14c: {  	v22 =	vadd.s32 v24, v51;
	v24 =	vsub.f32 $0.0e+00, v54;
	vm11 =	veq.s32 v3, v57  }
0x14d: {  	vm4 =	veq.s32 v3, v42;
	v54 =	vmul.f32 v50, v50;
	v57 =	vbroadcast v15, $0x3  }
0x14e: {  	vm9 =	veq.s32 v3, v35;
	v42 =	vbroadcast v16, $0x3;
	v35 =	vbroadcast v18, $0x5  }
0x14f: {  	vm14 =	veq.s32 v5, v36;
	v58 =	vbroadcast v22, $0x0;
	v44 =	vbroadcast v22, $0x1  }
0x150: {  	v51 =	vsub.f32 v8, v48;
	v37 =	vbroadcast v22, $0x2;
	v56 =	vmul.f32 v53, v0  }
0x151: {  	vm0 =	vmand vm0, vm11;
	v24 =	vmul.f32 v24, v0;
	v53 =	vbroadcast v16, $0x2  }
0x152: {  	v55 =	vmul.f32 v51, v51;
	vm11 =	veq.s32 v6, v42;
	v51 =	vbroadcast v14, $0x3  }
0x153: {  	v31 =	vsub.f32 v10, v35;
	v42 =	vbroadcast v22, $0x4;
	v35 =	vbroadcast v15, $0x7  }
0x154: {  	vm12 =	veq.s32 v7, v58;
	vm5 =	veq.s32 v7, v44;
	v58 =	vbroadcast v17, $0x3  }
0x155: {  	vm10 =	veq.s32 v7, v37;
	v44 =	vbroadcast v17, $0x4;
	v37 =	vbroadcast v14, $0x4  }
0x156: {  	v27 =	vmul.f32 $1.442695020e+00, v56;
	v24 =	vmul.f32 $1.442695020e+00, v24;
	vm0 =	vmand vm0, vm12  }
0x157: {  	v56 =	vsub.f32 v10, v52;
	vm6 =	veq.s32 v6, v53;
	v53 =	vbroadcast v20, $0x3  }
0x158: {  	v29 =	vmul.f32 v12, v51;
	v51 =	vbroadcast v13, $0x5;
	v63 =	vsel vm0, $0x3F800000, v2  }
0x159: {  	vm0 =	vmand vm13, vm14;
	v61 =	vsub.f32 v8, v58;
	v30 =	vsub.f32 v8, v44  }
0x15a: {  	v58 =	vbroadcast v16, $0x4;
	(erf) = vpow2.f32 v27;
	v23 =	vadd.f32 v23, v63  }
0x15b: {  	v27 =	vadd.f32 v41, v40;
	v60 =	vmul.f32 v56, v56;
	v63 =	vbroadcast v20, $0x2  }
0x15c: {  	vm0 =	vmand vm0, vm15;
	v40 =	vmul.f32 v11, v38;
	v56 =	vbroadcast v22, $0x3  }
0x15d: {  	vm13 =	veq.s32 v4, v53;
	v38 =	vmul.f32 v12, v37;
	v37 =	vbroadcast v13, $0x6  }
0x15e: {  	(erf) = vpow2.f32 v24;
	v24 =	vadd.f32 v62, v34;
	v62 =	vbroadcast v18, $0x3  }
0x15f: {  	vm0 =	vmand vm0, vm4;
	v33 =	vmul.f32 v61, v61;
	v61 =	vbroadcast v15, $0x5  }
0x160: {  	vm4 =	veq.s32 v6, v58;
	v58 =	vbroadcast v21, $0x5;
	v45 =	vmul.f32 $5.000000000e+01, v27  }
0x161: {  	vm0 =	vmand vm0, vm5;
	vm8 =	veq.s32 v4, v63;
	v27 =	vmul.f32 v12, v39  }
0x162: {  	v28 =	vadd.f32 $1.000000000e+00, v40;
	v63 =	vbroadcast v13, $0x4;
	v39 =	vbroadcast v20, $0x4  }
0x163: {  	vm15 =	veq.s32 v7, v56;
	v40 =	vmul.f32 v31, v31;
	v56 =	vbroadcast v20, $0x5  }
0x164: {  	vm5 =	veq.s32 v5, v59;
	v59 =	vbroadcast v22, $0x5;
	v24 =	vmul.f32 $5.000000000e+01, v24  }
0x165: {  	v49 =	vsel vm0, $0x3F800000, v2;
	v34 =	vsub.f32 v10, v62;
	vm0 =	vmand vm6, vm7  }
0x166: {  	v62 =	vbroadcast v17, $0x5;
	v23 =	vadd.f32 v23, v49;
	vm0 =	vmand vm0, vm8  }
0x167: {  	v27 =	vadd.f32 v27, v28;
	v49 =	vmul.f32 v30, v30;
	v28 =	vmul.f32 v11, v47  }
0x168: {  	vm6 =	veq.s32 v4, v39;
	vm8 =	veq.s32 v7, v42;
	v47 =	vbroadcast v15, $0x6  }
0x169: {  	v36 =	vmul.f32 v34, v34;
	vm0 =	vmand vm0, vm9;
	v34 =	vsub.f32 v8, v62  }
0x16a: {  	v42 =	vbroadcast v14, $0x6;
	vm0 =	vmand vm0, vm10;
	v28 =	vadd.f32 $1.000000000e+00, v28  }
0x16b: {  	v27 =	vmul.f32 $5.000000000e+01, v27;
	v41 =	vsel vm0, $0x3F800000, v2;
	v30 =	vmul.f32 v34, v34;
	v43 =	vpop (erf)  }
0x16c: {  	v34 =	vbroadcast v20, $0x6;
	v28 =	vadd.f32 v29, v28;
	v24 =	vmul.f32 v43, v24  }
0x16d: {  	v23 =	vadd.f32 v23, v41;
	v41 =	vbroadcast v21, $0x4;
	v46 =	vpop (erf);
	v43 =	vbroadcast v15, $0x4  }
0x16e: {  	v28 =	vmul.f32 $5.000000000e+01, v28;
	v25 =	vmul.f32 v46, v45;
	v24 =	vsub.f32 v26, v24  }
0x16f: {  	vm7 =	veq.s32 v3, v41;
	v41 =	vmul.f32 v11, v37;
	v26 =	vadd.f32 v55, v54  }
0x170: {  	v45 =	vbroadcast v19, $0x3;
	v46 =	vbroadcast v18, $0x4;
	v24 =	vsub.f32 v24, v25  }
0x171: {  	v37 =	vbroadcast v13, $0x8;
	v25 =	vsub.f32 v9, v57;
	v26 =	vadd.f32 v60, v26  }
0x172: {  	v55 =	vbroadcast v21, $0x3;
	v50 =	vsub.f32 v10, v46;
	vm12 =	veq.s32 v5, v45  }
0x173: {  	v46 =	vbroadcast v16, $0x5;
	v25 =	vmul.f32 v25, v25;
	v26 =	vsub.f32 $0.0e+00, v26  }
0x174: {  	vm0 =	vmand vm11, vm12;
	vm14 =	veq.s32 v3, v55;
	v55 =	vbroadcast v14, $0x5  }
0x175: {  	vm11 =	veq.s32 v4, v56;
	v25 =	vadd.f32 v33, v25;
	v26 =	vmul.f32 v26, v0  }
0x176: {  	vm12 =	veq.s32 v3, v58;
	v58 =	vbroadcast v14, $0x7;
	v52 =	vmul.f32 v50, v50  }
0x177: {  	vm0 =	vmand vm0, vm13;
	v25 =	vadd.f32 v36, v25;
	v26 =	vmul.f32 $1.442695020e+00, v26  }
0x178: {  	vm9 =	veq.s32 v6, v46;
	v50 =	vbroadcast v18, $0x6;
	vm0 =	vmand vm0, vm14  }
0x179: {  	vm0 =	vmand vm0, vm15;
	v25 =	vsub.f32 $0.0e+00, v25;
	(erf) = vpow2.f32 v26  }
0x17a: {  	vm13 =	veq.s32 v7, v59;
	v60 =	vsel vm0, $0x3F800000, v2;
	vm0 =	vmand vm4, vm5  }
0x17b: {  	vm0 =	vmand vm0, vm6;
	v26 =	vsub.f32 v9, v43;
	v25 =	vmul.f32 v25, v0  }
0x17c: {  	vm14 =	veq.s32 v6, v32;
	v32 =	vbroadcast v19, $0x8;
	vm0 =	vmand vm0, vm7  }
0x17d: {  	vm0 =	vmand vm0, vm8;
	v48 =	vmul.f32 v26, v26;
	v25 =	vmul.f32 $1.442695020e+00, v25  }
0x17e: {  	v33 =	vsub.f32 v9, v61;
	v23 =	vadd.f32 v23, v60;
	v45 =	vsel vm0, $0x3F800000, v2  }
0x17f: {  	(erf) = vpow2.f32 v25;
	v25 =	vadd.f32 v49, v48;
	v48 =	vbroadcast v17, $0x6  }
0x180: {  	vm4 =	veq.s32 v4, v34;
	v23 =	vadd.f32 v23, v45;
	v49 =	vbroadcast v19, $0x5  }
0x181: {  	v36 =	vmul.f32 v11, v63;
	v25 =	vadd.f32 v52, v25;
	v29 =	vsub.f32 v8, v48  }
0x182: {  	vm10 =	veq.s32 v5, v49;
	v48 =	vbroadcast v16, $0x7;
	v49 =	vbroadcast v19, $0x7;
	v54 =	vpop (erf)  }
0x183: {  	vm0 =	vmand vm9, vm10;
	v26 =	vmul.f32 v54, v27;
	v25 =	vsub.f32 $0.0e+00, v25  }
0x184: {  	v27 =	vadd.f32 $1.000000000e+00, v36;
	v53 =	vmul.f32 v29, v29;
	v54 =	vsub.f32 v10, v50  }
0x185: {  	vm0 =	vmand vm0, vm11;
	v36 =	vbroadcast v17, $0x7;
	vm7 =	veq.s32 v6, v48  }
0x186: {  	v50 =	vbroadcast v20, $0x7;
	vm8 =	veq.s32 v5, v49;
	v49 =	vbroadcast v16, $0x9  }
0x187: {  	vm0 =	vmand vm0, vm12;
	v24 =	vsub.f32 v24, v26;
	v25 =	vmul.f32 v25, v0  }
0x188: {  	v27 =	vadd.f32 v38, v27;
	v38 =	vsub.f32 v9, v35;
	v35 =	vbroadcast v20, $0x8  }
0x189: {  	v39 =	vsub.f32 v8, v36;
	v36 =	vbroadcast v21, $0x8;
	v25 =	vmul.f32 $1.442695020e+00, v25;
	v57 =	vpop (erf)  }
0x18a: {  	vm0 =	vmand vm0, vm13;
	v27 =	vmul.f32 $5.000000000e+01, v27;
	v26 =	vmul.f32 v57, v28  }
0x18b: {  	vm9 =	veq.s32 v4, v50;
	(erf) = vpow2.f32 v25;
	v25 =	vmul.f32 v33, v33  }
0x18c: {  	v62 =	vsel vm0, $0x3F800000, v2;
	v28 =	vmul.f32 v11, v51;
	v57 =	vmul.f32 v54, v54  }
0x18d: {  	v23 =	vadd.f32 v23, v62;
	v33 =	vbroadcast v19, $0x6;
	v51 =	vbroadcast v15, $0x8  }
0x18e: {  	v54 =	vbroadcast v18, $0x8;
	v25 =	vadd.f32 v30, v25;
	v28 =	vadd.f32 $1.000000000e+00, v28  }
0x18f: {  	v30 =	vmul.f32 v12, v55;
	vm15 =	veq.s32 v5, v33;
	v55 =	vbroadcast v13, $0x7  }
0x190: {  	vm0 =	vmand vm14, vm15;
	vm14 =	veq.s32 v4, v35;
	vm15 =	veq.s32 v3, v36  }
0x191: {  	v35 =	vbroadcast v14, $0xA;
	v36 =	vbroadcast v20, $0xA;
	v25 =	vadd.f32 v40, v25  }
0x192: {  	v60 =	vadd.f32 v30, v28;
	v40 =	vbroadcast v18, $0x7;
	v30 =	vmul.f32 v12, v42  }
0x193: {  	v28 =	vadd.f32 $1.000000000e+00, v41;
	v41 =	vbroadcast v17, $0x9;
	v42 =	vbroadcast v18, $0x9  }
0x194: {  	v25 =	vsub.f32 $0.0e+00, v25;
	v61 =	vmul.f32 $5.000000000e+01, v60;
	v29 =	vsub.f32 v10, v40  }
0x195: {  	v28 =	vadd.f32 v30, v28;
	v60 =	vbroadcast v22, $0x7;
	v40 =	vbroadcast v15, $0x9  }
0x196: {  	v24 =	vsub.f32 v24, v26;
	v25 =	vmul.f32 v25, v0;
	v29 =	vmul.f32 v29, v29  }
0x197: {  	v45 =	vmul.f32 $5.000000000e+01, v28;
	v28 =	vsub.f32 v8, v41;
	v41 =	vbroadcast v22, $0xA;
	v43 =	vpop (erf)  }
0x198: {  	v44 =	vmul.f32 v43, v27;
	v25 =	vmul.f32 $1.442695020e+00, v25;
	v27 =	vsub.f32 v9, v47  }
0x199: {  	vm0 =	vmand vm0, vm4;
	v43 =	vbroadcast v21, $0x6;
	v28 =	vmul.f32 v28, v28  }
0x19a: {  	vm11 =	veq.s32 v7, v60;
	(erf) = vpow2.f32 v25;
	v52 =	vmul.f32 v27, v27  }
0x19b: {  	v24 =	vsub.f32 v24, v44;
	v27 =	vmul.f32 v39, v39;
	v44 =	vbroadcast v22, $0x6  }
0x19c: {  	vm5 =	veq.s32 v3, v43;
	v39 =	vbroadcast v14, $0x8;
	v43 =	vbroadcast v15, $0xA  }
0x19d: {  	vm0 =	vmand vm0, vm5;
	vm5 =	veq.s32 v6, v49;
	v25 =	vadd.f32 v53, v52  }
0x19e: {  	v49 =	vbroadcast v18, $0xB;
	vm6 =	veq.s32 v7, v44;
	v52 =	vbroadcast v17, $0x8  }
0x19f: {  	v53 =	vbroadcast v21, $0x7;
	vm0 =	vmand vm0, vm6;
	v25 =	vadd.f32 v57, v25  }
0x1a0: {  	v44 =	vbroadcast v17, $0xA;
	v46 =	vsel vm0, $0x3F800000, v2;
	vm0 =	vmand vm7, vm8  }
0x1a1: {  	v57 =	vsub.f32 v10, v54;
	vm10 =	veq.s32 v3, v53;
	v25 =	vsub.f32 $0.0e+00, v25  }
0x1a2: {  	v30 =	vsub.f32 v8, v44;
	v53 =	vbroadcast v20, $0x9;
	v54 =	vbroadcast v21, $0x9  }
0x1a3: {  	v44 =	vbroadcast v15, $0xB;
	vm0 =	vmand vm0, vm9;
	v25 =	vmul.f32 v25, v0  }
0x1a4: {  	v23 =	vadd.f32 v23, v46;
	v59 =	vmul.f32 v57, v57;
	vm0 =	vmand vm0, vm10  }
0x1a5: {  	v30 =	vmul.f32 v30, v30;
	vm7 =	veq.s32 v4, v53;
	v25 =	vmul.f32 $1.442695020e+00, v25  }
0x1a6: {  	vm8 =	veq.s32 v3, v54;
	v57 =	vbroadcast v14, $0x9;
	v53 =	vsub.f32 v10, v49  }
0x1a7: {  	vm0 =	vmand vm0, vm11;
	v63 =	vpop (erf);
	(erf) = vpow2.f32 v25;
	v25 =	vmul.f32 v38, v38  }
0x1a8: {  	v54 =	vbroadcast v15, $0xC;
	v49 =	vbroadcast v21, $0xC;
	v33 =	vsel vm0, $0x3F800000, v2  }
0x1a9: {  	v23 =	vadd.f32 v23, v33;
	v33 =	vbroadcast v19, $0xA;
	v25 =	vadd.f32 v27, v25  }
0x1aa: {  	vm13 =	veq.s32 v5, v32;
	v26 =	vmul.f32 v63, v61;
	v63 =	vbroadcast v16, $0x8  }
0x1ab: {  	v61 =	vmul.f32 v12, v58;
	vm11 =	veq.s32 v5, v33;
	v25 =	vadd.f32 v29, v25  }
0x1ac: {  	v33 =	vbroadcast v22, $0xB;
	v24 =	vsub.f32 v24, v26;
	vm12 =	veq.s32 v6, v63  }
0x1ad: {  	v38 =	vbroadcast v22, $0x8;
	vm0 =	vmand vm12, vm13;
	v25 =	vsub.f32 $0.0e+00, v25  }
0x1ae: {  	v63 =	vbroadcast v16, $0xA;
	v27 =	vsub.f32 v9, v51;
	vm0 =	vmand vm0, vm14  }
0x1af: {  	vm4 =	veq.s32 v7, v38;
	v51 =	vbroadcast v19, $0x9;
	v25 =	vmul.f32 v25, v0  }
0x1b0: {  	vm10 =	veq.s32 v6, v63;
	v38 =	vmul.f32 v12, v35;
	vm14 =	veq.s32 v7, v41  }
0x1b1: {  	v63 =	vbroadcast v21, $0xB;
	v29 =	vsub.f32 v8, v52;
	v25 =	vmul.f32 $1.442695020e+00, v25  }
0x1b2: {  	v35 =	vbroadcast v14, $0xB;
	vm0 =	vmand vm0, vm15;
	v27 =	vmul.f32 v27, v27  }
0x1b3: {  	vm0 =	vmand vm0, vm4;
	v56 =	vmul.f32 v29, v29;
	v47 =	vpop (erf);
	(erf) = vpow2.f32 v25  }
0x1b4: {  	v41 =	vbroadcast v19, $0xC;
	vm6 =	veq.s32 v5, v51;
	v48 =	vsel vm0, $0x3F800000, v2  }
0x1b5: {  	vm0 =	vmand vm5, vm6;
	v27 =	vadd.f32 v56, v27;
	v25 =	vmul.f32 v11, v55  }
0x1b6: {  	vm6 =	veq.s32 v3, v63;
	v29 =	vsub.f32 v10, v42;
	v26 =	vmul.f32 v47, v45  }
0x1b7: {  	v63 =	vbroadcast v20, $0xD;
	v62 =	vadd.f32 v59, v27;
	v25 =	vadd.f32 $1.000000000e+00, v25  }
0x1b8: {  	vm0 =	vmand vm0, vm7;
	vm7 =	veq.s32 v7, v33;
	v24 =	vsub.f32 v24, v26  }
0x1b9: {  	v33 =	vbroadcast v18, $0xE;
	v26 =	vsub.f32 $0.0e+00, v62;
	v25 =	vadd.f32 v61, v25  }
0x1ba: {  	v46 =	vmul.f32 v29, v29;
	v56 =	vbroadcast v13, $0x9  }
0x1bb: {  	v26 =	vmul.f32 v26, v0;
	v25 =	vmul.f32 $5.000000000e+01, v25  }
0x1bc: {  	vm12 =	veq.s32 v4, v36;
	v45 =	vbroadcast v18, $0xA;
	v58 =	vmul.f32 v11, v56;
	v34 =	vpop (erf)  }
0x1bd: {  	v23 =	vadd.f32 v23, v48;
	v26 =	vmul.f32 $1.442695020e+00, v26;
	v25 =	vmul.f32 v34, v25  }
0x1be: {  	v27 =	vsub.f32 v9, v40;
	v59 =	vmul.f32 v12, v57;
	v56 =	vbroadcast v19, $0xB  }
0x1bf: {  	(erf) = vpow2.f32 v26;
	v24 =	vsub.f32 v24, v25;
	v25 =	vmul.f32 v11, v37  }
0x1c0: {  	vm0 =	vmand vm0, vm8;
	v57 =	vmul.f32 v53, v53;
	v27 =	vmul.f32 v27, v27  }
0x1c1: {  	v31 =	vsub.f32 v10, v45;
	v26 =	vmul.f32 v12, v39;
	v25 =	vadd.f32 $1.000000000e+00, v25  }
0x1c2: {  	v55 =	vbroadcast v22, $0x9;
	v62 =	vadd.f32 $1.000000000e+00, v58;
	v45 =	vbroadcast v17, $0xB  }
0x1c3: {  	vm4 =	veq.s32 v5, v56;
	v25 =	vadd.f32 v26, v25;
	v26 =	vsub.f32 v9, v43  }
0x1c4: {  	v56 =	vbroadcast v19, $0xD;
	v27 =	vadd.f32 v28, v27;
	v50 =	vmul.f32 v31, v31  }
0x1c5: {  	vm9 =	veq.s32 v7, v55;
	v48 =	vsub.f32 v8, v45;
	v26 =	vmul.f32 v26, v26  }
0x1c6: {  	v55 =	vbroadcast v17, $0xC;
	vm0 =	vmand vm0, vm9;
	vm9 =	veq.s32 v5, v41  }
0x1c7: {  	v27 =	vadd.f32 v46, v27;
	v25 =	vmul.f32 $5.000000000e+01, v25;
	v26 =	vadd.f32 v30, v26  }
0x1c8: {  	v60 =	vsel vm0, $0x3F800000, v2;
	v61 =	vbroadcast v13, $0xA;
	v58 =	vsub.f32 v8, v55;
	v47 =	vpop (erf)  }
0x1c9: {  	v27 =	vsub.f32 $0.0e+00, v27;
	v25 =	vmul.f32 v47, v25;
	v52 =	vadd.f32 v50, v26  }
0x1ca: {  	v55 =	vbroadcast v16, $0xD;
	v23 =	vadd.f32 v23, v60;
	v60 =	vbroadcast v20, $0xB  }
0x1cb: {  	v27 =	vmul.f32 v27, v0;
	v24 =	vsub.f32 v24, v25;
	v25 =	vsub.f32 $0.0e+00, v52  }
0x1cc: {  	vm5 =	veq.s32 v4, v60;
	v60 =	vbroadcast v14, $0xD;
	v39 =	vbroadcast v21, $0xA  }
0x1cd: {  	vm0 =	vmand vm10, vm11;
	v27 =	vmul.f32 $1.442695020e+00, v27;
	v25 =	vmul.f32 v25, v0  }
0x1ce: {  	vm11 =	veq.s32 v3, v49;
	v34 =	vmul.f32 v11, v61;
	v61 =	vmul.f32 v58, v58  }
0x1cf: {  	vm0 =	vmand vm0, vm12;
	(erf) = vpow2.f32 v27;
	v25 =	vmul.f32 $1.442695020e+00, v25  }
0x1d0: {  	v58 =	vbroadcast v15, $0xE;
	vm13 =	veq.s32 v3, v39;
	v39 =	vbroadcast v15, $0xD  }
0x1d1: {  	v15 =	vbroadcast v15, $0xF;
	v37 =	vadd.f32 $1.000000000e+00, v34;
	(erf) = vpow2.f32 v25  }
0x1d2: {  	vm0 =	vmand vm0, vm13;
	v34 =	vbroadcast v13, $0xB;
	vm13 =	veq.s32 v6, v55  }
0x1d3: {  	v55 =	vbroadcast v19, $0xF;
	vm0 =	vmand vm0, vm14;
	vm14 =	veq.s32 v5, v56  }
0x1d4: {  	v27 =	vadd.f32 v38, v37;
	v46 =	vsel vm0, $0x3F800000, v2;
	v36 =	vmul.f32 v11, v34  }
0x1d5: {  	v38 =	vbroadcast v16, $0xC;
	v34 =	vsub.f32 v10, v33;
	v25 =	vadd.f32 v59, v62  }
0x1d6: {  	v23 =	vadd.f32 v23, v46;
	v46 =	vbroadcast v14, $0xC;
	v42 =	vmul.f32 $5.000000000e+01, v27  }
0x1d7: {  	v27 =	vmul.f32 v12, v35;
	v47 =	vsub.f32 v9, v44;
	v25 =	vmul.f32 $5.000000000e+01, v25  }
0x1d8: {  	v28 =	vadd.f32 $1.000000000e+00, v36;
	v35 =	vbroadcast v21, $0xD;
	v36 =	vbroadcast v22, $0xD;
	v40 =	vpop (erf)  }
0x1d9: {  	vm8 =	veq.s32 v6, v38;
	v51 =	vmul.f32 v47, v47;
	v25 =	vmul.f32 v40, v25  }
0x1da: {  	v27 =	vadd.f32 v27, v28;
	v52 =	vmul.f32 v48, v48;
	v59 =	vbroadcast v18, $0xC;
	v43 =	vpop (erf)  }
0x1db: {  	v24 =	vsub.f32 v24, v25;
	v25 =	vsub.f32 v9, v54;
	v26 =	vmul.f32 v43, v42  }
0x1dc: {  	v50 =	vbroadcast v16, $0xB;
	v47 =	vbroadcast v20, $0xC;
	v62 =	vsub.f32 v10, v59  }
0x1dd: {  	v25 =	vmul.f32 v25, v25;
	v24 =	vsub.f32 v24, v26;
	v26 =	vadd.f32 v52, v51  }
0x1de: {  	v27 =	vmul.f32 $5.000000000e+01, v27;
	vm15 =	veq.s32 v6, v50;
	vm10 =	veq.s32 v4, v47  }
0x1df: {  	v32 =	vmul.f32 v62, v62;
	v25 =	vadd.f32 v61, v25;
	v26 =	vadd.f32 v57, v26  }
0x1e0: {  	v47 =	vbroadcast v13, $0xE;
	vm0 =	vmand vm15, vm4;
	vm15 =	veq.s32 v4, v63  }
0x1e1: {  	vm0 =	vmand vm0, vm5;
	v25 =	vadd.f32 v32, v25;
	v26 =	vsub.f32 $0.0e+00, v26  }
0x1e2: {  	vm4 =	veq.s32 v3, v35;
	vm5 =	veq.s32 v7, v36;
	vm0 =	vmand vm0, vm6  }
0x1e3: {  	vm0 =	vmand vm0, vm7;
	v25 =	vsub.f32 $0.0e+00, v25;
	v26 =	vmul.f32 v26, v0  }
0x1e4: {  	v49 =	vmul.f32 v11, v47;
	v37 =	vsel vm0, $0x3F800000, v2;
	v40 =	vbroadcast v17, $0xD  }
0x1e5: {  	vm0 =	vmand vm8, vm9;
	v25 =	vmul.f32 v25, v0;
	v26 =	vmul.f32 $1.442695020e+00, v26  }
0x1e6: {  	v59 =	vbroadcast v17, $0xE;
	v30 =	vsub.f32 v8, v40;
	v43 =	vbroadcast v18, $0xD  }
0x1e7: {  	v25 =	vmul.f32 $1.442695020e+00, v25;
	(erf) = vpow2.f32 v26;
	v26 =	vsub.f32 v9, v39  }
0x1e8: {  	v23 =	vadd.f32 v23, v37;
	v17 =	vbroadcast v17, $0xF;
	v44 =	vmul.f32 v30, v30  }
0x1e9: {  	(erf) = vpow2.f32 v25;
	v25 =	vsub.f32 v10, v43;
	v26 =	vmul.f32 v26, v26  }
0x1ea: {  	vm0 =	vmand vm0, vm10;
	v62 =	vsub.f32 v8, v59;
	v59 =	vbroadcast v21, $0xF  }
0x1eb: {  	v8 =	vsub.f32 v8, v17;
	v25 =	vmul.f32 v25, v25;
	v26 =	vadd.f32 v44, v26  }
0x1ec: {  	vm0 =	vmand vm0, vm11;
	v28 =	vmul.f32 v62, v62;
	v42 =	vbroadcast v13, $0xC  }
0x1ed: {  	v30 =	vmul.f32 v12, v46;
	v8 =	vmul.f32 v8, v8;
	v25 =	vadd.f32 v25, v26  }
0x1ee: {  	v46 =	vbroadcast v21, $0xE;
	v61 =	vsub.f32 v9, v58;
	v45 =	vmul.f32 v11, v42  }
0x1ef: {  	v18 =	vbroadcast v18, $0xF;
	v51 =	vbroadcast v22, $0xC;
	v25 =	vsub.f32 $0.0e+00, v25  }
0x1f0: {  	vm9 =	veq.s32 v3, v46;
	v58 =	vbroadcast v20, $0xF;
	v29 =	vadd.f32 $1.000000000e+00, v45  }
0x1f1: {  	vm12 =	veq.s32 v7, v51;
	v57 =	vbroadcast v13, $0xD;
	v25 =	vmul.f32 v25, v0  }
0x1f2: {  	v45 =	vbroadcast v20, $0xE;
	v13 =	vbroadcast v13, $0xF;
	v51 =	vadd.f32 $1.000000000e+00, v49  }
0x1f3: {  	vm0 =	vmand vm0, vm12;
	vm12 =	veq.s32 v5, v55;
	v25 =	vmul.f32 $1.442695020e+00, v25  }
0x1f4: {  	v29 =	vadd.f32 v30, v29;
	v54 =	vsel vm0, $0x3F800000, v2;
	vm0 =	vmand vm13, vm14;
	v48 =	vpop (erf)  }
0x1f5: {  	v9 =	vsub.f32 v9, v15;
	v53 =	vpop (erf);
	(erf) = vpow2.f32 v25;
	v25 =	vmul.f32 v61, v61  }
0x1f6: {  	vm8 =	veq.s32 v4, v45;
	vm13 =	veq.s32 v4, v58;
	v15 =	vmul.f32 v34, v34  }
0x1f7: {  	v10 =	vsub.f32 v10, v18;
	v9 =	vmul.f32 v9, v9;
	v25 =	vadd.f32 v28, v25  }
0x1f8: {  	vm14 =	veq.s32 v3, v59;
	v23 =	vadd.f32 v23, v54;
	v54 =	vbroadcast v16, $0xF  }
0x1f9: {  	v38 =	vmul.f32 v10, v10;
	v8 =	vadd.f32 v8, v9;
	v15 =	vadd.f32 v15, v25  }
0x1fa: {  	vm0 =	vmand vm0, vm15;
	v52 =	vmul.f32 $5.000000000e+01, v29;
	v29 =	vmul.f32 v12, v60  }
0x1fb: {  	vm0 =	vmand vm0, vm4;
	v8 =	vadd.f32 v38, v8;
	v15 =	vsub.f32 $0.0e+00, v15  }
0x1fc: {  	vm0 =	vmand vm0, vm5;
	v43 =	vbroadcast v16, $0xE;
	v44 =	vbroadcast v19, $0xE  }
0x1fd: {  	vm11 =	veq.s32 v6, v54;
	v8 =	vsub.f32 $0.0e+00, v8;
	v15 =	vmul.f32 v15, v0  }
0x1fe: {  	v41 =	vsel vm0, $0x3F800000, v2;
	vm6 =	veq.s32 v6, v43;
	vm7 =	veq.s32 v5, v44  }
0x1ff: {  	vm0 =	vmand vm6, vm7;
	v8 =	vmul.f32 v8, v0;
	v15 =	vmul.f32 $1.442695020e+00, v15  }
0x200: {  	vm0 =	vmand vm0, vm8;
	v50 =	vmul.f32 v48, v27;
	v27 =	vmul.f32 v11, v57  }
0x201: {  	vm0 =	vmand vm0, vm9;
	v8 =	vmul.f32 $1.442695020e+00, v8;
	(erf) = vpow2.f32 v15  }
0x202: {  	v48 =	vbroadcast v22, $0xE;
	v11 =	vmul.f32 v11, v13;
	v24 =	vsub.f32 v24, v50  }
0x203: {  	v27 =	vadd.f32 $1.000000000e+00, v27;
	v50 =	vbroadcast v14, $0xE;
	v40 =	vpop (erf);
	(erf) = vpow2.f32 v8  }
0x204: {  	v26 =	vmul.f32 v53, v52;
	v53 =	vbroadcast v14, $0xF;
	vm10 =	veq.s32 v7, v48  }
0x205: {  	vm0 =	vmand vm0, vm10;
	v27 =	vadd.f32 v29, v27;
	v52 =	vmul.f32 v12, v50  }
0x206: {  	v11 =	vadd.f32 $1.000000000e+00, v11;
	v12 =	vmul.f32 v12, v53;
	v56 =	vsel vm0, $0x3F800000, v2  }
0x207: {  	vm0 =	vmand vm11, vm12;
	v37 =	vmul.f32 $5.000000000e+01, v27;
	v8 =	vadd.f32 v52, v51  }
0x208: {  	v60 =	vbroadcast v22, $0xF;
	v39 =	vsub.f32 v24, v26;
	vm0 =	vmand vm0, vm13  }
0x209: {  	v11 =	vadd.f32 v12, v11;
	v17 =	vmul.f32 v40, v37;
	v8 =	vmul.f32 $5.000000000e+01, v8  }
0x20a: {  	vm15 =	veq.s32 v7, v60;
	v42 =	vadd.f32 v23, v41;
	vm0 =	vmand vm0, vm14;
	v57 =	vpop (erf)  }
0x20b: {  	v61 =	vmul.f32 $5.000000000e+01, v11;
	v10 =	vsub.f32 v39, v17;
	v6 =	vmul.f32 v57, v8  }
0x20c: {  	v62 =	vadd.f32 v42, v56;
	vm0 =	vmand vm0, vm15;
	v3 =	vpop (erf)  }
0x20d: {  	v63 =	vsel vm0, $0x3F800000, v2;
	v3 =	vmul.f32 v3, v61;
	v6 =	vsub.f32 v10, v6  }
0x20e: {  	v4 =	vadd.f32 v62, v63  }
0x20f: {  	v3 =	vsub.f32 v6, v3  }
0x210: {  	[tilespmem:$0x480] =	vst v4  }
0x211: {  	[tilespmem:$0x400] =	vst v3  }
0x212: {  	[hbm4b:s6+s1] =	stream.linear.scatter [tilespmem:s10], [sflag:$0x1], $0x100, $0x38;
	[tilespmem:$0x980] =	vst v63  }
.Ltmp3:
0x213: {  	_ =	swait.ge [sflag:s9], $0x100;
	(pc) =	sbr.rel @p1 .LBB2_5-.Ltmp3, $3  }
0x214: {  	[sflag:s9] =	ssyncset.done $0x0  }
0x215: {  	[sflag:s9] =	ssyncadd.s32 $0xFFFFFF00  }
0x216: {  	[bflag:$0x0] =	sbarrier.arrive $0xFFFF;
	_ =	sdelay $0x1  }
0x217: {  	[tilespmem:s11], [sflag:$0x1] =	stream.linear.gather [hbm4b:s6+s1], $0x400, $0x38;
	[tilespmem:$0x980] =	vst v63  }
0x218: {  	_ =	swait.ge [sflag:s9], $0x400  }
0x219: {  	[sflag:s9] =	ssyncset.done $0x0  }
0x21a: {  	[sflag:s9] =	ssyncadd.s32 $0xFFFFFC00  }
0x21b: {  	v3 =	vld [tilespmem:s4+$0x0]  }
0x21c: {  	v4 =	vld [tilespmem:s4+$0x80]  }
0x21d: {  	v5 =	vld [tilespmem:s4+$0x100];
	_ =	sdelay $0x2  }
0x21e: {  	v6 =	vadd.f32 $3.200000000e+01, v3  }
0x21f: {  	v8 =	vadd.f32 $3.200000000e+01, v4  }
0x220: {  	v35 =	vld [tilespmem:s4+$0x180];
	v9 =	vadd.f32 $3.200000000e+01, v5;
	v7 =	vadd.f32 $5.000000000e-01, v6  }
0x221: {  	v36 =	vld [tilespmem:s4+$0x200];
	v10 =	vadd.f32 $5.000000000e-01, v8  }
0x222: {  	v11 =	vadd.f32 $5.000000000e-01, v9;
	v7 =	vtrunc.f32 v7  }
0x223: {  	v10 =	vtrunc.f32 v10;
	v7 =	vcvt.f32.s32 v7  }
0x224: {  	v11 =	vtrunc.f32 v11;
	v10 =	vcvt.f32.s32 v10  }
0x225: {  	v42 =	vadd.f32 $5.000000000e-01, v35;
	v11 =	vcvt.f32.s32 v11;
	v12 =	vcvt.s32.f32 v7  }
0x226: {  	v43 =	vadd.f32 $5.000000000e-01, v36;
	v33 =	vand.u32 $0x1, v7;
	v13 =	vcvt.s32.f32 v10  }
0x227: {  	v34 =	vcvt.s32.f32 v11;
	v37 =	vand.u32 $0x1, v10;
	v6 =	vsub.f32 v12, v6  }
0x228: {  	v38 =	vand.u32 $0x1, v11;
	vm1 =	veq.s32 v33, $0x1;
	v8 =	vsub.f32 v13, v8  }
0x229: {  	vm10 =	veq.s32 v37, $0x1;
	vm0 =	veq.f32 v6, $5.000000000e-01;
	v6 =	vsub.f32 v34, v9  }
0x22a: {  	vm3 =	veq.s32 v38, $0x1;
	vm9 =	veq.f32 v8, $5.000000000e-01;
	vm0 =	vmand vm0, vm1  }
0x22b: {  	v14 =	vsel vm0, $0xFFFFFFFF, v1;
	vm2 =	veq.f32 v6, $5.000000000e-01;
	vm0 =	vmand vm9, vm10  }
0x22c: {  	v44 =	vadd.f32 $5.000000000e-01, v42;
	vm11 =	vmand vm2, vm3;
	v40 =	vsel vm0, $0xFFFFFFFF, v1  }
0x22d: {  	v39 =	vadd.s32 v7, v14;
	v41 =	vsel vm11, $0xFFFFFFFF, v1;
	v7 =	vadd.s32 v10, v40  }
0x22e: {  	v6 =	vcvt.s32.f32 v39;
	v8 =	vadd.s32 v11, v41;
	v7 =	vcvt.s32.f32 v7  }
0x22f: {  	v45 =	vadd.f32 $5.000000000e-01, v43;
	v8 =	vcvt.s32.f32 v8  }
0x230: {  	v11 =	vtrunc.f32 v44;
	v6 =	vadd.f32 $-3.200000000e+01, v6;
	v7 =	vadd.f32 $-3.200000000e+01, v7  }
0x231: {  	v11 =	vcvt.f32.s32 v11;
	v8 =	vadd.f32 $-3.200000000e+01, v8  }
0x232: {  	v14 =	vtrunc.f32 v45;
	v3 =	vsub.f32 v6, v3;
	v4 =	vsub.f32 v7, v4  }
0x233: {  	v47 =	vcvt.f32.s32 v14;
	v46 =	vcvt.s32.f32 v11  }
0x234: {  	v3 =	vmul.f32 v3, v3;
	v5 =	vsub.f32 v8, v5;
	v4 =	vmul.f32 v4, v4  }
0x235: {  	v49 =	vcvt.s32.f32 v47  }
0x236: {  	v6 =	vsub.f32 v46, v42;
	v50 =	vmul.f32 v5, v5;
	v3 =	vadd.f32 v4, v3  }
0x237: {  	v53 =	vand.u32 $0x1, v47;
	v48 =	vand.u32 $0x1, v11;
	v51 =	vsub.f32 v49, v43  }
0x238: {  	vm13 =	veq.s32 v48, $0x1;
	vm12 =	veq.f32 v6, $5.000000000e-01;
	v3 =	vadd.f32 v50, v3  }
0x239: {  	vm15 =	veq.s32 v53, $0x1;
	vm0 =	vmand vm12, vm13  }
0x23a: {  	vm14 =	veq.f32 v51, $5.000000000e-01;
	v52 =	vsel vm0, $0xFFFFFFFF, v1;
	v3 =	vsub.f32 $0.0e+00, v3  }
0x23b: {  	vm0 =	vmand vm14, vm15;
	v4 =	vadd.s32 v11, v52  }
0x23c: {  	v54 =	vsel vm0, $0xFFFFFFFF, v1;
	v4 =	vcvt.s32.f32 v4;
	v3 =	vmul.f32 v3, v0  }
0x23d: {  	v55 =	vld [tilespmem:$0x500];
	v5 =	vadd.s32 v47, v54  }
0x23e: {  	v56 =	vld [tilespmem:$0x580];
	v5 =	vcvt.s32.f32 v5;
	v4 =	vadd.f32 $-5.000000000e-01, v4;
	v3 =	vmul.f32 $1.442695020e+00, v3  }
0x23f: {  	v57 =	vld [tilespmem:$0x680]  }
0x240: {  	v58 =	vld [tilespmem:$0x600];
	v5 =	vadd.f32 $-5.000000000e-01, v5;
	v4 =	vmul.f32 $2.500000000e-01, v4;
	(erf) = vpow2.f32 v3  }
0x241: {  	v3 =	vld [tilespmem:$0x780]  }
0x242: {  	v59 =	vld [tilespmem:$0x700];
	v5 =	vmul.f32 $2.500000000e-01, v5;
	v4 =	vmul.f32 v4, v35  }
0x243: {  	v60 =	vld [tilespmem:$0x880]  }
0x244: {  	v7 =	vadd.f32 v57, v56;
	v5 =	vmul.f32 v5, v36;
	v4 =	vadd.f32 $1.000000000e+00, v4  }
0x245: {  	v61 =	vld [tilespmem:$0x800];
	v6 =	vadd.f32 v58, v55  }
0x246: {  	v4 =	vadd.f32 v5, v4;
	v3 =	vadd.f32 v3, v7;
	_ =	sdelay $0x1  }
0x247: {  	v62 =	vadd.f32 v59, v6;
	v4 =	vmul.f32 $5.000000000e+01, v4;
	v3 =	vadd.f32 v60, v3  }
0x248: {  	v63 =	vpop (erf)  }
0x249: {  	v5 =	vadd.f32 v61, v62;
	v3 =	vadd.f32 $-1.000000000e+00, v3;
	v4 =	vmul.f32 v63, v4;
	_ =	sdelay $0x1  }
0x24a: {  	v3 =	vmul.f32 $9.999999950e+11, v3;
	v4 =	vadd.f32 v4, v5;
	_ =	sdelay $0x1  }
0x24b: {  	v3 =	vadd.f32 v4, v3;
	_ =	sdelay $0x1  }
.Ltmp4:
0x24c: {  	[tilespmem:$0x900] =	vst v3;
	(pc) =	sbr.rel .LBB2_5-.Ltmp4, $4  }
0x24d: {  	[hbm4b:s7+s1] =	stream.linear.scatter [tilespmem:s12], [sflag:$0x1], $0x10, $0x38;
	[tilespmem:$0x980] =	vst v63  }
0x24e: {  	_ =	swait.ge [sflag:s9], $0x10  }
0x24f: {  	[sflag:s9] =	ssyncset.done $0x0  }
0x250: {  	[sflag:s9] =	ssyncadd.s32 $0xFFFFFFF0  }
.LBB2_6:
0x251: {  	_ =	sfence.sel $0x180000  }
0x252: {  	[bflag:$0x0] =	sbarrier.arrive $0xFFFF  }
0x253: {  	p0 =	sne.s32 s2, $0x0;
	_ =	strace $0x90000047  }
0x254: {  	s0 =	sadd.s32 @!p0 $0x100000, s0;
	[bflag:$0x2] =	sbarrier.arrive $0xFFFF  }
0x255: {  	[sflag:s0] =	ssyncadd.tile.s32 @!p0 $0x1;
	_ =	shalt  }
.Lfunc_end2:
_tile_overlayer_lowered:
.L_overlay_start_2:
0x256: {  	(tag) =	ssettag $0x2  }
0x257: {  	s0 =	rddreg [dreg:$0x0];
	s2 =	stileid.u32  }
0x258: {  	s1 =	rddreg [dreg:$0x1];
	p0 =	sne.s32 s2, $0x0  }
0x259: {  	s3 =	rddreg [dreg:$0x2];
	[bflag:$0x3] =	sbarrier.arrive $0xFFFF;
	s2 =	simm.s32 @!p0 $0x1C01  }
0x25a: {  	[timem:s3], [sflag:s2] =	dma.local @!p0 [hbm:s0], s1  }
0x25b: {  	s0 =	simm.s32 @!p0 $0x1  }
0x25c: {  	_ =	swait.ge @!p0 [sflag:s0], s1  }
0x25d: {  	s1 =	ssub.s32 @!p0 $0x0, s1;
	[sflag:s0] =	ssyncset.done @!p0 $0x0  }
0x25e: {  	[sflag:s0] =	ssyncadd.s32 @!p0 s1  }
0x25f: {  	[bflag:$0x3] =	sbarrier.arrive $0xFFFF  }
0x260: {  	_ =	shalt  }

</sc_bundles>
